<compile_context>
chip_gen: v7x
topology: tpu7x:2x2x1
jax: 0.10.2.dev20260603
libtpu: 0.0.44.dev20260713+nightly
codegen_flags: <defaults>
</compile_context>

<pallas_src>
import functools

import jax
import jax.numpy as jnp
from jax import lax
from jax.experimental import pallas as pl
from jax.experimental.pallas import tpu as pltpu
from jax.experimental.pallas import tpu_sc as plsc

B = 16384
D = 64
DP = D // 2
V = 1000000
NC = 2
NS = 16
NW = NC * NS
BPW = B // NW
L = 16
TBLK = 16384
NBLK = pl.cdiv(V, TBLK)
NPAN = NBLK * (TBLK // 128)
DHW = NPAN * 4 * 128
FLAT = 8 * DHW

CHUNKE = 256
NCH = BPW // CHUNKE
CW = CHUNKE * DP


def _pack_body(inT_ref, out_ref):
    x = inT_ref[...].reshape(8, 4, 2, TBLK // 128, 128)
    bits = jax.lax.bitcast_convert_type(x, jnp.uint32)
    rounded = (bits + jnp.uint32(0x8000)) & jnp.uint32(0xFFFF0000)
    a = rounded[:, :, 0]
    b_ = rounded[:, :, 1] >> jnp.uint32(16)
    w = (a | b_).astype(jnp.int32)
    w = w.transpose(0, 2, 1, 3)
    out_ref[...] = w.reshape(8, (TBLK // 128) * 4, 128)


_pack_tc = pl.pallas_call(
    _pack_body,
    out_shape=jax.ShapeDtypeStruct((8, NPAN * 4, 128), jnp.int32),
    grid=(NBLK,),
    in_specs=[pl.BlockSpec((D, TBLK), lambda i: (0, i))],
    out_specs=pl.BlockSpec((8, (TBLK // 128) * 4, 128), lambda i: (0, i, 0)),
)

_mesh = plsc.VectorSubcoreMesh(core_axis_name="c", subcore_axis_name="s")


@functools.partial(
    pl.kernel,
    out_type=jax.ShapeDtypeStruct((B,), jnp.float32),
    mesh=_mesh,
    compiler_params=pltpu.CompilerParams(
        needs_layout_passes=False, use_tc_tiling_on_sc=False),
    scratch_types=[
        pltpu.VMEM((BPW,), jnp.int32),
        pltpu.VMEM((BPW,), jnp.int32),
        pltpu.VMEM((BPW,), jnp.int32),
        pltpu.VMEM((BPW,), jnp.int32),
        pltpu.VMEM((CW,), jnp.int32),
        pltpu.VMEM((CW,), jnp.int32),
        pltpu.VMEM((CW,), jnp.int32),
        pltpu.VMEM((CW,), jnp.int32),
        pltpu.VMEM((BPW,), jnp.float32),
        pltpu.VMEM((BPW,), jnp.float32),
        pltpu.VMEM((BPW,), jnp.float32),
        pltpu.SemaphoreType.DMA,
    ],
)
def _mf_kernel(user_hbm, item_hbm, uflat_hbm, iflat_hbm, ub_hbm, ib_hbm,
               out_hbm, uidx_v, iidx_v, ubase_v, ibase_v, uwidx, iwidx,
               udst, idst, ub_v, ib_v, out_v, sem):
    wid = lax.axis_index("s") * NC + lax.axis_index("c")
    base = wid * BPW

    pltpu.sync_copy(user_hbm.at[pl.ds(base, BPW)], uidx_v)
    pltpu.sync_copy(item_hbm.at[pl.ds(base, BPW)], iidx_v)

    for c in range(BPW // 128):
        s = pl.ds(c * 128, 128)
        pltpu.async_copy(ub_hbm.at[uidx_v.at[s]], ub_v.at[s], sem)
        pltpu.async_copy(ib_hbm.at[iidx_v.at[s]], ib_v.at[s], sem)

    for g in range(BPW // L):
        s = pl.ds(g * L, L)
        u = uidx_v[s]
        ubase_v[s] = (u >> 7) * 512 + (u & 127)
        v = iidx_v[s]
        ibase_v[s] = (v >> 7) * 512 + (v & 127)

    pltpu.make_async_copy(ub_hbm.at[pl.ds(0, BPW)], ub_v, sem).wait()
    pltpu.make_async_copy(ib_hbm.at[pl.ds(0, BPW)], ib_v, sem).wait()

    for c in range(NCH):
        for g in range(CHUNKE // L):
            s = pl.ds(c * CHUNKE + g * L, L)
            ub = ubase_v[s]
            ib = ibase_v[s]

            def ibody(p, _, ub=ub, ib=ib, g=g):
                off = (p >> 2) * DHW + (p & 3) * 128
                slot = pl.ds(g * (L * DP) + p * L, L)
                uwidx[slot] = ub + off
                iwidx[slot] = ib + off
                return 0

            lax.fori_loop(0, DP, ibody, 0)

        cps = [
            pltpu.async_copy(uflat_hbm.at[uwidx], udst, sem),
            pltpu.async_copy(iflat_hbm.at[iwidx], idst, sem),
        ]
        for cp in cps:
            cp.wait()

        for g in range(CHUNKE // L):
            acc0 = ub_v[pl.ds(c * CHUNKE + g * L, L)] + ib_v[
                pl.ds(c * CHUNKE + g * L, L)]

            def body(p, acc, g=g):
                slot = pl.ds(g * (L * DP) + p * L, L)
                uw = udst[slot]
                iw = idst[slot]
                ua = plsc.bitcast(uw & jnp.int32(-65536), jnp.float32)
                ia = plsc.bitcast(iw & jnp.int32(-65536), jnp.float32)
                ub_f = plsc.bitcast(uw << 16, jnp.float32)
                ib_f = plsc.bitcast(iw << 16, jnp.float32)
                return acc + ua * ia + ub_f * ib_f

            out_v[pl.ds(c * CHUNKE + g * L, L)] = lax.fori_loop(
                0, DP, body, acc0)

    pltpu.sync_copy(out_v, out_hbm.at[pl.ds(base, BPW)])


def kernel(user, item, user_factors, item_factors, user_biases, item_biases):
    uflat = _pack_tc(user_factors.T).reshape(FLAT)
    iflat = _pack_tc(item_factors.T).reshape(FLAT)
    return _mf_kernel(user.astype(jnp.int32), item.astype(jnp.int32),
                      uflat, iflat,
                      user_biases.reshape(-1), item_biases.reshape(-1))

# --- scband reference (transcript-rebuilt; emitter-appended) ---
"""Pipeline reference for scband-model-matrix-factorization-18270790877795 (READ-ONLY COPY).

The authoritative reference and input builder live on the scoring server;
editing this copy changes nothing except your own understanding.
"""

import jax, jax.numpy as jnp
import numpy as np

NUM_USERS = 1000000
NUM_ITEMS = 1000000
N_FACTORS = 64
BATCH = 16384

def _xavier_uniform(key, shape):
    fan_in, fan_out = shape[1], shape[0]
    # torch xavier_uniform on Embedding.weight [num_emb, dim]: fan_in=dim? torch treats
    # weight as [num_embeddings, embedding_dim]; fan_in = embedding_dim, fan_out = num_embeddings
    a = float(np.sqrt(6.0 / (shape[0] + shape[1])))
    return jax.random.uniform(key, shape, dtype=jnp.float32, minval=-a, maxval=a)

def setup_inputs(seed: int = 0) -> dict:
    key = jax.random.key(seed)
    k_u, k_i, k_uf, k_if = jax.random.split(key, 4)
    user = jax.random.randint(k_u, (BATCH,), 0, NUM_USERS, dtype=jnp.int64 if jax.config.jax_enable_x64 else jnp.int32)
    item = jax.random.randint(k_i, (BATCH,), 0, NUM_ITEMS, dtype=jnp.int64 if jax.config.jax_enable_x64 else jnp.int32)
    user_factors = _xavier_uniform(k_uf, (NUM_USERS, N_FACTORS))
    item_factors = _xavier_uniform(k_if, (NUM_ITEMS, N_FACTORS))
    user_biases = jnp.zeros((NUM_USERS, 1), dtype=jnp.float32)
    item_biases = jnp.zeros((NUM_ITEMS, 1), dtype=jnp.float32)
    return {
        "user": user,
        "item": item,
        "user_factors": user_factors,
        "item_factors": item_factors,
        "user_biases": user_biases,
        "item_biases": item_biases,
    }

def reference(user, item, user_factors, item_factors, user_biases, item_biases):
    # item_factors lookup
    it_f = jnp.take(item_factors, item, axis=0)          # [B, n_factors]
    us_f = jnp.take(user_factors, user, axis=0)          # [B, n_factors]
    pred = jnp.take(user_biases, user, axis=0) + jnp.take(item_biases, item, axis=0)  # [B, 1]
    pred = pred + jnp.sum(us_f * it_f, axis=1, keepdims=True)  # [B, 1]
    return jnp.squeeze(pred, axis=1)                     # [B]

if __name__ == "__main__":
    import jax
    _d = setup_inputs()
    print(jax.jit(kernel)(*tuple(_d.values())))

</pallas_src>

<mosaic_0001>
#map = affine_map<(d0, d1) -> (0)>
module attributes {stable_mosaic.version = 14 : i64} {
  func.func @_mf_kernel(%arg0: i32, %arg1: i32, %arg2: memref<16384xi32, #tpu.memory_space<hbm>>, %arg3: memref<16384xi32, #tpu.memory_space<hbm>>, %arg4: memref<32505856xi32, #tpu.memory_space<hbm>>, %arg5: memref<32505856xi32, #tpu.memory_space<hbm>>, %arg6: memref<1000000xf32, #tpu.memory_space<hbm>>, %arg7: memref<1000000xf32, #tpu.memory_space<hbm>>, %arg8: memref<16384xf32, #tpu.memory_space<hbm>>, %arg9: memref<512xi32, #tpu.memory_space<vmem>>, %arg10: memref<512xi32, #tpu.memory_space<vmem>>, %arg11: memref<512xi32, #tpu.memory_space<vmem>>, %arg12: memref<512xi32, #tpu.memory_space<vmem>>, %arg13: memref<8192xi32, #tpu.memory_space<vmem>>, %arg14: memref<8192xi32, #tpu.memory_space<vmem>>, %arg15: memref<8192xi32, #tpu.memory_space<vmem>>, %arg16: memref<8192xi32, #tpu.memory_space<vmem>>, %arg17: memref<512xf32, #tpu.memory_space<vmem>>, %arg18: memref<512xf32, #tpu.memory_space<vmem>>, %arg19: memref<512xf32, #tpu.memory_space<vmem>>, %arg20: memref<!tpu.dma_semaphore, #tpu.memory_space<semaphore_mem>>) attributes {dimension_semantics = [#tpu.dimension_semantics<core_parallel>, #tpu.dimension_semantics<subcore_parallel>], iteration_bounds = array<i64: 2, 16>, scalar_prefetch = 0 : i64, scratch_operands = 12 : i64, tpu.core_type = #tpu.core_type<sc_vector_subcore>, window_params = [{transform_indices = #map}, {transform_indices = #map}, {transform_indices = #map}, {transform_indices = #map}, {transform_indices = #map}, {transform_indices = #map}, {transform_indices = #map}]} {
    %mul3A = arith.constant 2 : i32
    %mul3A_0 = arith.muli %arg1, %mul3A : i32
    %add3A = arith.addi %mul3A_0, %arg0 : i32
    %mul3A_1 = arith.constant 512 : i32
    %mul3A_2 = arith.muli %add3A, %mul3A_1 : i32
    "tpu.region"() ({
      %run_scoped3A = tpu.sem_alloc : memref<!tpu.dma_semaphore, #tpu.memory_space<semaphore_mem>>
      %dma_start3A_1732 = tpu.memref_slice %arg2[%mul3A_2] : memref<16384xi32, #tpu.memory_space<hbm>> -> memref<512xi32, #tpu.memory_space<hbm>>
      %dma_start3A_1733 = tpu.memref_slice %arg2[%mul3A_2] : memref<16384xi32, #tpu.memory_space<hbm>> -> memref<512xi32, #tpu.memory_space<hbm>>
      tpu.enqueue_dma source(%dma_start3A_1733 : memref<512xi32, #tpu.memory_space<hbm>>) target(%arg9 : memref<512xi32, #tpu.memory_space<vmem>>) target_semaphore(%run_scoped3A : memref<!tpu.dma_semaphore, #tpu.memory_space<semaphore_mem>>)
      %dma_wait3A_1734 = tpu.memref_slice %arg2[%mul3A_2] : memref<16384xi32, #tpu.memory_space<hbm>> -> memref<512xi32, #tpu.memory_space<hbm>>
      %dma_wait3A_1735 = tpu.memref_slice %arg2[%mul3A_2] : memref<16384xi32, #tpu.memory_space<hbm>> -> memref<512xi32, #tpu.memory_space<hbm>>
      tpu.wait_dma2 semaphore(%run_scoped3A : memref<!tpu.dma_semaphore, #tpu.memory_space<semaphore_mem>>) src(%dma_wait3A_1735 : memref<512xi32, #tpu.memory_space<hbm>>) dst(%arg9 : memref<512xi32, #tpu.memory_space<vmem>>)
      tpu.yield
    }) : () -> ()
    "tpu.region"() ({
      %run_scoped3A = tpu.sem_alloc : memref<!tpu.dma_semaphore, #tpu.memory_space<semaphore_mem>>
      %dma_start3A_1732 = tpu.memref_slice %arg3[%mul3A_2] : memref<16384xi32, #tpu.memory_space<hbm>> -> memref<512xi32, #tpu.memory_space<hbm>>
      %dma_start3A_1733 = tpu.memref_slice %arg3[%mul3A_2] : memref<16384xi32, #tpu.memory_space<hbm>> -> memref<512xi32, #tpu.memory_space<hbm>>
      tpu.enqueue_dma source(%dma_start3A_1733 : memref<512xi32, #tpu.memory_space<hbm>>) target(%arg10 : memref<512xi32, #tpu.memory_space<vmem>>) target_semaphore(%run_scoped3A : memref<!tpu.dma_semaphore, #tpu.memory_space<semaphore_mem>>)
      %dma_wait3A_1734 = tpu.memref_slice %arg3[%mul3A_2] : memref<16384xi32, #tpu.memory_space<hbm>> -> memref<512xi32, #tpu.memory_space<hbm>>
      %dma_wait3A_1735 = tpu.memref_slice %arg3[%mul3A_2] : memref<16384xi32, #tpu.memory_space<hbm>> -> memref<512xi32, #tpu.memory_space<hbm>>
      tpu.wait_dma2 semaphore(%run_scoped3A : memref<!tpu.dma_semaphore, #tpu.memory_space<semaphore_mem>>) src(%dma_wait3A_1735 : memref<512xi32, #tpu.memory_space<hbm>>) dst(%arg10 : memref<512xi32, #tpu.memory_space<vmem>>)
      tpu.yield
    }) : () -> ()
    %dma_start3A = arith.constant 0 : i32
    %dma_start3A_3 = tpu.memref_slice %arg17[%dma_start3A] : memref<512xf32, #tpu.memory_space<vmem>> -> memref<128xf32, #tpu.memory_space<vmem>>
    %dma_start3A_4 = arith.constant 0 : i32
    %dma_start3A_5 = tpu.memref_slice %arg9[%dma_start3A_4] : memref<512xi32, #tpu.memory_space<vmem>> -> memref<128xi32, #tpu.memory_space<vmem>>
    %dma_start3A_6 = arith.constant 0 : i32
    %dma_start3A_7 = tpu.memref_slice %arg6[%dma_start3A_6] : memref<1000000xf32, #tpu.memory_space<hbm>> -> memref<1000000xf32, #tpu.memory_space<hbm>>
    tpu.enqueue_indirect_dma source(%dma_start3A_7 : memref<1000000xf32, #tpu.memory_space<hbm>>) target(%dma_start3A_3 : memref<128xf32, #tpu.memory_space<vmem>>) offsets(%dma_start3A_5 : memref<128xi32, #tpu.memory_space<vmem>>) semaphore(%arg20 : memref<!tpu.dma_semaphore, #tpu.memory_space<semaphore_mem>>)
    %dma_start3A_8 = arith.constant 0 : i32
    %dma_start3A_9 = tpu.memref_slice %arg18[%dma_start3A_8] : memref<512xf32, #tpu.memory_space<vmem>> -> memref<128xf32, #tpu.memory_space<vmem>>
    %dma_start3A_10 = arith.constant 0 : i32
    %dma_start3A_11 = tpu.memref_slice %arg10[%dma_start3A_10] : memref<512xi32, #tpu.memory_space<vmem>> -> memref<128xi32, #tpu.memory_space<vmem>>
    %dma_start3A_12 = arith.constant 0 : i32
    %dma_start3A_13 = tpu.memref_slice %arg7[%dma_start3A_12] : memref<1000000xf32, #tpu.memory_space<hbm>> -> memref<1000000xf32, #tpu.memory_space<hbm>>
    tpu.enqueue_indirect_dma source(%dma_start3A_13 : memref<1000000xf32, #tpu.memory_space<hbm>>) target(%dma_start3A_9 : memref<128xf32, #tpu.memory_space<vmem>>) offsets(%dma_start3A_11 : memref<128xi32, #tpu.memory_space<vmem>>) semaphore(%arg20 : memref<!tpu.dma_semaphore, #tpu.memory_space<semaphore_mem>>)
    %dma_start3A_14 = arith.constant 128 : i32
    %dma_start3A_15 = tpu.memref_slice %arg17[%dma_start3A_14] : memref<512xf32, #tpu.memory_space<vmem>> -> memref<128xf32, #tpu.memory_space<vmem>>
    %dma_start3A_16 = arith.constant 128 : i32
    %dma_start3A_17 = tpu.memref_slice %arg9[%dma_start3A_16] : memref<512xi32, #tpu.memory_space<vmem>> -> memref<128xi32, #tpu.memory_space<vmem>>
    %dma_start3A_18 = arith.constant 0 : i32
    %dma_start3A_19 = tpu.memref_slice %arg6[%dma_start3A_18] : memref<1000000xf32, #tpu.memory_space<hbm>> -> memref<1000000xf32, #tpu.memory_space<hbm>>
    tpu.enqueue_indirect_dma source(%dma_start3A_19 : memref<1000000xf32, #tpu.memory_space<hbm>>) target(%dma_start3A_15 : memref<128xf32, #tpu.memory_space<vmem>>) offsets(%dma_start3A_17 : memref<128xi32, #tpu.memory_space<vmem>>) semaphore(%arg20 : memref<!tpu.dma_semaphore, #tpu.memory_space<semaphore_mem>>)
    %dma_start3A_20 = arith.constant 128 : i32
    %dma_start3A_21 = tpu.memref_slice %arg18[%dma_start3A_20] : memref<512xf32, #tpu.memory_space<vmem>> -> memref<128xf32, #tpu.memory_space<vmem>>
    %dma_start3A_22 = arith.constant 128 : i32
    %dma_start3A_23 = tpu.memref_slice %arg10[%dma_start3A_22] : memref<512xi32, #tpu.memory_space<vmem>> -> memref<128xi32, #tpu.memory_space<vmem>>
    %dma_start3A_24 = arith.constant 0 : i32
    %dma_start3A_25 = tpu.memref_slice %arg7[%dma_start3A_24] : memref<1000000xf32, #tpu.memory_space<hbm>> -> memref<1000000xf32, #tpu.memory_space<hbm>>
    tpu.enqueue_indirect_dma source(%dma_start3A_25 : memref<1000000xf32, #tpu.memory_space<hbm>>) target(%dma_start3A_21 : memref<128xf32, #tpu.memory_space<vmem>>) offsets(%dma_start3A_23 : memref<128xi32, #tpu.memory_space<vmem>>) semaphore(%arg20 : memref<!tpu.dma_semaphore, #tpu.memory_space<semaphore_mem>>)
    %dma_start3A_26 = arith.constant 256 : i32
    %dma_start3A_27 = tpu.memref_slice %arg17[%dma_start3A_26] : memref<512xf32, #tpu.memory_space<vmem>> -> memref<128xf32, #tpu.memory_space<vmem>>
    %dma_start3A_28 = arith.constant 256 : i32
    %dma_start3A_29 = tpu.memref_slice %arg9[%dma_start3A_28] : memref<512xi32, #tpu.memory_space<vmem>> -> memref<128xi32, #tpu.memory_space<vmem>>
    %dma_start3A_30 = arith.constant 0 : i32
    %dma_start3A_31 = tpu.memref_slice %arg6[%dma_start3A_30] : memref<1000000xf32, #tpu.memory_space<hbm>> -> memref<1000000xf32, #tpu.memory_space<hbm>>
    tpu.enqueue_indirect_dma source(%dma_start3A_31 : memref<1000000xf32, #tpu.memory_space<hbm>>) target(%dma_start3A_27 : memref<128xf32, #tpu.memory_space<vmem>>) offsets(%dma_start3A_29 : memref<128xi32, #tpu.memory_space<vmem>>) semaphore(%arg20 : memref<!tpu.dma_semaphore, #tpu.memory_space<semaphore_mem>>)
    %dma_start3A_32 = arith.constant 256 : i32
    %dma_start3A_33 = tpu.memref_slice %arg18[%dma_start3A_32] : memref<512xf32, #tpu.memory_space<vmem>> -> memref<128xf32, #tpu.memory_space<vmem>>
    %dma_start3A_34 = arith.constant 256 : i32
    %dma_start3A_35 = tpu.memref_slice %arg10[%dma_start3A_34] : memref<512xi32, #tpu.memory_space<vmem>> -> memref<128xi32, #tpu.memory_space<vmem>>
    %dma_start3A_36 = arith.constant 0 : i32
    %dma_start3A_37 = tpu.memref_slice %arg7[%dma_start3A_36] : memref<1000000xf32, #tpu.memory_space<hbm>> -> memref<1000000xf32, #tpu.memory_space<hbm>>
    tpu.enqueue_indirect_dma source(%dma_start3A_37 : memref<1000000xf32, #tpu.memory_space<hbm>>) target(%dma_start3A_33 : memref<128xf32, #tpu.memory_space<vmem>>) offsets(%dma_start3A_35 : memref<128xi32, #tpu.memory_space<vmem>>) semaphore(%arg20 : memref<!tpu.dma_semaphore, #tpu.memory_space<semaphore_mem>>)
    %dma_start3A_38 = arith.constant 384 : i32
    %dma_start3A_39 = tpu.memref_slice %arg17[%dma_start3A_38] : memref<512xf32, #tpu.memory_space<vmem>> -> memref<128xf32, #tpu.memory_space<vmem>>
    %dma_start3A_40 = arith.constant 384 : i32
    %dma_start3A_41 = tpu.memref_slice %arg9[%dma_start3A_40] : memref<512xi32, #tpu.memory_space<vmem>> -> memref<128xi32, #tpu.memory_space<vmem>>
    %dma_start3A_42 = arith.constant 0 : i32
    %dma_start3A_43 = tpu.memref_slice %arg6[%dma_start3A_42] : memref<1000000xf32, #tpu.memory_space<hbm>> -> memref<1000000xf32, #tpu.memory_space<hbm>>
    tpu.enqueue_indirect_dma source(%dma_start3A_43 : memref<1000000xf32, #tpu.memory_space<hbm>>) target(%dma_start3A_39 : memref<128xf32, #tpu.memory_space<vmem>>) offsets(%dma_start3A_41 : memref<128xi32, #tpu.memory_space<vmem>>) semaphore(%arg20 : memref<!tpu.dma_semaphore, #tpu.memory_space<semaphore_mem>>)
    %dma_start3A_44 = arith.constant 384 : i32
    %dma_start3A_45 = tpu.memref_slice %arg18[%dma_start3A_44] : memref<512xf32, #tpu.memory_space<vmem>> -> memref<128xf32, #tpu.memory_space<vmem>>
    %dma_start3A_46 = arith.constant 384 : i32
    %dma_start3A_47 = tpu.memref_slice %arg10[%dma_start3A_46] : memref<512xi32, #tpu.memory_space<vmem>> -> memref<128xi32, #tpu.memory_space<vmem>>
    %dma_start3A_48 = arith.constant 0 : i32
    %dma_start3A_49 = tpu.memref_slice %arg7[%dma_start3A_48] : memref<1000000xf32, #tpu.memory_space<hbm>> -> memref<1000000xf32, #tpu.memory_space<hbm>>
    tpu.enqueue_indirect_dma source(%dma_start3A_49 : memref<1000000xf32, #tpu.memory_space<hbm>>) target(%dma_start3A_45 : memref<128xf32, #tpu.memory_space<vmem>>) offsets(%dma_start3A_47 : memref<128xi32, #tpu.memory_space<vmem>>) semaphore(%arg20 : memref<!tpu.dma_semaphore, #tpu.memory_space<semaphore_mem>>)
    %get3A = arith.constant 0 : index
    %get3A_50 = tpu.vector_load %arg9[%get3A] {strides = array<i32>} : memref<512xi32, #tpu.memory_space<vmem>>, vector<16xi32>,
    %shift_right_arithmetic3A = arith.constant 7 : i32
    %shift_right_arithmetic3A_51 = vector.broadcast %shift_right_arithmetic3A : i32 to vector<16xi32>
    %shift_right_arithmetic3A_52 = arith.shrsi %get3A_50, %shift_right_arithmetic3A_51 : vector<16xi32>
    %mul3A_53 = arith.constant 512 : i32
    %mul3A_54 = vector.broadcast %mul3A_53 : i32 to vector<16xi32>
    %mul3A_55 = arith.muli %shift_right_arithmetic3A_52, %mul3A_54 : vector<16xi32>
    %and3A = arith.constant 127 : i32
    %and3A_56 = vector.broadcast %and3A : i32 to vector<16xi32>
    %and3A_57 = arith.andi %get3A_50, %and3A_56 : vector<16xi32>
    %add3A_58 = arith.addi %mul3A_55, %and3A_57 : vector<16xi32>
    %swap3A = arith.constant 0 : index
    %swap3A_59 = tpu.vector_load %arg11[%swap3A] {strides = array<i32>} : memref<512xi32, #tpu.memory_space<vmem>>, vector<16xi32>,
    tpu.vector_store %arg11[%swap3A], %add3A_58 {strides = array<i32>} : memref<512xi32, #tpu.memory_space<vmem>>, vector<16xi32>,
    %get3A_60 = arith.constant 0 : index
    %get3A_61 = tpu.vector_load %arg10[%get3A_60] {strides = array<i32>} : memref<512xi32, #tpu.memory_space<vmem>>, vector<16xi32>,
    %shift_right_arithmetic3A_62 = arith.constant 7 : i32
    %shift_right_arithmetic3A_63 = vector.broadcast %shift_right_arithmetic3A_62 : i32 to vector<16xi32>
    %shift_right_arithmetic3A_64 = arith.shrsi %get3A_61, %shift_right_arithmetic3A_63 : vector<16xi32>
    %mul3A_65 = arith.constant 512 : i32
    %mul3A_66 = vector.broadcast %mul3A_65 : i32 to vector<16xi32>
    %mul3A_67 = arith.muli %shift_right_arithmetic3A_64, %mul3A_66 : vector<16xi32>
    %and3A_68 = arith.constant 127 : i32
    %and3A_69 = vector.broadcast %and3A_68 : i32 to vector<16xi32>
    %and3A_70 = arith.andi %get3A_61, %and3A_69 : vector<16xi32>
    %add3A_71 = arith.addi %mul3A_67, %and3A_70 : vector<16xi32>
    %swap3A_72 = arith.constant 0 : index
    %swap3A_73 = tpu.vector_load %arg12[%swap3A_72] {strides = array<i32>} : memref<512xi32, #tpu.memory_space<vmem>>, vector<16xi32>,
    tpu.vector_store %arg12[%swap3A_72], %add3A_71 {strides = array<i32>} : memref<512xi32, #tpu.memory_space<vmem>>, vector<16xi32>,
    %get3A_74 = arith.constant 16 : index
    %get3A_75 = tpu.vector_load %arg9[%get3A_74] {strides = array<i32>} : memref<512xi32, #tpu.memory_space<vmem>>, vector<16xi32>,
    %shift_right_arithmetic3A_76 = arith.constant 7 : i32
    %shift_right_arithmetic3A_77 = vector.broadcast %shift_right_arithmetic3A_76 : i32 to vector<16xi32>
    %shift_right_arithmetic3A_78 = arith.shrsi %get3A_75, %shift_right_arithmetic3A_77 : vector<16xi32>
    %mul3A_79 = arith.constant 512 : i32
    %mul3A_80 = vector.broadcast %mul3A_79 : i32 to vector<16xi32>
    %mul3A_81 = arith.muli %shift_right_arithmetic3A_78, %mul3A_80 : vector<16xi32>
    %and3A_82 = arith.constant 127 : i32
    %and3A_83 = vector.broadcast %and3A_82 : i32 to vector<16xi32>
    %and3A_84 = arith.andi %get3A_75, %and3A_83 : vector<16xi32>
    %add3A_85 = arith.addi %mul3A_81, %and3A_84 : vector<16xi32>
    %swap3A_86 = arith.constant 16 : index
    %swap3A_87 = tpu.vector_load %arg11[%swap3A_86] {strides = array<i32>} : memref<512xi32, #tpu.memory_space<vmem>>, vector<16xi32>,
    tpu.vector_store %arg11[%swap3A_86], %add3A_85 {strides = array<i32>} : memref<512xi32, #tpu.memory_space<vmem>>, vector<16xi32>,
    %get3A_88 = arith.constant 16 : index
    %get3A_89 = tpu.vector_load %arg10[%get3A_88] {strides = array<i32>} : memref<512xi32, #tpu.memory_space<vmem>>, vector<16xi32>,
    %shift_right_arithmetic3A_90 = arith.constant 7 : i32
    %shift_right_arithmetic3A_91 = vector.broadcast %shift_right_arithmetic3A_90 : i32 to vector<16xi32>
    %shift_right_arithmetic3A_92 = arith.shrsi %get3A_89, %shift_right_arithmetic3A_91 : vector<16xi32>
    %mul3A_93 = arith.constant 512 : i32
    %mul3A_94 = vector.broadcast %mul3A_93 : i32 to vector<16xi32>
    %mul3A_95 = arith.muli %shift_right_arithmetic3A_92, %mul3A_94 : vector<16xi32>
    %and3A_96 = arith.constant 127 : i32
    %and3A_97 = vector.broadcast %and3A_96 : i32 to vector<16xi32>
    %and3A_98 = arith.andi %get3A_89, %and3A_97 : vector<16xi32>
    %add3A_99 = arith.addi %mul3A_95, %and3A_98 : vector<16xi32>
    %swap3A_100 = arith.constant 16 : index
    %swap3A_101 = tpu.vector_load %arg12[%swap3A_100] {strides = array<i32>} : memref<512xi32, #tpu.memory_space<vmem>>, vector<16xi32>,
    tpu.vector_store %arg12[%swap3A_100], %add3A_99 {strides = array<i32>} : memref<512xi32, #tpu.memory_space<vmem>>, vector<16xi32>,
    %get3A_102 = arith.constant 32 : index
    %get3A_103 = tpu.vector_load %arg9[%get3A_102] {strides = array<i32>} : memref<512xi32, #tpu.memory_space<vmem>>, vector<16xi32>,
    %shift_right_arithmetic3A_104 = arith.constant 7 : i32
    %shift_right_arithmetic3A_105 = vector.broadcast %shift_right_arithmetic3A_104 : i32 to vector<16xi32>
    %shift_right_arithmetic3A_106 = arith.shrsi %get3A_103, %shift_right_arithmetic3A_105 : vector<16xi32>
    %mul3A_107 = arith.constant 512 : i32
    %mul3A_108 = vector.broadcast %mul3A_107 : i32 to vector<16xi32>
    %mul3A_109 = arith.muli %shift_right_arithmetic3A_106, %mul3A_108 : vector<16xi32>
    %and3A_110 = arith.constant 127 : i32
    %and3A_111 = vector.broadcast %and3A_110 : i32 to vector<16xi32>
    %and3A_112 = arith.andi %get3A_103, %and3A_111 : vector<16xi32>
    %add3A_113 = arith.addi %mul3A_109, %and3A_112 : vector<16xi32>
    %swap3A_114 = arith.constant 32 : index
    %swap3A_115 = tpu.vector_load %arg11[%swap3A_114] {strides = array<i32>} : memref<512xi32, #tpu.memory_space<vmem>>, vector<16xi32>,
    tpu.vector_store %arg11[%swap3A_114], %add3A_113 {strides = array<i32>} : memref<512xi32, #tpu.memory_space<vmem>>, vector<16xi32>,
    %get3A_116 = arith.constant 32 : index
    %get3A_117 = tpu.vector_load %arg10[%get3A_116] {strides = array<i32>} : memref<512xi32, #tpu.memory_space<vmem>>, vector<16xi32>,
    %shift_right_arithmetic3A_118 = arith.constant 7 : i32
    %shift_right_arithmetic3A_119 = vector.broadcast %shift_right_arithmetic3A_118 : i32 to vector<16xi32>
    %shift_right_arithmetic3A_120 = arith.shrsi %get3A_117, %shift_right_arithmetic3A_119 : vector<16xi32>
    %mul3A_121 = arith.constant 512 : i32
    %mul3A_122 = vector.broadcast %mul3A_121 : i32 to vector<16xi32>
    %mul3A_123 = arith.muli %shift_right_arithmetic3A_120, %mul3A_122 : vector<16xi32>
    %and3A_124 = arith.constant 127 : i32
    %and3A_125 = vector.broadcast %and3A_124 : i32 to vector<16xi32>
    %and3A_126 = arith.andi %get3A_117, %and3A_125 : vector<16xi32>
    %add3A_127 = arith.addi %mul3A_123, %and3A_126 : vector<16xi32>
    %swap3A_128 = arith.constant 32 : index
    %swap3A_129 = tpu.vector_load %arg12[%swap3A_128] {strides = array<i32>} : memref<512xi32, #tpu.memory_space<vmem>>, vector<16xi32>,
    tpu.vector_store %arg12[%swap3A_128], %add3A_127 {strides = array<i32>} : memref<512xi32, #tpu.memory_space<vmem>>, vector<16xi32>,
    %get3A_130 = arith.constant 48 : index
    %get3A_131 = tpu.vector_load %arg9[%get3A_130] {strides = array<i32>} : memref<512xi32, #tpu.memory_space<vmem>>, vector<16xi32>,
    %shift_right_arithmetic3A_132 = arith.constant 7 : i32
    %shift_right_arithmetic3A_133 = vector.broadcast %shift_right_arithmetic3A_132 : i32 to vector<16xi32>
    %shift_right_arithmetic3A_134 = arith.shrsi %get3A_131, %shift_right_arithmetic3A_133 : vector<16xi32>
    %mul3A_135 = arith.constant 512 : i32
    %mul3A_136 = vector.broadcast %mul3A_135 : i32 to vector<16xi32>
    %mul3A_137 = arith.muli %shift_right_arithmetic3A_134, %mul3A_136 : vector<16xi32>
    %and3A_138 = arith.constant 127 : i32
    %and3A_139 = vector.broadcast %and3A_138 : i32 to vector<16xi32>
    %and3A_140 = arith.andi %get3A_131, %and3A_139 : vector<16xi32>
    %add3A_141 = arith.addi %mul3A_137, %and3A_140 : vector<16xi32>
    %swap3A_142 = arith.constant 48 : index
    %swap3A_143 = tpu.vector_load %arg11[%swap3A_142] {strides = array<i32>} : memref<512xi32, #tpu.memory_space<vmem>>, vector<16xi32>,
    tpu.vector_store %arg11[%swap3A_142], %add3A_141 {strides = array<i32>} : memref<512xi32, #tpu.memory_space<vmem>>, vector<16xi32>,
    %get3A_144 = arith.constant 48 : index
    %get3A_145 = tpu.vector_load %arg10[%get3A_144] {strides = array<i32>} : memref<512xi32, #tpu.memory_space<vmem>>, vector<16xi32>,
    %shift_right_arithmetic3A_146 = arith.constant 7 : i32
    %shift_right_arithmetic3A_147 = vector.broadcast %shift_right_arithmetic3A_146 : i32 to vector<16xi32>
    %shift_right_arithmetic3A_148 = arith.shrsi %get3A_145, %shift_right_arithmetic3A_147 : vector<16xi32>
    %mul3A_149 = arith.constant 512 : i32
    %mul3A_150 = vector.broadcast %mul3A_149 : i32 to vector<16xi32>
    %mul3A_151 = arith.muli %shift_right_arithmetic3A_148, %mul3A_150 : vector<16xi32>
    %and3A_152 = arith.constant 127 : i32
    %and3A_153 = vector.broadcast %and3A_152 : i32 to vector<16xi32>
    %and3A_154 = arith.andi %get3A_145, %and3A_153 : vector<16xi32>
    %add3A_155 = arith.addi %mul3A_151, %and3A_154 : vector<16xi32>
    %swap3A_156 = arith.constant 48 : index
    %swap3A_157 = tpu.vector_load %arg12[%swap3A_156] {strides = array<i32>} : memref<512xi32, #tpu.memory_space<vmem>>, vector<16xi32>,
    tpu.vector_store %arg12[%swap3A_156], %add3A_155 {strides = array<i32>} : memref<512xi32, #tpu.memory_space<vmem>>, vector<16xi32>,
    %get3A_158 = arith.constant 64 : index
    %get3A_159 = tpu.vector_load %arg9[%get3A_158] {strides = array<i32>} : memref<512xi32, #tpu.memory_space<vmem>>, vector<16xi32>,
    %shift_right_arithmetic3A_160 = arith.constant 7 : i32
    %shift_right_arithmetic3A_161 = vector.broadcast %shift_right_arithmetic3A_160 : i32 to vector<16xi32>
    %shift_right_arithmetic3A_162 = arith.shrsi %get3A_159, %shift_right_arithmetic3A_161 : vector<16xi32>
    %mul3A_163 = arith.constant 512 : i32
    %mul3A_164 = vector.broadcast %mul3A_163 : i32 to vector<16xi32>
    %mul3A_165 = arith.muli %shift_right_arithmetic3A_162, %mul3A_164 : vector<16xi32>
    %and3A_166 = arith.constant 127 : i32
    %and3A_167 = vector.broadcast %and3A_166 : i32 to vector<16xi32>
    %and3A_168 = arith.andi %get3A_159, %and3A_167 : vector<16xi32>
    %add3A_169 = arith.addi %mul3A_165, %and3A_168 : vector<16xi32>
    %swap3A_170 = arith.constant 64 : index
    %swap3A_171 = tpu.vector_load %arg11[%swap3A_170] {strides = array<i32>} : memref<512xi32, #tpu.memory_space<vmem>>, vector<16xi32>,
    tpu.vector_store %arg11[%swap3A_170], %add3A_169 {strides = array<i32>} : memref<512xi32, #tpu.memory_space<vmem>>, vector<16xi32>,
    %get3A_172 = arith.constant 64 : index
    %get3A_173 = tpu.vector_load %arg10[%get3A_172] {strides = array<i32>} : memref<512xi32, #tpu.memory_space<vmem>>, vector<16xi32>,
    %shift_right_arithmetic3A_174 = arith.constant 7 : i32
    %shift_right_arithmetic3A_175 = vector.broadcast %shift_right_arithmetic3A_174 : i32 to vector<16xi32>
    %shift_right_arithmetic3A_176 = arith.shrsi %get3A_173, %shift_right_arithmetic3A_175 : vector<16xi32>
    %mul3A_177 = arith.constant 512 : i32
    %mul3A_178 = vector.broadcast %mul3A_177 : i32 to vector<16xi32>
    %mul3A_179 = arith.muli %shift_right_arithmetic3A_176, %mul3A_178 : vector<16xi32>
    %and3A_180 = arith.constant 127 : i32
    %and3A_181 = vector.broadcast %and3A_180 : i32 to vector<16xi32>
    %and3A_182 = arith.andi %get3A_173, %and3A_181 : vector<16xi32>
    %add3A_183 = arith.addi %mul3A_179, %and3A_182 : vector<16xi32>
    %swap3A_184 = arith.constant 64 : index
    %swap3A_185 = tpu.vector_load %arg12[%swap3A_184] {strides = array<i32>} : memref<512xi32, #tpu.memory_space<vmem>>, vector<16xi32>,
    tpu.vector_store %arg12[%swap3A_184], %add3A_183 {strides = array<i32>} : memref<512xi32, #tpu.memory_space<vmem>>, vector<16xi32>,
    %get3A_186 = arith.constant 80 : index
    %get3A_187 = tpu.vector_load %arg9[%get3A_186] {strides = array<i32>} : memref<512xi32, #tpu.memory_space<vmem>>, vector<16xi32>,
    %shift_right_arithmetic3A_188 = arith.constant 7 : i32
    %shift_right_arithmetic3A_189 = vector.broadcast %shift_right_arithmetic3A_188 : i32 to vector<16xi32>
    %shift_right_arithmetic3A_190 = arith.shrsi %get3A_187, %shift_right_arithmetic3A_189 : vector<16xi32>
    %mul3A_191 = arith.constant 512 : i32
    %mul3A_192 = vector.broadcast %mul3A_191 : i32 to vector<16xi32>
    %mul3A_193 = arith.muli %shift_right_arithmetic3A_190, %mul3A_192 : vector<16xi32>
    %and3A_194 = arith.constant 127 : i32
    %and3A_195 = vector.broadcast %and3A_194 : i32 to vector<16xi32>
    %and3A_196 = arith.andi %get3A_187, %and3A_195 : vector<16xi32>
    %add3A_197 = arith.addi %mul3A_193, %and3A_196 : vector<16xi32>
    %swap3A_198 = arith.constant 80 : index
    %swap3A_199 = tpu.vector_load %arg11[%swap3A_198] {strides = array<i32>} : memref<512xi32, #tpu.memory_space<vmem>>, vector<16xi32>,
    tpu.vector_store %arg11[%swap3A_198], %add3A_197 {strides = array<i32>} : memref<512xi32, #tpu.memory_space<vmem>>, vector<16xi32>,
    %get3A_200 = arith.constant 80 : index
    %get3A_201 = tpu.vector_load %arg10[%get3A_200] {strides = array<i32>} : memref<512xi32, #tpu.memory_space<vmem>>, vector<16xi32>,
    %shift_right_arithmetic3A_202 = arith.constant 7 : i32
    %shift_right_arithmetic3A_203 = vector.broadcast %shift_right_arithmetic3A_202 : i32 to vector<16xi32>
    %shift_right_arithmetic3A_204 = arith.shrsi %get3A_201, %shift_right_arithmetic3A_203 : vector<16xi32>
    %mul3A_205 = arith.constant 512 : i32
    %mul3A_206 = vector.broadcast %mul3A_205 : i32 to vector<16xi32>
    %mul3A_207 = arith.muli %shift_right_arithmetic3A_204, %mul3A_206 : vector<16xi32>
    %and3A_208 = arith.constant 127 : i32
    %and3A_209 = vector.broadcast %and3A_208 : i32 to vector<16xi32>
    %and3A_210 = arith.andi %get3A_201, %and3A_209 : vector<16xi32>
    %add3A_211 = arith.addi %mul3A_207, %and3A_210 : vector<16xi32>
    %swap3A_212 = arith.constant 80 : index
    %swap3A_213 = tpu.vector_load %arg12[%swap3A_212] {strides = array<i32>} : memref<512xi32, #tpu.memory_space<vmem>>, vector<16xi32>,
    tpu.vector_store %arg12[%swap3A_212], %add3A_211 {strides = array<i32>} : memref<512xi32, #tpu.memory_space<vmem>>, vector<16xi32>,
    %get3A_214 = arith.constant 96 : index
    %get3A_215 = tpu.vector_load %arg9[%get3A_214] {strides = array<i32>} : memref<512xi32, #tpu.memory_space<vmem>>, vector<16xi32>,
    %shift_right_arithmetic3A_216 = arith.constant 7 : i32
    %shift_right_arithmetic3A_217 = vector.broadcast %shift_right_arithmetic3A_216 : i32 to vector<16xi32>
    %shift_right_arithmetic3A_218 = arith.shrsi %get3A_215, %shift_right_arithmetic3A_217 : vector<16xi32>
    %mul3A_219 = arith.constant 512 : i32
    %mul3A_220 = vector.broadcast %mul3A_219 : i32 to vector<16xi32>
    %mul3A_221 = arith.muli %shift_right_arithmetic3A_218, %mul3A_220 : vector<16xi32>
    %and3A_222 = arith.constant 127 : i32
    %and3A_223 = vector.broadcast %and3A_222 : i32 to vector<16xi32>
    %and3A_224 = arith.andi %get3A_215, %and3A_223 : vector<16xi32>
    %add3A_225 = arith.addi %mul3A_221, %and3A_224 : vector<16xi32>
    %swap3A_226 = arith.constant 96 : index
    %swap3A_227 = tpu.vector_load %arg11[%swap3A_226] {strides = array<i32>} : memref<512xi32, #tpu.memory_space<vmem>>, vector<16xi32>,
    tpu.vector_store %arg11[%swap3A_226], %add3A_225 {strides = array<i32>} : memref<512xi32, #tpu.memory_space<vmem>>, vector<16xi32>,
    %get3A_228 = arith.constant 96 : index
    %get3A_229 = tpu.vector_load %arg10[%get3A_228] {strides = array<i32>} : memref<512xi32, #tpu.memory_space<vmem>>, vector<16xi32>,
    %shift_right_arithmetic3A_230 = arith.constant 7 : i32
    %shift_right_arithmetic3A_231 = vector.broadcast %shift_right_arithmetic3A_230 : i32 to vector<16xi32>
    %shift_right_arithmetic3A_232 = arith.shrsi %get3A_229, %shift_right_arithmetic3A_231 : vector<16xi32>
    %mul3A_233 = arith.constant 512 : i32
    %mul3A_234 = vector.broadcast %mul3A_233 : i32 to vector<16xi32>
    %mul3A_235 = arith.muli %shift_right_arithmetic3A_232, %mul3A_234 : vector<16xi32>
    %and3A_236 = arith.constant 127 : i32
    %and3A_237 = vector.broadcast %and3A_236 : i32 to vector<16xi32>
    %and3A_238 = arith.andi %get3A_229, %and3A_237 : vector<16xi32>
    %add3A_239 = arith.addi %mul3A_235, %and3A_238 : vector<16xi32>
    %swap3A_240 = arith.constant 96 : index
    %swap3A_241 = tpu.vector_load %arg12[%swap3A_240] {strides = array<i32>} : memref<512xi32, #tpu.memory_space<vmem>>, vector<16xi32>,
    tpu.vector_store %arg12[%swap3A_240], %add3A_239 {strides = array<i32>} : memref<512xi32, #tpu.memory_space<vmem>>, vector<16xi32>,
    %get3A_242 = arith.constant 112 : index
    %get3A_243 = tpu.vector_load %arg9[%get3A_242] {strides = array<i32>} : memref<512xi32, #tpu.memory_space<vmem>>, vector<16xi32>,
    %shift_right_arithmetic3A_244 = arith.constant 7 : i32
    %shift_right_arithmetic3A_245 = vector.broadcast %shift_right_arithmetic3A_244 : i32 to vector<16xi32>
    %shift_right_arithmetic3A_246 = arith.shrsi %get3A_243, %shift_right_arithmetic3A_245 : vector<16xi32>
    %mul3A_247 = arith.constant 512 : i32
    %mul3A_248 = vector.broadcast %mul3A_247 : i32 to vector<16xi32>
    %mul3A_249 = arith.muli %shift_right_arithmetic3A_246, %mul3A_248 : vector<16xi32>
    %and3A_250 = arith.constant 127 : i32
    %and3A_251 = vector.broadcast %and3A_250 : i32 to vector<16xi32>
    %and3A_252 = arith.andi %get3A_243, %and3A_251 : vector<16xi32>
    %add3A_253 = arith.addi %mul3A_249, %and3A_252 : vector<16xi32>
    %swap3A_254 = arith.constant 112 : index
    %swap3A_255 = tpu.vector_load %arg11[%swap3A_254] {strides = array<i32>} : memref<512xi32, #tpu.memory_space<vmem>>, vector<16xi32>,
    tpu.vector_store %arg11[%swap3A_254], %add3A_253 {strides = array<i32>} : memref<512xi32, #tpu.memory_space<vmem>>, vector<16xi32>,
    %get3A_256 = arith.constant 112 : index
    %get3A_257 = tpu.vector_load %arg10[%get3A_256] {strides = array<i32>} : memref<512xi32, #tpu.memory_space<vmem>>, vector<16xi32>,
    %shift_right_arithmetic3A_258 = arith.constant 7 : i32
    %shift_right_arithmetic3A_259 = vector.broadcast %shift_right_arithmetic3A_258 : i32 to vector<16xi32>
    %shift_right_arithmetic3A_260 = arith.shrsi %get3A_257, %shift_right_arithmetic3A_259 : vector<16xi32>
    %mul3A_261 = arith.constant 512 : i32
    %mul3A_262 = vector.broadcast %mul3A_261 : i32 to vector<16xi32>
    %mul3A_263 = arith.muli %shift_right_arithmetic3A_260, %mul3A_262 : vector<16xi32>
    %and3A_264 = arith.constant 127 : i32
    %and3A_265 = vector.broadcast %and3A_264 : i32 to vector<16xi32>
    %and3A_266 = arith.andi %get3A_257, %and3A_265 : vector<16xi32>
    %add3A_267 = arith.addi %mul3A_263, %and3A_266 : vector<16xi32>
    %swap3A_268 = arith.constant 112 : index
    %swap3A_269 = tpu.vector_load %arg12[%swap3A_268] {strides = array<i32>} : memref<512xi32, #tpu.memory_space<vmem>>, vector<16xi32>,
    tpu.vector_store %arg12[%swap3A_268], %add3A_267 {strides = array<i32>} : memref<512xi32, #tpu.memory_space<vmem>>, vector<16xi32>,
    %get3A_270 = arith.constant 128 : index
    %get3A_271 = tpu.vector_load %arg9[%get3A_270] {strides = array<i32>} : memref<512xi32, #tpu.memory_space<vmem>>, vector<16xi32>,
    %shift_right_arithmetic3A_272 = arith.constant 7 : i32
    %shift_right_arithmetic3A_273 = vector.broadcast %shift_right_arithmetic3A_272 : i32 to vector<16xi32>
    %shift_right_arithmetic3A_274 = arith.shrsi %get3A_271, %shift_right_arithmetic3A_273 : vector<16xi32>
    %mul3A_275 = arith.constant 512 : i32
    %mul3A_276 = vector.broadcast %mul3A_275 : i32 to vector<16xi32>
    %mul3A_277 = arith.muli %shift_right_arithmetic3A_274, %mul3A_276 : vector<16xi32>
    %and3A_278 = arith.constant 127 : i32
    %and3A_279 = vector.broadcast %and3A_278 : i32 to vector<16xi32>
    %and3A_280 = arith.andi %get3A_271, %and3A_279 : vector<16xi32>
    %add3A_281 = arith.addi %mul3A_277, %and3A_280 : vector<16xi32>
    %swap3A_282 = arith.constant 128 : index
    %swap3A_283 = tpu.vector_load %arg11[%swap3A_282] {strides = array<i32>} : memref<512xi32, #tpu.memory_space<vmem>>, vector<16xi32>,
    tpu.vector_store %arg11[%swap3A_282], %add3A_281 {strides = array<i32>} : memref<512xi32, #tpu.memory_space<vmem>>, vector<16xi32>,
    %get3A_284 = arith.constant 128 : index
    %get3A_285 = tpu.vector_load %arg10[%get3A_284] {strides = array<i32>} : memref<512xi32, #tpu.memory_space<vmem>>, vector<16xi32>,
    %shift_right_arithmetic3A_286 = arith.constant 7 : i32
    %shift_right_arithmetic3A_287 = vector.broadcast %shift_right_arithmetic3A_286 : i32 to vector<16xi32>
    %shift_right_arithmetic3A_288 = arith.shrsi %get3A_285, %shift_right_arithmetic3A_287 : vector<16xi32>
    %mul3A_289 = arith.constant 512 : i32
    %mul3A_290 = vector.broadcast %mul3A_289 : i32 to vector<16xi32>
    %mul3A_291 = arith.muli %shift_right_arithmetic3A_288, %mul3A_290 : vector<16xi32>
    %and3A_292 = arith.constant 127 : i32
    %and3A_293 = vector.broadcast %and3A_292 : i32 to vector<16xi32>
    %and3A_294 = arith.andi %get3A_285, %and3A_293 : vector<16xi32>
    %add3A_295 = arith.addi %mul3A_291, %and3A_294 : vector<16xi32>
    %swap3A_296 = arith.constant 128 : index
    %swap3A_297 = tpu.vector_load %arg12[%swap3A_296] {strides = array<i32>} : memref<512xi32, #tpu.memory_space<vmem>>, vector<16xi32>,
    tpu.vector_store %arg12[%swap3A_296], %add3A_295 {strides = array<i32>} : memref<512xi32, #tpu.memory_space<vmem>>, vector<16xi32>,
    %get3A_298 = arith.constant 144 : index
    %get3A_299 = tpu.vector_load %arg9[%get3A_298] {strides = array<i32>} : memref<512xi32, #tpu.memory_space<vmem>>, vector<16xi32>,
    %shift_right_arithmetic3A_300 = arith.constant 7 : i32
    %shift_right_arithmetic3A_301 = vector.broadcast %shift_right_arithmetic3A_300 : i32 to vector<16xi32>
    %shift_right_arithmetic3A_302 = arith.shrsi %get3A_299, %shift_right_arithmetic3A_301 : vector<16xi32>
    %mul3A_303 = arith.constant 512 : i32
    %mul3A_304 = vector.broadcast %mul3A_303 : i32 to vector<16xi32>
    %mul3A_305 = arith.muli %shift_right_arithmetic3A_302, %mul3A_304 : vector<16xi32>
    %and3A_306 = arith.constant 127 : i32
    %and3A_307 = vector.broadcast %and3A_306 : i32 to vector<16xi32>
    %and3A_308 = arith.andi %get3A_299, %and3A_307 : vector<16xi32>
    %add3A_309 = arith.addi %mul3A_305, %and3A_308 : vector<16xi32>
    %swap3A_310 = arith.constant 144 : index
    %swap3A_311 = tpu.vector_load %arg11[%swap3A_310] {strides = array<i32>} : memref<512xi32, #tpu.memory_space<vmem>>, vector<16xi32>,
    tpu.vector_store %arg11[%swap3A_310], %add3A_309 {strides = array<i32>} : memref<512xi32, #tpu.memory_space<vmem>>, vector<16xi32>,
    %get3A_312 = arith.constant 144 : index
    %get3A_313 = tpu.vector_load %arg10[%get3A_312] {strides = array<i32>} : memref<512xi32, #tpu.memory_space<vmem>>, vector<16xi32>,
    %shift_right_arithmetic3A_314 = arith.constant 7 : i32
    %shift_right_arithmetic3A_315 = vector.broadcast %shift_right_arithmetic3A_314 : i32 to vector<16xi32>
    %shift_right_arithmetic3A_316 = arith.shrsi %get3A_313, %shift_right_arithmetic3A_315 : vector<16xi32>
    %mul3A_317 = arith.constant 512 : i32
    %mul3A_318 = vector.broadcast %mul3A_317 : i32 to vector<16xi32>
    %mul3A_319 = arith.muli %shift_right_arithmetic3A_316, %mul3A_318 : vector<16xi32>
    %and3A_320 = arith.constant 127 : i32
    %and3A_321 = vector.broadcast %and3A_320 : i32 to vector<16xi32>
    %and3A_322 = arith.andi %get3A_313, %and3A_321 : vector<16xi32>
    %add3A_323 = arith.addi %mul3A_319, %and3A_322 : vector<16xi32>
    %swap3A_324 = arith.constant 144 : index
    %swap3A_325 = tpu.vector_load %arg12[%swap3A_324] {strides = array<i32>} : memref<512xi32, #tpu.memory_space<vmem>>, vector<16xi32>,
    tpu.vector_store %arg12[%swap3A_324], %add3A_323 {strides = array<i32>} : memref<512xi32, #tpu.memory_space<vmem>>, vector<16xi32>,
    %get3A_326 = arith.constant 160 : index
    %get3A_327 = tpu.vector_load %arg9[%get3A_326] {strides = array<i32>} : memref<512xi32, #tpu.memory_space<vmem>>, vector<16xi32>,
    %shift_right_arithmetic3A_328 = arith.constant 7 : i32
    %shift_right_arithmetic3A_329 = vector.broadcast %shift_right_arithmetic3A_328 : i32 to vector<16xi32>
    %shift_right_arithmetic3A_330 = arith.shrsi %get3A_327, %shift_right_arithmetic3A_329 : vector<16xi32>
    %mul3A_331 = arith.constant 512 : i32
    %mul3A_332 = vector.broadcast %mul3A_331 : i32 to vector<16xi32>
    %mul3A_333 = arith.muli %shift_right_arithmetic3A_330, %mul3A_332 : vector<16xi32>
    %and3A_334 = arith.constant 127 : i32
    %and3A_335 = vector.broadcast %and3A_334 : i32 to vector<16xi32>
    %and3A_336 = arith.andi %get3A_327, %and3A_335 : vector<16xi32>
    %add3A_337 = arith.addi %mul3A_333, %and3A_336 : vector<16xi32>
    %swap3A_338 = arith.constant 160 : index
    %swap3A_339 = tpu.vector_load %arg11[%swap3A_338] {strides = array<i32>} : memref<512xi32, #tpu.memory_space<vmem>>, vector<16xi32>,
    tpu.vector_store %arg11[%swap3A_338], %add3A_337 {strides = array<i32>} : memref<512xi32, #tpu.memory_space<vmem>>, vector<16xi32>,
    %get3A_340 = arith.constant 160 : index
    %get3A_341 = tpu.vector_load %arg10[%get3A_340] {strides = array<i32>} : memref<512xi32, #tpu.memory_space<vmem>>, vector<16xi32>,
    %shift_right_arithmetic3A_342 = arith.constant 7 : i32
    %shift_right_arithmetic3A_343 = vector.broadcast %shift_right_arithmetic3A_342 : i32 to vector<16xi32>
    %shift_right_arithmetic3A_344 = arith.shrsi %get3A_341, %shift_right_arithmetic3A_343 : vector<16xi32>
    %mul3A_345 = arith.constant 512 : i32
    %mul3A_346 = vector.broadcast %mul3A_345 : i32 to vector<16xi32>
    %mul3A_347 = arith.muli %shift_right_arithmetic3A_344, %mul3A_346 : vector<16xi32>
    %and3A_348 = arith.constant 127 : i32
    %and3A_349 = vector.broadcast %and3A_348 : i32 to vector<16xi32>
    %and3A_350 = arith.andi %get3A_341, %and3A_349 : vector<16xi32>
    %add3A_351 = arith.addi %mul3A_347, %and3A_350 : vector<16xi32>
    %swap3A_352 = arith.constant 160 : index
    %swap3A_353 = tpu.vector_load %arg12[%swap3A_352] {strides = array<i32>} : memref<512xi32, #tpu.memory_space<vmem>>, vector<16xi32>,
    tpu.vector_store %arg12[%swap3A_352], %add3A_351 {strides = array<i32>} : memref<512xi32, #tpu.memory_space<vmem>>, vector<16xi32>,
    %get3A_354 = arith.constant 176 : index
    %get3A_355 = tpu.vector_load %arg9[%get3A_354] {strides = array<i32>} : memref<512xi32, #tpu.memory_space<vmem>>, vector<16xi32>,
    %shift_right_arithmetic3A_356 = arith.constant 7 : i32
    %shift_right_arithmetic3A_357 = vector.broadcast %shift_right_arithmetic3A_356 : i32 to vector<16xi32>
    %shift_right_arithmetic3A_358 = arith.shrsi %get3A_355, %shift_right_arithmetic3A_357 : vector<16xi32>
    %mul3A_359 = arith.constant 512 : i32
    %mul3A_360 = vector.broadcast %mul3A_359 : i32 to vector<16xi32>
    %mul3A_361 = arith.muli %shift_right_arithmetic3A_358, %mul3A_360 : vector<16xi32>
    %and3A_362 = arith.constant 127 : i32
    %and3A_363 = vector.broadcast %and3A_362 : i32 to vector<16xi32>
    %and3A_364 = arith.andi %get3A_355, %and3A_363 : vector<16xi32>
    %add3A_365 = arith.addi %mul3A_361, %and3A_364 : vector<16xi32>
    %swap3A_366 = arith.constant 176 : index
    %swap3A_367 = tpu.vector_load %arg11[%swap3A_366] {strides = array<i32>} : memref<512xi32, #tpu.memory_space<vmem>>, vector<16xi32>,
    tpu.vector_store %arg11[%swap3A_366], %add3A_365 {strides = array<i32>} : memref<512xi32, #tpu.memory_space<vmem>>, vector<16xi32>,
    %get3A_368 = arith.constant 176 : index
    %get3A_369 = tpu.vector_load %arg10[%get3A_368] {strides = array<i32>} : memref<512xi32, #tpu.memory_space<vmem>>, vector<16xi32>,
    %shift_right_arithmetic3A_370 = arith.constant 7 : i32
    %shift_right_arithmetic3A_371 = vector.broadcast %shift_right_arithmetic3A_370 : i32 to vector<16xi32>
    %shift_right_arithmetic3A_372 = arith.shrsi %get3A_369, %shift_right_arithmetic3A_371 : vector<16xi32>
    %mul3A_373 = arith.constant 512 : i32
    %mul3A_374 = vector.broadcast %mul3A_373 : i32 to vector<16xi32>
    %mul3A_375 = arith.muli %shift_right_arithmetic3A_372, %mul3A_374 : vector<16xi32>
    %and3A_376 = arith.constant 127 : i32
    %and3A_377 = vector.broadcast %and3A_376 : i32 to vector<16xi32>
    %and3A_378 = arith.andi %get3A_369, %and3A_377 : vector<16xi32>
    %add3A_379 = arith.addi %mul3A_375, %and3A_378 : vector<16xi32>
    %swap3A_380 = arith.constant 176 : index
    %swap3A_381 = tpu.vector_load %arg12[%swap3A_380] {strides = array<i32>} : memref<512xi32, #tpu.memory_space<vmem>>, vector<16xi32>,
    tpu.vector_store %arg12[%swap3A_380], %add3A_379 {strides = array<i32>} : memref<512xi32, #tpu.memory_space<vmem>>, vector<16xi32>,
    %get3A_382 = arith.constant 192 : index
    %get3A_383 = tpu.vector_load %arg9[%get3A_382] {strides = array<i32>} : memref<512xi32, #tpu.memory_space<vmem>>, vector<16xi32>,
    %shift_right_arithmetic3A_384 = arith.constant 7 : i32
    %shift_right_arithmetic3A_385 = vector.broadcast %shift_right_arithmetic3A_384 : i32 to vector<16xi32>
    %shift_right_arithmetic3A_386 = arith.shrsi %get3A_383, %shift_right_arithmetic3A_385 : vector<16xi32>
    %mul3A_387 = arith.constant 512 : i32
    %mul3A_388 = vector.broadcast %mul3A_387 : i32 to vector<16xi32>
    %mul3A_389 = arith.muli %shift_right_arithmetic3A_386, %mul3A_388 : vector<16xi32>
    %and3A_390 = arith.constant 127 : i32
    %and3A_391 = vector.broadcast %and3A_390 : i32 to vector<16xi32>
    %and3A_392 = arith.andi %get3A_383, %and3A_391 : vector<16xi32>
    %add3A_393 = arith.addi %mul3A_389, %and3A_392 : vector<16xi32>
    %swap3A_394 = arith.constant 192 : index
    %swap3A_395 = tpu.vector_load %arg11[%swap3A_394] {strides = array<i32>} : memref<512xi32, #tpu.memory_space<vmem>>, vector<16xi32>,
    tpu.vector_store %arg11[%swap3A_394], %add3A_393 {strides = array<i32>} : memref<512xi32, #tpu.memory_space<vmem>>, vector<16xi32>,
    %get3A_396 = arith.constant 192 : index
    %get3A_397 = tpu.vector_load %arg10[%get3A_396] {strides = array<i32>} : memref<512xi32, #tpu.memory_space<vmem>>, vector<16xi32>,
    %shift_right_arithmetic3A_398 = arith.constant 7 : i32
    %shift_right_arithmetic3A_399 = vector.broadcast %shift_right_arithmetic3A_398 : i32 to vector<16xi32>
    %shift_right_arithmetic3A_400 = arith.shrsi %get3A_397, %shift_right_arithmetic3A_399 : vector<16xi32>
    %mul3A_401 = arith.constant 512 : i32
    %mul3A_402 = vector.broadcast %mul3A_401 : i32 to vector<16xi32>
    %mul3A_403 = arith.muli %shift_right_arithmetic3A_400, %mul3A_402 : vector<16xi32>
    %and3A_404 = arith.constant 127 : i32
    %and3A_405 = vector.broadcast %and3A_404 : i32 to vector<16xi32>
    %and3A_406 = arith.andi %get3A_397, %and3A_405 : vector<16xi32>
    %add3A_407 = arith.addi %mul3A_403, %and3A_406 : vector<16xi32>
    %swap3A_408 = arith.constant 192 : index
    %swap3A_409 = tpu.vector_load %arg12[%swap3A_408] {strides = array<i32>} : memref<512xi32, #tpu.memory_space<vmem>>, vector<16xi32>,
    tpu.vector_store %arg12[%swap3A_408], %add3A_407 {strides = array<i32>} : memref<512xi32, #tpu.memory_space<vmem>>, vector<16xi32>,
    %get3A_410 = arith.constant 208 : index
    %get3A_411 = tpu.vector_load %arg9[%get3A_410] {strides = array<i32>} : memref<512xi32, #tpu.memory_space<vmem>>, vector<16xi32>,
    %shift_right_arithmetic3A_412 = arith.constant 7 : i32
    %shift_right_arithmetic3A_413 = vector.broadcast %shift_right_arithmetic3A_412 : i32 to vector<16xi32>
    %shift_right_arithmetic3A_414 = arith.shrsi %get3A_411, %shift_right_arithmetic3A_413 : vector<16xi32>
    %mul3A_415 = arith.constant 512 : i32
    %mul3A_416 = vector.broadcast %mul3A_415 : i32 to vector<16xi32>
    %mul3A_417 = arith.muli %shift_right_arithmetic3A_414, %mul3A_416 : vector<16xi32>
    %and3A_418 = arith.constant 127 : i32
    %and3A_419 = vector.broadcast %and3A_418 : i32 to vector<16xi32>
    %and3A_420 = arith.andi %get3A_411, %and3A_419 : vector<16xi32>
    %add3A_421 = arith.addi %mul3A_417, %and3A_420 : vector<16xi32>
    %swap3A_422 = arith.constant 208 : index
    %swap3A_423 = tpu.vector_load %arg11[%swap3A_422] {strides = array<i32>} : memref<512xi32, #tpu.memory_space<vmem>>, vector<16xi32>,
    tpu.vector_store %arg11[%swap3A_422], %add3A_421 {strides = array<i32>} : memref<512xi32, #tpu.memory_space<vmem>>, vector<16xi32>,
    %get3A_424 = arith.constant 208 : index
    %get3A_425 = tpu.vector_load %arg10[%get3A_424] {strides = array<i32>} : memref<512xi32, #tpu.memory_space<vmem>>, vector<16xi32>,
    %shift_right_arithmetic3A_426 = arith.constant 7 : i32
    %shift_right_arithmetic3A_427 = vector.broadcast %shift_right_arithmetic3A_426 : i32 to vector<16xi32>
    %shift_right_arithmetic3A_428 = arith.shrsi %get3A_425, %shift_right_arithmetic3A_427 : vector<16xi32>
    %mul3A_429 = arith.constant 512 : i32
    %mul3A_430 = vector.broadcast %mul3A_429 : i32 to vector<16xi32>
    %mul3A_431 = arith.muli %shift_right_arithmetic3A_428, %mul3A_430 : vector<16xi32>
    %and3A_432 = arith.constant 127 : i32
    %and3A_433 = vector.broadcast %and3A_432 : i32 to vector<16xi32>
    %and3A_434 = arith.andi %get3A_425, %and3A_433 : vector<16xi32>
    %add3A_435 = arith.addi %mul3A_431, %and3A_434 : vector<16xi32>
    %swap3A_436 = arith.constant 208 : index
    %swap3A_437 = tpu.vector_load %arg12[%swap3A_436] {strides = array<i32>} : memref<512xi32, #tpu.memory_space<vmem>>, vector<16xi32>,
    tpu.vector_store %arg12[%swap3A_436], %add3A_435 {strides = array<i32>} : memref<512xi32, #tpu.memory_space<vmem>>, vector<16xi32>,
    %get3A_438 = arith.constant 224 : index
    %get3A_439 = tpu.vector_load %arg9[%get3A_438] {strides = array<i32>} : memref<512xi32, #tpu.memory_space<vmem>>, vector<16xi32>,
    %shift_right_arithmetic3A_440 = arith.constant 7 : i32
    %shift_right_arithmetic3A_441 = vector.broadcast %shift_right_arithmetic3A_440 : i32 to vector<16xi32>
    %shift_right_arithmetic3A_442 = arith.shrsi %get3A_439, %shift_right_arithmetic3A_441 : vector<16xi32>
    %mul3A_443 = arith.constant 512 : i32
    %mul3A_444 = vector.broadcast %mul3A_443 : i32 to vector<16xi32>
    %mul3A_445 = arith.muli %shift_right_arithmetic3A_442, %mul3A_444 : vector<16xi32>
    %and3A_446 = arith.constant 127 : i32
    %and3A_447 = vector.broadcast %and3A_446 : i32 to vector<16xi32>
    %and3A_448 = arith.andi %get3A_439, %and3A_447 : vector<16xi32>
    %add3A_449 = arith.addi %mul3A_445, %and3A_448 : vector<16xi32>
    %swap3A_450 = arith.constant 224 : index
    %swap3A_451 = tpu.vector_load %arg11[%swap3A_450] {strides = array<i32>} : memref<512xi32, #tpu.memory_space<vmem>>, vector<16xi32>,
    tpu.vector_store %arg11[%swap3A_450], %add3A_449 {strides = array<i32>} : memref<512xi32, #tpu.memory_space<vmem>>, vector<16xi32>,
    %get3A_452 = arith.constant 224 : index
    %get3A_453 = tpu.vector_load %arg10[%get3A_452] {strides = array<i32>} : memref<512xi32, #tpu.memory_space<vmem>>, vector<16xi32>,
    %shift_right_arithmetic3A_454 = arith.constant 7 : i32
    %shift_right_arithmetic3A_455 = vector.broadcast %shift_right_arithmetic3A_454 : i32 to vector<16xi32>
    %shift_right_arithmetic3A_456 = arith.shrsi %get3A_453, %shift_right_arithmetic3A_455 : vector<16xi32>
    %mul3A_457 = arith.constant 512 : i32
    %mul3A_458 = vector.broadcast %mul3A_457 : i32 to vector<16xi32>
    %mul3A_459 = arith.muli %shift_right_arithmetic3A_456, %mul3A_458 : vector<16xi32>
    %and3A_460 = arith.constant 127 : i32
    %and3A_461 = vector.broadcast %and3A_460 : i32 to vector<16xi32>
    %and3A_462 = arith.andi %get3A_453, %and3A_461 : vector<16xi32>
    %add3A_463 = arith.addi %mul3A_459, %and3A_462 : vector<16xi32>
    %swap3A_464 = arith.constant 224 : index
    %swap3A_465 = tpu.vector_load %arg12[%swap3A_464] {strides = array<i32>} : memref<512xi32, #tpu.memory_space<vmem>>, vector<16xi32>,
    tpu.vector_store %arg12[%swap3A_464], %add3A_463 {strides = array<i32>} : memref<512xi32, #tpu.memory_space<vmem>>, vector<16xi32>,
    %get3A_466 = arith.constant 240 : index
    %get3A_467 = tpu.vector_load %arg9[%get3A_466] {strides = array<i32>} : memref<512xi32, #tpu.memory_space<vmem>>, vector<16xi32>,
    %shift_right_arithmetic3A_468 = arith.constant 7 : i32
    %shift_right_arithmetic3A_469 = vector.broadcast %shift_right_arithmetic3A_468 : i32 to vector<16xi32>
    %shift_right_arithmetic3A_470 = arith.shrsi %get3A_467, %shift_right_arithmetic3A_469 : vector<16xi32>
    %mul3A_471 = arith.constant 512 : i32
    %mul3A_472 = vector.broadcast %mul3A_471 : i32 to vector<16xi32>
    %mul3A_473 = arith.muli %shift_right_arithmetic3A_470, %mul3A_472 : vector<16xi32>
    %and3A_474 = arith.constant 127 : i32
    %and3A_475 = vector.broadcast %and3A_474 : i32 to vector<16xi32>
    %and3A_476 = arith.andi %get3A_467, %and3A_475 : vector<16xi32>
    %add3A_477 = arith.addi %mul3A_473, %and3A_476 : vector<16xi32>
    %swap3A_478 = arith.constant 240 : index
    %swap3A_479 = tpu.vector_load %arg11[%swap3A_478] {strides = array<i32>} : memref<512xi32, #tpu.memory_space<vmem>>, vector<16xi32>,
    tpu.vector_store %arg11[%swap3A_478], %add3A_477 {strides = array<i32>} : memref<512xi32, #tpu.memory_space<vmem>>, vector<16xi32>,
    %get3A_480 = arith.constant 240 : index
    %get3A_481 = tpu.vector_load %arg10[%get3A_480] {strides = array<i32>} : memref<512xi32, #tpu.memory_space<vmem>>, vector<16xi32>,
    %shift_right_arithmetic3A_482 = arith.constant 7 : i32
    %shift_right_arithmetic3A_483 = vector.broadcast %shift_right_arithmetic3A_482 : i32 to vector<16xi32>
    %shift_right_arithmetic3A_484 = arith.shrsi %get3A_481, %shift_right_arithmetic3A_483 : vector<16xi32>
    %mul3A_485 = arith.constant 512 : i32
    %mul3A_486 = vector.broadcast %mul3A_485 : i32 to vector<16xi32>
    %mul3A_487 = arith.muli %shift_right_arithmetic3A_484, %mul3A_486 : vector<16xi32>
    %and3A_488 = arith.constant 127 : i32
    %and3A_489 = vector.broadcast %and3A_488 : i32 to vector<16xi32>
    %and3A_490 = arith.andi %get3A_481, %and3A_489 : vector<16xi32>
    %add3A_491 = arith.addi %mul3A_487, %and3A_490 : vector<16xi32>
    %swap3A_492 = arith.constant 240 : index
    %swap3A_493 = tpu.vector_load %arg12[%swap3A_492] {strides = array<i32>} : memref<512xi32, #tpu.memory_space<vmem>>, vector<16xi32>,
    tpu.vector_store %arg12[%swap3A_492], %add3A_491 {strides = array<i32>} : memref<512xi32, #tpu.memory_space<vmem>>, vector<16xi32>,
    %get3A_494 = arith.constant 256 : index
    %get3A_495 = tpu.vector_load %arg9[%get3A_494] {strides = array<i32>} : memref<512xi32, #tpu.memory_space<vmem>>, vector<16xi32>,
    %shift_right_arithmetic3A_496 = arith.constant 7 : i32
    %shift_right_arithmetic3A_497 = vector.broadcast %shift_right_arithmetic3A_496 : i32 to vector<16xi32>
    %shift_right_arithmetic3A_498 = arith.shrsi %get3A_495, %shift_right_arithmetic3A_497 : vector<16xi32>
    %mul3A_499 = arith.constant 512 : i32
    %mul3A_500 = vector.broadcast %mul3A_499 : i32 to vector<16xi32>
    %mul3A_501 = arith.muli %shift_right_arithmetic3A_498, %mul3A_500 : vector<16xi32>
    %and3A_502 = arith.constant 127 : i32
    %and3A_503 = vector.broadcast %and3A_502 : i32 to vector<16xi32>
    %and3A_504 = arith.andi %get3A_495, %and3A_503 : vector<16xi32>
    %add3A_505 = arith.addi %mul3A_501, %and3A_504 : vector<16xi32>
    %swap3A_506 = arith.constant 256 : index
    %swap3A_507 = tpu.vector_load %arg11[%swap3A_506] {strides = array<i32>} : memref<512xi32, #tpu.memory_space<vmem>>, vector<16xi32>,
    tpu.vector_store %arg11[%swap3A_506], %add3A_505 {strides = array<i32>} : memref<512xi32, #tpu.memory_space<vmem>>, vector<16xi32>,
    %get3A_508 = arith.constant 256 : index
    %get3A_509 = tpu.vector_load %arg10[%get3A_508] {strides = array<i32>} : memref<512xi32, #tpu.memory_space<vmem>>, vector<16xi32>,
    %shift_right_arithmetic3A_510 = arith.constant 7 : i32
    %shift_right_arithmetic3A_511 = vector.broadcast %shift_right_arithmetic3A_510 : i32 to vector<16xi32>
    %shift_right_arithmetic3A_512 = arith.shrsi %get3A_509, %shift_right_arithmetic3A_511 : vector<16xi32>
    %mul3A_513 = arith.constant 512 : i32
    %mul3A_514 = vector.broadcast %mul3A_513 : i32 to vector<16xi32>
    %mul3A_515 = arith.muli %shift_right_arithmetic3A_512, %mul3A_514 : vector<16xi32>
    %and3A_516 = arith.constant 127 : i32
    %and3A_517 = vector.broadcast %and3A_516 : i32 to vector<16xi32>
    %and3A_518 = arith.andi %get3A_509, %and3A_517 : vector<16xi32>
    %add3A_519 = arith.addi %mul3A_515, %and3A_518 : vector<16xi32>
    %swap3A_520 = arith.constant 256 : index
    %swap3A_521 = tpu.vector_load %arg12[%swap3A_520] {strides = array<i32>} : memref<512xi32, #tpu.memory_space<vmem>>, vector<16xi32>,
    tpu.vector_store %arg12[%swap3A_520], %add3A_519 {strides = array<i32>} : memref<512xi32, #tpu.memory_space<vmem>>, vector<16xi32>,
    %get3A_522 = arith.constant 272 : index
    %get3A_523 = tpu.vector_load %arg9[%get3A_522] {strides = array<i32>} : memref<512xi32, #tpu.memory_space<vmem>>, vector<16xi32>,
    %shift_right_arithmetic3A_524 = arith.constant 7 : i32
    %shift_right_arithmetic3A_525 = vector.broadcast %shift_right_arithmetic3A_524 : i32 to vector<16xi32>
    %shift_right_arithmetic3A_526 = arith.shrsi %get3A_523, %shift_right_arithmetic3A_525 : vector<16xi32>
    %mul3A_527 = arith.constant 512 : i32
    %mul3A_528 = vector.broadcast %mul3A_527 : i32 to vector<16xi32>
    %mul3A_529 = arith.muli %shift_right_arithmetic3A_526, %mul3A_528 : vector<16xi32>
    %and3A_530 = arith.constant 127 : i32
    %and3A_531 = vector.broadcast %and3A_530 : i32 to vector<16xi32>
    %and3A_532 = arith.andi %get3A_523, %and3A_531 : vector<16xi32>
    %add3A_533 = arith.addi %mul3A_529, %and3A_532 : vector<16xi32>
    %swap3A_534 = arith.constant 272 : index
    %swap3A_535 = tpu.vector_load %arg11[%swap3A_534] {strides = array<i32>} : memref<512xi32, #tpu.memory_space<vmem>>, vector<16xi32>,
    tpu.vector_store %arg11[%swap3A_534], %add3A_533 {strides = array<i32>} : memref<512xi32, #tpu.memory_space<vmem>>, vector<16xi32>,
    %get3A_536 = arith.constant 272 : index
    %get3A_537 = tpu.vector_load %arg10[%get3A_536] {strides = array<i32>} : memref<512xi32, #tpu.memory_space<vmem>>, vector<16xi32>,
    %shift_right_arithmetic3A_538 = arith.constant 7 : i32
    %shift_right_arithmetic3A_539 = vector.broadcast %shift_right_arithmetic3A_538 : i32 to vector<16xi32>
    %shift_right_arithmetic3A_540 = arith.shrsi %get3A_537, %shift_right_arithmetic3A_539 : vector<16xi32>
    %mul3A_541 = arith.constant 512 : i32
    %mul3A_542 = vector.broadcast %mul3A_541 : i32 to vector<16xi32>
    %mul3A_543 = arith.muli %shift_right_arithmetic3A_540, %mul3A_542 : vector<16xi32>
    %and3A_544 = arith.constant 127 : i32
    %and3A_545 = vector.broadcast %and3A_544 : i32 to vector<16xi32>
    %and3A_546 = arith.andi %get3A_537, %and3A_545 : vector<16xi32>
    %add3A_547 = arith.addi %mul3A_543, %and3A_546 : vector<16xi32>
    %swap3A_548 = arith.constant 272 : index
    %swap3A_549 = tpu.vector_load %arg12[%swap3A_548] {strides = array<i32>} : memref<512xi32, #tpu.memory_space<vmem>>, vector<16xi32>,
    tpu.vector_store %arg12[%swap3A_548], %add3A_547 {strides = array<i32>} : memref<512xi32, #tpu.memory_space<vmem>>, vector<16xi32>,
    %get3A_550 = arith.constant 288 : index
    %get3A_551 = tpu.vector_load %arg9[%get3A_550] {strides = array<i32>} : memref<512xi32, #tpu.memory_space<vmem>>, vector<16xi32>,
    %shift_right_arithmetic3A_552 = arith.constant 7 : i32
    %shift_right_arithmetic3A_553 = vector.broadcast %shift_right_arithmetic3A_552 : i32 to vector<16xi32>
    %shift_right_arithmetic3A_554 = arith.shrsi %get3A_551, %shift_right_arithmetic3A_553 : vector<16xi32>
    %mul3A_555 = arith.constant 512 : i32
    %mul3A_556 = vector.broadcast %mul3A_555 : i32 to vector<16xi32>
    %mul3A_557 = arith.muli %shift_right_arithmetic3A_554, %mul3A_556 : vector<16xi32>
    %and3A_558 = arith.constant 127 : i32
    %and3A_559 = vector.broadcast %and3A_558 : i32 to vector<16xi32>
    %and3A_560 = arith.andi %get3A_551, %and3A_559 : vector<16xi32>
    %add3A_561 = arith.addi %mul3A_557, %and3A_560 : vector<16xi32>
    %swap3A_562 = arith.constant 288 : index
    %swap3A_563 = tpu.vector_load %arg11[%swap3A_562] {strides = array<i32>} : memref<512xi32, #tpu.memory_space<vmem>>, vector<16xi32>,
    tpu.vector_store %arg11[%swap3A_562], %add3A_561 {strides = array<i32>} : memref<512xi32, #tpu.memory_space<vmem>>, vector<16xi32>,
    %get3A_564 = arith.constant 288 : index
    %get3A_565 = tpu.vector_load %arg10[%get3A_564] {strides = array<i32>} : memref<512xi32, #tpu.memory_space<vmem>>, vector<16xi32>,
    %shift_right_arithmetic3A_566 = arith.constant 7 : i32
    %shift_right_arithmetic3A_567 = vector.broadcast %shift_right_arithmetic3A_566 : i32 to vector<16xi32>
    %shift_right_arithmetic3A_568 = arith.shrsi %get3A_565, %shift_right_arithmetic3A_567 : vector<16xi32>
    %mul3A_569 = arith.constant 512 : i32
    %mul3A_570 = vector.broadcast %mul3A_569 : i32 to vector<16xi32>
    %mul3A_571 = arith.muli %shift_right_arithmetic3A_568, %mul3A_570 : vector<16xi32>
    %and3A_572 = arith.constant 127 : i32
    %and3A_573 = vector.broadcast %and3A_572 : i32 to vector<16xi32>
    %and3A_574 = arith.andi %get3A_565, %and3A_573 : vector<16xi32>
    %add3A_575 = arith.addi %mul3A_571, %and3A_574 : vector<16xi32>
    %swap3A_576 = arith.constant 288 : index
    %swap3A_577 = tpu.vector_load %arg12[%swap3A_576] {strides = array<i32>} : memref<512xi32, #tpu.memory_space<vmem>>, vector<16xi32>,
    tpu.vector_store %arg12[%swap3A_576], %add3A_575 {strides = array<i32>} : memref<512xi32, #tpu.memory_space<vmem>>, vector<16xi32>,
    %get3A_578 = arith.constant 304 : index
    %get3A_579 = tpu.vector_load %arg9[%get3A_578] {strides = array<i32>} : memref<512xi32, #tpu.memory_space<vmem>>, vector<16xi32>,
    %shift_right_arithmetic3A_580 = arith.constant 7 : i32
    %shift_right_arithmetic3A_581 = vector.broadcast %shift_right_arithmetic3A_580 : i32 to vector<16xi32>
    %shift_right_arithmetic3A_582 = arith.shrsi %get3A_579, %shift_right_arithmetic3A_581 : vector<16xi32>
    %mul3A_583 = arith.constant 512 : i32
    %mul3A_584 = vector.broadcast %mul3A_583 : i32 to vector<16xi32>
    %mul3A_585 = arith.muli %shift_right_arithmetic3A_582, %mul3A_584 : vector<16xi32>
    %and3A_586 = arith.constant 127 : i32
    %and3A_587 = vector.broadcast %and3A_586 : i32 to vector<16xi32>
    %and3A_588 = arith.andi %get3A_579, %and3A_587 : vector<16xi32>
    %add3A_589 = arith.addi %mul3A_585, %and3A_588 : vector<16xi32>
    %swap3A_590 = arith.constant 304 : index
    %swap3A_591 = tpu.vector_load %arg11[%swap3A_590] {strides = array<i32>} : memref<512xi32, #tpu.memory_space<vmem>>, vector<16xi32>,
    tpu.vector_store %arg11[%swap3A_590], %add3A_589 {strides = array<i32>} : memref<512xi32, #tpu.memory_space<vmem>>, vector<16xi32>,
    %get3A_592 = arith.constant 304 : index
    %get3A_593 = tpu.vector_load %arg10[%get3A_592] {strides = array<i32>} : memref<512xi32, #tpu.memory_space<vmem>>, vector<16xi32>,
    %shift_right_arithmetic3A_594 = arith.constant 7 : i32
    %shift_right_arithmetic3A_595 = vector.broadcast %shift_right_arithmetic3A_594 : i32 to vector<16xi32>
    %shift_right_arithmetic3A_596 = arith.shrsi %get3A_593, %shift_right_arithmetic3A_595 : vector<16xi32>
    %mul3A_597 = arith.constant 512 : i32
    %mul3A_598 = vector.broadcast %mul3A_597 : i32 to vector<16xi32>
    %mul3A_599 = arith.muli %shift_right_arithmetic3A_596, %mul3A_598 : vector<16xi32>
    %and3A_600 = arith.constant 127 : i32
    %and3A_601 = vector.broadcast %and3A_600 : i32 to vector<16xi32>
    %and3A_602 = arith.andi %get3A_593, %and3A_601 : vector<16xi32>
    %add3A_603 = arith.addi %mul3A_599, %and3A_602 : vector<16xi32>
    %swap3A_604 = arith.constant 304 : index
    %swap3A_605 = tpu.vector_load %arg12[%swap3A_604] {strides = array<i32>} : memref<512xi32, #tpu.memory_space<vmem>>, vector<16xi32>,
    tpu.vector_store %arg12[%swap3A_604], %add3A_603 {strides = array<i32>} : memref<512xi32, #tpu.memory_space<vmem>>, vector<16xi32>,
    %get3A_606 = arith.constant 320 : index
    %get3A_607 = tpu.vector_load %arg9[%get3A_606] {strides = array<i32>} : memref<512xi32, #tpu.memory_space<vmem>>, vector<16xi32>,
    %shift_right_arithmetic3A_608 = arith.constant 7 : i32
    %shift_right_arithmetic3A_609 = vector.broadcast %shift_right_arithmetic3A_608 : i32 to vector<16xi32>
    %shift_right_arithmetic3A_610 = arith.shrsi %get3A_607, %shift_right_arithmetic3A_609 : vector<16xi32>
    %mul3A_611 = arith.constant 512 : i32
    %mul3A_612 = vector.broadcast %mul3A_611 : i32 to vector<16xi32>
    %mul3A_613 = arith.muli %shift_right_arithmetic3A_610, %mul3A_612 : vector<16xi32>
    %and3A_614 = arith.constant 127 : i32
    %and3A_615 = vector.broadcast %and3A_614 : i32 to vector<16xi32>
    %and3A_616 = arith.andi %get3A_607, %and3A_615 : vector<16xi32>
    %add3A_617 = arith.addi %mul3A_613, %and3A_616 : vector<16xi32>
    %swap3A_618 = arith.constant 320 : index
    %swap3A_619 = tpu.vector_load %arg11[%swap3A_618] {strides = array<i32>} : memref<512xi32, #tpu.memory_space<vmem>>, vector<16xi32>,
    tpu.vector_store %arg11[%swap3A_618], %add3A_617 {strides = array<i32>} : memref<512xi32, #tpu.memory_space<vmem>>, vector<16xi32>,
    %get3A_620 = arith.constant 320 : index
    %get3A_621 = tpu.vector_load %arg10[%get3A_620] {strides = array<i32>} : memref<512xi32, #tpu.memory_space<vmem>>, vector<16xi32>,
    %shift_right_arithmetic3A_622 = arith.constant 7 : i32
    %shift_right_arithmetic3A_623 = vector.broadcast %shift_right_arithmetic3A_622 : i32 to vector<16xi32>
    %shift_right_arithmetic3A_624 = arith.shrsi %get3A_621, %shift_right_arithmetic3A_623 : vector<16xi32>
    %mul3A_625 = arith.constant 512 : i32
    %mul3A_626 = vector.broadcast %mul3A_625 : i32 to vector<16xi32>
    %mul3A_627 = arith.muli %shift_right_arithmetic3A_624, %mul3A_626 : vector<16xi32>
    %and3A_628 = arith.constant 127 : i32
    %and3A_629 = vector.broadcast %and3A_628 : i32 to vector<16xi32>
    %and3A_630 = arith.andi %get3A_621, %and3A_629 : vector<16xi32>
    %add3A_631 = arith.addi %mul3A_627, %and3A_630 : vector<16xi32>
    %swap3A_632 = arith.constant 320 : index
    %swap3A_633 = tpu.vector_load %arg12[%swap3A_632] {strides = array<i32>} : memref<512xi32, #tpu.memory_space<vmem>>, vector<16xi32>,
    tpu.vector_store %arg12[%swap3A_632], %add3A_631 {strides = array<i32>} : memref<512xi32, #tpu.memory_space<vmem>>, vector<16xi32>,
    %get3A_634 = arith.constant 336 : index
    %get3A_635 = tpu.vector_load %arg9[%get3A_634] {strides = array<i32>} : memref<512xi32, #tpu.memory_space<vmem>>, vector<16xi32>,
    %shift_right_arithmetic3A_636 = arith.constant 7 : i32
    %shift_right_arithmetic3A_637 = vector.broadcast %shift_right_arithmetic3A_636 : i32 to vector<16xi32>
    %shift_right_arithmetic3A_638 = arith.shrsi %get3A_635, %shift_right_arithmetic3A_637 : vector<16xi32>
    %mul3A_639 = arith.constant 512 : i32
    %mul3A_640 = vector.broadcast %mul3A_639 : i32 to vector<16xi32>
    %mul3A_641 = arith.muli %shift_right_arithmetic3A_638, %mul3A_640 : vector<16xi32>
    %and3A_642 = arith.constant 127 : i32
    %and3A_643 = vector.broadcast %and3A_642 : i32 to vector<16xi32>
    %and3A_644 = arith.andi %get3A_635, %and3A_643 : vector<16xi32>
    %add3A_645 = arith.addi %mul3A_641, %and3A_644 : vector<16xi32>
    %swap3A_646 = arith.constant 336 : index
    %swap3A_647 = tpu.vector_load %arg11[%swap3A_646] {strides = array<i32>} : memref<512xi32, #tpu.memory_space<vmem>>, vector<16xi32>,
    tpu.vector_store %arg11[%swap3A_646], %add3A_645 {strides = array<i32>} : memref<512xi32, #tpu.memory_space<vmem>>, vector<16xi32>,
    %get3A_648 = arith.constant 336 : index
    %get3A_649 = tpu.vector_load %arg10[%get3A_648] {strides = array<i32>} : memref<512xi32, #tpu.memory_space<vmem>>, vector<16xi32>,
    %shift_right_arithmetic3A_650 = arith.constant 7 : i32
    %shift_right_arithmetic3A_651 = vector.broadcast %shift_right_arithmetic3A_650 : i32 to vector<16xi32>
    %shift_right_arithmetic3A_652 = arith.shrsi %get3A_649, %shift_right_arithmetic3A_651 : vector<16xi32>
    %mul3A_653 = arith.constant 512 : i32
    %mul3A_654 = vector.broadcast %mul3A_653 : i32 to vector<16xi32>
    %mul3A_655 = arith.muli %shift_right_arithmetic3A_652, %mul3A_654 : vector<16xi32>
    %and3A_656 = arith.constant 127 : i32
    %and3A_657 = vector.broadcast %and3A_656 : i32 to vector<16xi32>
    %and3A_658 = arith.andi %get3A_649, %and3A_657 : vector<16xi32>
    %add3A_659 = arith.addi %mul3A_655, %and3A_658 : vector<16xi32>
    %swap3A_660 = arith.constant 336 : index
    %swap3A_661 = tpu.vector_load %arg12[%swap3A_660] {strides = array<i32>} : memref<512xi32, #tpu.memory_space<vmem>>, vector<16xi32>,
    tpu.vector_store %arg12[%swap3A_660], %add3A_659 {strides = array<i32>} : memref<512xi32, #tpu.memory_space<vmem>>, vector<16xi32>,
    %get3A_662 = arith.constant 352 : index
    %get3A_663 = tpu.vector_load %arg9[%get3A_662] {strides = array<i32>} : memref<512xi32, #tpu.memory_space<vmem>>, vector<16xi32>,
    %shift_right_arithmetic3A_664 = arith.constant 7 : i32
    %shift_right_arithmetic3A_665 = vector.broadcast %shift_right_arithmetic3A_664 : i32 to vector<16xi32>
    %shift_right_arithmetic3A_666 = arith.shrsi %get3A_663, %shift_right_arithmetic3A_665 : vector<16xi32>
    %mul3A_667 = arith.constant 512 : i32
    %mul3A_668 = vector.broadcast %mul3A_667 : i32 to vector<16xi32>
    %mul3A_669 = arith.muli %shift_right_arithmetic3A_666, %mul3A_668 : vector<16xi32>
    %and3A_670 = arith.constant 127 : i32
    %and3A_671 = vector.broadcast %and3A_670 : i32 to vector<16xi32>
    %and3A_672 = arith.andi %get3A_663, %and3A_671 : vector<16xi32>
    %add3A_673 = arith.addi %mul3A_669, %and3A_672 : vector<16xi32>
    %swap3A_674 = arith.constant 352 : index
    %swap3A_675 = tpu.vector_load %arg11[%swap3A_674] {strides = array<i32>} : memref<512xi32, #tpu.memory_space<vmem>>, vector<16xi32>,
    tpu.vector_store %arg11[%swap3A_674], %add3A_673 {strides = array<i32>} : memref<512xi32, #tpu.memory_space<vmem>>, vector<16xi32>,
    %get3A_676 = arith.constant 352 : index
    %get3A_677 = tpu.vector_load %arg10[%get3A_676] {strides = array<i32>} : memref<512xi32, #tpu.memory_space<vmem>>, vector<16xi32>,
    %shift_right_arithmetic3A_678 = arith.constant 7 : i32
    %shift_right_arithmetic3A_679 = vector.broadcast %shift_right_arithmetic3A_678 : i32 to vector<16xi32>
    %shift_right_arithmetic3A_680 = arith.shrsi %get3A_677, %shift_right_arithmetic3A_679 : vector<16xi32>
    %mul3A_681 = arith.constant 512 : i32
    %mul3A_682 = vector.broadcast %mul3A_681 : i32 to vector<16xi32>
    %mul3A_683 = arith.muli %shift_right_arithmetic3A_680, %mul3A_682 : vector<16xi32>
    %and3A_684 = arith.constant 127 : i32
    %and3A_685 = vector.broadcast %and3A_684 : i32 to vector<16xi32>
    %and3A_686 = arith.andi %get3A_677, %and3A_685 : vector<16xi32>
    %add3A_687 = arith.addi %mul3A_683, %and3A_686 : vector<16xi32>
    %swap3A_688 = arith.constant 352 : index
    %swap3A_689 = tpu.vector_load %arg12[%swap3A_688] {strides = array<i32>} : memref<512xi32, #tpu.memory_space<vmem>>, vector<16xi32>,
    tpu.vector_store %arg12[%swap3A_688], %add3A_687 {strides = array<i32>} : memref<512xi32, #tpu.memory_space<vmem>>, vector<16xi32>,
    %get3A_690 = arith.constant 368 : index
    %get3A_691 = tpu.vector_load %arg9[%get3A_690] {strides = array<i32>} : memref<512xi32, #tpu.memory_space<vmem>>, vector<16xi32>,
    %shift_right_arithmetic3A_692 = arith.constant 7 : i32
    %shift_right_arithmetic3A_693 = vector.broadcast %shift_right_arithmetic3A_692 : i32 to vector<16xi32>
    %shift_right_arithmetic3A_694 = arith.shrsi %get3A_691, %shift_right_arithmetic3A_693 : vector<16xi32>
    %mul3A_695 = arith.constant 512 : i32
    %mul3A_696 = vector.broadcast %mul3A_695 : i32 to vector<16xi32>
    %mul3A_697 = arith.muli %shift_right_arithmetic3A_694, %mul3A_696 : vector<16xi32>
    %and3A_698 = arith.constant 127 : i32
    %and3A_699 = vector.broadcast %and3A_698 : i32 to vector<16xi32>
    %and3A_700 = arith.andi %get3A_691, %and3A_699 : vector<16xi32>
    %add3A_701 = arith.addi %mul3A_697, %and3A_700 : vector<16xi32>
    %swap3A_702 = arith.constant 368 : index
    %swap3A_703 = tpu.vector_load %arg11[%swap3A_702] {strides = array<i32>} : memref<512xi32, #tpu.memory_space<vmem>>, vector<16xi32>,
    tpu.vector_store %arg11[%swap3A_702], %add3A_701 {strides = array<i32>} : memref<512xi32, #tpu.memory_space<vmem>>, vector<16xi32>,
    %get3A_704 = arith.constant 368 : index
    %get3A_705 = tpu.vector_load %arg10[%get3A_704] {strides = array<i32>} : memref<512xi32, #tpu.memory_space<vmem>>, vector<16xi32>,
    %shift_right_arithmetic3A_706 = arith.constant 7 : i32
    %shift_right_arithmetic3A_707 = vector.broadcast %shift_right_arithmetic3A_706 : i32 to vector<16xi32>
    %shift_right_arithmetic3A_708 = arith.shrsi %get3A_705, %shift_right_arithmetic3A_707 : vector<16xi32>
    %mul3A_709 = arith.constant 512 : i32
    %mul3A_710 = vector.broadcast %mul3A_709 : i32 to vector<16xi32>
    %mul3A_711 = arith.muli %shift_right_arithmetic3A_708, %mul3A_710 : vector<16xi32>
    %and3A_712 = arith.constant 127 : i32
    %and3A_713 = vector.broadcast %and3A_712 : i32 to vector<16xi32>
    %and3A_714 = arith.andi %get3A_705, %and3A_713 : vector<16xi32>
    %add3A_715 = arith.addi %mul3A_711, %and3A_714 : vector<16xi32>
    %swap3A_716 = arith.constant 368 : index
    %swap3A_717 = tpu.vector_load %arg12[%swap3A_716] {strides = array<i32>} : memref<512xi32, #tpu.memory_space<vmem>>, vector<16xi32>,
    tpu.vector_store %arg12[%swap3A_716], %add3A_715 {strides = array<i32>} : memref<512xi32, #tpu.memory_space<vmem>>, vector<16xi32>,
    %get3A_718 = arith.constant 384 : index
    %get3A_719 = tpu.vector_load %arg9[%get3A_718] {strides = array<i32>} : memref<512xi32, #tpu.memory_space<vmem>>, vector<16xi32>,
    %shift_right_arithmetic3A_720 = arith.constant 7 : i32
    %shift_right_arithmetic3A_721 = vector.broadcast %shift_right_arithmetic3A_720 : i32 to vector<16xi32>
    %shift_right_arithmetic3A_722 = arith.shrsi %get3A_719, %shift_right_arithmetic3A_721 : vector<16xi32>
    %mul3A_723 = arith.constant 512 : i32
    %mul3A_724 = vector.broadcast %mul3A_723 : i32 to vector<16xi32>
    %mul3A_725 = arith.muli %shift_right_arithmetic3A_722, %mul3A_724 : vector<16xi32>
    %and3A_726 = arith.constant 127 : i32
    %and3A_727 = vector.broadcast %and3A_726 : i32 to vector<16xi32>
    %and3A_728 = arith.andi %get3A_719, %and3A_727 : vector<16xi32>
    %add3A_729 = arith.addi %mul3A_725, %and3A_728 : vector<16xi32>
    %swap3A_730 = arith.constant 384 : index
    %swap3A_731 = tpu.vector_load %arg11[%swap3A_730] {strides = array<i32>} : memref<512xi32, #tpu.memory_space<vmem>>, vector<16xi32>,
    tpu.vector_store %arg11[%swap3A_730], %add3A_729 {strides = array<i32>} : memref<512xi32, #tpu.memory_space<vmem>>, vector<16xi32>,
    %get3A_732 = arith.constant 384 : index
    %get3A_733 = tpu.vector_load %arg10[%get3A_732] {strides = array<i32>} : memref<512xi32, #tpu.memory_space<vmem>>, vector<16xi32>,
    %shift_right_arithmetic3A_734 = arith.constant 7 : i32
    %shift_right_arithmetic3A_735 = vector.broadcast %shift_right_arithmetic3A_734 : i32 to vector<16xi32>
    %shift_right_arithmetic3A_736 = arith.shrsi %get3A_733, %shift_right_arithmetic3A_735 : vector<16xi32>
    %mul3A_737 = arith.constant 512 : i32
    %mul3A_738 = vector.broadcast %mul3A_737 : i32 to vector<16xi32>
    %mul3A_739 = arith.muli %shift_right_arithmetic3A_736, %mul3A_738 : vector<16xi32>
    %and3A_740 = arith.constant 127 : i32
    %and3A_741 = vector.broadcast %and3A_740 : i32 to vector<16xi32>
    %and3A_742 = arith.andi %get3A_733, %and3A_741 : vector<16xi32>
    %add3A_743 = arith.addi %mul3A_739, %and3A_742 : vector<16xi32>
    %swap3A_744 = arith.constant 384 : index
    %swap3A_745 = tpu.vector_load %arg12[%swap3A_744] {strides = array<i32>} : memref<512xi32, #tpu.memory_space<vmem>>, vector<16xi32>,
    tpu.vector_store %arg12[%swap3A_744], %add3A_743 {strides = array<i32>} : memref<512xi32, #tpu.memory_space<vmem>>, vector<16xi32>,
    %get3A_746 = arith.constant 400 : index
    %get3A_747 = tpu.vector_load %arg9[%get3A_746] {strides = array<i32>} : memref<512xi32, #tpu.memory_space<vmem>>, vector<16xi32>,
    %shift_right_arithmetic3A_748 = arith.constant 7 : i32
    %shift_right_arithmetic3A_749 = vector.broadcast %shift_right_arithmetic3A_748 : i32 to vector<16xi32>
    %shift_right_arithmetic3A_750 = arith.shrsi %get3A_747, %shift_right_arithmetic3A_749 : vector<16xi32>
    %mul3A_751 = arith.constant 512 : i32
    %mul3A_752 = vector.broadcast %mul3A_751 : i32 to vector<16xi32>
    %mul3A_753 = arith.muli %shift_right_arithmetic3A_750, %mul3A_752 : vector<16xi32>
    %and3A_754 = arith.constant 127 : i32
    %and3A_755 = vector.broadcast %and3A_754 : i32 to vector<16xi32>
    %and3A_756 = arith.andi %get3A_747, %and3A_755 : vector<16xi32>
    %add3A_757 = arith.addi %mul3A_753, %and3A_756 : vector<16xi32>
    %swap3A_758 = arith.constant 400 : index
    %swap3A_759 = tpu.vector_load %arg11[%swap3A_758] {strides = array<i32>} : memref<512xi32, #tpu.memory_space<vmem>>, vector<16xi32>,
    tpu.vector_store %arg11[%swap3A_758], %add3A_757 {strides = array<i32>} : memref<512xi32, #tpu.memory_space<vmem>>, vector<16xi32>,
    %get3A_760 = arith.constant 400 : index
    %get3A_761 = tpu.vector_load %arg10[%get3A_760] {strides = array<i32>} : memref<512xi32, #tpu.memory_space<vmem>>, vector<16xi32>,
    %shift_right_arithmetic3A_762 = arith.constant 7 : i32
    %shift_right_arithmetic3A_763 = vector.broadcast %shift_right_arithmetic3A_762 : i32 to vector<16xi32>
    %shift_right_arithmetic3A_764 = arith.shrsi %get3A_761, %shift_right_arithmetic3A_763 : vector<16xi32>
    %mul3A_765 = arith.constant 512 : i32
    %mul3A_766 = vector.broadcast %mul3A_765 : i32 to vector<16xi32>
    %mul3A_767 = arith.muli %shift_right_arithmetic3A_764, %mul3A_766 : vector<16xi32>
    %and3A_768 = arith.constant 127 : i32
    %and3A_769 = vector.broadcast %and3A_768 : i32 to vector<16xi32>
    %and3A_770 = arith.andi %get3A_761, %and3A_769 : vector<16xi32>
    %add3A_771 = arith.addi %mul3A_767, %and3A_770 : vector<16xi32>
    %swap3A_772 = arith.constant 400 : index
    %swap3A_773 = tpu.vector_load %arg12[%swap3A_772] {strides = array<i32>} : memref<512xi32, #tpu.memory_space<vmem>>, vector<16xi32>,
    tpu.vector_store %arg12[%swap3A_772], %add3A_771 {strides = array<i32>} : memref<512xi32, #tpu.memory_space<vmem>>, vector<16xi32>,
    %get3A_774 = arith.constant 416 : index
    %get3A_775 = tpu.vector_load %arg9[%get3A_774] {strides = array<i32>} : memref<512xi32, #tpu.memory_space<vmem>>, vector<16xi32>,
    %shift_right_arithmetic3A_776 = arith.constant 7 : i32
    %shift_right_arithmetic3A_777 = vector.broadcast %shift_right_arithmetic3A_776 : i32 to vector<16xi32>
    %shift_right_arithmetic3A_778 = arith.shrsi %get3A_775, %shift_right_arithmetic3A_777 : vector<16xi32>
    %mul3A_779 = arith.constant 512 : i32
    %mul3A_780 = vector.broadcast %mul3A_779 : i32 to vector<16xi32>
    %mul3A_781 = arith.muli %shift_right_arithmetic3A_778, %mul3A_780 : vector<16xi32>
    %and3A_782 = arith.constant 127 : i32
    %and3A_783 = vector.broadcast %and3A_782 : i32 to vector<16xi32>
    %and3A_784 = arith.andi %get3A_775, %and3A_783 : vector<16xi32>
    %add3A_785 = arith.addi %mul3A_781, %and3A_784 : vector<16xi32>
    %swap3A_786 = arith.constant 416 : index
    %swap3A_787 = tpu.vector_load %arg11[%swap3A_786] {strides = array<i32>} : memref<512xi32, #tpu.memory_space<vmem>>, vector<16xi32>,
    tpu.vector_store %arg11[%swap3A_786], %add3A_785 {strides = array<i32>} : memref<512xi32, #tpu.memory_space<vmem>>, vector<16xi32>,
    %get3A_788 = arith.constant 416 : index
    %get3A_789 = tpu.vector_load %arg10[%get3A_788] {strides = array<i32>} : memref<512xi32, #tpu.memory_space<vmem>>, vector<16xi32>,
    %shift_right_arithmetic3A_790 = arith.constant 7 : i32
    %shift_right_arithmetic3A_791 = vector.broadcast %shift_right_arithmetic3A_790 : i32 to vector<16xi32>
    %shift_right_arithmetic3A_792 = arith.shrsi %get3A_789, %shift_right_arithmetic3A_791 : vector<16xi32>
    %mul3A_793 = arith.constant 512 : i32
    %mul3A_794 = vector.broadcast %mul3A_793 : i32 to vector<16xi32>
    %mul3A_795 = arith.muli %shift_right_arithmetic3A_792, %mul3A_794 : vector<16xi32>
    %and3A_796 = arith.constant 127 : i32
    %and3A_797 = vector.broadcast %and3A_796 : i32 to vector<16xi32>
    %and3A_798 = arith.andi %get3A_789, %and3A_797 : vector<16xi32>
    %add3A_799 = arith.addi %mul3A_795, %and3A_798 : vector<16xi32>
    %swap3A_800 = arith.constant 416 : index
    %swap3A_801 = tpu.vector_load %arg12[%swap3A_800] {strides = array<i32>} : memref<512xi32, #tpu.memory_space<vmem>>, vector<16xi32>,
    tpu.vector_store %arg12[%swap3A_800], %add3A_799 {strides = array<i32>} : memref<512xi32, #tpu.memory_space<vmem>>, vector<16xi32>,
    %get3A_802 = arith.constant 432 : index
    %get3A_803 = tpu.vector_load %arg9[%get3A_802] {strides = array<i32>} : memref<512xi32, #tpu.memory_space<vmem>>, vector<16xi32>,
    %shift_right_arithmetic3A_804 = arith.constant 7 : i32
    %shift_right_arithmetic3A_805 = vector.broadcast %shift_right_arithmetic3A_804 : i32 to vector<16xi32>
    %shift_right_arithmetic3A_806 = arith.shrsi %get3A_803, %shift_right_arithmetic3A_805 : vector<16xi32>
    %mul3A_807 = arith.constant 512 : i32
    %mul3A_808 = vector.broadcast %mul3A_807 : i32 to vector<16xi32>
    %mul3A_809 = arith.muli %shift_right_arithmetic3A_806, %mul3A_808 : vector<16xi32>
    %and3A_810 = arith.constant 127 : i32
    %and3A_811 = vector.broadcast %and3A_810 : i32 to vector<16xi32>
    %and3A_812 = arith.andi %get3A_803, %and3A_811 : vector<16xi32>
    %add3A_813 = arith.addi %mul3A_809, %and3A_812 : vector<16xi32>
    %swap3A_814 = arith.constant 432 : index
    %swap3A_815 = tpu.vector_load %arg11[%swap3A_814] {strides = array<i32>} : memref<512xi32, #tpu.memory_space<vmem>>, vector<16xi32>,
    tpu.vector_store %arg11[%swap3A_814], %add3A_813 {strides = array<i32>} : memref<512xi32, #tpu.memory_space<vmem>>, vector<16xi32>,
    %get3A_816 = arith.constant 432 : index
    %get3A_817 = tpu.vector_load %arg10[%get3A_816] {strides = array<i32>} : memref<512xi32, #tpu.memory_space<vmem>>, vector<16xi32>,
    %shift_right_arithmetic3A_818 = arith.constant 7 : i32
    %shift_right_arithmetic3A_819 = vector.broadcast %shift_right_arithmetic3A_818 : i32 to vector<16xi32>
    %shift_right_arithmetic3A_820 = arith.shrsi %get3A_817, %shift_right_arithmetic3A_819 : vector<16xi32>
    %mul3A_821 = arith.constant 512 : i32
    %mul3A_822 = vector.broadcast %mul3A_821 : i32 to vector<16xi32>
    %mul3A_823 = arith.muli %shift_right_arithmetic3A_820, %mul3A_822 : vector<16xi32>
    %and3A_824 = arith.constant 127 : i32
    %and3A_825 = vector.broadcast %and3A_824 : i32 to vector<16xi32>
    %and3A_826 = arith.andi %get3A_817, %and3A_825 : vector<16xi32>
    %add3A_827 = arith.addi %mul3A_823, %and3A_826 : vector<16xi32>
    %swap3A_828 = arith.constant 432 : index
    %swap3A_829 = tpu.vector_load %arg12[%swap3A_828] {strides = array<i32>} : memref<512xi32, #tpu.memory_space<vmem>>, vector<16xi32>,
    tpu.vector_store %arg12[%swap3A_828], %add3A_827 {strides = array<i32>} : memref<512xi32, #tpu.memory_space<vmem>>, vector<16xi32>,
    %get3A_830 = arith.constant 448 : index
    %get3A_831 = tpu.vector_load %arg9[%get3A_830] {strides = array<i32>} : memref<512xi32, #tpu.memory_space<vmem>>, vector<16xi32>,
    %shift_right_arithmetic3A_832 = arith.constant 7 : i32
    %shift_right_arithmetic3A_833 = vector.broadcast %shift_right_arithmetic3A_832 : i32 to vector<16xi32>
    %shift_right_arithmetic3A_834 = arith.shrsi %get3A_831, %shift_right_arithmetic3A_833 : vector<16xi32>
    %mul3A_835 = arith.constant 512 : i32
    %mul3A_836 = vector.broadcast %mul3A_835 : i32 to vector<16xi32>
    %mul3A_837 = arith.muli %shift_right_arithmetic3A_834, %mul3A_836 : vector<16xi32>
    %and3A_838 = arith.constant 127 : i32
    %and3A_839 = vector.broadcast %and3A_838 : i32 to vector<16xi32>
    %and3A_840 = arith.andi %get3A_831, %and3A_839 : vector<16xi32>
    %add3A_841 = arith.addi %mul3A_837, %and3A_840 : vector<16xi32>
    %swap3A_842 = arith.constant 448 : index
    %swap3A_843 = tpu.vector_load %arg11[%swap3A_842] {strides = array<i32>} : memref<512xi32, #tpu.memory_space<vmem>>, vector<16xi32>,
    tpu.vector_store %arg11[%swap3A_842], %add3A_841 {strides = array<i32>} : memref<512xi32, #tpu.memory_space<vmem>>, vector<16xi32>,
    %get3A_844 = arith.constant 448 : index
    %get3A_845 = tpu.vector_load %arg10[%get3A_844] {strides = array<i32>} : memref<512xi32, #tpu.memory_space<vmem>>, vector<16xi32>,
    %shift_right_arithmetic3A_846 = arith.constant 7 : i32
    %shift_right_arithmetic3A_847 = vector.broadcast %shift_right_arithmetic3A_846 : i32 to vector<16xi32>
    %shift_right_arithmetic3A_848 = arith.shrsi %get3A_845, %shift_right_arithmetic3A_847 : vector<16xi32>
    %mul3A_849 = arith.constant 512 : i32
    %mul3A_850 = vector.broadcast %mul3A_849 : i32 to vector<16xi32>
    %mul3A_851 = arith.muli %shift_right_arithmetic3A_848, %mul3A_850 : vector<16xi32>
    %and3A_852 = arith.constant 127 : i32
    %and3A_853 = vector.broadcast %and3A_852 : i32 to vector<16xi32>
    %and3A_854 = arith.andi %get3A_845, %and3A_853 : vector<16xi32>
    %add3A_855 = arith.addi %mul3A_851, %and3A_854 : vector<16xi32>
    %swap3A_856 = arith.constant 448 : index
    %swap3A_857 = tpu.vector_load %arg12[%swap3A_856] {strides = array<i32>} : memref<512xi32, #tpu.memory_space<vmem>>, vector<16xi32>,
    tpu.vector_store %arg12[%swap3A_856], %add3A_855 {strides = array<i32>} : memref<512xi32, #tpu.memory_space<vmem>>, vector<16xi32>,
    %get3A_858 = arith.constant 464 : index
    %get3A_859 = tpu.vector_load %arg9[%get3A_858] {strides = array<i32>} : memref<512xi32, #tpu.memory_space<vmem>>, vector<16xi32>,
    %shift_right_arithmetic3A_860 = arith.constant 7 : i32
    %shift_right_arithmetic3A_861 = vector.broadcast %shift_right_arithmetic3A_860 : i32 to vector<16xi32>
    %shift_right_arithmetic3A_862 = arith.shrsi %get3A_859, %shift_right_arithmetic3A_861 : vector<16xi32>
    %mul3A_863 = arith.constant 512 : i32
    %mul3A_864 = vector.broadcast %mul3A_863 : i32 to vector<16xi32>
    %mul3A_865 = arith.muli %shift_right_arithmetic3A_862, %mul3A_864 : vector<16xi32>
    %and3A_866 = arith.constant 127 : i32
    %and3A_867 = vector.broadcast %and3A_866 : i32 to vector<16xi32>
    %and3A_868 = arith.andi %get3A_859, %and3A_867 : vector<16xi32>
    %add3A_869 = arith.addi %mul3A_865, %and3A_868 : vector<16xi32>
    %swap3A_870 = arith.constant 464 : index
    %swap3A_871 = tpu.vector_load %arg11[%swap3A_870] {strides = array<i32>} : memref<512xi32, #tpu.memory_space<vmem>>, vector<16xi32>,
    tpu.vector_store %arg11[%swap3A_870], %add3A_869 {strides = array<i32>} : memref<512xi32, #tpu.memory_space<vmem>>, vector<16xi32>,
    %get3A_872 = arith.constant 464 : index
    %get3A_873 = tpu.vector_load %arg10[%get3A_872] {strides = array<i32>} : memref<512xi32, #tpu.memory_space<vmem>>, vector<16xi32>,
    %shift_right_arithmetic3A_874 = arith.constant 7 : i32
    %shift_right_arithmetic3A_875 = vector.broadcast %shift_right_arithmetic3A_874 : i32 to vector<16xi32>
    %shift_right_arithmetic3A_876 = arith.shrsi %get3A_873, %shift_right_arithmetic3A_875 : vector<16xi32>
    %mul3A_877 = arith.constant 512 : i32
    %mul3A_878 = vector.broadcast %mul3A_877 : i32 to vector<16xi32>
    %mul3A_879 = arith.muli %shift_right_arithmetic3A_876, %mul3A_878 : vector<16xi32>
    %and3A_880 = arith.constant 127 : i32
    %and3A_881 = vector.broadcast %and3A_880 : i32 to vector<16xi32>
    %and3A_882 = arith.andi %get3A_873, %and3A_881 : vector<16xi32>
    %add3A_883 = arith.addi %mul3A_879, %and3A_882 : vector<16xi32>
    %swap3A_884 = arith.constant 464 : index
    %swap3A_885 = tpu.vector_load %arg12[%swap3A_884] {strides = array<i32>} : memref<512xi32, #tpu.memory_space<vmem>>, vector<16xi32>,
    tpu.vector_store %arg12[%swap3A_884], %add3A_883 {strides = array<i32>} : memref<512xi32, #tpu.memory_space<vmem>>, vector<16xi32>,
    %get3A_886 = arith.constant 480 : index
    %get3A_887 = tpu.vector_load %arg9[%get3A_886] {strides = array<i32>} : memref<512xi32, #tpu.memory_space<vmem>>, vector<16xi32>,
    %shift_right_arithmetic3A_888 = arith.constant 7 : i32
    %shift_right_arithmetic3A_889 = vector.broadcast %shift_right_arithmetic3A_888 : i32 to vector<16xi32>
    %shift_right_arithmetic3A_890 = arith.shrsi %get3A_887, %shift_right_arithmetic3A_889 : vector<16xi32>
    %mul3A_891 = arith.constant 512 : i32
    %mul3A_892 = vector.broadcast %mul3A_891 : i32 to vector<16xi32>
    %mul3A_893 = arith.muli %shift_right_arithmetic3A_890, %mul3A_892 : vector<16xi32>
    %and3A_894 = arith.constant 127 : i32
    %and3A_895 = vector.broadcast %and3A_894 : i32 to vector<16xi32>
    %and3A_896 = arith.andi %get3A_887, %and3A_895 : vector<16xi32>
    %add3A_897 = arith.addi %mul3A_893, %and3A_896 : vector<16xi32>
    %swap3A_898 = arith.constant 480 : index
    %swap3A_899 = tpu.vector_load %arg11[%swap3A_898] {strides = array<i32>} : memref<512xi32, #tpu.memory_space<vmem>>, vector<16xi32>,
    tpu.vector_store %arg11[%swap3A_898], %add3A_897 {strides = array<i32>} : memref<512xi32, #tpu.memory_space<vmem>>, vector<16xi32>,
    %get3A_900 = arith.constant 480 : index
    %get3A_901 = tpu.vector_load %arg10[%get3A_900] {strides = array<i32>} : memref<512xi32, #tpu.memory_space<vmem>>, vector<16xi32>,
    %shift_right_arithmetic3A_902 = arith.constant 7 : i32
    %shift_right_arithmetic3A_903 = vector.broadcast %shift_right_arithmetic3A_902 : i32 to vector<16xi32>
    %shift_right_arithmetic3A_904 = arith.shrsi %get3A_901, %shift_right_arithmetic3A_903 : vector<16xi32>
    %mul3A_905 = arith.constant 512 : i32
    %mul3A_906 = vector.broadcast %mul3A_905 : i32 to vector<16xi32>
    %mul3A_907 = arith.muli %shift_right_arithmetic3A_904, %mul3A_906 : vector<16xi32>
    %and3A_908 = arith.constant 127 : i32
    %and3A_909 = vector.broadcast %and3A_908 : i32 to vector<16xi32>
    %and3A_910 = arith.andi %get3A_901, %and3A_909 : vector<16xi32>
    %add3A_911 = arith.addi %mul3A_907, %and3A_910 : vector<16xi32>
    %swap3A_912 = arith.constant 480 : index
    %swap3A_913 = tpu.vector_load %arg12[%swap3A_912] {strides = array<i32>} : memref<512xi32, #tpu.memory_space<vmem>>, vector<16xi32>,
    tpu.vector_store %arg12[%swap3A_912], %add3A_911 {strides = array<i32>} : memref<512xi32, #tpu.memory_space<vmem>>, vector<16xi32>,
    %get3A_914 = arith.constant 496 : index
    %get3A_915 = tpu.vector_load %arg9[%get3A_914] {strides = array<i32>} : memref<512xi32, #tpu.memory_space<vmem>>, vector<16xi32>,
    %shift_right_arithmetic3A_916 = arith.constant 7 : i32
    %shift_right_arithmetic3A_917 = vector.broadcast %shift_right_arithmetic3A_916 : i32 to vector<16xi32>
    %shift_right_arithmetic3A_918 = arith.shrsi %get3A_915, %shift_right_arithmetic3A_917 : vector<16xi32>
    %mul3A_919 = arith.constant 512 : i32
    %mul3A_920 = vector.broadcast %mul3A_919 : i32 to vector<16xi32>
    %mul3A_921 = arith.muli %shift_right_arithmetic3A_918, %mul3A_920 : vector<16xi32>
    %and3A_922 = arith.constant 127 : i32
    %and3A_923 = vector.broadcast %and3A_922 : i32 to vector<16xi32>
    %and3A_924 = arith.andi %get3A_915, %and3A_923 : vector<16xi32>
    %add3A_925 = arith.addi %mul3A_921, %and3A_924 : vector<16xi32>
    %swap3A_926 = arith.constant 496 : index
    %swap3A_927 = tpu.vector_load %arg11[%swap3A_926] {strides = array<i32>} : memref<512xi32, #tpu.memory_space<vmem>>, vector<16xi32>,
    tpu.vector_store %arg11[%swap3A_926], %add3A_925 {strides = array<i32>} : memref<512xi32, #tpu.memory_space<vmem>>, vector<16xi32>,
    %get3A_928 = arith.constant 496 : index
    %get3A_929 = tpu.vector_load %arg10[%get3A_928] {strides = array<i32>} : memref<512xi32, #tpu.memory_space<vmem>>, vector<16xi32>,
    %shift_right_arithmetic3A_930 = arith.constant 7 : i32
    %shift_right_arithmetic3A_931 = vector.broadcast %shift_right_arithmetic3A_930 : i32 to vector<16xi32>
    %shift_right_arithmetic3A_932 = arith.shrsi %get3A_929, %shift_right_arithmetic3A_931 : vector<16xi32>
    %mul3A_933 = arith.constant 512 : i32
    %mul3A_934 = vector.broadcast %mul3A_933 : i32 to vector<16xi32>
    %mul3A_935 = arith.muli %shift_right_arithmetic3A_932, %mul3A_934 : vector<16xi32>
    %and3A_936 = arith.constant 127 : i32
    %and3A_937 = vector.broadcast %and3A_936 : i32 to vector<16xi32>
    %and3A_938 = arith.andi %get3A_929, %and3A_937 : vector<16xi32>
    %add3A_939 = arith.addi %mul3A_935, %and3A_938 : vector<16xi32>
    %swap3A_940 = arith.constant 496 : index
    %swap3A_941 = tpu.vector_load %arg12[%swap3A_940] {strides = array<i32>} : memref<512xi32, #tpu.memory_space<vmem>>, vector<16xi32>,
    tpu.vector_store %arg12[%swap3A_940], %add3A_939 {strides = array<i32>} : memref<512xi32, #tpu.memory_space<vmem>>, vector<16xi32>,
    %dma_wait3A = arith.constant 0 : i32
    %dma_wait3A_942 = tpu.memref_slice %arg6[%dma_wait3A] : memref<1000000xf32, #tpu.memory_space<hbm>> -> memref<512xf32, #tpu.memory_space<hbm>>
    %dma_wait3A_943 = arith.constant 0 : i32
    %dma_wait3A_944 = tpu.memref_slice %arg6[%dma_wait3A_943] : memref<1000000xf32, #tpu.memory_space<hbm>> -> memref<512xf32, #tpu.memory_space<hbm>>
    tpu.wait_dma2 semaphore(%arg20 : memref<!tpu.dma_semaphore, #tpu.memory_space<semaphore_mem>>) src(%dma_wait3A_944 : memref<512xf32, #tpu.memory_space<hbm>>) dst(%arg17 : memref<512xf32, #tpu.memory_space<vmem>>)
    %dma_wait3A_945 = arith.constant 0 : i32
    %dma_wait3A_946 = tpu.memref_slice %arg7[%dma_wait3A_945] : memref<1000000xf32, #tpu.memory_space<hbm>> -> memref<512xf32, #tpu.memory_space<hbm>>
    %dma_wait3A_947 = arith.constant 0 : i32
    %dma_wait3A_948 = tpu.memref_slice %arg7[%dma_wait3A_947] : memref<1000000xf32, #tpu.memory_space<hbm>> -> memref<512xf32, #tpu.memory_space<hbm>>
    tpu.wait_dma2 semaphore(%arg20 : memref<!tpu.dma_semaphore, #tpu.memory_space<semaphore_mem>>) src(%dma_wait3A_948 : memref<512xf32, #tpu.memory_space<hbm>>) dst(%arg18 : memref<512xf32, #tpu.memory_space<vmem>>)
    %get3A_949 = arith.constant 0 : index
    %get3A_950 = tpu.vector_load %arg11[%get3A_949] {strides = array<i32>} : memref<512xi32, #tpu.memory_space<vmem>>, vector<16xi32>,
    %get3A_951 = arith.constant 0 : index
    %get3A_952 = tpu.vector_load %arg12[%get3A_951] {strides = array<i32>} : memref<512xi32, #tpu.memory_space<vmem>>, vector<16xi32>,
    %scan3A = arith.constant 0 : i32
    %scan3A_953 = arith.constant 0 : i32
    %scan3A_954 = arith.constant 32 : i32
    %scan3A_955 = arith.addi %scan3A_953, %scan3A_954 : i32
    %scan3A_956 = arith.constant 1 : i32
    %scan3A_957 = scf.for %scan3A_1732 = %scan3A_953 to %scan3A_955 step %scan3A_956 iter_args(%scan3A_1733 = %scan3A) -> (i32)  : i32 {
      %shift_right_arithmetic3A_1734 = arith.constant 2 : i32
      %shift_right_arithmetic3A_1735 = arith.shrsi %scan3A_1732, %shift_right_arithmetic3A_1734 : i32
      %mul3A_1736 = arith.constant 4063232 : i32
      %mul3A_1737 = arith.muli %shift_right_arithmetic3A_1735, %mul3A_1736 : i32
      %and3A_1738 = arith.constant 3 : i32
      %and3A_1739 = arith.andi %scan3A_1732, %and3A_1738 : i32
      %mul3A_1740 = arith.constant 128 : i32
      %mul3A_1741 = arith.muli %and3A_1739, %mul3A_1740 : i32
      %add3A_1742 = arith.addi %mul3A_1737, %mul3A_1741 : i32
      %mul3A_1743 = arith.constant 16 : i32
      %mul3A_1744 = arith.muli %scan3A_1732, %mul3A_1743 : i32
      %add3A_1745 = arith.constant 0 : i32
      %add3A_1746 = arith.addi %add3A_1745, %mul3A_1744 : i32
      %add3A_1747 = vector.broadcast %add3A_1742 : i32 to vector<16xi32>
      %add3A_1748 = arith.addi %get3A_950, %add3A_1747 : vector<16xi32>
      %swap3A_1749 = arith.index_cast %add3A_1746 : i32 to index
      %swap3A_1750 = tpu.vector_load %arg13[%swap3A_1749] {strides = array<i32>} : memref<8192xi32, #tpu.memory_space<vmem>>, vector<16xi32>,
      tpu.vector_store %arg13[%swap3A_1749], %add3A_1748 {strides = array<i32>} : memref<8192xi32, #tpu.memory_space<vmem>>, vector<16xi32>,
      %add3A_1751 = vector.broadcast %add3A_1742 : i32 to vector<16xi32>
      %add3A_1752 = arith.addi %get3A_952, %add3A_1751 : vector<16xi32>
      %swap3A_1753 = arith.index_cast %add3A_1746 : i32 to index
      %swap3A_1754 = tpu.vector_load %arg14[%swap3A_1753] {strides = array<i32>} : memref<8192xi32, #tpu.memory_space<vmem>>, vector<16xi32>,
      tpu.vector_store %arg14[%swap3A_1753], %add3A_1752 {strides = array<i32>} : memref<8192xi32, #tpu.memory_space<vmem>>, vector<16xi32>,
      %scan3A_1755 = arith.constant 0 : i32
      scf.yield %scan3A_1755 : i32
    }
    %scan3A_958 = arith.constant 32 : i32
    %get3A_959 = arith.constant 16 : index
    %get3A_960 = tpu.vector_load %arg11[%get3A_959] {strides = array<i32>} : memref<512xi32, #tpu.memory_space<vmem>>, vector<16xi32>,
    %get3A_961 = arith.constant 16 : index
    %get3A_962 = tpu.vector_load %arg12[%get3A_961] {strides = array<i32>} : memref<512xi32, #tpu.memory_space<vmem>>, vector<16xi32>,
    %scan3A_963 = arith.constant 0 : i32
    %scan3A_964 = arith.constant 0 : i32
    %scan3A_965 = arith.constant 32 : i32
    %scan3A_966 = arith.addi %scan3A_964, %scan3A_965 : i32
    %scan3A_967 = arith.constant 1 : i32
    %scan3A_968 = scf.for %scan3A_1732 = %scan3A_964 to %scan3A_966 step %scan3A_967 iter_args(%scan3A_1733 = %scan3A_963) -> (i32)  : i32 {
      %shift_right_arithmetic3A_1734 = arith.constant 2 : i32
      %shift_right_arithmetic3A_1735 = arith.shrsi %scan3A_1732, %shift_right_arithmetic3A_1734 : i32
      %mul3A_1736 = arith.constant 4063232 : i32
      %mul3A_1737 = arith.muli %shift_right_arithmetic3A_1735, %mul3A_1736 : i32
      %and3A_1738 = arith.constant 3 : i32
      %and3A_1739 = arith.andi %scan3A_1732, %and3A_1738 : i32
      %mul3A_1740 = arith.constant 128 : i32
      %mul3A_1741 = arith.muli %and3A_1739, %mul3A_1740 : i32
      %add3A_1742 = arith.addi %mul3A_1737, %mul3A_1741 : i32
      %mul3A_1743 = arith.constant 16 : i32
      %mul3A_1744 = arith.muli %scan3A_1732, %mul3A_1743 : i32
      %add3A_1745 = arith.constant 512 : i32
      %add3A_1746 = arith.addi %add3A_1745, %mul3A_1744 : i32
      %add3A_1747 = vector.broadcast %add3A_1742 : i32 to vector<16xi32>
      %add3A_1748 = arith.addi %get3A_960, %add3A_1747 : vector<16xi32>
      %swap3A_1749 = arith.index_cast %add3A_1746 : i32 to index
      %swap3A_1750 = tpu.vector_load %arg13[%swap3A_1749] {strides = array<i32>} : memref<8192xi32, #tpu.memory_space<vmem>>, vector<16xi32>,
      tpu.vector_store %arg13[%swap3A_1749], %add3A_1748 {strides = array<i32>} : memref<8192xi32, #tpu.memory_space<vmem>>, vector<16xi32>,
      %add3A_1751 = vector.broadcast %add3A_1742 : i32 to vector<16xi32>
      %add3A_1752 = arith.addi %get3A_962, %add3A_1751 : vector<16xi32>
      %swap3A_1753 = arith.index_cast %add3A_1746 : i32 to index
      %swap3A_1754 = tpu.vector_load %arg14[%swap3A_1753] {strides = array<i32>} : memref<8192xi32, #tpu.memory_space<vmem>>, vector<16xi32>,
      tpu.vector_store %arg14[%swap3A_1753], %add3A_1752 {strides = array<i32>} : memref<8192xi32, #tpu.memory_space<vmem>>, vector<16xi32>,
      %scan3A_1755 = arith.constant 0 : i32
      scf.yield %scan3A_1755 : i32
    }
    %scan3A_969 = arith.constant 32 : i32
    %get3A_970 = arith.constant 32 : index
    %get3A_971 = tpu.vector_load %arg11[%get3A_970] {strides = array<i32>} : memref<512xi32, #tpu.memory_space<vmem>>, vector<16xi32>,
    %get3A_972 = arith.constant 32 : index
    %get3A_973 = tpu.vector_load %arg12[%get3A_972] {strides = array<i32>} : memref<512xi32, #tpu.memory_space<vmem>>, vector<16xi32>,
    %scan3A_974 = arith.constant 0 : i32
    %scan3A_975 = arith.constant 0 : i32
    %scan3A_976 = arith.constant 32 : i32
    %scan3A_977 = arith.addi %scan3A_975, %scan3A_976 : i32
    %scan3A_978 = arith.constant 1 : i32
    %scan3A_979 = scf.for %scan3A_1732 = %scan3A_975 to %scan3A_977 step %scan3A_978 iter_args(%scan3A_1733 = %scan3A_974) -> (i32)  : i32 {
      %shift_right_arithmetic3A_1734 = arith.constant 2 : i32
      %shift_right_arithmetic3A_1735 = arith.shrsi %scan3A_1732, %shift_right_arithmetic3A_1734 : i32
      %mul3A_1736 = arith.constant 4063232 : i32
      %mul3A_1737 = arith.muli %shift_right_arithmetic3A_1735, %mul3A_1736 : i32
      %and3A_1738 = arith.constant 3 : i32
      %and3A_1739 = arith.andi %scan3A_1732, %and3A_1738 : i32
      %mul3A_1740 = arith.constant 128 : i32
      %mul3A_1741 = arith.muli %and3A_1739, %mul3A_1740 : i32
      %add3A_1742 = arith.addi %mul3A_1737, %mul3A_1741 : i32
      %mul3A_1743 = arith.constant 16 : i32
      %mul3A_1744 = arith.muli %scan3A_1732, %mul3A_1743 : i32
      %add3A_1745 = arith.constant 1024 : i32
      %add3A_1746 = arith.addi %add3A_1745, %mul3A_1744 : i32
      %add3A_1747 = vector.broadcast %add3A_1742 : i32 to vector<16xi32>
      %add3A_1748 = arith.addi %get3A_971, %add3A_1747 : vector<16xi32>
      %swap3A_1749 = arith.index_cast %add3A_1746 : i32 to index
      %swap3A_1750 = tpu.vector_load %arg13[%swap3A_1749] {strides = array<i32>} : memref<8192xi32, #tpu.memory_space<vmem>>, vector<16xi32>,
      tpu.vector_store %arg13[%swap3A_1749], %add3A_1748 {strides = array<i32>} : memref<8192xi32, #tpu.memory_space<vmem>>, vector<16xi32>,
      %add3A_1751 = vector.broadcast %add3A_1742 : i32 to vector<16xi32>
      %add3A_1752 = arith.addi %get3A_973, %add3A_1751 : vector<16xi32>
      %swap3A_1753 = arith.index_cast %add3A_1746 : i32 to index
      %swap3A_1754 = tpu.vector_load %arg14[%swap3A_1753] {strides = array<i32>} : memref<8192xi32, #tpu.memory_space<vmem>>, vector<16xi32>,
      tpu.vector_store %arg14[%swap3A_1753], %add3A_1752 {strides = array<i32>} : memref<8192xi32, #tpu.memory_space<vmem>>, vector<16xi32>,
      %scan3A_1755 = arith.constant 0 : i32
      scf.yield %scan3A_1755 : i32
    }
    %scan3A_980 = arith.constant 32 : i32
    %get3A_981 = arith.constant 48 : index
    %get3A_982 = tpu.vector_load %arg11[%get3A_981] {strides = array<i32>} : memref<512xi32, #tpu.memory_space<vmem>>, vector<16xi32>,
    %get3A_983 = arith.constant 48 : index
    %get3A_984 = tpu.vector_load %arg12[%get3A_983] {strides = array<i32>} : memref<512xi32, #tpu.memory_space<vmem>>, vector<16xi32>,
    %scan3A_985 = arith.constant 0 : i32
    %scan3A_986 = arith.constant 0 : i32
    %scan3A_987 = arith.constant 32 : i32
    %scan3A_988 = arith.addi %scan3A_986, %scan3A_987 : i32
    %scan3A_989 = arith.constant 1 : i32
    %scan3A_990 = scf.for %scan3A_1732 = %scan3A_986 to %scan3A_988 step %scan3A_989 iter_args(%scan3A_1733 = %scan3A_985) -> (i32)  : i32 {
      %shift_right_arithmetic3A_1734 = arith.constant 2 : i32
      %shift_right_arithmetic3A_1735 = arith.shrsi %scan3A_1732, %shift_right_arithmetic3A_1734 : i32
      %mul3A_1736 = arith.constant 4063232 : i32
      %mul3A_1737 = arith.muli %shift_right_arithmetic3A_1735, %mul3A_1736 : i32
      %and3A_1738 = arith.constant 3 : i32
      %and3A_1739 = arith.andi %scan3A_1732, %and3A_1738 : i32
      %mul3A_1740 = arith.constant 128 : i32
      %mul3A_1741 = arith.muli %and3A_1739, %mul3A_1740 : i32
      %add3A_1742 = arith.addi %mul3A_1737, %mul3A_1741 : i32
      %mul3A_1743 = arith.constant 16 : i32
      %mul3A_1744 = arith.muli %scan3A_1732, %mul3A_1743 : i32
      %add3A_1745 = arith.constant 1536 : i32
      %add3A_1746 = arith.addi %add3A_1745, %mul3A_1744 : i32
      %add3A_1747 = vector.broadcast %add3A_1742 : i32 to vector<16xi32>
      %add3A_1748 = arith.addi %get3A_982, %add3A_1747 : vector<16xi32>
      %swap3A_1749 = arith.index_cast %add3A_1746 : i32 to index
      %swap3A_1750 = tpu.vector_load %arg13[%swap3A_1749] {strides = array<i32>} : memref<8192xi32, #tpu.memory_space<vmem>>, vector<16xi32>,
      tpu.vector_store %arg13[%swap3A_1749], %add3A_1748 {strides = array<i32>} : memref<8192xi32, #tpu.memory_space<vmem>>, vector<16xi32>,
      %add3A_1751 = vector.broadcast %add3A_1742 : i32 to vector<16xi32>
      %add3A_1752 = arith.addi %get3A_984, %add3A_1751 : vector<16xi32>
      %swap3A_1753 = arith.index_cast %add3A_1746 : i32 to index
      %swap3A_1754 = tpu.vector_load %arg14[%swap3A_1753] {strides = array<i32>} : memref<8192xi32, #tpu.memory_space<vmem>>, vector<16xi32>,
      tpu.vector_store %arg14[%swap3A_1753], %add3A_1752 {strides = array<i32>} : memref<8192xi32, #tpu.memory_space<vmem>>, vector<16xi32>,
      %scan3A_1755 = arith.constant 0 : i32
      scf.yield %scan3A_1755 : i32
    }
    %scan3A_991 = arith.constant 32 : i32
    %get3A_992 = arith.constant 64 : index
    %get3A_993 = tpu.vector_load %arg11[%get3A_992] {strides = array<i32>} : memref<512xi32, #tpu.memory_space<vmem>>, vector<16xi32>,
    %get3A_994 = arith.constant 64 : index
    %get3A_995 = tpu.vector_load %arg12[%get3A_994] {strides = array<i32>} : memref<512xi32, #tpu.memory_space<vmem>>, vector<16xi32>,
    %scan3A_996 = arith.constant 0 : i32
    %scan3A_997 = arith.constant 0 : i32
    %scan3A_998 = arith.constant 32 : i32
    %scan3A_999 = arith.addi %scan3A_997, %scan3A_998 : i32
    %scan3A_1000 = arith.constant 1 : i32
    %scan3A_1001 = scf.for %scan3A_1732 = %scan3A_997 to %scan3A_999 step %scan3A_1000 iter_args(%scan3A_1733 = %scan3A_996) -> (i32)  : i32 {
      %shift_right_arithmetic3A_1734 = arith.constant 2 : i32
      %shift_right_arithmetic3A_1735 = arith.shrsi %scan3A_1732, %shift_right_arithmetic3A_1734 : i32
      %mul3A_1736 = arith.constant 4063232 : i32
      %mul3A_1737 = arith.muli %shift_right_arithmetic3A_1735, %mul3A_1736 : i32
      %and3A_1738 = arith.constant 3 : i32
      %and3A_1739 = arith.andi %scan3A_1732, %and3A_1738 : i32
      %mul3A_1740 = arith.constant 128 : i32
      %mul3A_1741 = arith.muli %and3A_1739, %mul3A_1740 : i32
      %add3A_1742 = arith.addi %mul3A_1737, %mul3A_1741 : i32
      %mul3A_1743 = arith.constant 16 : i32
      %mul3A_1744 = arith.muli %scan3A_1732, %mul3A_1743 : i32
      %add3A_1745 = arith.constant 2048 : i32
      %add3A_1746 = arith.addi %add3A_1745, %mul3A_1744 : i32
      %add3A_1747 = vector.broadcast %add3A_1742 : i32 to vector<16xi32>
      %add3A_1748 = arith.addi %get3A_993, %add3A_1747 : vector<16xi32>
      %swap3A_1749 = arith.index_cast %add3A_1746 : i32 to index
      %swap3A_1750 = tpu.vector_load %arg13[%swap3A_1749] {strides = array<i32>} : memref<8192xi32, #tpu.memory_space<vmem>>, vector<16xi32>,
      tpu.vector_store %arg13[%swap3A_1749], %add3A_1748 {strides = array<i32>} : memref<8192xi32, #tpu.memory_space<vmem>>, vector<16xi32>,
      %add3A_1751 = vector.broadcast %add3A_1742 : i32 to vector<16xi32>
      %add3A_1752 = arith.addi %get3A_995, %add3A_1751 : vector<16xi32>
      %swap3A_1753 = arith.index_cast %add3A_1746 : i32 to index
      %swap3A_1754 = tpu.vector_load %arg14[%swap3A_1753] {strides = array<i32>} : memref<8192xi32, #tpu.memory_space<vmem>>, vector<16xi32>,
      tpu.vector_store %arg14[%swap3A_1753], %add3A_1752 {strides = array<i32>} : memref<8192xi32, #tpu.memory_space<vmem>>, vector<16xi32>,
      %scan3A_1755 = arith.constant 0 : i32
      scf.yield %scan3A_1755 : i32
    }
    %scan3A_1002 = arith.constant 32 : i32
    %get3A_1003 = arith.constant 80 : index
    %get3A_1004 = tpu.vector_load %arg11[%get3A_1003] {strides = array<i32>} : memref<512xi32, #tpu.memory_space<vmem>>, vector<16xi32>,
    %get3A_1005 = arith.constant 80 : index
    %get3A_1006 = tpu.vector_load %arg12[%get3A_1005] {strides = array<i32>} : memref<512xi32, #tpu.memory_space<vmem>>, vector<16xi32>,
    %scan3A_1007 = arith.constant 0 : i32
    %scan3A_1008 = arith.constant 0 : i32
    %scan3A_1009 = arith.constant 32 : i32
    %scan3A_1010 = arith.addi %scan3A_1008, %scan3A_1009 : i32
    %scan3A_1011 = arith.constant 1 : i32
    %scan3A_1012 = scf.for %scan3A_1732 = %scan3A_1008 to %scan3A_1010 step %scan3A_1011 iter_args(%scan3A_1733 = %scan3A_1007) -> (i32)  : i32 {
      %shift_right_arithmetic3A_1734 = arith.constant 2 : i32
      %shift_right_arithmetic3A_1735 = arith.shrsi %scan3A_1732, %shift_right_arithmetic3A_1734 : i32
      %mul3A_1736 = arith.constant 4063232 : i32
      %mul3A_1737 = arith.muli %shift_right_arithmetic3A_1735, %mul3A_1736 : i32
      %and3A_1738 = arith.constant 3 : i32
      %and3A_1739 = arith.andi %scan3A_1732, %and3A_1738 : i32
      %mul3A_1740 = arith.constant 128 : i32
      %mul3A_1741 = arith.muli %and3A_1739, %mul3A_1740 : i32
      %add3A_1742 = arith.addi %mul3A_1737, %mul3A_1741 : i32
      %mul3A_1743 = arith.constant 16 : i32
      %mul3A_1744 = arith.muli %scan3A_1732, %mul3A_1743 : i32
      %add3A_1745 = arith.constant 2560 : i32
      %add3A_1746 = arith.addi %add3A_1745, %mul3A_1744 : i32
      %add3A_1747 = vector.broadcast %add3A_1742 : i32 to vector<16xi32>
      %add3A_1748 = arith.addi %get3A_1004, %add3A_1747 : vector<16xi32>
      %swap3A_1749 = arith.index_cast %add3A_1746 : i32 to index
      %swap3A_1750 = tpu.vector_load %arg13[%swap3A_1749] {strides = array<i32>} : memref<8192xi32, #tpu.memory_space<vmem>>, vector<16xi32>,
      tpu.vector_store %arg13[%swap3A_1749], %add3A_1748 {strides = array<i32>} : memref<8192xi32, #tpu.memory_space<vmem>>, vector<16xi32>,
      %add3A_1751 = vector.broadcast %add3A_1742 : i32 to vector<16xi32>
      %add3A_1752 = arith.addi %get3A_1006, %add3A_1751 : vector<16xi32>
      %swap3A_1753 = arith.index_cast %add3A_1746 : i32 to index
      %swap3A_1754 = tpu.vector_load %arg14[%swap3A_1753] {strides = array<i32>} : memref<8192xi32, #tpu.memory_space<vmem>>, vector<16xi32>,
      tpu.vector_store %arg14[%swap3A_1753], %add3A_1752 {strides = array<i32>} : memref<8192xi32, #tpu.memory_space<vmem>>, vector<16xi32>,
      %scan3A_1755 = arith.constant 0 : i32
      scf.yield %scan3A_1755 : i32
    }
    %scan3A_1013 = arith.constant 32 : i32
    %get3A_1014 = arith.constant 96 : index
    %get3A_1015 = tpu.vector_load %arg11[%get3A_1014] {strides = array<i32>} : memref<512xi32, #tpu.memory_space<vmem>>, vector<16xi32>,
    %get3A_1016 = arith.constant 96 : index
    %get3A_1017 = tpu.vector_load %arg12[%get3A_1016] {strides = array<i32>} : memref<512xi32, #tpu.memory_space<vmem>>, vector<16xi32>,
    %scan3A_1018 = arith.constant 0 : i32
    %scan3A_1019 = arith.constant 0 : i32
    %scan3A_1020 = arith.constant 32 : i32
    %scan3A_1021 = arith.addi %scan3A_1019, %scan3A_1020 : i32
    %scan3A_1022 = arith.constant 1 : i32
    %scan3A_1023 = scf.for %scan3A_1732 = %scan3A_1019 to %scan3A_1021 step %scan3A_1022 iter_args(%scan3A_1733 = %scan3A_1018) -> (i32)  : i32 {
      %shift_right_arithmetic3A_1734 = arith.constant 2 : i32
      %shift_right_arithmetic3A_1735 = arith.shrsi %scan3A_1732, %shift_right_arithmetic3A_1734 : i32
      %mul3A_1736 = arith.constant 4063232 : i32
      %mul3A_1737 = arith.muli %shift_right_arithmetic3A_1735, %mul3A_1736 : i32
      %and3A_1738 = arith.constant 3 : i32
      %and3A_1739 = arith.andi %scan3A_1732, %and3A_1738 : i32
      %mul3A_1740 = arith.constant 128 : i32
      %mul3A_1741 = arith.muli %and3A_1739, %mul3A_1740 : i32
      %add3A_1742 = arith.addi %mul3A_1737, %mul3A_1741 : i32
      %mul3A_1743 = arith.constant 16 : i32
      %mul3A_1744 = arith.muli %scan3A_1732, %mul3A_1743 : i32
      %add3A_1745 = arith.constant 3072 : i32
      %add3A_1746 = arith.addi %add3A_1745, %mul3A_1744 : i32
      %add3A_1747 = vector.broadcast %add3A_1742 : i32 to vector<16xi32>
      %add3A_1748 = arith.addi %get3A_1015, %add3A_1747 : vector<16xi32>
      %swap3A_1749 = arith.index_cast %add3A_1746 : i32 to index
      %swap3A_1750 = tpu.vector_load %arg13[%swap3A_1749] {strides = array<i32>} : memref<8192xi32, #tpu.memory_space<vmem>>, vector<16xi32>,
      tpu.vector_store %arg13[%swap3A_1749], %add3A_1748 {strides = array<i32>} : memref<8192xi32, #tpu.memory_space<vmem>>, vector<16xi32>,
      %add3A_1751 = vector.broadcast %add3A_1742 : i32 to vector<16xi32>
      %add3A_1752 = arith.addi %get3A_1017, %add3A_1751 : vector<16xi32>
      %swap3A_1753 = arith.index_cast %add3A_1746 : i32 to index
      %swap3A_1754 = tpu.vector_load %arg14[%swap3A_1753] {strides = array<i32>} : memref<8192xi32, #tpu.memory_space<vmem>>, vector<16xi32>,
      tpu.vector_store %arg14[%swap3A_1753], %add3A_1752 {strides = array<i32>} : memref<8192xi32, #tpu.memory_space<vmem>>, vector<16xi32>,
      %scan3A_1755 = arith.constant 0 : i32
      scf.yield %scan3A_1755 : i32
    }
    %scan3A_1024 = arith.constant 32 : i32
    %get3A_1025 = arith.constant 112 : index
    %get3A_1026 = tpu.vector_load %arg11[%get3A_1025] {strides = array<i32>} : memref<512xi32, #tpu.memory_space<vmem>>, vector<16xi32>,
    %get3A_1027 = arith.constant 112 : index
    %get3A_1028 = tpu.vector_load %arg12[%get3A_1027] {strides = array<i32>} : memref<512xi32, #tpu.memory_space<vmem>>, vector<16xi32>,
    %scan3A_1029 = arith.constant 0 : i32
    %scan3A_1030 = arith.constant 0 : i32
    %scan3A_1031 = arith.constant 32 : i32
    %scan3A_1032 = arith.addi %scan3A_1030, %scan3A_1031 : i32
    %scan3A_1033 = arith.constant 1 : i32
    %scan3A_1034 = scf.for %scan3A_1732 = %scan3A_1030 to %scan3A_1032 step %scan3A_1033 iter_args(%scan3A_1733 = %scan3A_1029) -> (i32)  : i32 {
      %shift_right_arithmetic3A_1734 = arith.constant 2 : i32
      %shift_right_arithmetic3A_1735 = arith.shrsi %scan3A_1732, %shift_right_arithmetic3A_1734 : i32
      %mul3A_1736 = arith.constant 4063232 : i32
      %mul3A_1737 = arith.muli %shift_right_arithmetic3A_1735, %mul3A_1736 : i32
      %and3A_1738 = arith.constant 3 : i32
      %and3A_1739 = arith.andi %scan3A_1732, %and3A_1738 : i32
      %mul3A_1740 = arith.constant 128 : i32
      %mul3A_1741 = arith.muli %and3A_1739, %mul3A_1740 : i32
      %add3A_1742 = arith.addi %mul3A_1737, %mul3A_1741 : i32
      %mul3A_1743 = arith.constant 16 : i32
      %mul3A_1744 = arith.muli %scan3A_1732, %mul3A_1743 : i32
      %add3A_1745 = arith.constant 3584 : i32
      %add3A_1746 = arith.addi %add3A_1745, %mul3A_1744 : i32
      %add3A_1747 = vector.broadcast %add3A_1742 : i32 to vector<16xi32>
      %add3A_1748 = arith.addi %get3A_1026, %add3A_1747 : vector<16xi32>
      %swap3A_1749 = arith.index_cast %add3A_1746 : i32 to index
      %swap3A_1750 = tpu.vector_load %arg13[%swap3A_1749] {strides = array<i32>} : memref<8192xi32, #tpu.memory_space<vmem>>, vector<16xi32>,
      tpu.vector_store %arg13[%swap3A_1749], %add3A_1748 {strides = array<i32>} : memref<8192xi32, #tpu.memory_space<vmem>>, vector<16xi32>,
      %add3A_1751 = vector.broadcast %add3A_1742 : i32 to vector<16xi32>
      %add3A_1752 = arith.addi %get3A_1028, %add3A_1751 : vector<16xi32>
      %swap3A_1753 = arith.index_cast %add3A_1746 : i32 to index
      %swap3A_1754 = tpu.vector_load %arg14[%swap3A_1753] {strides = array<i32>} : memref<8192xi32, #tpu.memory_space<vmem>>, vector<16xi32>,
      tpu.vector_store %arg14[%swap3A_1753], %add3A_1752 {strides = array<i32>} : memref<8192xi32, #tpu.memory_space<vmem>>, vector<16xi32>,
      %scan3A_1755 = arith.constant 0 : i32
      scf.yield %scan3A_1755 : i32
    }
    %scan3A_1035 = arith.constant 32 : i32
    %get3A_1036 = arith.constant 128 : index
    %get3A_1037 = tpu.vector_load %arg11[%get3A_1036] {strides = array<i32>} : memref<512xi32, #tpu.memory_space<vmem>>, vector<16xi32>,
    %get3A_1038 = arith.constant 128 : index
    %get3A_1039 = tpu.vector_load %arg12[%get3A_1038] {strides = array<i32>} : memref<512xi32, #tpu.memory_space<vmem>>, vector<16xi32>,
    %scan3A_1040 = arith.constant 0 : i32
    %scan3A_1041 = arith.constant 0 : i32
    %scan3A_1042 = arith.constant 32 : i32
    %scan3A_1043 = arith.addi %scan3A_1041, %scan3A_1042 : i32
    %scan3A_1044 = arith.constant 1 : i32
    %scan3A_1045 = scf.for %scan3A_1732 = %scan3A_1041 to %scan3A_1043 step %scan3A_1044 iter_args(%scan3A_1733 = %scan3A_1040) -> (i32)  : i32 {
      %shift_right_arithmetic3A_1734 = arith.constant 2 : i32
      %shift_right_arithmetic3A_1735 = arith.shrsi %scan3A_1732, %shift_right_arithmetic3A_1734 : i32
      %mul3A_1736 = arith.constant 4063232 : i32
      %mul3A_1737 = arith.muli %shift_right_arithmetic3A_1735, %mul3A_1736 : i32
      %and3A_1738 = arith.constant 3 : i32
      %and3A_1739 = arith.andi %scan3A_1732, %and3A_1738 : i32
      %mul3A_1740 = arith.constant 128 : i32
      %mul3A_1741 = arith.muli %and3A_1739, %mul3A_1740 : i32
      %add3A_1742 = arith.addi %mul3A_1737, %mul3A_1741 : i32
      %mul3A_1743 = arith.constant 16 : i32
      %mul3A_1744 = arith.muli %scan3A_1732, %mul3A_1743 : i32
      %add3A_1745 = arith.constant 4096 : i32
      %add3A_1746 = arith.addi %add3A_1745, %mul3A_1744 : i32
      %add3A_1747 = vector.broadcast %add3A_1742 : i32 to vector<16xi32>
      %add3A_1748 = arith.addi %get3A_1037, %add3A_1747 : vector<16xi32>
      %swap3A_1749 = arith.index_cast %add3A_1746 : i32 to index
      %swap3A_1750 = tpu.vector_load %arg13[%swap3A_1749] {strides = array<i32>} : memref<8192xi32, #tpu.memory_space<vmem>>, vector<16xi32>,
      tpu.vector_store %arg13[%swap3A_1749], %add3A_1748 {strides = array<i32>} : memref<8192xi32, #tpu.memory_space<vmem>>, vector<16xi32>,
      %add3A_1751 = vector.broadcast %add3A_1742 : i32 to vector<16xi32>
      %add3A_1752 = arith.addi %get3A_1039, %add3A_1751 : vector<16xi32>
      %swap3A_1753 = arith.index_cast %add3A_1746 : i32 to index
      %swap3A_1754 = tpu.vector_load %arg14[%swap3A_1753] {strides = array<i32>} : memref<8192xi32, #tpu.memory_space<vmem>>, vector<16xi32>,
      tpu.vector_store %arg14[%swap3A_1753], %add3A_1752 {strides = array<i32>} : memref<8192xi32, #tpu.memory_space<vmem>>, vector<16xi32>,
      %scan3A_1755 = arith.constant 0 : i32
      scf.yield %scan3A_1755 : i32
    }
    %scan3A_1046 = arith.constant 32 : i32
    %get3A_1047 = arith.constant 144 : index
    %get3A_1048 = tpu.vector_load %arg11[%get3A_1047] {strides = array<i32>} : memref<512xi32, #tpu.memory_space<vmem>>, vector<16xi32>,
    %get3A_1049 = arith.constant 144 : index
    %get3A_1050 = tpu.vector_load %arg12[%get3A_1049] {strides = array<i32>} : memref<512xi32, #tpu.memory_space<vmem>>, vector<16xi32>,
    %scan3A_1051 = arith.constant 0 : i32
    %scan3A_1052 = arith.constant 0 : i32
    %scan3A_1053 = arith.constant 32 : i32
    %scan3A_1054 = arith.addi %scan3A_1052, %scan3A_1053 : i32
    %scan3A_1055 = arith.constant 1 : i32
    %scan3A_1056 = scf.for %scan3A_1732 = %scan3A_1052 to %scan3A_1054 step %scan3A_1055 iter_args(%scan3A_1733 = %scan3A_1051) -> (i32)  : i32 {
      %shift_right_arithmetic3A_1734 = arith.constant 2 : i32
      %shift_right_arithmetic3A_1735 = arith.shrsi %scan3A_1732, %shift_right_arithmetic3A_1734 : i32
      %mul3A_1736 = arith.constant 4063232 : i32
      %mul3A_1737 = arith.muli %shift_right_arithmetic3A_1735, %mul3A_1736 : i32
      %and3A_1738 = arith.constant 3 : i32
      %and3A_1739 = arith.andi %scan3A_1732, %and3A_1738 : i32
      %mul3A_1740 = arith.constant 128 : i32
      %mul3A_1741 = arith.muli %and3A_1739, %mul3A_1740 : i32
      %add3A_1742 = arith.addi %mul3A_1737, %mul3A_1741 : i32
      %mul3A_1743 = arith.constant 16 : i32
      %mul3A_1744 = arith.muli %scan3A_1732, %mul3A_1743 : i32
      %add3A_1745 = arith.constant 4608 : i32
      %add3A_1746 = arith.addi %add3A_1745, %mul3A_1744 : i32
      %add3A_1747 = vector.broadcast %add3A_1742 : i32 to vector<16xi32>
      %add3A_1748 = arith.addi %get3A_1048, %add3A_1747 : vector<16xi32>
      %swap3A_1749 = arith.index_cast %add3A_1746 : i32 to index
      %swap3A_1750 = tpu.vector_load %arg13[%swap3A_1749] {strides = array<i32>} : memref<8192xi32, #tpu.memory_space<vmem>>, vector<16xi32>,
      tpu.vector_store %arg13[%swap3A_1749], %add3A_1748 {strides = array<i32>} : memref<8192xi32, #tpu.memory_space<vmem>>, vector<16xi32>,
      %add3A_1751 = vector.broadcast %add3A_1742 : i32 to vector<16xi32>
      %add3A_1752 = arith.addi %get3A_1050, %add3A_1751 : vector<16xi32>
      %swap3A_1753 = arith.index_cast %add3A_1746 : i32 to index
      %swap3A_1754 = tpu.vector_load %arg14[%swap3A_1753] {strides = array<i32>} : memref<8192xi32, #tpu.memory_space<vmem>>, vector<16xi32>,
      tpu.vector_store %arg14[%swap3A_1753], %add3A_1752 {strides = array<i32>} : memref<8192xi32, #tpu.memory_space<vmem>>, vector<16xi32>,
      %scan3A_1755 = arith.constant 0 : i32
      scf.yield %scan3A_1755 : i32
    }
    %scan3A_1057 = arith.constant 32 : i32
    %get3A_1058 = arith.constant 160 : index
    %get3A_1059 = tpu.vector_load %arg11[%get3A_1058] {strides = array<i32>} : memref<512xi32, #tpu.memory_space<vmem>>, vector<16xi32>,
    %get3A_1060 = arith.constant 160 : index
    %get3A_1061 = tpu.vector_load %arg12[%get3A_1060] {strides = array<i32>} : memref<512xi32, #tpu.memory_space<vmem>>, vector<16xi32>,
    %scan3A_1062 = arith.constant 0 : i32
    %scan3A_1063 = arith.constant 0 : i32
    %scan3A_1064 = arith.constant 32 : i32
    %scan3A_1065 = arith.addi %scan3A_1063, %scan3A_1064 : i32
    %scan3A_1066 = arith.constant 1 : i32
    %scan3A_1067 = scf.for %scan3A_1732 = %scan3A_1063 to %scan3A_1065 step %scan3A_1066 iter_args(%scan3A_1733 = %scan3A_1062) -> (i32)  : i32 {
      %shift_right_arithmetic3A_1734 = arith.constant 2 : i32
      %shift_right_arithmetic3A_1735 = arith.shrsi %scan3A_1732, %shift_right_arithmetic3A_1734 : i32
      %mul3A_1736 = arith.constant 4063232 : i32
      %mul3A_1737 = arith.muli %shift_right_arithmetic3A_1735, %mul3A_1736 : i32
      %and3A_1738 = arith.constant 3 : i32
      %and3A_1739 = arith.andi %scan3A_1732, %and3A_1738 : i32
      %mul3A_1740 = arith.constant 128 : i32
      %mul3A_1741 = arith.muli %and3A_1739, %mul3A_1740 : i32
      %add3A_1742 = arith.addi %mul3A_1737, %mul3A_1741 : i32
      %mul3A_1743 = arith.constant 16 : i32
      %mul3A_1744 = arith.muli %scan3A_1732, %mul3A_1743 : i32
      %add3A_1745 = arith.constant 5120 : i32
      %add3A_1746 = arith.addi %add3A_1745, %mul3A_1744 : i32
      %add3A_1747 = vector.broadcast %add3A_1742 : i32 to vector<16xi32>
      %add3A_1748 = arith.addi %get3A_1059, %add3A_1747 : vector<16xi32>
      %swap3A_1749 = arith.index_cast %add3A_1746 : i32 to index
      %swap3A_1750 = tpu.vector_load %arg13[%swap3A_1749] {strides = array<i32>} : memref<8192xi32, #tpu.memory_space<vmem>>, vector<16xi32>,
      tpu.vector_store %arg13[%swap3A_1749], %add3A_1748 {strides = array<i32>} : memref<8192xi32, #tpu.memory_space<vmem>>, vector<16xi32>,
      %add3A_1751 = vector.broadcast %add3A_1742 : i32 to vector<16xi32>
      %add3A_1752 = arith.addi %get3A_1061, %add3A_1751 : vector<16xi32>
      %swap3A_1753 = arith.index_cast %add3A_1746 : i32 to index
      %swap3A_1754 = tpu.vector_load %arg14[%swap3A_1753] {strides = array<i32>} : memref<8192xi32, #tpu.memory_space<vmem>>, vector<16xi32>,
      tpu.vector_store %arg14[%swap3A_1753], %add3A_1752 {strides = array<i32>} : memref<8192xi32, #tpu.memory_space<vmem>>, vector<16xi32>,
      %scan3A_1755 = arith.constant 0 : i32
      scf.yield %scan3A_1755 : i32
    }
    %scan3A_1068 = arith.constant 32 : i32
    %get3A_1069 = arith.constant 176 : index
    %get3A_1070 = tpu.vector_load %arg11[%get3A_1069] {strides = array<i32>} : memref<512xi32, #tpu.memory_space<vmem>>, vector<16xi32>,
    %get3A_1071 = arith.constant 176 : index
    %get3A_1072 = tpu.vector_load %arg12[%get3A_1071] {strides = array<i32>} : memref<512xi32, #tpu.memory_space<vmem>>, vector<16xi32>,
    %scan3A_1073 = arith.constant 0 : i32
    %scan3A_1074 = arith.constant 0 : i32
    %scan3A_1075 = arith.constant 32 : i32
    %scan3A_1076 = arith.addi %scan3A_1074, %scan3A_1075 : i32
    %scan3A_1077 = arith.constant 1 : i32
    %scan3A_1078 = scf.for %scan3A_1732 = %scan3A_1074 to %scan3A_1076 step %scan3A_1077 iter_args(%scan3A_1733 = %scan3A_1073) -> (i32)  : i32 {
      %shift_right_arithmetic3A_1734 = arith.constant 2 : i32
      %shift_right_arithmetic3A_1735 = arith.shrsi %scan3A_1732, %shift_right_arithmetic3A_1734 : i32
      %mul3A_1736 = arith.constant 4063232 : i32
      %mul3A_1737 = arith.muli %shift_right_arithmetic3A_1735, %mul3A_1736 : i32
      %and3A_1738 = arith.constant 3 : i32
      %and3A_1739 = arith.andi %scan3A_1732, %and3A_1738 : i32
      %mul3A_1740 = arith.constant 128 : i32
      %mul3A_1741 = arith.muli %and3A_1739, %mul3A_1740 : i32
      %add3A_1742 = arith.addi %mul3A_1737, %mul3A_1741 : i32
      %mul3A_1743 = arith.constant 16 : i32
      %mul3A_1744 = arith.muli %scan3A_1732, %mul3A_1743 : i32
      %add3A_1745 = arith.constant 5632 : i32
      %add3A_1746 = arith.addi %add3A_1745, %mul3A_1744 : i32
      %add3A_1747 = vector.broadcast %add3A_1742 : i32 to vector<16xi32>
      %add3A_1748 = arith.addi %get3A_1070, %add3A_1747 : vector<16xi32>
      %swap3A_1749 = arith.index_cast %add3A_1746 : i32 to index
      %swap3A_1750 = tpu.vector_load %arg13[%swap3A_1749] {strides = array<i32>} : memref<8192xi32, #tpu.memory_space<vmem>>, vector<16xi32>,
      tpu.vector_store %arg13[%swap3A_1749], %add3A_1748 {strides = array<i32>} : memref<8192xi32, #tpu.memory_space<vmem>>, vector<16xi32>,
      %add3A_1751 = vector.broadcast %add3A_1742 : i32 to vector<16xi32>
      %add3A_1752 = arith.addi %get3A_1072, %add3A_1751 : vector<16xi32>
      %swap3A_1753 = arith.index_cast %add3A_1746 : i32 to index
      %swap3A_1754 = tpu.vector_load %arg14[%swap3A_1753] {strides = array<i32>} : memref<8192xi32, #tpu.memory_space<vmem>>, vector<16xi32>,
      tpu.vector_store %arg14[%swap3A_1753], %add3A_1752 {strides = array<i32>} : memref<8192xi32, #tpu.memory_space<vmem>>, vector<16xi32>,
      %scan3A_1755 = arith.constant 0 : i32
      scf.yield %scan3A_1755 : i32
    }
    %scan3A_1079 = arith.constant 32 : i32
    %get3A_1080 = arith.constant 192 : index
    %get3A_1081 = tpu.vector_load %arg11[%get3A_1080] {strides = array<i32>} : memref<512xi32, #tpu.memory_space<vmem>>, vector<16xi32>,
    %get3A_1082 = arith.constant 192 : index
    %get3A_1083 = tpu.vector_load %arg12[%get3A_1082] {strides = array<i32>} : memref<512xi32, #tpu.memory_space<vmem>>, vector<16xi32>,
    %scan3A_1084 = arith.constant 0 : i32
    %scan3A_1085 = arith.constant 0 : i32
    %scan3A_1086 = arith.constant 32 : i32
    %scan3A_1087 = arith.addi %scan3A_1085, %scan3A_1086 : i32
    %scan3A_1088 = arith.constant 1 : i32
    %scan3A_1089 = scf.for %scan3A_1732 = %scan3A_1085 to %scan3A_1087 step %scan3A_1088 iter_args(%scan3A_1733 = %scan3A_1084) -> (i32)  : i32 {
      %shift_right_arithmetic3A_1734 = arith.constant 2 : i32
      %shift_right_arithmetic3A_1735 = arith.shrsi %scan3A_1732, %shift_right_arithmetic3A_1734 : i32
      %mul3A_1736 = arith.constant 4063232 : i32
      %mul3A_1737 = arith.muli %shift_right_arithmetic3A_1735, %mul3A_1736 : i32
      %and3A_1738 = arith.constant 3 : i32
      %and3A_1739 = arith.andi %scan3A_1732, %and3A_1738 : i32
      %mul3A_1740 = arith.constant 128 : i32
      %mul3A_1741 = arith.muli %and3A_1739, %mul3A_1740 : i32
      %add3A_1742 = arith.addi %mul3A_1737, %mul3A_1741 : i32
      %mul3A_1743 = arith.constant 16 : i32
      %mul3A_1744 = arith.muli %scan3A_1732, %mul3A_1743 : i32
      %add3A_1745 = arith.constant 6144 : i32
      %add3A_1746 = arith.addi %add3A_1745, %mul3A_1744 : i32
      %add3A_1747 = vector.broadcast %add3A_1742 : i32 to vector<16xi32>
      %add3A_1748 = arith.addi %get3A_1081, %add3A_1747 : vector<16xi32>
      %swap3A_1749 = arith.index_cast %add3A_1746 : i32 to index
      %swap3A_1750 = tpu.vector_load %arg13[%swap3A_1749] {strides = array<i32>} : memref<8192xi32, #tpu.memory_space<vmem>>, vector<16xi32>,
      tpu.vector_store %arg13[%swap3A_1749], %add3A_1748 {strides = array<i32>} : memref<8192xi32, #tpu.memory_space<vmem>>, vector<16xi32>,
      %add3A_1751 = vector.broadcast %add3A_1742 : i32 to vector<16xi32>
      %add3A_1752 = arith.addi %get3A_1083, %add3A_1751 : vector<16xi32>
      %swap3A_1753 = arith.index_cast %add3A_1746 : i32 to index
      %swap3A_1754 = tpu.vector_load %arg14[%swap3A_1753] {strides = array<i32>} : memref<8192xi32, #tpu.memory_space<vmem>>, vector<16xi32>,
      tpu.vector_store %arg14[%swap3A_1753], %add3A_1752 {strides = array<i32>} : memref<8192xi32, #tpu.memory_space<vmem>>, vector<16xi32>,
      %scan3A_1755 = arith.constant 0 : i32
      scf.yield %scan3A_1755 : i32
    }
    %scan3A_1090 = arith.constant 32 : i32
    %get3A_1091 = arith.constant 208 : index
    %get3A_1092 = tpu.vector_load %arg11[%get3A_1091] {strides = array<i32>} : memref<512xi32, #tpu.memory_space<vmem>>, vector<16xi32>,
    %get3A_1093 = arith.constant 208 : index
    %get3A_1094 = tpu.vector_load %arg12[%get3A_1093] {strides = array<i32>} : memref<512xi32, #tpu.memory_space<vmem>>, vector<16xi32>,
    %scan3A_1095 = arith.constant 0 : i32
    %scan3A_1096 = arith.constant 0 : i32
    %scan3A_1097 = arith.constant 32 : i32
    %scan3A_1098 = arith.addi %scan3A_1096, %scan3A_1097 : i32
    %scan3A_1099 = arith.constant 1 : i32
    %scan3A_1100 = scf.for %scan3A_1732 = %scan3A_1096 to %scan3A_1098 step %scan3A_1099 iter_args(%scan3A_1733 = %scan3A_1095) -> (i32)  : i32 {
      %shift_right_arithmetic3A_1734 = arith.constant 2 : i32
      %shift_right_arithmetic3A_1735 = arith.shrsi %scan3A_1732, %shift_right_arithmetic3A_1734 : i32
      %mul3A_1736 = arith.constant 4063232 : i32
      %mul3A_1737 = arith.muli %shift_right_arithmetic3A_1735, %mul3A_1736 : i32
      %and3A_1738 = arith.constant 3 : i32
      %and3A_1739 = arith.andi %scan3A_1732, %and3A_1738 : i32
      %mul3A_1740 = arith.constant 128 : i32
      %mul3A_1741 = arith.muli %and3A_1739, %mul3A_1740 : i32
      %add3A_1742 = arith.addi %mul3A_1737, %mul3A_1741 : i32
      %mul3A_1743 = arith.constant 16 : i32
      %mul3A_1744 = arith.muli %scan3A_1732, %mul3A_1743 : i32
      %add3A_1745 = arith.constant 6656 : i32
      %add3A_1746 = arith.addi %add3A_1745, %mul3A_1744 : i32
      %add3A_1747 = vector.broadcast %add3A_1742 : i32 to vector<16xi32>
      %add3A_1748 = arith.addi %get3A_1092, %add3A_1747 : vector<16xi32>
      %swap3A_1749 = arith.index_cast %add3A_1746 : i32 to index
      %swap3A_1750 = tpu.vector_load %arg13[%swap3A_1749] {strides = array<i32>} : memref<8192xi32, #tpu.memory_space<vmem>>, vector<16xi32>,
      tpu.vector_store %arg13[%swap3A_1749], %add3A_1748 {strides = array<i32>} : memref<8192xi32, #tpu.memory_space<vmem>>, vector<16xi32>,
      %add3A_1751 = vector.broadcast %add3A_1742 : i32 to vector<16xi32>
      %add3A_1752 = arith.addi %get3A_1094, %add3A_1751 : vector<16xi32>
      %swap3A_1753 = arith.index_cast %add3A_1746 : i32 to index
      %swap3A_1754 = tpu.vector_load %arg14[%swap3A_1753] {strides = array<i32>} : memref<8192xi32, #tpu.memory_space<vmem>>, vector<16xi32>,
      tpu.vector_store %arg14[%swap3A_1753], %add3A_1752 {strides = array<i32>} : memref<8192xi32, #tpu.memory_space<vmem>>, vector<16xi32>,
      %scan3A_1755 = arith.constant 0 : i32
      scf.yield %scan3A_1755 : i32
    }
    %scan3A_1101 = arith.constant 32 : i32
    %get3A_1102 = arith.constant 224 : index
    %get3A_1103 = tpu.vector_load %arg11[%get3A_1102] {strides = array<i32>} : memref<512xi32, #tpu.memory_space<vmem>>, vector<16xi32>,
    %get3A_1104 = arith.constant 224 : index
    %get3A_1105 = tpu.vector_load %arg12[%get3A_1104] {strides = array<i32>} : memref<512xi32, #tpu.memory_space<vmem>>, vector<16xi32>,
    %scan3A_1106 = arith.constant 0 : i32
    %scan3A_1107 = arith.constant 0 : i32
    %scan3A_1108 = arith.constant 32 : i32
    %scan3A_1109 = arith.addi %scan3A_1107, %scan3A_1108 : i32
    %scan3A_1110 = arith.constant 1 : i32
    %scan3A_1111 = scf.for %scan3A_1732 = %scan3A_1107 to %scan3A_1109 step %scan3A_1110 iter_args(%scan3A_1733 = %scan3A_1106) -> (i32)  : i32 {
      %shift_right_arithmetic3A_1734 = arith.constant 2 : i32
      %shift_right_arithmetic3A_1735 = arith.shrsi %scan3A_1732, %shift_right_arithmetic3A_1734 : i32
      %mul3A_1736 = arith.constant 4063232 : i32
      %mul3A_1737 = arith.muli %shift_right_arithmetic3A_1735, %mul3A_1736 : i32
      %and3A_1738 = arith.constant 3 : i32
      %and3A_1739 = arith.andi %scan3A_1732, %and3A_1738 : i32
      %mul3A_1740 = arith.constant 128 : i32
      %mul3A_1741 = arith.muli %and3A_1739, %mul3A_1740 : i32
      %add3A_1742 = arith.addi %mul3A_1737, %mul3A_1741 : i32
      %mul3A_1743 = arith.constant 16 : i32
      %mul3A_1744 = arith.muli %scan3A_1732, %mul3A_1743 : i32
      %add3A_1745 = arith.constant 7168 : i32
      %add3A_1746 = arith.addi %add3A_1745, %mul3A_1744 : i32
      %add3A_1747 = vector.broadcast %add3A_1742 : i32 to vector<16xi32>
      %add3A_1748 = arith.addi %get3A_1103, %add3A_1747 : vector<16xi32>
      %swap3A_1749 = arith.index_cast %add3A_1746 : i32 to index
      %swap3A_1750 = tpu.vector_load %arg13[%swap3A_1749] {strides = array<i32>} : memref<8192xi32, #tpu.memory_space<vmem>>, vector<16xi32>,
      tpu.vector_store %arg13[%swap3A_1749], %add3A_1748 {strides = array<i32>} : memref<8192xi32, #tpu.memory_space<vmem>>, vector<16xi32>,
      %add3A_1751 = vector.broadcast %add3A_1742 : i32 to vector<16xi32>
      %add3A_1752 = arith.addi %get3A_1105, %add3A_1751 : vector<16xi32>
      %swap3A_1753 = arith.index_cast %add3A_1746 : i32 to index
      %swap3A_1754 = tpu.vector_load %arg14[%swap3A_1753] {strides = array<i32>} : memref<8192xi32, #tpu.memory_space<vmem>>, vector<16xi32>,
      tpu.vector_store %arg14[%swap3A_1753], %add3A_1752 {strides = array<i32>} : memref<8192xi32, #tpu.memory_space<vmem>>, vector<16xi32>,
      %scan3A_1755 = arith.constant 0 : i32
      scf.yield %scan3A_1755 : i32
    }
    %scan3A_1112 = arith.constant 32 : i32
    %get3A_1113 = arith.constant 240 : index
    %get3A_1114 = tpu.vector_load %arg11[%get3A_1113] {strides = array<i32>} : memref<512xi32, #tpu.memory_space<vmem>>, vector<16xi32>,
    %get3A_1115 = arith.constant 240 : index
    %get3A_1116 = tpu.vector_load %arg12[%get3A_1115] {strides = array<i32>} : memref<512xi32, #tpu.memory_space<vmem>>, vector<16xi32>,
    %scan3A_1117 = arith.constant 0 : i32
    %scan3A_1118 = arith.constant 0 : i32
    %scan3A_1119 = arith.constant 32 : i32
    %scan3A_1120 = arith.addi %scan3A_1118, %scan3A_1119 : i32
    %scan3A_1121 = arith.constant 1 : i32
    %scan3A_1122 = scf.for %scan3A_1732 = %scan3A_1118 to %scan3A_1120 step %scan3A_1121 iter_args(%scan3A_1733 = %scan3A_1117) -> (i32)  : i32 {
      %shift_right_arithmetic3A_1734 = arith.constant 2 : i32
      %shift_right_arithmetic3A_1735 = arith.shrsi %scan3A_1732, %shift_right_arithmetic3A_1734 : i32
      %mul3A_1736 = arith.constant 4063232 : i32
      %mul3A_1737 = arith.muli %shift_right_arithmetic3A_1735, %mul3A_1736 : i32
      %and3A_1738 = arith.constant 3 : i32
      %and3A_1739 = arith.andi %scan3A_1732, %and3A_1738 : i32
      %mul3A_1740 = arith.constant 128 : i32
      %mul3A_1741 = arith.muli %and3A_1739, %mul3A_1740 : i32
      %add3A_1742 = arith.addi %mul3A_1737, %mul3A_1741 : i32
      %mul3A_1743 = arith.constant 16 : i32
      %mul3A_1744 = arith.muli %scan3A_1732, %mul3A_1743 : i32
      %add3A_1745 = arith.constant 7680 : i32
      %add3A_1746 = arith.addi %add3A_1745, %mul3A_1744 : i32
      %add3A_1747 = vector.broadcast %add3A_1742 : i32 to vector<16xi32>
      %add3A_1748 = arith.addi %get3A_1114, %add3A_1747 : vector<16xi32>
      %swap3A_1749 = arith.index_cast %add3A_1746 : i32 to index
      %swap3A_1750 = tpu.vector_load %arg13[%swap3A_1749] {strides = array<i32>} : memref<8192xi32, #tpu.memory_space<vmem>>, vector<16xi32>,
      tpu.vector_store %arg13[%swap3A_1749], %add3A_1748 {strides = array<i32>} : memref<8192xi32, #tpu.memory_space<vmem>>, vector<16xi32>,
      %add3A_1751 = vector.broadcast %add3A_1742 : i32 to vector<16xi32>
      %add3A_1752 = arith.addi %get3A_1116, %add3A_1751 : vector<16xi32>
      %swap3A_1753 = arith.index_cast %add3A_1746 : i32 to index
      %swap3A_1754 = tpu.vector_load %arg14[%swap3A_1753] {strides = array<i32>} : memref<8192xi32, #tpu.memory_space<vmem>>, vector<16xi32>,
      tpu.vector_store %arg14[%swap3A_1753], %add3A_1752 {strides = array<i32>} : memref<8192xi32, #tpu.memory_space<vmem>>, vector<16xi32>,
      %scan3A_1755 = arith.constant 0 : i32
      scf.yield %scan3A_1755 : i32
    }
    %scan3A_1123 = arith.constant 32 : i32
    %dma_start3A_1124 = arith.constant 0 : i32
    %dma_start3A_1125 = tpu.memref_slice %arg4[%dma_start3A_1124] : memref<32505856xi32, #tpu.memory_space<hbm>> -> memref<32505856xi32, #tpu.memory_space<hbm>>
    tpu.enqueue_indirect_dma source(%dma_start3A_1125 : memref<32505856xi32, #tpu.memory_space<hbm>>) target(%arg15 : memref<8192xi32, #tpu.memory_space<vmem>>) offsets(%arg13 : memref<8192xi32, #tpu.memory_space<vmem>>) semaphore(%arg20 : memref<!tpu.dma_semaphore, #tpu.memory_space<semaphore_mem>>)
    %dma_start3A_1126 = arith.constant 0 : i32
    %dma_start3A_1127 = tpu.memref_slice %arg5[%dma_start3A_1126] : memref<32505856xi32, #tpu.memory_space<hbm>> -> memref<32505856xi32, #tpu.memory_space<hbm>>
    tpu.enqueue_indirect_dma source(%dma_start3A_1127 : memref<32505856xi32, #tpu.memory_space<hbm>>) target(%arg16 : memref<8192xi32, #tpu.memory_space<vmem>>) offsets(%arg14 : memref<8192xi32, #tpu.memory_space<vmem>>) semaphore(%arg20 : memref<!tpu.dma_semaphore, #tpu.memory_space<semaphore_mem>>)
    %dma_wait3A_1128 = arith.constant 0 : i32
    %dma_wait3A_1129 = tpu.memref_slice %arg4[%dma_wait3A_1128] : memref<32505856xi32, #tpu.memory_space<hbm>> -> memref<32505856xi32, #tpu.memory_space<hbm>>
    tpu.wait_indirect_dma semaphore(%arg20 : memref<!tpu.dma_semaphore, #tpu.memory_space<semaphore_mem>>) src(%dma_wait3A_1129 : memref<32505856xi32, #tpu.memory_space<hbm>>) dst(%arg15 : memref<8192xi32, #tpu.memory_space<vmem>>)
    %dma_wait3A_1130 = arith.constant 0 : i32
    %dma_wait3A_1131 = tpu.memref_slice %arg5[%dma_wait3A_1130] : memref<32505856xi32, #tpu.memory_space<hbm>> -> memref<32505856xi32, #tpu.memory_space<hbm>>
    tpu.wait_indirect_dma semaphore(%arg20 : memref<!tpu.dma_semaphore, #tpu.memory_space<semaphore_mem>>) src(%dma_wait3A_1131 : memref<32505856xi32, #tpu.memory_space<hbm>>) dst(%arg16 : memref<8192xi32, #tpu.memory_space<vmem>>)
    %get3A_1132 = arith.constant 0 : index
    %get3A_1133 = tpu.vector_load %arg17[%get3A_1132] {strides = array<i32>} : memref<512xf32, #tpu.memory_space<vmem>>, vector<16xf32>,
    %get3A_1134 = arith.constant 0 : index
    %get3A_1135 = tpu.vector_load %arg18[%get3A_1134] {strides = array<i32>} : memref<512xf32, #tpu.memory_space<vmem>>, vector<16xf32>,
    %add3A_1136 = arith.addf %get3A_1133, %get3A_1135 : vector<16xf32>
    %scan3A_1137 = arith.constant 0 : i32
    %scan3A_1138 = arith.constant 32 : i32
    %scan3A_1139 = arith.addi %scan3A_1137, %scan3A_1138 : i32
    %scan3A_1140 = arith.constant 1 : i32
    %scan3A_1141 = scf.for %scan3A_1732 = %scan3A_1137 to %scan3A_1139 step %scan3A_1140 iter_args(%scan3A_1733 = %add3A_1136) -> (vector<16xf32>)  : i32 {
      %mul3A_1734 = arith.constant 16 : i32
      %mul3A_1735 = arith.muli %scan3A_1732, %mul3A_1734 : i32
      %add3A_1736 = arith.constant 0 : i32
      %add3A_1737 = arith.addi %add3A_1736, %mul3A_1735 : i32
      %get3A_1738 = arith.index_cast %add3A_1737 : i32 to index
      %get3A_1739 = tpu.vector_load %arg15[%get3A_1738] {strides = array<i32>} : memref<8192xi32, #tpu.memory_space<vmem>>, vector<16xi32>,
      %get3A_1740 = arith.index_cast %add3A_1737 : i32 to index
      %get3A_1741 = tpu.vector_load %arg16[%get3A_1740] {strides = array<i32>} : memref<8192xi32, #tpu.memory_space<vmem>>, vector<16xi32>,
      %and3A_1742 = arith.constant -65536 : i32
      %and3A_1743 = vector.broadcast %and3A_1742 : i32 to vector<16xi32>
      %and3A_1744 = arith.andi %get3A_1739, %and3A_1743 : vector<16xi32>
      %bitcast3A = vector.bitcast %and3A_1744 : vector<16xi32> to vector<16xf32>
      %and3A_1745 = arith.constant -65536 : i32
      %and3A_1746 = vector.broadcast %and3A_1745 : i32 to vector<16xi32>
      %and3A_1747 = arith.andi %get3A_1741, %and3A_1746 : vector<16xi32>
      %bitcast3A_1748 = vector.bitcast %and3A_1747 : vector<16xi32> to vector<16xf32>
      %shift_left3A = arith.constant 16 : i32
      %shift_left3A_1749 = vector.broadcast %shift_left3A : i32 to vector<16xi32>
      %shift_left3A_1750 = arith.shli %get3A_1739, %shift_left3A_1749 : vector<16xi32>
      %bitcast3A_1751 = vector.bitcast %shift_left3A_1750 : vector<16xi32> to vector<16xf32>
      %shift_left3A_1752 = arith.constant 16 : i32
      %shift_left3A_1753 = vector.broadcast %shift_left3A_1752 : i32 to vector<16xi32>
      %shift_left3A_1754 = arith.shli %get3A_1741, %shift_left3A_1753 : vector<16xi32>
      %bitcast3A_1755 = vector.bitcast %shift_left3A_1754 : vector<16xi32> to vector<16xf32>
      %mul3A_1756 = arith.mulf %bitcast3A, %bitcast3A_1748 : vector<16xf32>
      %add3A_1757 = arith.addf %scan3A_1733, %mul3A_1756 : vector<16xf32>
      %mul3A_1758 = arith.mulf %bitcast3A_1751, %bitcast3A_1755 : vector<16xf32>
      %add3A_1759 = arith.addf %add3A_1757, %mul3A_1758 : vector<16xf32>
      scf.yield %add3A_1759 : vector<16xf32>
    }
    %scan3A_1142 = arith.constant 32 : i32
    %swap3A_1143 = arith.constant 0 : index
    %swap3A_1144 = tpu.vector_load %arg19[%swap3A_1143] {strides = array<i32>} : memref<512xf32, #tpu.memory_space<vmem>>, vector<16xf32>,
    tpu.vector_store %arg19[%swap3A_1143], %scan3A_1141 {strides = array<i32>} : memref<512xf32, #tpu.memory_space<vmem>>, vector<16xf32>,
    %get3A_1145 = arith.constant 16 : index
    %get3A_1146 = tpu.vector_load %arg17[%get3A_1145] {strides = array<i32>} : memref<512xf32, #tpu.memory_space<vmem>>, vector<16xf32>,
    %get3A_1147 = arith.constant 16 : index
    %get3A_1148 = tpu.vector_load %arg18[%get3A_1147] {strides = array<i32>} : memref<512xf32, #tpu.memory_space<vmem>>, vector<16xf32>,
    %add3A_1149 = arith.addf %get3A_1146, %get3A_1148 : vector<16xf32>
    %scan3A_1150 = arith.constant 0 : i32
    %scan3A_1151 = arith.constant 32 : i32
    %scan3A_1152 = arith.addi %scan3A_1150, %scan3A_1151 : i32
    %scan3A_1153 = arith.constant 1 : i32
    %scan3A_1154 = scf.for %scan3A_1732 = %scan3A_1150 to %scan3A_1152 step %scan3A_1153 iter_args(%scan3A_1733 = %add3A_1149) -> (vector<16xf32>)  : i32 {
      %mul3A_1734 = arith.constant 16 : i32
      %mul3A_1735 = arith.muli %scan3A_1732, %mul3A_1734 : i32
      %add3A_1736 = arith.constant 512 : i32
      %add3A_1737 = arith.addi %add3A_1736, %mul3A_1735 : i32
      %get3A_1738 = arith.index_cast %add3A_1737 : i32 to index
      %get3A_1739 = tpu.vector_load %arg15[%get3A_1738] {strides = array<i32>} : memref<8192xi32, #tpu.memory_space<vmem>>, vector<16xi32>,
      %get3A_1740 = arith.index_cast %add3A_1737 : i32 to index
      %get3A_1741 = tpu.vector_load %arg16[%get3A_1740] {strides = array<i32>} : memref<8192xi32, #tpu.memory_space<vmem>>, vector<16xi32>,
      %and3A_1742 = arith.constant -65536 : i32
      %and3A_1743 = vector.broadcast %and3A_1742 : i32 to vector<16xi32>
      %and3A_1744 = arith.andi %get3A_1739, %and3A_1743 : vector<16xi32>
      %bitcast3A = vector.bitcast %and3A_1744 : vector<16xi32> to vector<16xf32>
      %and3A_1745 = arith.constant -65536 : i32
      %and3A_1746 = vector.broadcast %and3A_1745 : i32 to vector<16xi32>
      %and3A_1747 = arith.andi %get3A_1741, %and3A_1746 : vector<16xi32>
      %bitcast3A_1748 = vector.bitcast %and3A_1747 : vector<16xi32> to vector<16xf32>
      %shift_left3A = arith.constant 16 : i32
      %shift_left3A_1749 = vector.broadcast %shift_left3A : i32 to vector<16xi32>
      %shift_left3A_1750 = arith.shli %get3A_1739, %shift_left3A_1749 : vector<16xi32>
      %bitcast3A_1751 = vector.bitcast %shift_left3A_1750 : vector<16xi32> to vector<16xf32>
      %shift_left3A_1752 = arith.constant 16 : i32
      %shift_left3A_1753 = vector.broadcast %shift_left3A_1752 : i32 to vector<16xi32>
      %shift_left3A_1754 = arith.shli %get3A_1741, %shift_left3A_1753 : vector<16xi32>
      %bitcast3A_1755 = vector.bitcast %shift_left3A_1754 : vector<16xi32> to vector<16xf32>
      %mul3A_1756 = arith.mulf %bitcast3A, %bitcast3A_1748 : vector<16xf32>
      %add3A_1757 = arith.addf %scan3A_1733, %mul3A_1756 : vector<16xf32>
      %mul3A_1758 = arith.mulf %bitcast3A_1751, %bitcast3A_1755 : vector<16xf32>
      %add3A_1759 = arith.addf %add3A_1757, %mul3A_1758 : vector<16xf32>
      scf.yield %add3A_1759 : vector<16xf32>
    }
    %scan3A_1155 = arith.constant 32 : i32
    %swap3A_1156 = arith.constant 16 : index
    %swap3A_1157 = tpu.vector_load %arg19[%swap3A_1156] {strides = array<i32>} : memref<512xf32, #tpu.memory_space<vmem>>, vector<16xf32>,
    tpu.vector_store %arg19[%swap3A_1156], %scan3A_1154 {strides = array<i32>} : memref<512xf32, #tpu.memory_space<vmem>>, vector<16xf32>,
    %get3A_1158 = arith.constant 32 : index
    %get3A_1159 = tpu.vector_load %arg17[%get3A_1158] {strides = array<i32>} : memref<512xf32, #tpu.memory_space<vmem>>, vector<16xf32>,
    %get3A_1160 = arith.constant 32 : index
    %get3A_1161 = tpu.vector_load %arg18[%get3A_1160] {strides = array<i32>} : memref<512xf32, #tpu.memory_space<vmem>>, vector<16xf32>,
    %add3A_1162 = arith.addf %get3A_1159, %get3A_1161 : vector<16xf32>
    %scan3A_1163 = arith.constant 0 : i32
    %scan3A_1164 = arith.constant 32 : i32
    %scan3A_1165 = arith.addi %scan3A_1163, %scan3A_1164 : i32
    %scan3A_1166 = arith.constant 1 : i32
    %scan3A_1167 = scf.for %scan3A_1732 = %scan3A_1163 to %scan3A_1165 step %scan3A_1166 iter_args(%scan3A_1733 = %add3A_1162) -> (vector<16xf32>)  : i32 {
      %mul3A_1734 = arith.constant 16 : i32
      %mul3A_1735 = arith.muli %scan3A_1732, %mul3A_1734 : i32
      %add3A_1736 = arith.constant 1024 : i32
      %add3A_1737 = arith.addi %add3A_1736, %mul3A_1735 : i32
      %get3A_1738 = arith.index_cast %add3A_1737 : i32 to index
      %get3A_1739 = tpu.vector_load %arg15[%get3A_1738] {strides = array<i32>} : memref<8192xi32, #tpu.memory_space<vmem>>, vector<16xi32>,
      %get3A_1740 = arith.index_cast %add3A_1737 : i32 to index
      %get3A_1741 = tpu.vector_load %arg16[%get3A_1740] {strides = array<i32>} : memref<8192xi32, #tpu.memory_space<vmem>>, vector<16xi32>,
      %and3A_1742 = arith.constant -65536 : i32
      %and3A_1743 = vector.broadcast %and3A_1742 : i32 to vector<16xi32>
      %and3A_1744 = arith.andi %get3A_1739, %and3A_1743 : vector<16xi32>
      %bitcast3A = vector.bitcast %and3A_1744 : vector<16xi32> to vector<16xf32>
      %and3A_1745 = arith.constant -65536 : i32
      %and3A_1746 = vector.broadcast %and3A_1745 : i32 to vector<16xi32>
      %and3A_1747 = arith.andi %get3A_1741, %and3A_1746 : vector<16xi32>
      %bitcast3A_1748 = vector.bitcast %and3A_1747 : vector<16xi32> to vector<16xf32>
      %shift_left3A = arith.constant 16 : i32
      %shift_left3A_1749 = vector.broadcast %shift_left3A : i32 to vector<16xi32>
      %shift_left3A_1750 = arith.shli %get3A_1739, %shift_left3A_1749 : vector<16xi32>
      %bitcast3A_1751 = vector.bitcast %shift_left3A_1750 : vector<16xi32> to vector<16xf32>
      %shift_left3A_1752 = arith.constant 16 : i32
      %shift_left3A_1753 = vector.broadcast %shift_left3A_1752 : i32 to vector<16xi32>
      %shift_left3A_1754 = arith.shli %get3A_1741, %shift_left3A_1753 : vector<16xi32>
      %bitcast3A_1755 = vector.bitcast %shift_left3A_1754 : vector<16xi32> to vector<16xf32>
      %mul3A_1756 = arith.mulf %bitcast3A, %bitcast3A_1748 : vector<16xf32>
      %add3A_1757 = arith.addf %scan3A_1733, %mul3A_1756 : vector<16xf32>
      %mul3A_1758 = arith.mulf %bitcast3A_1751, %bitcast3A_1755 : vector<16xf32>
      %add3A_1759 = arith.addf %add3A_1757, %mul3A_1758 : vector<16xf32>
      scf.yield %add3A_1759 : vector<16xf32>
    }
    %scan3A_1168 = arith.constant 32 : i32
    %swap3A_1169 = arith.constant 32 : index
    %swap3A_1170 = tpu.vector_load %arg19[%swap3A_1169] {strides = array<i32>} : memref<512xf32, #tpu.memory_space<vmem>>, vector<16xf32>,
    tpu.vector_store %arg19[%swap3A_1169], %scan3A_1167 {strides = array<i32>} : memref<512xf32, #tpu.memory_space<vmem>>, vector<16xf32>,
    %get3A_1171 = arith.constant 48 : index
    %get3A_1172 = tpu.vector_load %arg17[%get3A_1171] {strides = array<i32>} : memref<512xf32, #tpu.memory_space<vmem>>, vector<16xf32>,
    %get3A_1173 = arith.constant 48 : index
    %get3A_1174 = tpu.vector_load %arg18[%get3A_1173] {strides = array<i32>} : memref<512xf32, #tpu.memory_space<vmem>>, vector<16xf32>,
    %add3A_1175 = arith.addf %get3A_1172, %get3A_1174 : vector<16xf32>
    %scan3A_1176 = arith.constant 0 : i32
    %scan3A_1177 = arith.constant 32 : i32
    %scan3A_1178 = arith.addi %scan3A_1176, %scan3A_1177 : i32
    %scan3A_1179 = arith.constant 1 : i32
    %scan3A_1180 = scf.for %scan3A_1732 = %scan3A_1176 to %scan3A_1178 step %scan3A_1179 iter_args(%scan3A_1733 = %add3A_1175) -> (vector<16xf32>)  : i32 {
      %mul3A_1734 = arith.constant 16 : i32
      %mul3A_1735 = arith.muli %scan3A_1732, %mul3A_1734 : i32
      %add3A_1736 = arith.constant 1536 : i32
      %add3A_1737 = arith.addi %add3A_1736, %mul3A_1735 : i32
      %get3A_1738 = arith.index_cast %add3A_1737 : i32 to index
      %get3A_1739 = tpu.vector_load %arg15[%get3A_1738] {strides = array<i32>} : memref<8192xi32, #tpu.memory_space<vmem>>, vector<16xi32>,
      %get3A_1740 = arith.index_cast %add3A_1737 : i32 to index
      %get3A_1741 = tpu.vector_load %arg16[%get3A_1740] {strides = array<i32>} : memref<8192xi32, #tpu.memory_space<vmem>>, vector<16xi32>,
      %and3A_1742 = arith.constant -65536 : i32
      %and3A_1743 = vector.broadcast %and3A_1742 : i32 to vector<16xi32>
      %and3A_1744 = arith.andi %get3A_1739, %and3A_1743 : vector<16xi32>
      %bitcast3A = vector.bitcast %and3A_1744 : vector<16xi32> to vector<16xf32>
      %and3A_1745 = arith.constant -65536 : i32
      %and3A_1746 = vector.broadcast %and3A_1745 : i32 to vector<16xi32>
      %and3A_1747 = arith.andi %get3A_1741, %and3A_1746 : vector<16xi32>
      %bitcast3A_1748 = vector.bitcast %and3A_1747 : vector<16xi32> to vector<16xf32>
      %shift_left3A = arith.constant 16 : i32
      %shift_left3A_1749 = vector.broadcast %shift_left3A : i32 to vector<16xi32>
      %shift_left3A_1750 = arith.shli %get3A_1739, %shift_left3A_1749 : vector<16xi32>
      %bitcast3A_1751 = vector.bitcast %shift_left3A_1750 : vector<16xi32> to vector<16xf32>
      %shift_left3A_1752 = arith.constant 16 : i32
      %shift_left3A_1753 = vector.broadcast %shift_left3A_1752 : i32 to vector<16xi32>
      %shift_left3A_1754 = arith.shli %get3A_1741, %shift_left3A_1753 : vector<16xi32>
      %bitcast3A_1755 = vector.bitcast %shift_left3A_1754 : vector<16xi32> to vector<16xf32>
      %mul3A_1756 = arith.mulf %bitcast3A, %bitcast3A_1748 : vector<16xf32>
      %add3A_1757 = arith.addf %scan3A_1733, %mul3A_1756 : vector<16xf32>
      %mul3A_1758 = arith.mulf %bitcast3A_1751, %bitcast3A_1755 : vector<16xf32>
      %add3A_1759 = arith.addf %add3A_1757, %mul3A_1758 : vector<16xf32>
      scf.yield %add3A_1759 : vector<16xf32>
    }
    %scan3A_1181 = arith.constant 32 : i32
    %swap3A_1182 = arith.constant 48 : index
    %swap3A_1183 = tpu.vector_load %arg19[%swap3A_1182] {strides = array<i32>} : memref<512xf32, #tpu.memory_space<vmem>>, vector<16xf32>,
    tpu.vector_store %arg19[%swap3A_1182], %scan3A_1180 {strides = array<i32>} : memref<512xf32, #tpu.memory_space<vmem>>, vector<16xf32>,
    %get3A_1184 = arith.constant 64 : index
    %get3A_1185 = tpu.vector_load %arg17[%get3A_1184] {strides = array<i32>} : memref<512xf32, #tpu.memory_space<vmem>>, vector<16xf32>,
    %get3A_1186 = arith.constant 64 : index
    %get3A_1187 = tpu.vector_load %arg18[%get3A_1186] {strides = array<i32>} : memref<512xf32, #tpu.memory_space<vmem>>, vector<16xf32>,
    %add3A_1188 = arith.addf %get3A_1185, %get3A_1187 : vector<16xf32>
    %scan3A_1189 = arith.constant 0 : i32
    %scan3A_1190 = arith.constant 32 : i32
    %scan3A_1191 = arith.addi %scan3A_1189, %scan3A_1190 : i32
    %scan3A_1192 = arith.constant 1 : i32
    %scan3A_1193 = scf.for %scan3A_1732 = %scan3A_1189 to %scan3A_1191 step %scan3A_1192 iter_args(%scan3A_1733 = %add3A_1188) -> (vector<16xf32>)  : i32 {
      %mul3A_1734 = arith.constant 16 : i32
      %mul3A_1735 = arith.muli %scan3A_1732, %mul3A_1734 : i32
      %add3A_1736 = arith.constant 2048 : i32
      %add3A_1737 = arith.addi %add3A_1736, %mul3A_1735 : i32
      %get3A_1738 = arith.index_cast %add3A_1737 : i32 to index
      %get3A_1739 = tpu.vector_load %arg15[%get3A_1738] {strides = array<i32>} : memref<8192xi32, #tpu.memory_space<vmem>>, vector<16xi32>,
      %get3A_1740 = arith.index_cast %add3A_1737 : i32 to index
      %get3A_1741 = tpu.vector_load %arg16[%get3A_1740] {strides = array<i32>} : memref<8192xi32, #tpu.memory_space<vmem>>, vector<16xi32>,
      %and3A_1742 = arith.constant -65536 : i32
      %and3A_1743 = vector.broadcast %and3A_1742 : i32 to vector<16xi32>
      %and3A_1744 = arith.andi %get3A_1739, %and3A_1743 : vector<16xi32>
      %bitcast3A = vector.bitcast %and3A_1744 : vector<16xi32> to vector<16xf32>
      %and3A_1745 = arith.constant -65536 : i32
      %and3A_1746 = vector.broadcast %and3A_1745 : i32 to vector<16xi32>
      %and3A_1747 = arith.andi %get3A_1741, %and3A_1746 : vector<16xi32>
      %bitcast3A_1748 = vector.bitcast %and3A_1747 : vector<16xi32> to vector<16xf32>
      %shift_left3A = arith.constant 16 : i32
      %shift_left3A_1749 = vector.broadcast %shift_left3A : i32 to vector<16xi32>
      %shift_left3A_1750 = arith.shli %get3A_1739, %shift_left3A_1749 : vector<16xi32>
      %bitcast3A_1751 = vector.bitcast %shift_left3A_1750 : vector<16xi32> to vector<16xf32>
      %shift_left3A_1752 = arith.constant 16 : i32
      %shift_left3A_1753 = vector.broadcast %shift_left3A_1752 : i32 to vector<16xi32>
      %shift_left3A_1754 = arith.shli %get3A_1741, %shift_left3A_1753 : vector<16xi32>
      %bitcast3A_1755 = vector.bitcast %shift_left3A_1754 : vector<16xi32> to vector<16xf32>
      %mul3A_1756 = arith.mulf %bitcast3A, %bitcast3A_1748 : vector<16xf32>
      %add3A_1757 = arith.addf %scan3A_1733, %mul3A_1756 : vector<16xf32>
      %mul3A_1758 = arith.mulf %bitcast3A_1751, %bitcast3A_1755 : vector<16xf32>
      %add3A_1759 = arith.addf %add3A_1757, %mul3A_1758 : vector<16xf32>
      scf.yield %add3A_1759 : vector<16xf32>
    }
    %scan3A_1194 = arith.constant 32 : i32
    %swap3A_1195 = arith.constant 64 : index
    %swap3A_1196 = tpu.vector_load %arg19[%swap3A_1195] {strides = array<i32>} : memref<512xf32, #tpu.memory_space<vmem>>, vector<16xf32>,
    tpu.vector_store %arg19[%swap3A_1195], %scan3A_1193 {strides = array<i32>} : memref<512xf32, #tpu.memory_space<vmem>>, vector<16xf32>,
    %get3A_1197 = arith.constant 80 : index
    %get3A_1198 = tpu.vector_load %arg17[%get3A_1197] {strides = array<i32>} : memref<512xf32, #tpu.memory_space<vmem>>, vector<16xf32>,
    %get3A_1199 = arith.constant 80 : index
    %get3A_1200 = tpu.vector_load %arg18[%get3A_1199] {strides = array<i32>} : memref<512xf32, #tpu.memory_space<vmem>>, vector<16xf32>,
    %add3A_1201 = arith.addf %get3A_1198, %get3A_1200 : vector<16xf32>
    %scan3A_1202 = arith.constant 0 : i32
    %scan3A_1203 = arith.constant 32 : i32
    %scan3A_1204 = arith.addi %scan3A_1202, %scan3A_1203 : i32
    %scan3A_1205 = arith.constant 1 : i32
    %scan3A_1206 = scf.for %scan3A_1732 = %scan3A_1202 to %scan3A_1204 step %scan3A_1205 iter_args(%scan3A_1733 = %add3A_1201) -> (vector<16xf32>)  : i32 {
      %mul3A_1734 = arith.constant 16 : i32
      %mul3A_1735 = arith.muli %scan3A_1732, %mul3A_1734 : i32
      %add3A_1736 = arith.constant 2560 : i32
      %add3A_1737 = arith.addi %add3A_1736, %mul3A_1735 : i32
      %get3A_1738 = arith.index_cast %add3A_1737 : i32 to index
      %get3A_1739 = tpu.vector_load %arg15[%get3A_1738] {strides = array<i32>} : memref<8192xi32, #tpu.memory_space<vmem>>, vector<16xi32>,
      %get3A_1740 = arith.index_cast %add3A_1737 : i32 to index
      %get3A_1741 = tpu.vector_load %arg16[%get3A_1740] {strides = array<i32>} : memref<8192xi32, #tpu.memory_space<vmem>>, vector<16xi32>,
      %and3A_1742 = arith.constant -65536 : i32
      %and3A_1743 = vector.broadcast %and3A_1742 : i32 to vector<16xi32>
      %and3A_1744 = arith.andi %get3A_1739, %and3A_1743 : vector<16xi32>
      %bitcast3A = vector.bitcast %and3A_1744 : vector<16xi32> to vector<16xf32>
      %and3A_1745 = arith.constant -65536 : i32
      %and3A_1746 = vector.broadcast %and3A_1745 : i32 to vector<16xi32>
      %and3A_1747 = arith.andi %get3A_1741, %and3A_1746 : vector<16xi32>
      %bitcast3A_1748 = vector.bitcast %and3A_1747 : vector<16xi32> to vector<16xf32>
      %shift_left3A = arith.constant 16 : i32
      %shift_left3A_1749 = vector.broadcast %shift_left3A : i32 to vector<16xi32>
      %shift_left3A_1750 = arith.shli %get3A_1739, %shift_left3A_1749 : vector<16xi32>
      %bitcast3A_1751 = vector.bitcast %shift_left3A_1750 : vector<16xi32> to vector<16xf32>
      %shift_left3A_1752 = arith.constant 16 : i32
      %shift_left3A_1753 = vector.broadcast %shift_left3A_1752 : i32 to vector<16xi32>
      %shift_left3A_1754 = arith.shli %get3A_1741, %shift_left3A_1753 : vector<16xi32>
      %bitcast3A_1755 = vector.bitcast %shift_left3A_1754 : vector<16xi32> to vector<16xf32>
      %mul3A_1756 = arith.mulf %bitcast3A, %bitcast3A_1748 : vector<16xf32>
      %add3A_1757 = arith.addf %scan3A_1733, %mul3A_1756 : vector<16xf32>
      %mul3A_1758 = arith.mulf %bitcast3A_1751, %bitcast3A_1755 : vector<16xf32>
      %add3A_1759 = arith.addf %add3A_1757, %mul3A_1758 : vector<16xf32>
      scf.yield %add3A_1759 : vector<16xf32>
    }
    %scan3A_1207 = arith.constant 32 : i32
    %swap3A_1208 = arith.constant 80 : index
    %swap3A_1209 = tpu.vector_load %arg19[%swap3A_1208] {strides = array<i32>} : memref<512xf32, #tpu.memory_space<vmem>>, vector<16xf32>,
    tpu.vector_store %arg19[%swap3A_1208], %scan3A_1206 {strides = array<i32>} : memref<512xf32, #tpu.memory_space<vmem>>, vector<16xf32>,
    %get3A_1210 = arith.constant 96 : index
    %get3A_1211 = tpu.vector_load %arg17[%get3A_1210] {strides = array<i32>} : memref<512xf32, #tpu.memory_space<vmem>>, vector<16xf32>,
    %get3A_1212 = arith.constant 96 : index
    %get3A_1213 = tpu.vector_load %arg18[%get3A_1212] {strides = array<i32>} : memref<512xf32, #tpu.memory_space<vmem>>, vector<16xf32>,
    %add3A_1214 = arith.addf %get3A_1211, %get3A_1213 : vector<16xf32>
    %scan3A_1215 = arith.constant 0 : i32
    %scan3A_1216 = arith.constant 32 : i32
    %scan3A_1217 = arith.addi %scan3A_1215, %scan3A_1216 : i32
    %scan3A_1218 = arith.constant 1 : i32
    %scan3A_1219 = scf.for %scan3A_1732 = %scan3A_1215 to %scan3A_1217 step %scan3A_1218 iter_args(%scan3A_1733 = %add3A_1214) -> (vector<16xf32>)  : i32 {
      %mul3A_1734 = arith.constant 16 : i32
      %mul3A_1735 = arith.muli %scan3A_1732, %mul3A_1734 : i32
      %add3A_1736 = arith.constant 3072 : i32
      %add3A_1737 = arith.addi %add3A_1736, %mul3A_1735 : i32
      %get3A_1738 = arith.index_cast %add3A_1737 : i32 to index
      %get3A_1739 = tpu.vector_load %arg15[%get3A_1738] {strides = array<i32>} : memref<8192xi32, #tpu.memory_space<vmem>>, vector<16xi32>,
      %get3A_1740 = arith.index_cast %add3A_1737 : i32 to index
      %get3A_1741 = tpu.vector_load %arg16[%get3A_1740] {strides = array<i32>} : memref<8192xi32, #tpu.memory_space<vmem>>, vector<16xi32>,
      %and3A_1742 = arith.constant -65536 : i32
      %and3A_1743 = vector.broadcast %and3A_1742 : i32 to vector<16xi32>
      %and3A_1744 = arith.andi %get3A_1739, %and3A_1743 : vector<16xi32>
      %bitcast3A = vector.bitcast %and3A_1744 : vector<16xi32> to vector<16xf32>
      %and3A_1745 = arith.constant -65536 : i32
      %and3A_1746 = vector.broadcast %and3A_1745 : i32 to vector<16xi32>
      %and3A_1747 = arith.andi %get3A_1741, %and3A_1746 : vector<16xi32>
      %bitcast3A_1748 = vector.bitcast %and3A_1747 : vector<16xi32> to vector<16xf32>
      %shift_left3A = arith.constant 16 : i32
      %shift_left3A_1749 = vector.broadcast %shift_left3A : i32 to vector<16xi32>
      %shift_left3A_1750 = arith.shli %get3A_1739, %shift_left3A_1749 : vector<16xi32>
      %bitcast3A_1751 = vector.bitcast %shift_left3A_1750 : vector<16xi32> to vector<16xf32>
      %shift_left3A_1752 = arith.constant 16 : i32
      %shift_left3A_1753 = vector.broadcast %shift_left3A_1752 : i32 to vector<16xi32>
      %shift_left3A_1754 = arith.shli %get3A_1741, %shift_left3A_1753 : vector<16xi32>
      %bitcast3A_1755 = vector.bitcast %shift_left3A_1754 : vector<16xi32> to vector<16xf32>
      %mul3A_1756 = arith.mulf %bitcast3A, %bitcast3A_1748 : vector<16xf32>
      %add3A_1757 = arith.addf %scan3A_1733, %mul3A_1756 : vector<16xf32>
      %mul3A_1758 = arith.mulf %bitcast3A_1751, %bitcast3A_1755 : vector<16xf32>
      %add3A_1759 = arith.addf %add3A_1757, %mul3A_1758 : vector<16xf32>
      scf.yield %add3A_1759 : vector<16xf32>
    }
    %scan3A_1220 = arith.constant 32 : i32
    %swap3A_1221 = arith.constant 96 : index
    %swap3A_1222 = tpu.vector_load %arg19[%swap3A_1221] {strides = array<i32>} : memref<512xf32, #tpu.memory_space<vmem>>, vector<16xf32>,
    tpu.vector_store %arg19[%swap3A_1221], %scan3A_1219 {strides = array<i32>} : memref<512xf32, #tpu.memory_space<vmem>>, vector<16xf32>,
    %get3A_1223 = arith.constant 112 : index
    %get3A_1224 = tpu.vector_load %arg17[%get3A_1223] {strides = array<i32>} : memref<512xf32, #tpu.memory_space<vmem>>, vector<16xf32>,
    %get3A_1225 = arith.constant 112 : index
    %get3A_1226 = tpu.vector_load %arg18[%get3A_1225] {strides = array<i32>} : memref<512xf32, #tpu.memory_space<vmem>>, vector<16xf32>,
    %add3A_1227 = arith.addf %get3A_1224, %get3A_1226 : vector<16xf32>
    %scan3A_1228 = arith.constant 0 : i32
    %scan3A_1229 = arith.constant 32 : i32
    %scan3A_1230 = arith.addi %scan3A_1228, %scan3A_1229 : i32
    %scan3A_1231 = arith.constant 1 : i32
    %scan3A_1232 = scf.for %scan3A_1732 = %scan3A_1228 to %scan3A_1230 step %scan3A_1231 iter_args(%scan3A_1733 = %add3A_1227) -> (vector<16xf32>)  : i32 {
      %mul3A_1734 = arith.constant 16 : i32
      %mul3A_1735 = arith.muli %scan3A_1732, %mul3A_1734 : i32
      %add3A_1736 = arith.constant 3584 : i32
      %add3A_1737 = arith.addi %add3A_1736, %mul3A_1735 : i32
      %get3A_1738 = arith.index_cast %add3A_1737 : i32 to index
      %get3A_1739 = tpu.vector_load %arg15[%get3A_1738] {strides = array<i32>} : memref<8192xi32, #tpu.memory_space<vmem>>, vector<16xi32>,
      %get3A_1740 = arith.index_cast %add3A_1737 : i32 to index
      %get3A_1741 = tpu.vector_load %arg16[%get3A_1740] {strides = array<i32>} : memref<8192xi32, #tpu.memory_space<vmem>>, vector<16xi32>,
      %and3A_1742 = arith.constant -65536 : i32
      %and3A_1743 = vector.broadcast %and3A_1742 : i32 to vector<16xi32>
      %and3A_1744 = arith.andi %get3A_1739, %and3A_1743 : vector<16xi32>
      %bitcast3A = vector.bitcast %and3A_1744 : vector<16xi32> to vector<16xf32>
      %and3A_1745 = arith.constant -65536 : i32
      %and3A_1746 = vector.broadcast %and3A_1745 : i32 to vector<16xi32>
      %and3A_1747 = arith.andi %get3A_1741, %and3A_1746 : vector<16xi32>
      %bitcast3A_1748 = vector.bitcast %and3A_1747 : vector<16xi32> to vector<16xf32>
      %shift_left3A = arith.constant 16 : i32
      %shift_left3A_1749 = vector.broadcast %shift_left3A : i32 to vector<16xi32>
      %shift_left3A_1750 = arith.shli %get3A_1739, %shift_left3A_1749 : vector<16xi32>
      %bitcast3A_1751 = vector.bitcast %shift_left3A_1750 : vector<16xi32> to vector<16xf32>
      %shift_left3A_1752 = arith.constant 16 : i32
      %shift_left3A_1753 = vector.broadcast %shift_left3A_1752 : i32 to vector<16xi32>
      %shift_left3A_1754 = arith.shli %get3A_1741, %shift_left3A_1753 : vector<16xi32>
      %bitcast3A_1755 = vector.bitcast %shift_left3A_1754 : vector<16xi32> to vector<16xf32>
      %mul3A_1756 = arith.mulf %bitcast3A, %bitcast3A_1748 : vector<16xf32>
      %add3A_1757 = arith.addf %scan3A_1733, %mul3A_1756 : vector<16xf32>
      %mul3A_1758 = arith.mulf %bitcast3A_1751, %bitcast3A_1755 : vector<16xf32>
      %add3A_1759 = arith.addf %add3A_1757, %mul3A_1758 : vector<16xf32>
      scf.yield %add3A_1759 : vector<16xf32>
    }
    %scan3A_1233 = arith.constant 32 : i32
    %swap3A_1234 = arith.constant 112 : index
    %swap3A_1235 = tpu.vector_load %arg19[%swap3A_1234] {strides = array<i32>} : memref<512xf32, #tpu.memory_space<vmem>>, vector<16xf32>,
    tpu.vector_store %arg19[%swap3A_1234], %scan3A_1232 {strides = array<i32>} : memref<512xf32, #tpu.memory_space<vmem>>, vector<16xf32>,
    %get3A_1236 = arith.constant 128 : index
    %get3A_1237 = tpu.vector_load %arg17[%get3A_1236] {strides = array<i32>} : memref<512xf32, #tpu.memory_space<vmem>>, vector<16xf32>,
    %get3A_1238 = arith.constant 128 : index
    %get3A_1239 = tpu.vector_load %arg18[%get3A_1238] {strides = array<i32>} : memref<512xf32, #tpu.memory_space<vmem>>, vector<16xf32>,
    %add3A_1240 = arith.addf %get3A_1237, %get3A_1239 : vector<16xf32>
    %scan3A_1241 = arith.constant 0 : i32
    %scan3A_1242 = arith.constant 32 : i32
    %scan3A_1243 = arith.addi %scan3A_1241, %scan3A_1242 : i32
    %scan3A_1244 = arith.constant 1 : i32
    %scan3A_1245 = scf.for %scan3A_1732 = %scan3A_1241 to %scan3A_1243 step %scan3A_1244 iter_args(%scan3A_1733 = %add3A_1240) -> (vector<16xf32>)  : i32 {
      %mul3A_1734 = arith.constant 16 : i32
      %mul3A_1735 = arith.muli %scan3A_1732, %mul3A_1734 : i32
      %add3A_1736 = arith.constant 4096 : i32
      %add3A_1737 = arith.addi %add3A_1736, %mul3A_1735 : i32
      %get3A_1738 = arith.index_cast %add3A_1737 : i32 to index
      %get3A_1739 = tpu.vector_load %arg15[%get3A_1738] {strides = array<i32>} : memref<8192xi32, #tpu.memory_space<vmem>>, vector<16xi32>,
      %get3A_1740 = arith.index_cast %add3A_1737 : i32 to index
      %get3A_1741 = tpu.vector_load %arg16[%get3A_1740] {strides = array<i32>} : memref<8192xi32, #tpu.memory_space<vmem>>, vector<16xi32>,
      %and3A_1742 = arith.constant -65536 : i32
      %and3A_1743 = vector.broadcast %and3A_1742 : i32 to vector<16xi32>
      %and3A_1744 = arith.andi %get3A_1739, %and3A_1743 : vector<16xi32>
      %bitcast3A = vector.bitcast %and3A_1744 : vector<16xi32> to vector<16xf32>
      %and3A_1745 = arith.constant -65536 : i32
      %and3A_1746 = vector.broadcast %and3A_1745 : i32 to vector<16xi32>
      %and3A_1747 = arith.andi %get3A_1741, %and3A_1746 : vector<16xi32>
      %bitcast3A_1748 = vector.bitcast %and3A_1747 : vector<16xi32> to vector<16xf32>
      %shift_left3A = arith.constant 16 : i32
      %shift_left3A_1749 = vector.broadcast %shift_left3A : i32 to vector<16xi32>
      %shift_left3A_1750 = arith.shli %get3A_1739, %shift_left3A_1749 : vector<16xi32>
      %bitcast3A_1751 = vector.bitcast %shift_left3A_1750 : vector<16xi32> to vector<16xf32>
      %shift_left3A_1752 = arith.constant 16 : i32
      %shift_left3A_1753 = vector.broadcast %shift_left3A_1752 : i32 to vector<16xi32>
      %shift_left3A_1754 = arith.shli %get3A_1741, %shift_left3A_1753 : vector<16xi32>
      %bitcast3A_1755 = vector.bitcast %shift_left3A_1754 : vector<16xi32> to vector<16xf32>
      %mul3A_1756 = arith.mulf %bitcast3A, %bitcast3A_1748 : vector<16xf32>
      %add3A_1757 = arith.addf %scan3A_1733, %mul3A_1756 : vector<16xf32>
      %mul3A_1758 = arith.mulf %bitcast3A_1751, %bitcast3A_1755 : vector<16xf32>
      %add3A_1759 = arith.addf %add3A_1757, %mul3A_1758 : vector<16xf32>
      scf.yield %add3A_1759 : vector<16xf32>
    }
    %scan3A_1246 = arith.constant 32 : i32
    %swap3A_1247 = arith.constant 128 : index
    %swap3A_1248 = tpu.vector_load %arg19[%swap3A_1247] {strides = array<i32>} : memref<512xf32, #tpu.memory_space<vmem>>, vector<16xf32>,
    tpu.vector_store %arg19[%swap3A_1247], %scan3A_1245 {strides = array<i32>} : memref<512xf32, #tpu.memory_space<vmem>>, vector<16xf32>,
    %get3A_1249 = arith.constant 144 : index
    %get3A_1250 = tpu.vector_load %arg17[%get3A_1249] {strides = array<i32>} : memref<512xf32, #tpu.memory_space<vmem>>, vector<16xf32>,
    %get3A_1251 = arith.constant 144 : index
    %get3A_1252 = tpu.vector_load %arg18[%get3A_1251] {strides = array<i32>} : memref<512xf32, #tpu.memory_space<vmem>>, vector<16xf32>,
    %add3A_1253 = arith.addf %get3A_1250, %get3A_1252 : vector<16xf32>
    %scan3A_1254 = arith.constant 0 : i32
    %scan3A_1255 = arith.constant 32 : i32
    %scan3A_1256 = arith.addi %scan3A_1254, %scan3A_1255 : i32
    %scan3A_1257 = arith.constant 1 : i32
    %scan3A_1258 = scf.for %scan3A_1732 = %scan3A_1254 to %scan3A_1256 step %scan3A_1257 iter_args(%scan3A_1733 = %add3A_1253) -> (vector<16xf32>)  : i32 {
      %mul3A_1734 = arith.constant 16 : i32
      %mul3A_1735 = arith.muli %scan3A_1732, %mul3A_1734 : i32
      %add3A_1736 = arith.constant 4608 : i32
      %add3A_1737 = arith.addi %add3A_1736, %mul3A_1735 : i32
      %get3A_1738 = arith.index_cast %add3A_1737 : i32 to index
      %get3A_1739 = tpu.vector_load %arg15[%get3A_1738] {strides = array<i32>} : memref<8192xi32, #tpu.memory_space<vmem>>, vector<16xi32>,
      %get3A_1740 = arith.index_cast %add3A_1737 : i32 to index
      %get3A_1741 = tpu.vector_load %arg16[%get3A_1740] {strides = array<i32>} : memref<8192xi32, #tpu.memory_space<vmem>>, vector<16xi32>,
      %and3A_1742 = arith.constant -65536 : i32
      %and3A_1743 = vector.broadcast %and3A_1742 : i32 to vector<16xi32>
      %and3A_1744 = arith.andi %get3A_1739, %and3A_1743 : vector<16xi32>
      %bitcast3A = vector.bitcast %and3A_1744 : vector<16xi32> to vector<16xf32>
      %and3A_1745 = arith.constant -65536 : i32
      %and3A_1746 = vector.broadcast %and3A_1745 : i32 to vector<16xi32>
      %and3A_1747 = arith.andi %get3A_1741, %and3A_1746 : vector<16xi32>
      %bitcast3A_1748 = vector.bitcast %and3A_1747 : vector<16xi32> to vector<16xf32>
      %shift_left3A = arith.constant 16 : i32
      %shift_left3A_1749 = vector.broadcast %shift_left3A : i32 to vector<16xi32>
      %shift_left3A_1750 = arith.shli %get3A_1739, %shift_left3A_1749 : vector<16xi32>
      %bitcast3A_1751 = vector.bitcast %shift_left3A_1750 : vector<16xi32> to vector<16xf32>
      %shift_left3A_1752 = arith.constant 16 : i32
      %shift_left3A_1753 = vector.broadcast %shift_left3A_1752 : i32 to vector<16xi32>
      %shift_left3A_1754 = arith.shli %get3A_1741, %shift_left3A_1753 : vector<16xi32>
      %bitcast3A_1755 = vector.bitcast %shift_left3A_1754 : vector<16xi32> to vector<16xf32>
      %mul3A_1756 = arith.mulf %bitcast3A, %bitcast3A_1748 : vector<16xf32>
      %add3A_1757 = arith.addf %scan3A_1733, %mul3A_1756 : vector<16xf32>
      %mul3A_1758 = arith.mulf %bitcast3A_1751, %bitcast3A_1755 : vector<16xf32>
      %add3A_1759 = arith.addf %add3A_1757, %mul3A_1758 : vector<16xf32>
      scf.yield %add3A_1759 : vector<16xf32>
    }
    %scan3A_1259 = arith.constant 32 : i32
    %swap3A_1260 = arith.constant 144 : index
    %swap3A_1261 = tpu.vector_load %arg19[%swap3A_1260] {strides = array<i32>} : memref<512xf32, #tpu.memory_space<vmem>>, vector<16xf32>,
    tpu.vector_store %arg19[%swap3A_1260], %scan3A_1258 {strides = array<i32>} : memref<512xf32, #tpu.memory_space<vmem>>, vector<16xf32>,
    %get3A_1262 = arith.constant 160 : index
    %get3A_1263 = tpu.vector_load %arg17[%get3A_1262] {strides = array<i32>} : memref<512xf32, #tpu.memory_space<vmem>>, vector<16xf32>,
    %get3A_1264 = arith.constant 160 : index
    %get3A_1265 = tpu.vector_load %arg18[%get3A_1264] {strides = array<i32>} : memref<512xf32, #tpu.memory_space<vmem>>, vector<16xf32>,
    %add3A_1266 = arith.addf %get3A_1263, %get3A_1265 : vector<16xf32>
    %scan3A_1267 = arith.constant 0 : i32
    %scan3A_1268 = arith.constant 32 : i32
    %scan3A_1269 = arith.addi %scan3A_1267, %scan3A_1268 : i32
    %scan3A_1270 = arith.constant 1 : i32
    %scan3A_1271 = scf.for %scan3A_1732 = %scan3A_1267 to %scan3A_1269 step %scan3A_1270 iter_args(%scan3A_1733 = %add3A_1266) -> (vector<16xf32>)  : i32 {
      %mul3A_1734 = arith.constant 16 : i32
      %mul3A_1735 = arith.muli %scan3A_1732, %mul3A_1734 : i32
      %add3A_1736 = arith.constant 5120 : i32
      %add3A_1737 = arith.addi %add3A_1736, %mul3A_1735 : i32
      %get3A_1738 = arith.index_cast %add3A_1737 : i32 to index
      %get3A_1739 = tpu.vector_load %arg15[%get3A_1738] {strides = array<i32>} : memref<8192xi32, #tpu.memory_space<vmem>>, vector<16xi32>,
      %get3A_1740 = arith.index_cast %add3A_1737 : i32 to index
      %get3A_1741 = tpu.vector_load %arg16[%get3A_1740] {strides = array<i32>} : memref<8192xi32, #tpu.memory_space<vmem>>, vector<16xi32>,
      %and3A_1742 = arith.constant -65536 : i32
      %and3A_1743 = vector.broadcast %and3A_1742 : i32 to vector<16xi32>
      %and3A_1744 = arith.andi %get3A_1739, %and3A_1743 : vector<16xi32>
      %bitcast3A = vector.bitcast %and3A_1744 : vector<16xi32> to vector<16xf32>
      %and3A_1745 = arith.constant -65536 : i32
      %and3A_1746 = vector.broadcast %and3A_1745 : i32 to vector<16xi32>
      %and3A_1747 = arith.andi %get3A_1741, %and3A_1746 : vector<16xi32>
      %bitcast3A_1748 = vector.bitcast %and3A_1747 : vector<16xi32> to vector<16xf32>
      %shift_left3A = arith.constant 16 : i32
      %shift_left3A_1749 = vector.broadcast %shift_left3A : i32 to vector<16xi32>
      %shift_left3A_1750 = arith.shli %get3A_1739, %shift_left3A_1749 : vector<16xi32>
      %bitcast3A_1751 = vector.bitcast %shift_left3A_1750 : vector<16xi32> to vector<16xf32>
      %shift_left3A_1752 = arith.constant 16 : i32
      %shift_left3A_1753 = vector.broadcast %shift_left3A_1752 : i32 to vector<16xi32>
      %shift_left3A_1754 = arith.shli %get3A_1741, %shift_left3A_1753 : vector<16xi32>
      %bitcast3A_1755 = vector.bitcast %shift_left3A_1754 : vector<16xi32> to vector<16xf32>
      %mul3A_1756 = arith.mulf %bitcast3A, %bitcast3A_1748 : vector<16xf32>
      %add3A_1757 = arith.addf %scan3A_1733, %mul3A_1756 : vector<16xf32>
      %mul3A_1758 = arith.mulf %bitcast3A_1751, %bitcast3A_1755 : vector<16xf32>
      %add3A_1759 = arith.addf %add3A_1757, %mul3A_1758 : vector<16xf32>
      scf.yield %add3A_1759 : vector<16xf32>
    }
    %scan3A_1272 = arith.constant 32 : i32
    %swap3A_1273 = arith.constant 160 : index
    %swap3A_1274 = tpu.vector_load %arg19[%swap3A_1273] {strides = array<i32>} : memref<512xf32, #tpu.memory_space<vmem>>, vector<16xf32>,
    tpu.vector_store %arg19[%swap3A_1273], %scan3A_1271 {strides = array<i32>} : memref<512xf32, #tpu.memory_space<vmem>>, vector<16xf32>,
    %get3A_1275 = arith.constant 176 : index
    %get3A_1276 = tpu.vector_load %arg17[%get3A_1275] {strides = array<i32>} : memref<512xf32, #tpu.memory_space<vmem>>, vector<16xf32>,
    %get3A_1277 = arith.constant 176 : index
    %get3A_1278 = tpu.vector_load %arg18[%get3A_1277] {strides = array<i32>} : memref<512xf32, #tpu.memory_space<vmem>>, vector<16xf32>,
    %add3A_1279 = arith.addf %get3A_1276, %get3A_1278 : vector<16xf32>
    %scan3A_1280 = arith.constant 0 : i32
    %scan3A_1281 = arith.constant 32 : i32
    %scan3A_1282 = arith.addi %scan3A_1280, %scan3A_1281 : i32
    %scan3A_1283 = arith.constant 1 : i32
    %scan3A_1284 = scf.for %scan3A_1732 = %scan3A_1280 to %scan3A_1282 step %scan3A_1283 iter_args(%scan3A_1733 = %add3A_1279) -> (vector<16xf32>)  : i32 {
      %mul3A_1734 = arith.constant 16 : i32
      %mul3A_1735 = arith.muli %scan3A_1732, %mul3A_1734 : i32
      %add3A_1736 = arith.constant 5632 : i32
      %add3A_1737 = arith.addi %add3A_1736, %mul3A_1735 : i32
      %get3A_1738 = arith.index_cast %add3A_1737 : i32 to index
      %get3A_1739 = tpu.vector_load %arg15[%get3A_1738] {strides = array<i32>} : memref<8192xi32, #tpu.memory_space<vmem>>, vector<16xi32>,
      %get3A_1740 = arith.index_cast %add3A_1737 : i32 to index
      %get3A_1741 = tpu.vector_load %arg16[%get3A_1740] {strides = array<i32>} : memref<8192xi32, #tpu.memory_space<vmem>>, vector<16xi32>,
      %and3A_1742 = arith.constant -65536 : i32
      %and3A_1743 = vector.broadcast %and3A_1742 : i32 to vector<16xi32>
      %and3A_1744 = arith.andi %get3A_1739, %and3A_1743 : vector<16xi32>
      %bitcast3A = vector.bitcast %and3A_1744 : vector<16xi32> to vector<16xf32>
      %and3A_1745 = arith.constant -65536 : i32
      %and3A_1746 = vector.broadcast %and3A_1745 : i32 to vector<16xi32>
      %and3A_1747 = arith.andi %get3A_1741, %and3A_1746 : vector<16xi32>
      %bitcast3A_1748 = vector.bitcast %and3A_1747 : vector<16xi32> to vector<16xf32>
      %shift_left3A = arith.constant 16 : i32
      %shift_left3A_1749 = vector.broadcast %shift_left3A : i32 to vector<16xi32>
      %shift_left3A_1750 = arith.shli %get3A_1739, %shift_left3A_1749 : vector<16xi32>
      %bitcast3A_1751 = vector.bitcast %shift_left3A_1750 : vector<16xi32> to vector<16xf32>
      %shift_left3A_1752 = arith.constant 16 : i32
      %shift_left3A_1753 = vector.broadcast %shift_left3A_1752 : i32 to vector<16xi32>
      %shift_left3A_1754 = arith.shli %get3A_1741, %shift_left3A_1753 : vector<16xi32>
      %bitcast3A_1755 = vector.bitcast %shift_left3A_1754 : vector<16xi32> to vector<16xf32>
      %mul3A_1756 = arith.mulf %bitcast3A, %bitcast3A_1748 : vector<16xf32>
      %add3A_1757 = arith.addf %scan3A_1733, %mul3A_1756 : vector<16xf32>
      %mul3A_1758 = arith.mulf %bitcast3A_1751, %bitcast3A_1755 : vector<16xf32>
      %add3A_1759 = arith.addf %add3A_1757, %mul3A_1758 : vector<16xf32>
      scf.yield %add3A_1759 : vector<16xf32>
    }
    %scan3A_1285 = arith.constant 32 : i32
    %swap3A_1286 = arith.constant 176 : index
    %swap3A_1287 = tpu.vector_load %arg19[%swap3A_1286] {strides = array<i32>} : memref<512xf32, #tpu.memory_space<vmem>>, vector<16xf32>,
    tpu.vector_store %arg19[%swap3A_1286], %scan3A_1284 {strides = array<i32>} : memref<512xf32, #tpu.memory_space<vmem>>, vector<16xf32>,
    %get3A_1288 = arith.constant 192 : index
    %get3A_1289 = tpu.vector_load %arg17[%get3A_1288] {strides = array<i32>} : memref<512xf32, #tpu.memory_space<vmem>>, vector<16xf32>,
    %get3A_1290 = arith.constant 192 : index
    %get3A_1291 = tpu.vector_load %arg18[%get3A_1290] {strides = array<i32>} : memref<512xf32, #tpu.memory_space<vmem>>, vector<16xf32>,
    %add3A_1292 = arith.addf %get3A_1289, %get3A_1291 : vector<16xf32>
    %scan3A_1293 = arith.constant 0 : i32
    %scan3A_1294 = arith.constant 32 : i32
    %scan3A_1295 = arith.addi %scan3A_1293, %scan3A_1294 : i32
    %scan3A_1296 = arith.constant 1 : i32
    %scan3A_1297 = scf.for %scan3A_1732 = %scan3A_1293 to %scan3A_1295 step %scan3A_1296 iter_args(%scan3A_1733 = %add3A_1292) -> (vector<16xf32>)  : i32 {
      %mul3A_1734 = arith.constant 16 : i32
      %mul3A_1735 = arith.muli %scan3A_1732, %mul3A_1734 : i32
      %add3A_1736 = arith.constant 6144 : i32
      %add3A_1737 = arith.addi %add3A_1736, %mul3A_1735 : i32
      %get3A_1738 = arith.index_cast %add3A_1737 : i32 to index
      %get3A_1739 = tpu.vector_load %arg15[%get3A_1738] {strides = array<i32>} : memref<8192xi32, #tpu.memory_space<vmem>>, vector<16xi32>,
      %get3A_1740 = arith.index_cast %add3A_1737 : i32 to index
      %get3A_1741 = tpu.vector_load %arg16[%get3A_1740] {strides = array<i32>} : memref<8192xi32, #tpu.memory_space<vmem>>, vector<16xi32>,
      %and3A_1742 = arith.constant -65536 : i32
      %and3A_1743 = vector.broadcast %and3A_1742 : i32 to vector<16xi32>
      %and3A_1744 = arith.andi %get3A_1739, %and3A_1743 : vector<16xi32>
      %bitcast3A = vector.bitcast %and3A_1744 : vector<16xi32> to vector<16xf32>
      %and3A_1745 = arith.constant -65536 : i32
      %and3A_1746 = vector.broadcast %and3A_1745 : i32 to vector<16xi32>
      %and3A_1747 = arith.andi %get3A_1741, %and3A_1746 : vector<16xi32>
      %bitcast3A_1748 = vector.bitcast %and3A_1747 : vector<16xi32> to vector<16xf32>
      %shift_left3A = arith.constant 16 : i32
      %shift_left3A_1749 = vector.broadcast %shift_left3A : i32 to vector<16xi32>
      %shift_left3A_1750 = arith.shli %get3A_1739, %shift_left3A_1749 : vector<16xi32>
      %bitcast3A_1751 = vector.bitcast %shift_left3A_1750 : vector<16xi32> to vector<16xf32>
      %shift_left3A_1752 = arith.constant 16 : i32
      %shift_left3A_1753 = vector.broadcast %shift_left3A_1752 : i32 to vector<16xi32>
      %shift_left3A_1754 = arith.shli %get3A_1741, %shift_left3A_1753 : vector<16xi32>
      %bitcast3A_1755 = vector.bitcast %shift_left3A_1754 : vector<16xi32> to vector<16xf32>
      %mul3A_1756 = arith.mulf %bitcast3A, %bitcast3A_1748 : vector<16xf32>
      %add3A_1757 = arith.addf %scan3A_1733, %mul3A_1756 : vector<16xf32>
      %mul3A_1758 = arith.mulf %bitcast3A_1751, %bitcast3A_1755 : vector<16xf32>
      %add3A_1759 = arith.addf %add3A_1757, %mul3A_1758 : vector<16xf32>
      scf.yield %add3A_1759 : vector<16xf32>
    }
    %scan3A_1298 = arith.constant 32 : i32
    %swap3A_1299 = arith.constant 192 : index
    %swap3A_1300 = tpu.vector_load %arg19[%swap3A_1299] {strides = array<i32>} : memref<512xf32, #tpu.memory_space<vmem>>, vector<16xf32>,
    tpu.vector_store %arg19[%swap3A_1299], %scan3A_1297 {strides = array<i32>} : memref<512xf32, #tpu.memory_space<vmem>>, vector<16xf32>,
    %get3A_1301 = arith.constant 208 : index
    %get3A_1302 = tpu.vector_load %arg17[%get3A_1301] {strides = array<i32>} : memref<512xf32, #tpu.memory_space<vmem>>, vector<16xf32>,
    %get3A_1303 = arith.constant 208 : index
    %get3A_1304 = tpu.vector_load %arg18[%get3A_1303] {strides = array<i32>} : memref<512xf32, #tpu.memory_space<vmem>>, vector<16xf32>,
    %add3A_1305 = arith.addf %get3A_1302, %get3A_1304 : vector<16xf32>
    %scan3A_1306 = arith.constant 0 : i32
    %scan3A_1307 = arith.constant 32 : i32
    %scan3A_1308 = arith.addi %scan3A_1306, %scan3A_1307 : i32
    %scan3A_1309 = arith.constant 1 : i32
    %scan3A_1310 = scf.for %scan3A_1732 = %scan3A_1306 to %scan3A_1308 step %scan3A_1309 iter_args(%scan3A_1733 = %add3A_1305) -> (vector<16xf32>)  : i32 {
      %mul3A_1734 = arith.constant 16 : i32
      %mul3A_1735 = arith.muli %scan3A_1732, %mul3A_1734 : i32
      %add3A_1736 = arith.constant 6656 : i32
      %add3A_1737 = arith.addi %add3A_1736, %mul3A_1735 : i32
      %get3A_1738 = arith.index_cast %add3A_1737 : i32 to index
      %get3A_1739 = tpu.vector_load %arg15[%get3A_1738] {strides = array<i32>} : memref<8192xi32, #tpu.memory_space<vmem>>, vector<16xi32>,
      %get3A_1740 = arith.index_cast %add3A_1737 : i32 to index
      %get3A_1741 = tpu.vector_load %arg16[%get3A_1740] {strides = array<i32>} : memref<8192xi32, #tpu.memory_space<vmem>>, vector<16xi32>,
      %and3A_1742 = arith.constant -65536 : i32
      %and3A_1743 = vector.broadcast %and3A_1742 : i32 to vector<16xi32>
      %and3A_1744 = arith.andi %get3A_1739, %and3A_1743 : vector<16xi32>
      %bitcast3A = vector.bitcast %and3A_1744 : vector<16xi32> to vector<16xf32>
      %and3A_1745 = arith.constant -65536 : i32
      %and3A_1746 = vector.broadcast %and3A_1745 : i32 to vector<16xi32>
      %and3A_1747 = arith.andi %get3A_1741, %and3A_1746 : vector<16xi32>
      %bitcast3A_1748 = vector.bitcast %and3A_1747 : vector<16xi32> to vector<16xf32>
      %shift_left3A = arith.constant 16 : i32
      %shift_left3A_1749 = vector.broadcast %shift_left3A : i32 to vector<16xi32>
      %shift_left3A_1750 = arith.shli %get3A_1739, %shift_left3A_1749 : vector<16xi32>
      %bitcast3A_1751 = vector.bitcast %shift_left3A_1750 : vector<16xi32> to vector<16xf32>
      %shift_left3A_1752 = arith.constant 16 : i32
      %shift_left3A_1753 = vector.broadcast %shift_left3A_1752 : i32 to vector<16xi32>
      %shift_left3A_1754 = arith.shli %get3A_1741, %shift_left3A_1753 : vector<16xi32>
      %bitcast3A_1755 = vector.bitcast %shift_left3A_1754 : vector<16xi32> to vector<16xf32>
      %mul3A_1756 = arith.mulf %bitcast3A, %bitcast3A_1748 : vector<16xf32>
      %add3A_1757 = arith.addf %scan3A_1733, %mul3A_1756 : vector<16xf32>
      %mul3A_1758 = arith.mulf %bitcast3A_1751, %bitcast3A_1755 : vector<16xf32>
      %add3A_1759 = arith.addf %add3A_1757, %mul3A_1758 : vector<16xf32>
      scf.yield %add3A_1759 : vector<16xf32>
    }
    %scan3A_1311 = arith.constant 32 : i32
    %swap3A_1312 = arith.constant 208 : index
    %swap3A_1313 = tpu.vector_load %arg19[%swap3A_1312] {strides = array<i32>} : memref<512xf32, #tpu.memory_space<vmem>>, vector<16xf32>,
    tpu.vector_store %arg19[%swap3A_1312], %scan3A_1310 {strides = array<i32>} : memref<512xf32, #tpu.memory_space<vmem>>, vector<16xf32>,
    %get3A_1314 = arith.constant 224 : index
    %get3A_1315 = tpu.vector_load %arg17[%get3A_1314] {strides = array<i32>} : memref<512xf32, #tpu.memory_space<vmem>>, vector<16xf32>,
    %get3A_1316 = arith.constant 224 : index
    %get3A_1317 = tpu.vector_load %arg18[%get3A_1316] {strides = array<i32>} : memref<512xf32, #tpu.memory_space<vmem>>, vector<16xf32>,
    %add3A_1318 = arith.addf %get3A_1315, %get3A_1317 : vector<16xf32>
    %scan3A_1319 = arith.constant 0 : i32
    %scan3A_1320 = arith.constant 32 : i32
    %scan3A_1321 = arith.addi %scan3A_1319, %scan3A_1320 : i32
    %scan3A_1322 = arith.constant 1 : i32
    %scan3A_1323 = scf.for %scan3A_1732 = %scan3A_1319 to %scan3A_1321 step %scan3A_1322 iter_args(%scan3A_1733 = %add3A_1318) -> (vector<16xf32>)  : i32 {
      %mul3A_1734 = arith.constant 16 : i32
      %mul3A_1735 = arith.muli %scan3A_1732, %mul3A_1734 : i32
      %add3A_1736 = arith.constant 7168 : i32
      %add3A_1737 = arith.addi %add3A_1736, %mul3A_1735 : i32
      %get3A_1738 = arith.index_cast %add3A_1737 : i32 to index
      %get3A_1739 = tpu.vector_load %arg15[%get3A_1738] {strides = array<i32>} : memref<8192xi32, #tpu.memory_space<vmem>>, vector<16xi32>,
      %get3A_1740 = arith.index_cast %add3A_1737 : i32 to index
      %get3A_1741 = tpu.vector_load %arg16[%get3A_1740] {strides = array<i32>} : memref<8192xi32, #tpu.memory_space<vmem>>, vector<16xi32>,
      %and3A_1742 = arith.constant -65536 : i32
      %and3A_1743 = vector.broadcast %and3A_1742 : i32 to vector<16xi32>
      %and3A_1744 = arith.andi %get3A_1739, %and3A_1743 : vector<16xi32>
      %bitcast3A = vector.bitcast %and3A_1744 : vector<16xi32> to vector<16xf32>
      %and3A_1745 = arith.constant -65536 : i32
      %and3A_1746 = vector.broadcast %and3A_1745 : i32 to vector<16xi32>
      %and3A_1747 = arith.andi %get3A_1741, %and3A_1746 : vector<16xi32>
      %bitcast3A_1748 = vector.bitcast %and3A_1747 : vector<16xi32> to vector<16xf32>
      %shift_left3A = arith.constant 16 : i32
      %shift_left3A_1749 = vector.broadcast %shift_left3A : i32 to vector<16xi32>
      %shift_left3A_1750 = arith.shli %get3A_1739, %shift_left3A_1749 : vector<16xi32>
      %bitcast3A_1751 = vector.bitcast %shift_left3A_1750 : vector<16xi32> to vector<16xf32>
      %shift_left3A_1752 = arith.constant 16 : i32
      %shift_left3A_1753 = vector.broadcast %shift_left3A_1752 : i32 to vector<16xi32>
      %shift_left3A_1754 = arith.shli %get3A_1741, %shift_left3A_1753 : vector<16xi32>
      %bitcast3A_1755 = vector.bitcast %shift_left3A_1754 : vector<16xi32> to vector<16xf32>
      %mul3A_1756 = arith.mulf %bitcast3A, %bitcast3A_1748 : vector<16xf32>
      %add3A_1757 = arith.addf %scan3A_1733, %mul3A_1756 : vector<16xf32>
      %mul3A_1758 = arith.mulf %bitcast3A_1751, %bitcast3A_1755 : vector<16xf32>
      %add3A_1759 = arith.addf %add3A_1757, %mul3A_1758 : vector<16xf32>
      scf.yield %add3A_1759 : vector<16xf32>
    }
    %scan3A_1324 = arith.constant 32 : i32
    %swap3A_1325 = arith.constant 224 : index
    %swap3A_1326 = tpu.vector_load %arg19[%swap3A_1325] {strides = array<i32>} : memref<512xf32, #tpu.memory_space<vmem>>, vector<16xf32>,
    tpu.vector_store %arg19[%swap3A_1325], %scan3A_1323 {strides = array<i32>} : memref<512xf32, #tpu.memory_space<vmem>>, vector<16xf32>,
    %get3A_1327 = arith.constant 240 : index
    %get3A_1328 = tpu.vector_load %arg17[%get3A_1327] {strides = array<i32>} : memref<512xf32, #tpu.memory_space<vmem>>, vector<16xf32>,
    %get3A_1329 = arith.constant 240 : index
    %get3A_1330 = tpu.vector_load %arg18[%get3A_1329] {strides = array<i32>} : memref<512xf32, #tpu.memory_space<vmem>>, vector<16xf32>,
    %add3A_1331 = arith.addf %get3A_1328, %get3A_1330 : vector<16xf32>
    %scan3A_1332 = arith.constant 0 : i32
    %scan3A_1333 = arith.constant 32 : i32
    %scan3A_1334 = arith.addi %scan3A_1332, %scan3A_1333 : i32
    %scan3A_1335 = arith.constant 1 : i32
    %scan3A_1336 = scf.for %scan3A_1732 = %scan3A_1332 to %scan3A_1334 step %scan3A_1335 iter_args(%scan3A_1733 = %add3A_1331) -> (vector<16xf32>)  : i32 {
      %mul3A_1734 = arith.constant 16 : i32
      %mul3A_1735 = arith.muli %scan3A_1732, %mul3A_1734 : i32
      %add3A_1736 = arith.constant 7680 : i32
      %add3A_1737 = arith.addi %add3A_1736, %mul3A_1735 : i32
      %get3A_1738 = arith.index_cast %add3A_1737 : i32 to index
      %get3A_1739 = tpu.vector_load %arg15[%get3A_1738] {strides = array<i32>} : memref<8192xi32, #tpu.memory_space<vmem>>, vector<16xi32>,
      %get3A_1740 = arith.index_cast %add3A_1737 : i32 to index
      %get3A_1741 = tpu.vector_load %arg16[%get3A_1740] {strides = array<i32>} : memref<8192xi32, #tpu.memory_space<vmem>>, vector<16xi32>,
      %and3A_1742 = arith.constant -65536 : i32
      %and3A_1743 = vector.broadcast %and3A_1742 : i32 to vector<16xi32>
      %and3A_1744 = arith.andi %get3A_1739, %and3A_1743 : vector<16xi32>
      %bitcast3A = vector.bitcast %and3A_1744 : vector<16xi32> to vector<16xf32>
      %and3A_1745 = arith.constant -65536 : i32
      %and3A_1746 = vector.broadcast %and3A_1745 : i32 to vector<16xi32>
      %and3A_1747 = arith.andi %get3A_1741, %and3A_1746 : vector<16xi32>
      %bitcast3A_1748 = vector.bitcast %and3A_1747 : vector<16xi32> to vector<16xf32>
      %shift_left3A = arith.constant 16 : i32
      %shift_left3A_1749 = vector.broadcast %shift_left3A : i32 to vector<16xi32>
      %shift_left3A_1750 = arith.shli %get3A_1739, %shift_left3A_1749 : vector<16xi32>
      %bitcast3A_1751 = vector.bitcast %shift_left3A_1750 : vector<16xi32> to vector<16xf32>
      %shift_left3A_1752 = arith.constant 16 : i32
      %shift_left3A_1753 = vector.broadcast %shift_left3A_1752 : i32 to vector<16xi32>
      %shift_left3A_1754 = arith.shli %get3A_1741, %shift_left3A_1753 : vector<16xi32>
      %bitcast3A_1755 = vector.bitcast %shift_left3A_1754 : vector<16xi32> to vector<16xf32>
      %mul3A_1756 = arith.mulf %bitcast3A, %bitcast3A_1748 : vector<16xf32>
      %add3A_1757 = arith.addf %scan3A_1733, %mul3A_1756 : vector<16xf32>
      %mul3A_1758 = arith.mulf %bitcast3A_1751, %bitcast3A_1755 : vector<16xf32>
      %add3A_1759 = arith.addf %add3A_1757, %mul3A_1758 : vector<16xf32>
      scf.yield %add3A_1759 : vector<16xf32>
    }
    %scan3A_1337 = arith.constant 32 : i32
    %swap3A_1338 = arith.constant 240 : index
    %swap3A_1339 = tpu.vector_load %arg19[%swap3A_1338] {strides = array<i32>} : memref<512xf32, #tpu.memory_space<vmem>>, vector<16xf32>,
    tpu.vector_store %arg19[%swap3A_1338], %scan3A_1336 {strides = array<i32>} : memref<512xf32, #tpu.memory_space<vmem>>, vector<16xf32>,
    %get3A_1340 = arith.constant 256 : index
    %get3A_1341 = tpu.vector_load %arg11[%get3A_1340] {strides = array<i32>} : memref<512xi32, #tpu.memory_space<vmem>>, vector<16xi32>,
    %get3A_1342 = arith.constant 256 : index
    %get3A_1343 = tpu.vector_load %arg12[%get3A_1342] {strides = array<i32>} : memref<512xi32, #tpu.memory_space<vmem>>, vector<16xi32>,
    %scan3A_1344 = arith.constant 0 : i32
    %scan3A_1345 = arith.constant 0 : i32
    %scan3A_1346 = arith.constant 32 : i32
    %scan3A_1347 = arith.addi %scan3A_1345, %scan3A_1346 : i32
    %scan3A_1348 = arith.constant 1 : i32
    %scan3A_1349 = scf.for %scan3A_1732 = %scan3A_1345 to %scan3A_1347 step %scan3A_1348 iter_args(%scan3A_1733 = %scan3A_1344) -> (i32)  : i32 {
      %shift_right_arithmetic3A_1734 = arith.constant 2 : i32
      %shift_right_arithmetic3A_1735 = arith.shrsi %scan3A_1732, %shift_right_arithmetic3A_1734 : i32
      %mul3A_1736 = arith.constant 4063232 : i32
      %mul3A_1737 = arith.muli %shift_right_arithmetic3A_1735, %mul3A_1736 : i32
      %and3A_1738 = arith.constant 3 : i32
      %and3A_1739 = arith.andi %scan3A_1732, %and3A_1738 : i32
      %mul3A_1740 = arith.constant 128 : i32
      %mul3A_1741 = arith.muli %and3A_1739, %mul3A_1740 : i32
      %add3A_1742 = arith.addi %mul3A_1737, %mul3A_1741 : i32
      %mul3A_1743 = arith.constant 16 : i32
      %mul3A_1744 = arith.muli %scan3A_1732, %mul3A_1743 : i32
      %add3A_1745 = arith.constant 0 : i32
      %add3A_1746 = arith.addi %add3A_1745, %mul3A_1744 : i32
      %add3A_1747 = vector.broadcast %add3A_1742 : i32 to vector<16xi32>
      %add3A_1748 = arith.addi %get3A_1341, %add3A_1747 : vector<16xi32>
      %swap3A_1749 = arith.index_cast %add3A_1746 : i32 to index
      %swap3A_1750 = tpu.vector_load %arg13[%swap3A_1749] {strides = array<i32>} : memref<8192xi32, #tpu.memory_space<vmem>>, vector<16xi32>,
      tpu.vector_store %arg13[%swap3A_1749], %add3A_1748 {strides = array<i32>} : memref<8192xi32, #tpu.memory_space<vmem>>, vector<16xi32>,
      %add3A_1751 = vector.broadcast %add3A_1742 : i32 to vector<16xi32>
      %add3A_1752 = arith.addi %get3A_1343, %add3A_1751 : vector<16xi32>
      %swap3A_1753 = arith.index_cast %add3A_1746 : i32 to index
      %swap3A_1754 = tpu.vector_load %arg14[%swap3A_1753] {strides = array<i32>} : memref<8192xi32, #tpu.memory_space<vmem>>, vector<16xi32>,
      tpu.vector_store %arg14[%swap3A_1753], %add3A_1752 {strides = array<i32>} : memref<8192xi32, #tpu.memory_space<vmem>>, vector<16xi32>,
      %scan3A_1755 = arith.constant 0 : i32
      scf.yield %scan3A_1755 : i32
    }
    %scan3A_1350 = arith.constant 32 : i32
    %get3A_1351 = arith.constant 272 : index
    %get3A_1352 = tpu.vector_load %arg11[%get3A_1351] {strides = array<i32>} : memref<512xi32, #tpu.memory_space<vmem>>, vector<16xi32>,
    %get3A_1353 = arith.constant 272 : index
    %get3A_1354 = tpu.vector_load %arg12[%get3A_1353] {strides = array<i32>} : memref<512xi32, #tpu.memory_space<vmem>>, vector<16xi32>,
    %scan3A_1355 = arith.constant 0 : i32
    %scan3A_1356 = arith.constant 0 : i32
    %scan3A_1357 = arith.constant 32 : i32
    %scan3A_1358 = arith.addi %scan3A_1356, %scan3A_1357 : i32
    %scan3A_1359 = arith.constant 1 : i32
    %scan3A_1360 = scf.for %scan3A_1732 = %scan3A_1356 to %scan3A_1358 step %scan3A_1359 iter_args(%scan3A_1733 = %scan3A_1355) -> (i32)  : i32 {
      %shift_right_arithmetic3A_1734 = arith.constant 2 : i32
      %shift_right_arithmetic3A_1735 = arith.shrsi %scan3A_1732, %shift_right_arithmetic3A_1734 : i32
      %mul3A_1736 = arith.constant 4063232 : i32
      %mul3A_1737 = arith.muli %shift_right_arithmetic3A_1735, %mul3A_1736 : i32
      %and3A_1738 = arith.constant 3 : i32
      %and3A_1739 = arith.andi %scan3A_1732, %and3A_1738 : i32
      %mul3A_1740 = arith.constant 128 : i32
      %mul3A_1741 = arith.muli %and3A_1739, %mul3A_1740 : i32
      %add3A_1742 = arith.addi %mul3A_1737, %mul3A_1741 : i32
      %mul3A_1743 = arith.constant 16 : i32
      %mul3A_1744 = arith.muli %scan3A_1732, %mul3A_1743 : i32
      %add3A_1745 = arith.constant 512 : i32
      %add3A_1746 = arith.addi %add3A_1745, %mul3A_1744 : i32
      %add3A_1747 = vector.broadcast %add3A_1742 : i32 to vector<16xi32>
      %add3A_1748 = arith.addi %get3A_1352, %add3A_1747 : vector<16xi32>
      %swap3A_1749 = arith.index_cast %add3A_1746 : i32 to index
      %swap3A_1750 = tpu.vector_load %arg13[%swap3A_1749] {strides = array<i32>} : memref<8192xi32, #tpu.memory_space<vmem>>, vector<16xi32>,
      tpu.vector_store %arg13[%swap3A_1749], %add3A_1748 {strides = array<i32>} : memref<8192xi32, #tpu.memory_space<vmem>>, vector<16xi32>,
      %add3A_1751 = vector.broadcast %add3A_1742 : i32 to vector<16xi32>
      %add3A_1752 = arith.addi %get3A_1354, %add3A_1751 : vector<16xi32>
      %swap3A_1753 = arith.index_cast %add3A_1746 : i32 to index
      %swap3A_1754 = tpu.vector_load %arg14[%swap3A_1753] {strides = array<i32>} : memref<8192xi32, #tpu.memory_space<vmem>>, vector<16xi32>,
      tpu.vector_store %arg14[%swap3A_1753], %add3A_1752 {strides = array<i32>} : memref<8192xi32, #tpu.memory_space<vmem>>, vector<16xi32>,
      %scan3A_1755 = arith.constant 0 : i32
      scf.yield %scan3A_1755 : i32
    }
    %scan3A_1361 = arith.constant 32 : i32
    %get3A_1362 = arith.constant 288 : index
    %get3A_1363 = tpu.vector_load %arg11[%get3A_1362] {strides = array<i32>} : memref<512xi32, #tpu.memory_space<vmem>>, vector<16xi32>,
    %get3A_1364 = arith.constant 288 : index
    %get3A_1365 = tpu.vector_load %arg12[%get3A_1364] {strides = array<i32>} : memref<512xi32, #tpu.memory_space<vmem>>, vector<16xi32>,
    %scan3A_1366 = arith.constant 0 : i32
    %scan3A_1367 = arith.constant 0 : i32
    %scan3A_1368 = arith.constant 32 : i32
    %scan3A_1369 = arith.addi %scan3A_1367, %scan3A_1368 : i32
    %scan3A_1370 = arith.constant 1 : i32
    %scan3A_1371 = scf.for %scan3A_1732 = %scan3A_1367 to %scan3A_1369 step %scan3A_1370 iter_args(%scan3A_1733 = %scan3A_1366) -> (i32)  : i32 {
      %shift_right_arithmetic3A_1734 = arith.constant 2 : i32
      %shift_right_arithmetic3A_1735 = arith.shrsi %scan3A_1732, %shift_right_arithmetic3A_1734 : i32
      %mul3A_1736 = arith.constant 4063232 : i32
      %mul3A_1737 = arith.muli %shift_right_arithmetic3A_1735, %mul3A_1736 : i32
      %and3A_1738 = arith.constant 3 : i32
      %and3A_1739 = arith.andi %scan3A_1732, %and3A_1738 : i32
      %mul3A_1740 = arith.constant 128 : i32
      %mul3A_1741 = arith.muli %and3A_1739, %mul3A_1740 : i32
      %add3A_1742 = arith.addi %mul3A_1737, %mul3A_1741 : i32
      %mul3A_1743 = arith.constant 16 : i32
      %mul3A_1744 = arith.muli %scan3A_1732, %mul3A_1743 : i32
      %add3A_1745 = arith.constant 1024 : i32
      %add3A_1746 = arith.addi %add3A_1745, %mul3A_1744 : i32
      %add3A_1747 = vector.broadcast %add3A_1742 : i32 to vector<16xi32>
      %add3A_1748 = arith.addi %get3A_1363, %add3A_1747 : vector<16xi32>
      %swap3A_1749 = arith.index_cast %add3A_1746 : i32 to index
      %swap3A_1750 = tpu.vector_load %arg13[%swap3A_1749] {strides = array<i32>} : memref<8192xi32, #tpu.memory_space<vmem>>, vector<16xi32>,
      tpu.vector_store %arg13[%swap3A_1749], %add3A_1748 {strides = array<i32>} : memref<8192xi32, #tpu.memory_space<vmem>>, vector<16xi32>,
      %add3A_1751 = vector.broadcast %add3A_1742 : i32 to vector<16xi32>
      %add3A_1752 = arith.addi %get3A_1365, %add3A_1751 : vector<16xi32>
      %swap3A_1753 = arith.index_cast %add3A_1746 : i32 to index
      %swap3A_1754 = tpu.vector_load %arg14[%swap3A_1753] {strides = array<i32>} : memref<8192xi32, #tpu.memory_space<vmem>>, vector<16xi32>,
      tpu.vector_store %arg14[%swap3A_1753], %add3A_1752 {strides = array<i32>} : memref<8192xi32, #tpu.memory_space<vmem>>, vector<16xi32>,
      %scan3A_1755 = arith.constant 0 : i32
      scf.yield %scan3A_1755 : i32
    }
    %scan3A_1372 = arith.constant 32 : i32
    %get3A_1373 = arith.constant 304 : index
    %get3A_1374 = tpu.vector_load %arg11[%get3A_1373] {strides = array<i32>} : memref<512xi32, #tpu.memory_space<vmem>>, vector<16xi32>,
    %get3A_1375 = arith.constant 304 : index
    %get3A_1376 = tpu.vector_load %arg12[%get3A_1375] {strides = array<i32>} : memref<512xi32, #tpu.memory_space<vmem>>, vector<16xi32>,
    %scan3A_1377 = arith.constant 0 : i32
    %scan3A_1378 = arith.constant 0 : i32
    %scan3A_1379 = arith.constant 32 : i32
    %scan3A_1380 = arith.addi %scan3A_1378, %scan3A_1379 : i32
    %scan3A_1381 = arith.constant 1 : i32
    %scan3A_1382 = scf.for %scan3A_1732 = %scan3A_1378 to %scan3A_1380 step %scan3A_1381 iter_args(%scan3A_1733 = %scan3A_1377) -> (i32)  : i32 {
      %shift_right_arithmetic3A_1734 = arith.constant 2 : i32
      %shift_right_arithmetic3A_1735 = arith.shrsi %scan3A_1732, %shift_right_arithmetic3A_1734 : i32
      %mul3A_1736 = arith.constant 4063232 : i32
      %mul3A_1737 = arith.muli %shift_right_arithmetic3A_1735, %mul3A_1736 : i32
      %and3A_1738 = arith.constant 3 : i32
      %and3A_1739 = arith.andi %scan3A_1732, %and3A_1738 : i32
      %mul3A_1740 = arith.constant 128 : i32
      %mul3A_1741 = arith.muli %and3A_1739, %mul3A_1740 : i32
      %add3A_1742 = arith.addi %mul3A_1737, %mul3A_1741 : i32
      %mul3A_1743 = arith.constant 16 : i32
      %mul3A_1744 = arith.muli %scan3A_1732, %mul3A_1743 : i32
      %add3A_1745 = arith.constant 1536 : i32
      %add3A_1746 = arith.addi %add3A_1745, %mul3A_1744 : i32
      %add3A_1747 = vector.broadcast %add3A_1742 : i32 to vector<16xi32>
      %add3A_1748 = arith.addi %get3A_1374, %add3A_1747 : vector<16xi32>
      %swap3A_1749 = arith.index_cast %add3A_1746 : i32 to index
      %swap3A_1750 = tpu.vector_load %arg13[%swap3A_1749] {strides = array<i32>} : memref<8192xi32, #tpu.memory_space<vmem>>, vector<16xi32>,
      tpu.vector_store %arg13[%swap3A_1749], %add3A_1748 {strides = array<i32>} : memref<8192xi32, #tpu.memory_space<vmem>>, vector<16xi32>,
      %add3A_1751 = vector.broadcast %add3A_1742 : i32 to vector<16xi32>
      %add3A_1752 = arith.addi %get3A_1376, %add3A_1751 : vector<16xi32>
      %swap3A_1753 = arith.index_cast %add3A_1746 : i32 to index
      %swap3A_1754 = tpu.vector_load %arg14[%swap3A_1753] {strides = array<i32>} : memref<8192xi32, #tpu.memory_space<vmem>>, vector<16xi32>,
      tpu.vector_store %arg14[%swap3A_1753], %add3A_1752 {strides = array<i32>} : memref<8192xi32, #tpu.memory_space<vmem>>, vector<16xi32>,
      %scan3A_1755 = arith.constant 0 : i32
      scf.yield %scan3A_1755 : i32
    }
    %scan3A_1383 = arith.constant 32 : i32
    %get3A_1384 = arith.constant 320 : index
    %get3A_1385 = tpu.vector_load %arg11[%get3A_1384] {strides = array<i32>} : memref<512xi32, #tpu.memory_space<vmem>>, vector<16xi32>,
    %get3A_1386 = arith.constant 320 : index
    %get3A_1387 = tpu.vector_load %arg12[%get3A_1386] {strides = array<i32>} : memref<512xi32, #tpu.memory_space<vmem>>, vector<16xi32>,
    %scan3A_1388 = arith.constant 0 : i32
    %scan3A_1389 = arith.constant 0 : i32
    %scan3A_1390 = arith.constant 32 : i32
    %scan3A_1391 = arith.addi %scan3A_1389, %scan3A_1390 : i32
    %scan3A_1392 = arith.constant 1 : i32
    %scan3A_1393 = scf.for %scan3A_1732 = %scan3A_1389 to %scan3A_1391 step %scan3A_1392 iter_args(%scan3A_1733 = %scan3A_1388) -> (i32)  : i32 {
      %shift_right_arithmetic3A_1734 = arith.constant 2 : i32
      %shift_right_arithmetic3A_1735 = arith.shrsi %scan3A_1732, %shift_right_arithmetic3A_1734 : i32
      %mul3A_1736 = arith.constant 4063232 : i32
      %mul3A_1737 = arith.muli %shift_right_arithmetic3A_1735, %mul3A_1736 : i32
      %and3A_1738 = arith.constant 3 : i32
      %and3A_1739 = arith.andi %scan3A_1732, %and3A_1738 : i32
      %mul3A_1740 = arith.constant 128 : i32
      %mul3A_1741 = arith.muli %and3A_1739, %mul3A_1740 : i32
      %add3A_1742 = arith.addi %mul3A_1737, %mul3A_1741 : i32
      %mul3A_1743 = arith.constant 16 : i32
      %mul3A_1744 = arith.muli %scan3A_1732, %mul3A_1743 : i32
      %add3A_1745 = arith.constant 2048 : i32
      %add3A_1746 = arith.addi %add3A_1745, %mul3A_1744 : i32
      %add3A_1747 = vector.broadcast %add3A_1742 : i32 to vector<16xi32>
      %add3A_1748 = arith.addi %get3A_1385, %add3A_1747 : vector<16xi32>
      %swap3A_1749 = arith.index_cast %add3A_1746 : i32 to index
      %swap3A_1750 = tpu.vector_load %arg13[%swap3A_1749] {strides = array<i32>} : memref<8192xi32, #tpu.memory_space<vmem>>, vector<16xi32>,
      tpu.vector_store %arg13[%swap3A_1749], %add3A_1748 {strides = array<i32>} : memref<8192xi32, #tpu.memory_space<vmem>>, vector<16xi32>,
      %add3A_1751 = vector.broadcast %add3A_1742 : i32 to vector<16xi32>
      %add3A_1752 = arith.addi %get3A_1387, %add3A_1751 : vector<16xi32>
      %swap3A_1753 = arith.index_cast %add3A_1746 : i32 to index
      %swap3A_1754 = tpu.vector_load %arg14[%swap3A_1753] {strides = array<i32>} : memref<8192xi32, #tpu.memory_space<vmem>>, vector<16xi32>,
      tpu.vector_store %arg14[%swap3A_1753], %add3A_1752 {strides = array<i32>} : memref<8192xi32, #tpu.memory_space<vmem>>, vector<16xi32>,
      %scan3A_1755 = arith.constant 0 : i32
      scf.yield %scan3A_1755 : i32
    }
    %scan3A_1394 = arith.constant 32 : i32
    %get3A_1395 = arith.constant 336 : index
    %get3A_1396 = tpu.vector_load %arg11[%get3A_1395] {strides = array<i32>} : memref<512xi32, #tpu.memory_space<vmem>>, vector<16xi32>,
    %get3A_1397 = arith.constant 336 : index
    %get3A_1398 = tpu.vector_load %arg12[%get3A_1397] {strides = array<i32>} : memref<512xi32, #tpu.memory_space<vmem>>, vector<16xi32>,
    %scan3A_1399 = arith.constant 0 : i32
    %scan3A_1400 = arith.constant 0 : i32
    %scan3A_1401 = arith.constant 32 : i32
    %scan3A_1402 = arith.addi %scan3A_1400, %scan3A_1401 : i32
    %scan3A_1403 = arith.constant 1 : i32
    %scan3A_1404 = scf.for %scan3A_1732 = %scan3A_1400 to %scan3A_1402 step %scan3A_1403 iter_args(%scan3A_1733 = %scan3A_1399) -> (i32)  : i32 {
      %shift_right_arithmetic3A_1734 = arith.constant 2 : i32
      %shift_right_arithmetic3A_1735 = arith.shrsi %scan3A_1732, %shift_right_arithmetic3A_1734 : i32
      %mul3A_1736 = arith.constant 4063232 : i32
      %mul3A_1737 = arith.muli %shift_right_arithmetic3A_1735, %mul3A_1736 : i32
      %and3A_1738 = arith.constant 3 : i32
      %and3A_1739 = arith.andi %scan3A_1732, %and3A_1738 : i32
      %mul3A_1740 = arith.constant 128 : i32
      %mul3A_1741 = arith.muli %and3A_1739, %mul3A_1740 : i32
      %add3A_1742 = arith.addi %mul3A_1737, %mul3A_1741 : i32
      %mul3A_1743 = arith.constant 16 : i32
      %mul3A_1744 = arith.muli %scan3A_1732, %mul3A_1743 : i32
      %add3A_1745 = arith.constant 2560 : i32
      %add3A_1746 = arith.addi %add3A_1745, %mul3A_1744 : i32
      %add3A_1747 = vector.broadcast %add3A_1742 : i32 to vector<16xi32>
      %add3A_1748 = arith.addi %get3A_1396, %add3A_1747 : vector<16xi32>
      %swap3A_1749 = arith.index_cast %add3A_1746 : i32 to index
      %swap3A_1750 = tpu.vector_load %arg13[%swap3A_1749] {strides = array<i32>} : memref<8192xi32, #tpu.memory_space<vmem>>, vector<16xi32>,
      tpu.vector_store %arg13[%swap3A_1749], %add3A_1748 {strides = array<i32>} : memref<8192xi32, #tpu.memory_space<vmem>>, vector<16xi32>,
      %add3A_1751 = vector.broadcast %add3A_1742 : i32 to vector<16xi32>
      %add3A_1752 = arith.addi %get3A_1398, %add3A_1751 : vector<16xi32>
      %swap3A_1753 = arith.index_cast %add3A_1746 : i32 to index
      %swap3A_1754 = tpu.vector_load %arg14[%swap3A_1753] {strides = array<i32>} : memref<8192xi32, #tpu.memory_space<vmem>>, vector<16xi32>,
      tpu.vector_store %arg14[%swap3A_1753], %add3A_1752 {strides = array<i32>} : memref<8192xi32, #tpu.memory_space<vmem>>, vector<16xi32>,
      %scan3A_1755 = arith.constant 0 : i32
      scf.yield %scan3A_1755 : i32
    }
    %scan3A_1405 = arith.constant 32 : i32
    %get3A_1406 = arith.constant 352 : index
    %get3A_1407 = tpu.vector_load %arg11[%get3A_1406] {strides = array<i32>} : memref<512xi32, #tpu.memory_space<vmem>>, vector<16xi32>,
    %get3A_1408 = arith.constant 352 : index
    %get3A_1409 = tpu.vector_load %arg12[%get3A_1408] {strides = array<i32>} : memref<512xi32, #tpu.memory_space<vmem>>, vector<16xi32>,
    %scan3A_1410 = arith.constant 0 : i32
    %scan3A_1411 = arith.constant 0 : i32
    %scan3A_1412 = arith.constant 32 : i32
    %scan3A_1413 = arith.addi %scan3A_1411, %scan3A_1412 : i32
    %scan3A_1414 = arith.constant 1 : i32
    %scan3A_1415 = scf.for %scan3A_1732 = %scan3A_1411 to %scan3A_1413 step %scan3A_1414 iter_args(%scan3A_1733 = %scan3A_1410) -> (i32)  : i32 {
      %shift_right_arithmetic3A_1734 = arith.constant 2 : i32
      %shift_right_arithmetic3A_1735 = arith.shrsi %scan3A_1732, %shift_right_arithmetic3A_1734 : i32
      %mul3A_1736 = arith.constant 4063232 : i32
      %mul3A_1737 = arith.muli %shift_right_arithmetic3A_1735, %mul3A_1736 : i32
      %and3A_1738 = arith.constant 3 : i32
      %and3A_1739 = arith.andi %scan3A_1732, %and3A_1738 : i32
      %mul3A_1740 = arith.constant 128 : i32
      %mul3A_1741 = arith.muli %and3A_1739, %mul3A_1740 : i32
      %add3A_1742 = arith.addi %mul3A_1737, %mul3A_1741 : i32
      %mul3A_1743 = arith.constant 16 : i32
      %mul3A_1744 = arith.muli %scan3A_1732, %mul3A_1743 : i32
      %add3A_1745 = arith.constant 3072 : i32
      %add3A_1746 = arith.addi %add3A_1745, %mul3A_1744 : i32
      %add3A_1747 = vector.broadcast %add3A_1742 : i32 to vector<16xi32>
      %add3A_1748 = arith.addi %get3A_1407, %add3A_1747 : vector<16xi32>
      %swap3A_1749 = arith.index_cast %add3A_1746 : i32 to index
      %swap3A_1750 = tpu.vector_load %arg13[%swap3A_1749] {strides = array<i32>} : memref<8192xi32, #tpu.memory_space<vmem>>, vector<16xi32>,
      tpu.vector_store %arg13[%swap3A_1749], %add3A_1748 {strides = array<i32>} : memref<8192xi32, #tpu.memory_space<vmem>>, vector<16xi32>,
      %add3A_1751 = vector.broadcast %add3A_1742 : i32 to vector<16xi32>
      %add3A_1752 = arith.addi %get3A_1409, %add3A_1751 : vector<16xi32>
      %swap3A_1753 = arith.index_cast %add3A_1746 : i32 to index
      %swap3A_1754 = tpu.vector_load %arg14[%swap3A_1753] {strides = array<i32>} : memref<8192xi32, #tpu.memory_space<vmem>>, vector<16xi32>,
      tpu.vector_store %arg14[%swap3A_1753], %add3A_1752 {strides = array<i32>} : memref<8192xi32, #tpu.memory_space<vmem>>, vector<16xi32>,
      %scan3A_1755 = arith.constant 0 : i32
      scf.yield %scan3A_1755 : i32
    }
    %scan3A_1416 = arith.constant 32 : i32
    %get3A_1417 = arith.constant 368 : index
    %get3A_1418 = tpu.vector_load %arg11[%get3A_1417] {strides = array<i32>} : memref<512xi32, #tpu.memory_space<vmem>>, vector<16xi32>,
    %get3A_1419 = arith.constant 368 : index
    %get3A_1420 = tpu.vector_load %arg12[%get3A_1419] {strides = array<i32>} : memref<512xi32, #tpu.memory_space<vmem>>, vector<16xi32>,
    %scan3A_1421 = arith.constant 0 : i32
    %scan3A_1422 = arith.constant 0 : i32
    %scan3A_1423 = arith.constant 32 : i32
    %scan3A_1424 = arith.addi %scan3A_1422, %scan3A_1423 : i32
    %scan3A_1425 = arith.constant 1 : i32
    %scan3A_1426 = scf.for %scan3A_1732 = %scan3A_1422 to %scan3A_1424 step %scan3A_1425 iter_args(%scan3A_1733 = %scan3A_1421) -> (i32)  : i32 {
      %shift_right_arithmetic3A_1734 = arith.constant 2 : i32
      %shift_right_arithmetic3A_1735 = arith.shrsi %scan3A_1732, %shift_right_arithmetic3A_1734 : i32
      %mul3A_1736 = arith.constant 4063232 : i32
      %mul3A_1737 = arith.muli %shift_right_arithmetic3A_1735, %mul3A_1736 : i32
      %and3A_1738 = arith.constant 3 : i32
      %and3A_1739 = arith.andi %scan3A_1732, %and3A_1738 : i32
      %mul3A_1740 = arith.constant 128 : i32
      %mul3A_1741 = arith.muli %and3A_1739, %mul3A_1740 : i32
      %add3A_1742 = arith.addi %mul3A_1737, %mul3A_1741 : i32
      %mul3A_1743 = arith.constant 16 : i32
      %mul3A_1744 = arith.muli %scan3A_1732, %mul3A_1743 : i32
      %add3A_1745 = arith.constant 3584 : i32
      %add3A_1746 = arith.addi %add3A_1745, %mul3A_1744 : i32
      %add3A_1747 = vector.broadcast %add3A_1742 : i32 to vector<16xi32>
      %add3A_1748 = arith.addi %get3A_1418, %add3A_1747 : vector<16xi32>
      %swap3A_1749 = arith.index_cast %add3A_1746 : i32 to index
      %swap3A_1750 = tpu.vector_load %arg13[%swap3A_1749] {strides = array<i32>} : memref<8192xi32, #tpu.memory_space<vmem>>, vector<16xi32>,
      tpu.vector_store %arg13[%swap3A_1749], %add3A_1748 {strides = array<i32>} : memref<8192xi32, #tpu.memory_space<vmem>>, vector<16xi32>,
      %add3A_1751 = vector.broadcast %add3A_1742 : i32 to vector<16xi32>
      %add3A_1752 = arith.addi %get3A_1420, %add3A_1751 : vector<16xi32>
      %swap3A_1753 = arith.index_cast %add3A_1746 : i32 to index
      %swap3A_1754 = tpu.vector_load %arg14[%swap3A_1753] {strides = array<i32>} : memref<8192xi32, #tpu.memory_space<vmem>>, vector<16xi32>,
      tpu.vector_store %arg14[%swap3A_1753], %add3A_1752 {strides = array<i32>} : memref<8192xi32, #tpu.memory_space<vmem>>, vector<16xi32>,
      %scan3A_1755 = arith.constant 0 : i32
      scf.yield %scan3A_1755 : i32
    }
    %scan3A_1427 = arith.constant 32 : i32
    %get3A_1428 = arith.constant 384 : index
    %get3A_1429 = tpu.vector_load %arg11[%get3A_1428] {strides = array<i32>} : memref<512xi32, #tpu.memory_space<vmem>>, vector<16xi32>,
    %get3A_1430 = arith.constant 384 : index
    %get3A_1431 = tpu.vector_load %arg12[%get3A_1430] {strides = array<i32>} : memref<512xi32, #tpu.memory_space<vmem>>, vector<16xi32>,
    %scan3A_1432 = arith.constant 0 : i32
    %scan3A_1433 = arith.constant 0 : i32
    %scan3A_1434 = arith.constant 32 : i32
    %scan3A_1435 = arith.addi %scan3A_1433, %scan3A_1434 : i32
    %scan3A_1436 = arith.constant 1 : i32
    %scan3A_1437 = scf.for %scan3A_1732 = %scan3A_1433 to %scan3A_1435 step %scan3A_1436 iter_args(%scan3A_1733 = %scan3A_1432) -> (i32)  : i32 {
      %shift_right_arithmetic3A_1734 = arith.constant 2 : i32
      %shift_right_arithmetic3A_1735 = arith.shrsi %scan3A_1732, %shift_right_arithmetic3A_1734 : i32
      %mul3A_1736 = arith.constant 4063232 : i32
      %mul3A_1737 = arith.muli %shift_right_arithmetic3A_1735, %mul3A_1736 : i32
      %and3A_1738 = arith.constant 3 : i32
      %and3A_1739 = arith.andi %scan3A_1732, %and3A_1738 : i32
      %mul3A_1740 = arith.constant 128 : i32
      %mul3A_1741 = arith.muli %and3A_1739, %mul3A_1740 : i32
      %add3A_1742 = arith.addi %mul3A_1737, %mul3A_1741 : i32
      %mul3A_1743 = arith.constant 16 : i32
      %mul3A_1744 = arith.muli %scan3A_1732, %mul3A_1743 : i32
      %add3A_1745 = arith.constant 4096 : i32
      %add3A_1746 = arith.addi %add3A_1745, %mul3A_1744 : i32
      %add3A_1747 = vector.broadcast %add3A_1742 : i32 to vector<16xi32>
      %add3A_1748 = arith.addi %get3A_1429, %add3A_1747 : vector<16xi32>
      %swap3A_1749 = arith.index_cast %add3A_1746 : i32 to index
      %swap3A_1750 = tpu.vector_load %arg13[%swap3A_1749] {strides = array<i32>} : memref<8192xi32, #tpu.memory_space<vmem>>, vector<16xi32>,
      tpu.vector_store %arg13[%swap3A_1749], %add3A_1748 {strides = array<i32>} : memref<8192xi32, #tpu.memory_space<vmem>>, vector<16xi32>,
      %add3A_1751 = vector.broadcast %add3A_1742 : i32 to vector<16xi32>
      %add3A_1752 = arith.addi %get3A_1431, %add3A_1751 : vector<16xi32>
      %swap3A_1753 = arith.index_cast %add3A_1746 : i32 to index
      %swap3A_1754 = tpu.vector_load %arg14[%swap3A_1753] {strides = array<i32>} : memref<8192xi32, #tpu.memory_space<vmem>>, vector<16xi32>,
      tpu.vector_store %arg14[%swap3A_1753], %add3A_1752 {strides = array<i32>} : memref<8192xi32, #tpu.memory_space<vmem>>, vector<16xi32>,
      %scan3A_1755 = arith.constant 0 : i32
      scf.yield %scan3A_1755 : i32
    }
    %scan3A_1438 = arith.constant 32 : i32
    %get3A_1439 = arith.constant 400 : index
    %get3A_1440 = tpu.vector_load %arg11[%get3A_1439] {strides = array<i32>} : memref<512xi32, #tpu.memory_space<vmem>>, vector<16xi32>,
    %get3A_1441 = arith.constant 400 : index
    %get3A_1442 = tpu.vector_load %arg12[%get3A_1441] {strides = array<i32>} : memref<512xi32, #tpu.memory_space<vmem>>, vector<16xi32>,
    %scan3A_1443 = arith.constant 0 : i32
    %scan3A_1444 = arith.constant 0 : i32
    %scan3A_1445 = arith.constant 32 : i32
    %scan3A_1446 = arith.addi %scan3A_1444, %scan3A_1445 : i32
    %scan3A_1447 = arith.constant 1 : i32
    %scan3A_1448 = scf.for %scan3A_1732 = %scan3A_1444 to %scan3A_1446 step %scan3A_1447 iter_args(%scan3A_1733 = %scan3A_1443) -> (i32)  : i32 {
      %shift_right_arithmetic3A_1734 = arith.constant 2 : i32
      %shift_right_arithmetic3A_1735 = arith.shrsi %scan3A_1732, %shift_right_arithmetic3A_1734 : i32
      %mul3A_1736 = arith.constant 4063232 : i32
      %mul3A_1737 = arith.muli %shift_right_arithmetic3A_1735, %mul3A_1736 : i32
      %and3A_1738 = arith.constant 3 : i32
      %and3A_1739 = arith.andi %scan3A_1732, %and3A_1738 : i32
      %mul3A_1740 = arith.constant 128 : i32
      %mul3A_1741 = arith.muli %and3A_1739, %mul3A_1740 : i32
      %add3A_1742 = arith.addi %mul3A_1737, %mul3A_1741 : i32
      %mul3A_1743 = arith.constant 16 : i32
      %mul3A_1744 = arith.muli %scan3A_1732, %mul3A_1743 : i32
      %add3A_1745 = arith.constant 4608 : i32
      %add3A_1746 = arith.addi %add3A_1745, %mul3A_1744 : i32
      %add3A_1747 = vector.broadcast %add3A_1742 : i32 to vector<16xi32>
      %add3A_1748 = arith.addi %get3A_1440, %add3A_1747 : vector<16xi32>
      %swap3A_1749 = arith.index_cast %add3A_1746 : i32 to index
      %swap3A_1750 = tpu.vector_load %arg13[%swap3A_1749] {strides = array<i32>} : memref<8192xi32, #tpu.memory_space<vmem>>, vector<16xi32>,
      tpu.vector_store %arg13[%swap3A_1749], %add3A_1748 {strides = array<i32>} : memref<8192xi32, #tpu.memory_space<vmem>>, vector<16xi32>,
      %add3A_1751 = vector.broadcast %add3A_1742 : i32 to vector<16xi32>
      %add3A_1752 = arith.addi %get3A_1442, %add3A_1751 : vector<16xi32>
      %swap3A_1753 = arith.index_cast %add3A_1746 : i32 to index
      %swap3A_1754 = tpu.vector_load %arg14[%swap3A_1753] {strides = array<i32>} : memref<8192xi32, #tpu.memory_space<vmem>>, vector<16xi32>,
      tpu.vector_store %arg14[%swap3A_1753], %add3A_1752 {strides = array<i32>} : memref<8192xi32, #tpu.memory_space<vmem>>, vector<16xi32>,
      %scan3A_1755 = arith.constant 0 : i32
      scf.yield %scan3A_1755 : i32
    }
    %scan3A_1449 = arith.constant 32 : i32
    %get3A_1450 = arith.constant 416 : index
    %get3A_1451 = tpu.vector_load %arg11[%get3A_1450] {strides = array<i32>} : memref<512xi32, #tpu.memory_space<vmem>>, vector<16xi32>,
    %get3A_1452 = arith.constant 416 : index
    %get3A_1453 = tpu.vector_load %arg12[%get3A_1452] {strides = array<i32>} : memref<512xi32, #tpu.memory_space<vmem>>, vector<16xi32>,
    %scan3A_1454 = arith.constant 0 : i32
    %scan3A_1455 = arith.constant 0 : i32
    %scan3A_1456 = arith.constant 32 : i32
    %scan3A_1457 = arith.addi %scan3A_1455, %scan3A_1456 : i32
    %scan3A_1458 = arith.constant 1 : i32
    %scan3A_1459 = scf.for %scan3A_1732 = %scan3A_1455 to %scan3A_1457 step %scan3A_1458 iter_args(%scan3A_1733 = %scan3A_1454) -> (i32)  : i32 {
      %shift_right_arithmetic3A_1734 = arith.constant 2 : i32
      %shift_right_arithmetic3A_1735 = arith.shrsi %scan3A_1732, %shift_right_arithmetic3A_1734 : i32
      %mul3A_1736 = arith.constant 4063232 : i32
      %mul3A_1737 = arith.muli %shift_right_arithmetic3A_1735, %mul3A_1736 : i32
      %and3A_1738 = arith.constant 3 : i32
      %and3A_1739 = arith.andi %scan3A_1732, %and3A_1738 : i32
      %mul3A_1740 = arith.constant 128 : i32
      %mul3A_1741 = arith.muli %and3A_1739, %mul3A_1740 : i32
      %add3A_1742 = arith.addi %mul3A_1737, %mul3A_1741 : i32
      %mul3A_1743 = arith.constant 16 : i32
      %mul3A_1744 = arith.muli %scan3A_1732, %mul3A_1743 : i32
      %add3A_1745 = arith.constant 5120 : i32
      %add3A_1746 = arith.addi %add3A_1745, %mul3A_1744 : i32
      %add3A_1747 = vector.broadcast %add3A_1742 : i32 to vector<16xi32>
      %add3A_1748 = arith.addi %get3A_1451, %add3A_1747 : vector<16xi32>
      %swap3A_1749 = arith.index_cast %add3A_1746 : i32 to index
      %swap3A_1750 = tpu.vector_load %arg13[%swap3A_1749] {strides = array<i32>} : memref<8192xi32, #tpu.memory_space<vmem>>, vector<16xi32>,
      tpu.vector_store %arg13[%swap3A_1749], %add3A_1748 {strides = array<i32>} : memref<8192xi32, #tpu.memory_space<vmem>>, vector<16xi32>,
      %add3A_1751 = vector.broadcast %add3A_1742 : i32 to vector<16xi32>
      %add3A_1752 = arith.addi %get3A_1453, %add3A_1751 : vector<16xi32>
      %swap3A_1753 = arith.index_cast %add3A_1746 : i32 to index
      %swap3A_1754 = tpu.vector_load %arg14[%swap3A_1753] {strides = array<i32>} : memref<8192xi32, #tpu.memory_space<vmem>>, vector<16xi32>,
      tpu.vector_store %arg14[%swap3A_1753], %add3A_1752 {strides = array<i32>} : memref<8192xi32, #tpu.memory_space<vmem>>, vector<16xi32>,
      %scan3A_1755 = arith.constant 0 : i32
      scf.yield %scan3A_1755 : i32
    }
    %scan3A_1460 = arith.constant 32 : i32
    %get3A_1461 = arith.constant 432 : index
    %get3A_1462 = tpu.vector_load %arg11[%get3A_1461] {strides = array<i32>} : memref<512xi32, #tpu.memory_space<vmem>>, vector<16xi32>,
    %get3A_1463 = arith.constant 432 : index
    %get3A_1464 = tpu.vector_load %arg12[%get3A_1463] {strides = array<i32>} : memref<512xi32, #tpu.memory_space<vmem>>, vector<16xi32>,
    %scan3A_1465 = arith.constant 0 : i32
    %scan3A_1466 = arith.constant 0 : i32
    %scan3A_1467 = arith.constant 32 : i32
    %scan3A_1468 = arith.addi %scan3A_1466, %scan3A_1467 : i32
    %scan3A_1469 = arith.constant 1 : i32
    %scan3A_1470 = scf.for %scan3A_1732 = %scan3A_1466 to %scan3A_1468 step %scan3A_1469 iter_args(%scan3A_1733 = %scan3A_1465) -> (i32)  : i32 {
      %shift_right_arithmetic3A_1734 = arith.constant 2 : i32
      %shift_right_arithmetic3A_1735 = arith.shrsi %scan3A_1732, %shift_right_arithmetic3A_1734 : i32
      %mul3A_1736 = arith.constant 4063232 : i32
      %mul3A_1737 = arith.muli %shift_right_arithmetic3A_1735, %mul3A_1736 : i32
      %and3A_1738 = arith.constant 3 : i32
      %and3A_1739 = arith.andi %scan3A_1732, %and3A_1738 : i32
      %mul3A_1740 = arith.constant 128 : i32
      %mul3A_1741 = arith.muli %and3A_1739, %mul3A_1740 : i32
      %add3A_1742 = arith.addi %mul3A_1737, %mul3A_1741 : i32
      %mul3A_1743 = arith.constant 16 : i32
      %mul3A_1744 = arith.muli %scan3A_1732, %mul3A_1743 : i32
      %add3A_1745 = arith.constant 5632 : i32
      %add3A_1746 = arith.addi %add3A_1745, %mul3A_1744 : i32
      %add3A_1747 = vector.broadcast %add3A_1742 : i32 to vector<16xi32>
      %add3A_1748 = arith.addi %get3A_1462, %add3A_1747 : vector<16xi32>
      %swap3A_1749 = arith.index_cast %add3A_1746 : i32 to index
      %swap3A_1750 = tpu.vector_load %arg13[%swap3A_1749] {strides = array<i32>} : memref<8192xi32, #tpu.memory_space<vmem>>, vector<16xi32>,
      tpu.vector_store %arg13[%swap3A_1749], %add3A_1748 {strides = array<i32>} : memref<8192xi32, #tpu.memory_space<vmem>>, vector<16xi32>,
      %add3A_1751 = vector.broadcast %add3A_1742 : i32 to vector<16xi32>
      %add3A_1752 = arith.addi %get3A_1464, %add3A_1751 : vector<16xi32>
      %swap3A_1753 = arith.index_cast %add3A_1746 : i32 to index
      %swap3A_1754 = tpu.vector_load %arg14[%swap3A_1753] {strides = array<i32>} : memref<8192xi32, #tpu.memory_space<vmem>>, vector<16xi32>,
      tpu.vector_store %arg14[%swap3A_1753], %add3A_1752 {strides = array<i32>} : memref<8192xi32, #tpu.memory_space<vmem>>, vector<16xi32>,
      %scan3A_1755 = arith.constant 0 : i32
      scf.yield %scan3A_1755 : i32
    }
    %scan3A_1471 = arith.constant 32 : i32
    %get3A_1472 = arith.constant 448 : index
    %get3A_1473 = tpu.vector_load %arg11[%get3A_1472] {strides = array<i32>} : memref<512xi32, #tpu.memory_space<vmem>>, vector<16xi32>,
    %get3A_1474 = arith.constant 448 : index
    %get3A_1475 = tpu.vector_load %arg12[%get3A_1474] {strides = array<i32>} : memref<512xi32, #tpu.memory_space<vmem>>, vector<16xi32>,
    %scan3A_1476 = arith.constant 0 : i32
    %scan3A_1477 = arith.constant 0 : i32
    %scan3A_1478 = arith.constant 32 : i32
    %scan3A_1479 = arith.addi %scan3A_1477, %scan3A_1478 : i32
    %scan3A_1480 = arith.constant 1 : i32
    %scan3A_1481 = scf.for %scan3A_1732 = %scan3A_1477 to %scan3A_1479 step %scan3A_1480 iter_args(%scan3A_1733 = %scan3A_1476) -> (i32)  : i32 {
      %shift_right_arithmetic3A_1734 = arith.constant 2 : i32
      %shift_right_arithmetic3A_1735 = arith.shrsi %scan3A_1732, %shift_right_arithmetic3A_1734 : i32
      %mul3A_1736 = arith.constant 4063232 : i32
      %mul3A_1737 = arith.muli %shift_right_arithmetic3A_1735, %mul3A_1736 : i32
      %and3A_1738 = arith.constant 3 : i32
      %and3A_1739 = arith.andi %scan3A_1732, %and3A_1738 : i32
      %mul3A_1740 = arith.constant 128 : i32
      %mul3A_1741 = arith.muli %and3A_1739, %mul3A_1740 : i32
      %add3A_1742 = arith.addi %mul3A_1737, %mul3A_1741 : i32
      %mul3A_1743 = arith.constant 16 : i32
      %mul3A_1744 = arith.muli %scan3A_1732, %mul3A_1743 : i32
      %add3A_1745 = arith.constant 6144 : i32
      %add3A_1746 = arith.addi %add3A_1745, %mul3A_1744 : i32
      %add3A_1747 = vector.broadcast %add3A_1742 : i32 to vector<16xi32>
      %add3A_1748 = arith.addi %get3A_1473, %add3A_1747 : vector<16xi32>
      %swap3A_1749 = arith.index_cast %add3A_1746 : i32 to index
      %swap3A_1750 = tpu.vector_load %arg13[%swap3A_1749] {strides = array<i32>} : memref<8192xi32, #tpu.memory_space<vmem>>, vector<16xi32>,
      tpu.vector_store %arg13[%swap3A_1749], %add3A_1748 {strides = array<i32>} : memref<8192xi32, #tpu.memory_space<vmem>>, vector<16xi32>,
      %add3A_1751 = vector.broadcast %add3A_1742 : i32 to vector<16xi32>
      %add3A_1752 = arith.addi %get3A_1475, %add3A_1751 : vector<16xi32>
      %swap3A_1753 = arith.index_cast %add3A_1746 : i32 to index
      %swap3A_1754 = tpu.vector_load %arg14[%swap3A_1753] {strides = array<i32>} : memref<8192xi32, #tpu.memory_space<vmem>>, vector<16xi32>,
      tpu.vector_store %arg14[%swap3A_1753], %add3A_1752 {strides = array<i32>} : memref<8192xi32, #tpu.memory_space<vmem>>, vector<16xi32>,
      %scan3A_1755 = arith.constant 0 : i32
      scf.yield %scan3A_1755 : i32
    }
    %scan3A_1482 = arith.constant 32 : i32
    %get3A_1483 = arith.constant 464 : index
    %get3A_1484 = tpu.vector_load %arg11[%get3A_1483] {strides = array<i32>} : memref<512xi32, #tpu.memory_space<vmem>>, vector<16xi32>,
    %get3A_1485 = arith.constant 464 : index
    %get3A_1486 = tpu.vector_load %arg12[%get3A_1485] {strides = array<i32>} : memref<512xi32, #tpu.memory_space<vmem>>, vector<16xi32>,
    %scan3A_1487 = arith.constant 0 : i32
    %scan3A_1488 = arith.constant 0 : i32
    %scan3A_1489 = arith.constant 32 : i32
    %scan3A_1490 = arith.addi %scan3A_1488, %scan3A_1489 : i32
    %scan3A_1491 = arith.constant 1 : i32
    %scan3A_1492 = scf.for %scan3A_1732 = %scan3A_1488 to %scan3A_1490 step %scan3A_1491 iter_args(%scan3A_1733 = %scan3A_1487) -> (i32)  : i32 {
      %shift_right_arithmetic3A_1734 = arith.constant 2 : i32
      %shift_right_arithmetic3A_1735 = arith.shrsi %scan3A_1732, %shift_right_arithmetic3A_1734 : i32
      %mul3A_1736 = arith.constant 4063232 : i32
      %mul3A_1737 = arith.muli %shift_right_arithmetic3A_1735, %mul3A_1736 : i32
      %and3A_1738 = arith.constant 3 : i32
      %and3A_1739 = arith.andi %scan3A_1732, %and3A_1738 : i32
      %mul3A_1740 = arith.constant 128 : i32
      %mul3A_1741 = arith.muli %and3A_1739, %mul3A_1740 : i32
      %add3A_1742 = arith.addi %mul3A_1737, %mul3A_1741 : i32
      %mul3A_1743 = arith.constant 16 : i32
      %mul3A_1744 = arith.muli %scan3A_1732, %mul3A_1743 : i32
      %add3A_1745 = arith.constant 6656 : i32
      %add3A_1746 = arith.addi %add3A_1745, %mul3A_1744 : i32
      %add3A_1747 = vector.broadcast %add3A_1742 : i32 to vector<16xi32>
      %add3A_1748 = arith.addi %get3A_1484, %add3A_1747 : vector<16xi32>
      %swap3A_1749 = arith.index_cast %add3A_1746 : i32 to index
      %swap3A_1750 = tpu.vector_load %arg13[%swap3A_1749] {strides = array<i32>} : memref<8192xi32, #tpu.memory_space<vmem>>, vector<16xi32>,
      tpu.vector_store %arg13[%swap3A_1749], %add3A_1748 {strides = array<i32>} : memref<8192xi32, #tpu.memory_space<vmem>>, vector<16xi32>,
      %add3A_1751 = vector.broadcast %add3A_1742 : i32 to vector<16xi32>
      %add3A_1752 = arith.addi %get3A_1486, %add3A_1751 : vector<16xi32>
      %swap3A_1753 = arith.index_cast %add3A_1746 : i32 to index
      %swap3A_1754 = tpu.vector_load %arg14[%swap3A_1753] {strides = array<i32>} : memref<8192xi32, #tpu.memory_space<vmem>>, vector<16xi32>,
      tpu.vector_store %arg14[%swap3A_1753], %add3A_1752 {strides = array<i32>} : memref<8192xi32, #tpu.memory_space<vmem>>, vector<16xi32>,
      %scan3A_1755 = arith.constant 0 : i32
      scf.yield %scan3A_1755 : i32
    }
    %scan3A_1493 = arith.constant 32 : i32
    %get3A_1494 = arith.constant 480 : index
    %get3A_1495 = tpu.vector_load %arg11[%get3A_1494] {strides = array<i32>} : memref<512xi32, #tpu.memory_space<vmem>>, vector<16xi32>,
    %get3A_1496 = arith.constant 480 : index
    %get3A_1497 = tpu.vector_load %arg12[%get3A_1496] {strides = array<i32>} : memref<512xi32, #tpu.memory_space<vmem>>, vector<16xi32>,
    %scan3A_1498 = arith.constant 0 : i32
    %scan3A_1499 = arith.constant 0 : i32
    %scan3A_1500 = arith.constant 32 : i32
    %scan3A_1501 = arith.addi %scan3A_1499, %scan3A_1500 : i32
    %scan3A_1502 = arith.constant 1 : i32
    %scan3A_1503 = scf.for %scan3A_1732 = %scan3A_1499 to %scan3A_1501 step %scan3A_1502 iter_args(%scan3A_1733 = %scan3A_1498) -> (i32)  : i32 {
      %shift_right_arithmetic3A_1734 = arith.constant 2 : i32
      %shift_right_arithmetic3A_1735 = arith.shrsi %scan3A_1732, %shift_right_arithmetic3A_1734 : i32
      %mul3A_1736 = arith.constant 4063232 : i32
      %mul3A_1737 = arith.muli %shift_right_arithmetic3A_1735, %mul3A_1736 : i32
      %and3A_1738 = arith.constant 3 : i32
      %and3A_1739 = arith.andi %scan3A_1732, %and3A_1738 : i32
      %mul3A_1740 = arith.constant 128 : i32
      %mul3A_1741 = arith.muli %and3A_1739, %mul3A_1740 : i32
      %add3A_1742 = arith.addi %mul3A_1737, %mul3A_1741 : i32
      %mul3A_1743 = arith.constant 16 : i32
      %mul3A_1744 = arith.muli %scan3A_1732, %mul3A_1743 : i32
      %add3A_1745 = arith.constant 7168 : i32
      %add3A_1746 = arith.addi %add3A_1745, %mul3A_1744 : i32
      %add3A_1747 = vector.broadcast %add3A_1742 : i32 to vector<16xi32>
      %add3A_1748 = arith.addi %get3A_1495, %add3A_1747 : vector<16xi32>
      %swap3A_1749 = arith.index_cast %add3A_1746 : i32 to index
      %swap3A_1750 = tpu.vector_load %arg13[%swap3A_1749] {strides = array<i32>} : memref<8192xi32, #tpu.memory_space<vmem>>, vector<16xi32>,
      tpu.vector_store %arg13[%swap3A_1749], %add3A_1748 {strides = array<i32>} : memref<8192xi32, #tpu.memory_space<vmem>>, vector<16xi32>,
      %add3A_1751 = vector.broadcast %add3A_1742 : i32 to vector<16xi32>
      %add3A_1752 = arith.addi %get3A_1497, %add3A_1751 : vector<16xi32>
      %swap3A_1753 = arith.index_cast %add3A_1746 : i32 to index
      %swap3A_1754 = tpu.vector_load %arg14[%swap3A_1753] {strides = array<i32>} : memref<8192xi32, #tpu.memory_space<vmem>>, vector<16xi32>,
      tpu.vector_store %arg14[%swap3A_1753], %add3A_1752 {strides = array<i32>} : memref<8192xi32, #tpu.memory_space<vmem>>, vector<16xi32>,
      %scan3A_1755 = arith.constant 0 : i32
      scf.yield %scan3A_1755 : i32
    }
    %scan3A_1504 = arith.constant 32 : i32
    %get3A_1505 = arith.constant 496 : index
    %get3A_1506 = tpu.vector_load %arg11[%get3A_1505] {strides = array<i32>} : memref<512xi32, #tpu.memory_space<vmem>>, vector<16xi32>,
    %get3A_1507 = arith.constant 496 : index
    %get3A_1508 = tpu.vector_load %arg12[%get3A_1507] {strides = array<i32>} : memref<512xi32, #tpu.memory_space<vmem>>, vector<16xi32>,
    %scan3A_1509 = arith.constant 0 : i32
    %scan3A_1510 = arith.constant 0 : i32
    %scan3A_1511 = arith.constant 32 : i32
    %scan3A_1512 = arith.addi %scan3A_1510, %scan3A_1511 : i32
    %scan3A_1513 = arith.constant 1 : i32
    %scan3A_1514 = scf.for %scan3A_1732 = %scan3A_1510 to %scan3A_1512 step %scan3A_1513 iter_args(%scan3A_1733 = %scan3A_1509) -> (i32)  : i32 {
      %shift_right_arithmetic3A_1734 = arith.constant 2 : i32
      %shift_right_arithmetic3A_1735 = arith.shrsi %scan3A_1732, %shift_right_arithmetic3A_1734 : i32
      %mul3A_1736 = arith.constant 4063232 : i32
      %mul3A_1737 = arith.muli %shift_right_arithmetic3A_1735, %mul3A_1736 : i32
      %and3A_1738 = arith.constant 3 : i32
      %and3A_1739 = arith.andi %scan3A_1732, %and3A_1738 : i32
      %mul3A_1740 = arith.constant 128 : i32
      %mul3A_1741 = arith.muli %and3A_1739, %mul3A_1740 : i32
      %add3A_1742 = arith.addi %mul3A_1737, %mul3A_1741 : i32
      %mul3A_1743 = arith.constant 16 : i32
      %mul3A_1744 = arith.muli %scan3A_1732, %mul3A_1743 : i32
      %add3A_1745 = arith.constant 7680 : i32
      %add3A_1746 = arith.addi %add3A_1745, %mul3A_1744 : i32
      %add3A_1747 = vector.broadcast %add3A_1742 : i32 to vector<16xi32>
      %add3A_1748 = arith.addi %get3A_1506, %add3A_1747 : vector<16xi32>
      %swap3A_1749 = arith.index_cast %add3A_1746 : i32 to index
      %swap3A_1750 = tpu.vector_load %arg13[%swap3A_1749] {strides = array<i32>} : memref<8192xi32, #tpu.memory_space<vmem>>, vector<16xi32>,
      tpu.vector_store %arg13[%swap3A_1749], %add3A_1748 {strides = array<i32>} : memref<8192xi32, #tpu.memory_space<vmem>>, vector<16xi32>,
      %add3A_1751 = vector.broadcast %add3A_1742 : i32 to vector<16xi32>
      %add3A_1752 = arith.addi %get3A_1508, %add3A_1751 : vector<16xi32>
      %swap3A_1753 = arith.index_cast %add3A_1746 : i32 to index
      %swap3A_1754 = tpu.vector_load %arg14[%swap3A_1753] {strides = array<i32>} : memref<8192xi32, #tpu.memory_space<vmem>>, vector<16xi32>,
      tpu.vector_store %arg14[%swap3A_1753], %add3A_1752 {strides = array<i32>} : memref<8192xi32, #tpu.memory_space<vmem>>, vector<16xi32>,
      %scan3A_1755 = arith.constant 0 : i32
      scf.yield %scan3A_1755 : i32
    }
    %scan3A_1515 = arith.constant 32 : i32
    %dma_start3A_1516 = arith.constant 0 : i32
    %dma_start3A_1517 = tpu.memref_slice %arg4[%dma_start3A_1516] : memref<32505856xi32, #tpu.memory_space<hbm>> -> memref<32505856xi32, #tpu.memory_space<hbm>>
    tpu.enqueue_indirect_dma source(%dma_start3A_1517 : memref<32505856xi32, #tpu.memory_space<hbm>>) target(%arg15 : memref<8192xi32, #tpu.memory_space<vmem>>) offsets(%arg13 : memref<8192xi32, #tpu.memory_space<vmem>>) semaphore(%arg20 : memref<!tpu.dma_semaphore, #tpu.memory_space<semaphore_mem>>)
    %dma_start3A_1518 = arith.constant 0 : i32
    %dma_start3A_1519 = tpu.memref_slice %arg5[%dma_start3A_1518] : memref<32505856xi32, #tpu.memory_space<hbm>> -> memref<32505856xi32, #tpu.memory_space<hbm>>
    tpu.enqueue_indirect_dma source(%dma_start3A_1519 : memref<32505856xi32, #tpu.memory_space<hbm>>) target(%arg16 : memref<8192xi32, #tpu.memory_space<vmem>>) offsets(%arg14 : memref<8192xi32, #tpu.memory_space<vmem>>) semaphore(%arg20 : memref<!tpu.dma_semaphore, #tpu.memory_space<semaphore_mem>>)
    %dma_wait3A_1520 = arith.constant 0 : i32
    %dma_wait3A_1521 = tpu.memref_slice %arg4[%dma_wait3A_1520] : memref<32505856xi32, #tpu.memory_space<hbm>> -> memref<32505856xi32, #tpu.memory_space<hbm>>
    tpu.wait_indirect_dma semaphore(%arg20 : memref<!tpu.dma_semaphore, #tpu.memory_space<semaphore_mem>>) src(%dma_wait3A_1521 : memref<32505856xi32, #tpu.memory_space<hbm>>) dst(%arg15 : memref<8192xi32, #tpu.memory_space<vmem>>)
    %dma_wait3A_1522 = arith.constant 0 : i32
    %dma_wait3A_1523 = tpu.memref_slice %arg5[%dma_wait3A_1522] : memref<32505856xi32, #tpu.memory_space<hbm>> -> memref<32505856xi32, #tpu.memory_space<hbm>>
    tpu.wait_indirect_dma semaphore(%arg20 : memref<!tpu.dma_semaphore, #tpu.memory_space<semaphore_mem>>) src(%dma_wait3A_1523 : memref<32505856xi32, #tpu.memory_space<hbm>>) dst(%arg16 : memref<8192xi32, #tpu.memory_space<vmem>>)
    %get3A_1524 = arith.constant 256 : index
    %get3A_1525 = tpu.vector_load %arg17[%get3A_1524] {strides = array<i32>} : memref<512xf32, #tpu.memory_space<vmem>>, vector<16xf32>,
    %get3A_1526 = arith.constant 256 : index
    %get3A_1527 = tpu.vector_load %arg18[%get3A_1526] {strides = array<i32>} : memref<512xf32, #tpu.memory_space<vmem>>, vector<16xf32>,
    %add3A_1528 = arith.addf %get3A_1525, %get3A_1527 : vector<16xf32>
    %scan3A_1529 = arith.constant 0 : i32
    %scan3A_1530 = arith.constant 32 : i32
    %scan3A_1531 = arith.addi %scan3A_1529, %scan3A_1530 : i32
    %scan3A_1532 = arith.constant 1 : i32
    %scan3A_1533 = scf.for %scan3A_1732 = %scan3A_1529 to %scan3A_1531 step %scan3A_1532 iter_args(%scan3A_1733 = %add3A_1528) -> (vector<16xf32>)  : i32 {
      %mul3A_1734 = arith.constant 16 : i32
      %mul3A_1735 = arith.muli %scan3A_1732, %mul3A_1734 : i32
      %add3A_1736 = arith.constant 0 : i32
      %add3A_1737 = arith.addi %add3A_1736, %mul3A_1735 : i32
      %get3A_1738 = arith.index_cast %add3A_1737 : i32 to index
      %get3A_1739 = tpu.vector_load %arg15[%get3A_1738] {strides = array<i32>} : memref<8192xi32, #tpu.memory_space<vmem>>, vector<16xi32>,
      %get3A_1740 = arith.index_cast %add3A_1737 : i32 to index
      %get3A_1741 = tpu.vector_load %arg16[%get3A_1740] {strides = array<i32>} : memref<8192xi32, #tpu.memory_space<vmem>>, vector<16xi32>,
      %and3A_1742 = arith.constant -65536 : i32
      %and3A_1743 = vector.broadcast %and3A_1742 : i32 to vector<16xi32>
      %and3A_1744 = arith.andi %get3A_1739, %and3A_1743 : vector<16xi32>
      %bitcast3A = vector.bitcast %and3A_1744 : vector<16xi32> to vector<16xf32>
      %and3A_1745 = arith.constant -65536 : i32
      %and3A_1746 = vector.broadcast %and3A_1745 : i32 to vector<16xi32>
      %and3A_1747 = arith.andi %get3A_1741, %and3A_1746 : vector<16xi32>
      %bitcast3A_1748 = vector.bitcast %and3A_1747 : vector<16xi32> to vector<16xf32>
      %shift_left3A = arith.constant 16 : i32
      %shift_left3A_1749 = vector.broadcast %shift_left3A : i32 to vector<16xi32>
      %shift_left3A_1750 = arith.shli %get3A_1739, %shift_left3A_1749 : vector<16xi32>
      %bitcast3A_1751 = vector.bitcast %shift_left3A_1750 : vector<16xi32> to vector<16xf32>
      %shift_left3A_1752 = arith.constant 16 : i32
      %shift_left3A_1753 = vector.broadcast %shift_left3A_1752 : i32 to vector<16xi32>
      %shift_left3A_1754 = arith.shli %get3A_1741, %shift_left3A_1753 : vector<16xi32>
      %bitcast3A_1755 = vector.bitcast %shift_left3A_1754 : vector<16xi32> to vector<16xf32>
      %mul3A_1756 = arith.mulf %bitcast3A, %bitcast3A_1748 : vector<16xf32>
      %add3A_1757 = arith.addf %scan3A_1733, %mul3A_1756 : vector<16xf32>
      %mul3A_1758 = arith.mulf %bitcast3A_1751, %bitcast3A_1755 : vector<16xf32>
      %add3A_1759 = arith.addf %add3A_1757, %mul3A_1758 : vector<16xf32>
      scf.yield %add3A_1759 : vector<16xf32>
    }
    %scan3A_1534 = arith.constant 32 : i32
    %swap3A_1535 = arith.constant 256 : index
    %swap3A_1536 = tpu.vector_load %arg19[%swap3A_1535] {strides = array<i32>} : memref<512xf32, #tpu.memory_space<vmem>>, vector<16xf32>,
    tpu.vector_store %arg19[%swap3A_1535], %scan3A_1533 {strides = array<i32>} : memref<512xf32, #tpu.memory_space<vmem>>, vector<16xf32>,
    %get3A_1537 = arith.constant 272 : index
    %get3A_1538 = tpu.vector_load %arg17[%get3A_1537] {strides = array<i32>} : memref<512xf32, #tpu.memory_space<vmem>>, vector<16xf32>,
    %get3A_1539 = arith.constant 272 : index
    %get3A_1540 = tpu.vector_load %arg18[%get3A_1539] {strides = array<i32>} : memref<512xf32, #tpu.memory_space<vmem>>, vector<16xf32>,
    %add3A_1541 = arith.addf %get3A_1538, %get3A_1540 : vector<16xf32>
    %scan3A_1542 = arith.constant 0 : i32
    %scan3A_1543 = arith.constant 32 : i32
    %scan3A_1544 = arith.addi %scan3A_1542, %scan3A_1543 : i32
    %scan3A_1545 = arith.constant 1 : i32
    %scan3A_1546 = scf.for %scan3A_1732 = %scan3A_1542 to %scan3A_1544 step %scan3A_1545 iter_args(%scan3A_1733 = %add3A_1541) -> (vector<16xf32>)  : i32 {
      %mul3A_1734 = arith.constant 16 : i32
      %mul3A_1735 = arith.muli %scan3A_1732, %mul3A_1734 : i32
      %add3A_1736 = arith.constant 512 : i32
      %add3A_1737 = arith.addi %add3A_1736, %mul3A_1735 : i32
      %get3A_1738 = arith.index_cast %add3A_1737 : i32 to index
      %get3A_1739 = tpu.vector_load %arg15[%get3A_1738] {strides = array<i32>} : memref<8192xi32, #tpu.memory_space<vmem>>, vector<16xi32>,
      %get3A_1740 = arith.index_cast %add3A_1737 : i32 to index
      %get3A_1741 = tpu.vector_load %arg16[%get3A_1740] {strides = array<i32>} : memref<8192xi32, #tpu.memory_space<vmem>>, vector<16xi32>,
      %and3A_1742 = arith.constant -65536 : i32
      %and3A_1743 = vector.broadcast %and3A_1742 : i32 to vector<16xi32>
      %and3A_1744 = arith.andi %get3A_1739, %and3A_1743 : vector<16xi32>
      %bitcast3A = vector.bitcast %and3A_1744 : vector<16xi32> to vector<16xf32>
      %and3A_1745 = arith.constant -65536 : i32
      %and3A_1746 = vector.broadcast %and3A_1745 : i32 to vector<16xi32>
      %and3A_1747 = arith.andi %get3A_1741, %and3A_1746 : vector<16xi32>
      %bitcast3A_1748 = vector.bitcast %and3A_1747 : vector<16xi32> to vector<16xf32>
      %shift_left3A = arith.constant 16 : i32
      %shift_left3A_1749 = vector.broadcast %shift_left3A : i32 to vector<16xi32>
      %shift_left3A_1750 = arith.shli %get3A_1739, %shift_left3A_1749 : vector<16xi32>
      %bitcast3A_1751 = vector.bitcast %shift_left3A_1750 : vector<16xi32> to vector<16xf32>
      %shift_left3A_1752 = arith.constant 16 : i32
      %shift_left3A_1753 = vector.broadcast %shift_left3A_1752 : i32 to vector<16xi32>
      %shift_left3A_1754 = arith.shli %get3A_1741, %shift_left3A_1753 : vector<16xi32>
      %bitcast3A_1755 = vector.bitcast %shift_left3A_1754 : vector<16xi32> to vector<16xf32>
      %mul3A_1756 = arith.mulf %bitcast3A, %bitcast3A_1748 : vector<16xf32>
      %add3A_1757 = arith.addf %scan3A_1733, %mul3A_1756 : vector<16xf32>
      %mul3A_1758 = arith.mulf %bitcast3A_1751, %bitcast3A_1755 : vector<16xf32>
      %add3A_1759 = arith.addf %add3A_1757, %mul3A_1758 : vector<16xf32>
      scf.yield %add3A_1759 : vector<16xf32>
    }
    %scan3A_1547 = arith.constant 32 : i32
    %swap3A_1548 = arith.constant 272 : index
    %swap3A_1549 = tpu.vector_load %arg19[%swap3A_1548] {strides = array<i32>} : memref<512xf32, #tpu.memory_space<vmem>>, vector<16xf32>,
    tpu.vector_store %arg19[%swap3A_1548], %scan3A_1546 {strides = array<i32>} : memref<512xf32, #tpu.memory_space<vmem>>, vector<16xf32>,
    %get3A_1550 = arith.constant 288 : index
    %get3A_1551 = tpu.vector_load %arg17[%get3A_1550] {strides = array<i32>} : memref<512xf32, #tpu.memory_space<vmem>>, vector<16xf32>,
    %get3A_1552 = arith.constant 288 : index
    %get3A_1553 = tpu.vector_load %arg18[%get3A_1552] {strides = array<i32>} : memref<512xf32, #tpu.memory_space<vmem>>, vector<16xf32>,
    %add3A_1554 = arith.addf %get3A_1551, %get3A_1553 : vector<16xf32>
    %scan3A_1555 = arith.constant 0 : i32
    %scan3A_1556 = arith.constant 32 : i32
    %scan3A_1557 = arith.addi %scan3A_1555, %scan3A_1556 : i32
    %scan3A_1558 = arith.constant 1 : i32
    %scan3A_1559 = scf.for %scan3A_1732 = %scan3A_1555 to %scan3A_1557 step %scan3A_1558 iter_args(%scan3A_1733 = %add3A_1554) -> (vector<16xf32>)  : i32 {
      %mul3A_1734 = arith.constant 16 : i32
      %mul3A_1735 = arith.muli %scan3A_1732, %mul3A_1734 : i32
      %add3A_1736 = arith.constant 1024 : i32
      %add3A_1737 = arith.addi %add3A_1736, %mul3A_1735 : i32
      %get3A_1738 = arith.index_cast %add3A_1737 : i32 to index
      %get3A_1739 = tpu.vector_load %arg15[%get3A_1738] {strides = array<i32>} : memref<8192xi32, #tpu.memory_space<vmem>>, vector<16xi32>,
      %get3A_1740 = arith.index_cast %add3A_1737 : i32 to index
      %get3A_1741 = tpu.vector_load %arg16[%get3A_1740] {strides = array<i32>} : memref<8192xi32, #tpu.memory_space<vmem>>, vector<16xi32>,
      %and3A_1742 = arith.constant -65536 : i32
      %and3A_1743 = vector.broadcast %and3A_1742 : i32 to vector<16xi32>
      %and3A_1744 = arith.andi %get3A_1739, %and3A_1743 : vector<16xi32>
      %bitcast3A = vector.bitcast %and3A_1744 : vector<16xi32> to vector<16xf32>
      %and3A_1745 = arith.constant -65536 : i32
      %and3A_1746 = vector.broadcast %and3A_1745 : i32 to vector<16xi32>
      %and3A_1747 = arith.andi %get3A_1741, %and3A_1746 : vector<16xi32>
      %bitcast3A_1748 = vector.bitcast %and3A_1747 : vector<16xi32> to vector<16xf32>
      %shift_left3A = arith.constant 16 : i32
      %shift_left3A_1749 = vector.broadcast %shift_left3A : i32 to vector<16xi32>
      %shift_left3A_1750 = arith.shli %get3A_1739, %shift_left3A_1749 : vector<16xi32>
      %bitcast3A_1751 = vector.bitcast %shift_left3A_1750 : vector<16xi32> to vector<16xf32>
      %shift_left3A_1752 = arith.constant 16 : i32
      %shift_left3A_1753 = vector.broadcast %shift_left3A_1752 : i32 to vector<16xi32>
      %shift_left3A_1754 = arith.shli %get3A_1741, %shift_left3A_1753 : vector<16xi32>
      %bitcast3A_1755 = vector.bitcast %shift_left3A_1754 : vector<16xi32> to vector<16xf32>
      %mul3A_1756 = arith.mulf %bitcast3A, %bitcast3A_1748 : vector<16xf32>
      %add3A_1757 = arith.addf %scan3A_1733, %mul3A_1756 : vector<16xf32>
      %mul3A_1758 = arith.mulf %bitcast3A_1751, %bitcast3A_1755 : vector<16xf32>
      %add3A_1759 = arith.addf %add3A_1757, %mul3A_1758 : vector<16xf32>
      scf.yield %add3A_1759 : vector<16xf32>
    }
    %scan3A_1560 = arith.constant 32 : i32
    %swap3A_1561 = arith.constant 288 : index
    %swap3A_1562 = tpu.vector_load %arg19[%swap3A_1561] {strides = array<i32>} : memref<512xf32, #tpu.memory_space<vmem>>, vector<16xf32>,
    tpu.vector_store %arg19[%swap3A_1561], %scan3A_1559 {strides = array<i32>} : memref<512xf32, #tpu.memory_space<vmem>>, vector<16xf32>,
    %get3A_1563 = arith.constant 304 : index
    %get3A_1564 = tpu.vector_load %arg17[%get3A_1563] {strides = array<i32>} : memref<512xf32, #tpu.memory_space<vmem>>, vector<16xf32>,
    %get3A_1565 = arith.constant 304 : index
    %get3A_1566 = tpu.vector_load %arg18[%get3A_1565] {strides = array<i32>} : memref<512xf32, #tpu.memory_space<vmem>>, vector<16xf32>,
    %add3A_1567 = arith.addf %get3A_1564, %get3A_1566 : vector<16xf32>
    %scan3A_1568 = arith.constant 0 : i32
    %scan3A_1569 = arith.constant 32 : i32
    %scan3A_1570 = arith.addi %scan3A_1568, %scan3A_1569 : i32
    %scan3A_1571 = arith.constant 1 : i32
    %scan3A_1572 = scf.for %scan3A_1732 = %scan3A_1568 to %scan3A_1570 step %scan3A_1571 iter_args(%scan3A_1733 = %add3A_1567) -> (vector<16xf32>)  : i32 {
      %mul3A_1734 = arith.constant 16 : i32
      %mul3A_1735 = arith.muli %scan3A_1732, %mul3A_1734 : i32
      %add3A_1736 = arith.constant 1536 : i32
      %add3A_1737 = arith.addi %add3A_1736, %mul3A_1735 : i32
      %get3A_1738 = arith.index_cast %add3A_1737 : i32 to index
      %get3A_1739 = tpu.vector_load %arg15[%get3A_1738] {strides = array<i32>} : memref<8192xi32, #tpu.memory_space<vmem>>, vector<16xi32>,
      %get3A_1740 = arith.index_cast %add3A_1737 : i32 to index
      %get3A_1741 = tpu.vector_load %arg16[%get3A_1740] {strides = array<i32>} : memref<8192xi32, #tpu.memory_space<vmem>>, vector<16xi32>,
      %and3A_1742 = arith.constant -65536 : i32
      %and3A_1743 = vector.broadcast %and3A_1742 : i32 to vector<16xi32>
      %and3A_1744 = arith.andi %get3A_1739, %and3A_1743 : vector<16xi32>
      %bitcast3A = vector.bitcast %and3A_1744 : vector<16xi32> to vector<16xf32>
      %and3A_1745 = arith.constant -65536 : i32
      %and3A_1746 = vector.broadcast %and3A_1745 : i32 to vector<16xi32>
      %and3A_1747 = arith.andi %get3A_1741, %and3A_1746 : vector<16xi32>
      %bitcast3A_1748 = vector.bitcast %and3A_1747 : vector<16xi32> to vector<16xf32>
      %shift_left3A = arith.constant 16 : i32
      %shift_left3A_1749 = vector.broadcast %shift_left3A : i32 to vector<16xi32>
      %shift_left3A_1750 = arith.shli %get3A_1739, %shift_left3A_1749 : vector<16xi32>
      %bitcast3A_1751 = vector.bitcast %shift_left3A_1750 : vector<16xi32> to vector<16xf32>
      %shift_left3A_1752 = arith.constant 16 : i32
      %shift_left3A_1753 = vector.broadcast %shift_left3A_1752 : i32 to vector<16xi32>
      %shift_left3A_1754 = arith.shli %get3A_1741, %shift_left3A_1753 : vector<16xi32>
      %bitcast3A_1755 = vector.bitcast %shift_left3A_1754 : vector<16xi32> to vector<16xf32>
      %mul3A_1756 = arith.mulf %bitcast3A, %bitcast3A_1748 : vector<16xf32>
      %add3A_1757 = arith.addf %scan3A_1733, %mul3A_1756 : vector<16xf32>
      %mul3A_1758 = arith.mulf %bitcast3A_1751, %bitcast3A_1755 : vector<16xf32>
      %add3A_1759 = arith.addf %add3A_1757, %mul3A_1758 : vector<16xf32>
      scf.yield %add3A_1759 : vector<16xf32>
    }
    %scan3A_1573 = arith.constant 32 : i32
    %swap3A_1574 = arith.constant 304 : index
    %swap3A_1575 = tpu.vector_load %arg19[%swap3A_1574] {strides = array<i32>} : memref<512xf32, #tpu.memory_space<vmem>>, vector<16xf32>,
    tpu.vector_store %arg19[%swap3A_1574], %scan3A_1572 {strides = array<i32>} : memref<512xf32, #tpu.memory_space<vmem>>, vector<16xf32>,
    %get3A_1576 = arith.constant 320 : index
    %get3A_1577 = tpu.vector_load %arg17[%get3A_1576] {strides = array<i32>} : memref<512xf32, #tpu.memory_space<vmem>>, vector<16xf32>,
    %get3A_1578 = arith.constant 320 : index
    %get3A_1579 = tpu.vector_load %arg18[%get3A_1578] {strides = array<i32>} : memref<512xf32, #tpu.memory_space<vmem>>, vector<16xf32>,
    %add3A_1580 = arith.addf %get3A_1577, %get3A_1579 : vector<16xf32>
    %scan3A_1581 = arith.constant 0 : i32
    %scan3A_1582 = arith.constant 32 : i32
    %scan3A_1583 = arith.addi %scan3A_1581, %scan3A_1582 : i32
    %scan3A_1584 = arith.constant 1 : i32
    %scan3A_1585 = scf.for %scan3A_1732 = %scan3A_1581 to %scan3A_1583 step %scan3A_1584 iter_args(%scan3A_1733 = %add3A_1580) -> (vector<16xf32>)  : i32 {
      %mul3A_1734 = arith.constant 16 : i32
      %mul3A_1735 = arith.muli %scan3A_1732, %mul3A_1734 : i32
      %add3A_1736 = arith.constant 2048 : i32
      %add3A_1737 = arith.addi %add3A_1736, %mul3A_1735 : i32
      %get3A_1738 = arith.index_cast %add3A_1737 : i32 to index
      %get3A_1739 = tpu.vector_load %arg15[%get3A_1738] {strides = array<i32>} : memref<8192xi32, #tpu.memory_space<vmem>>, vector<16xi32>,
      %get3A_1740 = arith.index_cast %add3A_1737 : i32 to index
      %get3A_1741 = tpu.vector_load %arg16[%get3A_1740] {strides = array<i32>} : memref<8192xi32, #tpu.memory_space<vmem>>, vector<16xi32>,
      %and3A_1742 = arith.constant -65536 : i32
      %and3A_1743 = vector.broadcast %and3A_1742 : i32 to vector<16xi32>
      %and3A_1744 = arith.andi %get3A_1739, %and3A_1743 : vector<16xi32>
      %bitcast3A = vector.bitcast %and3A_1744 : vector<16xi32> to vector<16xf32>
      %and3A_1745 = arith.constant -65536 : i32
      %and3A_1746 = vector.broadcast %and3A_1745 : i32 to vector<16xi32>
      %and3A_1747 = arith.andi %get3A_1741, %and3A_1746 : vector<16xi32>
      %bitcast3A_1748 = vector.bitcast %and3A_1747 : vector<16xi32> to vector<16xf32>
      %shift_left3A = arith.constant 16 : i32
      %shift_left3A_1749 = vector.broadcast %shift_left3A : i32 to vector<16xi32>
      %shift_left3A_1750 = arith.shli %get3A_1739, %shift_left3A_1749 : vector<16xi32>
      %bitcast3A_1751 = vector.bitcast %shift_left3A_1750 : vector<16xi32> to vector<16xf32>
      %shift_left3A_1752 = arith.constant 16 : i32
      %shift_left3A_1753 = vector.broadcast %shift_left3A_1752 : i32 to vector<16xi32>
      %shift_left3A_1754 = arith.shli %get3A_1741, %shift_left3A_1753 : vector<16xi32>
      %bitcast3A_1755 = vector.bitcast %shift_left3A_1754 : vector<16xi32> to vector<16xf32>
      %mul3A_1756 = arith.mulf %bitcast3A, %bitcast3A_1748 : vector<16xf32>
      %add3A_1757 = arith.addf %scan3A_1733, %mul3A_1756 : vector<16xf32>
      %mul3A_1758 = arith.mulf %bitcast3A_1751, %bitcast3A_1755 : vector<16xf32>
      %add3A_1759 = arith.addf %add3A_1757, %mul3A_1758 : vector<16xf32>
      scf.yield %add3A_1759 : vector<16xf32>
    }
    %scan3A_1586 = arith.constant 32 : i32
    %swap3A_1587 = arith.constant 320 : index
    %swap3A_1588 = tpu.vector_load %arg19[%swap3A_1587] {strides = array<i32>} : memref<512xf32, #tpu.memory_space<vmem>>, vector<16xf32>,
    tpu.vector_store %arg19[%swap3A_1587], %scan3A_1585 {strides = array<i32>} : memref<512xf32, #tpu.memory_space<vmem>>, vector<16xf32>,
    %get3A_1589 = arith.constant 336 : index
    %get3A_1590 = tpu.vector_load %arg17[%get3A_1589] {strides = array<i32>} : memref<512xf32, #tpu.memory_space<vmem>>, vector<16xf32>,
    %get3A_1591 = arith.constant 336 : index
    %get3A_1592 = tpu.vector_load %arg18[%get3A_1591] {strides = array<i32>} : memref<512xf32, #tpu.memory_space<vmem>>, vector<16xf32>,
    %add3A_1593 = arith.addf %get3A_1590, %get3A_1592 : vector<16xf32>
    %scan3A_1594 = arith.constant 0 : i32
    %scan3A_1595 = arith.constant 32 : i32
    %scan3A_1596 = arith.addi %scan3A_1594, %scan3A_1595 : i32
    %scan3A_1597 = arith.constant 1 : i32
    %scan3A_1598 = scf.for %scan3A_1732 = %scan3A_1594 to %scan3A_1596 step %scan3A_1597 iter_args(%scan3A_1733 = %add3A_1593) -> (vector<16xf32>)  : i32 {
      %mul3A_1734 = arith.constant 16 : i32
      %mul3A_1735 = arith.muli %scan3A_1732, %mul3A_1734 : i32
      %add3A_1736 = arith.constant 2560 : i32
      %add3A_1737 = arith.addi %add3A_1736, %mul3A_1735 : i32
      %get3A_1738 = arith.index_cast %add3A_1737 : i32 to index
      %get3A_1739 = tpu.vector_load %arg15[%get3A_1738] {strides = array<i32>} : memref<8192xi32, #tpu.memory_space<vmem>>, vector<16xi32>,
      %get3A_1740 = arith.index_cast %add3A_1737 : i32 to index
      %get3A_1741 = tpu.vector_load %arg16[%get3A_1740] {strides = array<i32>} : memref<8192xi32, #tpu.memory_space<vmem>>, vector<16xi32>,
      %and3A_1742 = arith.constant -65536 : i32
      %and3A_1743 = vector.broadcast %and3A_1742 : i32 to vector<16xi32>
      %and3A_1744 = arith.andi %get3A_1739, %and3A_1743 : vector<16xi32>
      %bitcast3A = vector.bitcast %and3A_1744 : vector<16xi32> to vector<16xf32>
      %and3A_1745 = arith.constant -65536 : i32
      %and3A_1746 = vector.broadcast %and3A_1745 : i32 to vector<16xi32>
      %and3A_1747 = arith.andi %get3A_1741, %and3A_1746 : vector<16xi32>
      %bitcast3A_1748 = vector.bitcast %and3A_1747 : vector<16xi32> to vector<16xf32>
      %shift_left3A = arith.constant 16 : i32
      %shift_left3A_1749 = vector.broadcast %shift_left3A : i32 to vector<16xi32>
      %shift_left3A_1750 = arith.shli %get3A_1739, %shift_left3A_1749 : vector<16xi32>
      %bitcast3A_1751 = vector.bitcast %shift_left3A_1750 : vector<16xi32> to vector<16xf32>
      %shift_left3A_1752 = arith.constant 16 : i32
      %shift_left3A_1753 = vector.broadcast %shift_left3A_1752 : i32 to vector<16xi32>
      %shift_left3A_1754 = arith.shli %get3A_1741, %shift_left3A_1753 : vector<16xi32>
      %bitcast3A_1755 = vector.bitcast %shift_left3A_1754 : vector<16xi32> to vector<16xf32>
      %mul3A_1756 = arith.mulf %bitcast3A, %bitcast3A_1748 : vector<16xf32>
      %add3A_1757 = arith.addf %scan3A_1733, %mul3A_1756 : vector<16xf32>
      %mul3A_1758 = arith.mulf %bitcast3A_1751, %bitcast3A_1755 : vector<16xf32>
      %add3A_1759 = arith.addf %add3A_1757, %mul3A_1758 : vector<16xf32>
      scf.yield %add3A_1759 : vector<16xf32>
    }
    %scan3A_1599 = arith.constant 32 : i32
    %swap3A_1600 = arith.constant 336 : index
    %swap3A_1601 = tpu.vector_load %arg19[%swap3A_1600] {strides = array<i32>} : memref<512xf32, #tpu.memory_space<vmem>>, vector<16xf32>,
    tpu.vector_store %arg19[%swap3A_1600], %scan3A_1598 {strides = array<i32>} : memref<512xf32, #tpu.memory_space<vmem>>, vector<16xf32>,
    %get3A_1602 = arith.constant 352 : index
    %get3A_1603 = tpu.vector_load %arg17[%get3A_1602] {strides = array<i32>} : memref<512xf32, #tpu.memory_space<vmem>>, vector<16xf32>,
    %get3A_1604 = arith.constant 352 : index
    %get3A_1605 = tpu.vector_load %arg18[%get3A_1604] {strides = array<i32>} : memref<512xf32, #tpu.memory_space<vmem>>, vector<16xf32>,
    %add3A_1606 = arith.addf %get3A_1603, %get3A_1605 : vector<16xf32>
    %scan3A_1607 = arith.constant 0 : i32
    %scan3A_1608 = arith.constant 32 : i32
    %scan3A_1609 = arith.addi %scan3A_1607, %scan3A_1608 : i32
    %scan3A_1610 = arith.constant 1 : i32
    %scan3A_1611 = scf.for %scan3A_1732 = %scan3A_1607 to %scan3A_1609 step %scan3A_1610 iter_args(%scan3A_1733 = %add3A_1606) -> (vector<16xf32>)  : i32 {
      %mul3A_1734 = arith.constant 16 : i32
      %mul3A_1735 = arith.muli %scan3A_1732, %mul3A_1734 : i32
      %add3A_1736 = arith.constant 3072 : i32
      %add3A_1737 = arith.addi %add3A_1736, %mul3A_1735 : i32
      %get3A_1738 = arith.index_cast %add3A_1737 : i32 to index
      %get3A_1739 = tpu.vector_load %arg15[%get3A_1738] {strides = array<i32>} : memref<8192xi32, #tpu.memory_space<vmem>>, vector<16xi32>,
      %get3A_1740 = arith.index_cast %add3A_1737 : i32 to index
      %get3A_1741 = tpu.vector_load %arg16[%get3A_1740] {strides = array<i32>} : memref<8192xi32, #tpu.memory_space<vmem>>, vector<16xi32>,
      %and3A_1742 = arith.constant -65536 : i32
      %and3A_1743 = vector.broadcast %and3A_1742 : i32 to vector<16xi32>
      %and3A_1744 = arith.andi %get3A_1739, %and3A_1743 : vector<16xi32>
      %bitcast3A = vector.bitcast %and3A_1744 : vector<16xi32> to vector<16xf32>
      %and3A_1745 = arith.constant -65536 : i32
      %and3A_1746 = vector.broadcast %and3A_1745 : i32 to vector<16xi32>
      %and3A_1747 = arith.andi %get3A_1741, %and3A_1746 : vector<16xi32>
      %bitcast3A_1748 = vector.bitcast %and3A_1747 : vector<16xi32> to vector<16xf32>
      %shift_left3A = arith.constant 16 : i32
      %shift_left3A_1749 = vector.broadcast %shift_left3A : i32 to vector<16xi32>
      %shift_left3A_1750 = arith.shli %get3A_1739, %shift_left3A_1749 : vector<16xi32>
      %bitcast3A_1751 = vector.bitcast %shift_left3A_1750 : vector<16xi32> to vector<16xf32>
      %shift_left3A_1752 = arith.constant 16 : i32
      %shift_left3A_1753 = vector.broadcast %shift_left3A_1752 : i32 to vector<16xi32>
      %shift_left3A_1754 = arith.shli %get3A_1741, %shift_left3A_1753 : vector<16xi32>
      %bitcast3A_1755 = vector.bitcast %shift_left3A_1754 : vector<16xi32> to vector<16xf32>
      %mul3A_1756 = arith.mulf %bitcast3A, %bitcast3A_1748 : vector<16xf32>
      %add3A_1757 = arith.addf %scan3A_1733, %mul3A_1756 : vector<16xf32>
      %mul3A_1758 = arith.mulf %bitcast3A_1751, %bitcast3A_1755 : vector<16xf32>
      %add3A_1759 = arith.addf %add3A_1757, %mul3A_1758 : vector<16xf32>
      scf.yield %add3A_1759 : vector<16xf32>
    }
    %scan3A_1612 = arith.constant 32 : i32
    %swap3A_1613 = arith.constant 352 : index
    %swap3A_1614 = tpu.vector_load %arg19[%swap3A_1613] {strides = array<i32>} : memref<512xf32, #tpu.memory_space<vmem>>, vector<16xf32>,
    tpu.vector_store %arg19[%swap3A_1613], %scan3A_1611 {strides = array<i32>} : memref<512xf32, #tpu.memory_space<vmem>>, vector<16xf32>,
    %get3A_1615 = arith.constant 368 : index
    %get3A_1616 = tpu.vector_load %arg17[%get3A_1615] {strides = array<i32>} : memref<512xf32, #tpu.memory_space<vmem>>, vector<16xf32>,
    %get3A_1617 = arith.constant 368 : index
    %get3A_1618 = tpu.vector_load %arg18[%get3A_1617] {strides = array<i32>} : memref<512xf32, #tpu.memory_space<vmem>>, vector<16xf32>,
    %add3A_1619 = arith.addf %get3A_1616, %get3A_1618 : vector<16xf32>
    %scan3A_1620 = arith.constant 0 : i32
    %scan3A_1621 = arith.constant 32 : i32
    %scan3A_1622 = arith.addi %scan3A_1620, %scan3A_1621 : i32
    %scan3A_1623 = arith.constant 1 : i32
    %scan3A_1624 = scf.for %scan3A_1732 = %scan3A_1620 to %scan3A_1622 step %scan3A_1623 iter_args(%scan3A_1733 = %add3A_1619) -> (vector<16xf32>)  : i32 {
      %mul3A_1734 = arith.constant 16 : i32
      %mul3A_1735 = arith.muli %scan3A_1732, %mul3A_1734 : i32
      %add3A_1736 = arith.constant 3584 : i32
      %add3A_1737 = arith.addi %add3A_1736, %mul3A_1735 : i32
      %get3A_1738 = arith.index_cast %add3A_1737 : i32 to index
      %get3A_1739 = tpu.vector_load %arg15[%get3A_1738] {strides = array<i32>} : memref<8192xi32, #tpu.memory_space<vmem>>, vector<16xi32>,
      %get3A_1740 = arith.index_cast %add3A_1737 : i32 to index
      %get3A_1741 = tpu.vector_load %arg16[%get3A_1740] {strides = array<i32>} : memref<8192xi32, #tpu.memory_space<vmem>>, vector<16xi32>,
      %and3A_1742 = arith.constant -65536 : i32
      %and3A_1743 = vector.broadcast %and3A_1742 : i32 to vector<16xi32>
      %and3A_1744 = arith.andi %get3A_1739, %and3A_1743 : vector<16xi32>
      %bitcast3A = vector.bitcast %and3A_1744 : vector<16xi32> to vector<16xf32>
      %and3A_1745 = arith.constant -65536 : i32
      %and3A_1746 = vector.broadcast %and3A_1745 : i32 to vector<16xi32>
      %and3A_1747 = arith.andi %get3A_1741, %and3A_1746 : vector<16xi32>
      %bitcast3A_1748 = vector.bitcast %and3A_1747 : vector<16xi32> to vector<16xf32>
      %shift_left3A = arith.constant 16 : i32
      %shift_left3A_1749 = vector.broadcast %shift_left3A : i32 to vector<16xi32>
      %shift_left3A_1750 = arith.shli %get3A_1739, %shift_left3A_1749 : vector<16xi32>
      %bitcast3A_1751 = vector.bitcast %shift_left3A_1750 : vector<16xi32> to vector<16xf32>
      %shift_left3A_1752 = arith.constant 16 : i32
      %shift_left3A_1753 = vector.broadcast %shift_left3A_1752 : i32 to vector<16xi32>
      %shift_left3A_1754 = arith.shli %get3A_1741, %shift_left3A_1753 : vector<16xi32>
      %bitcast3A_1755 = vector.bitcast %shift_left3A_1754 : vector<16xi32> to vector<16xf32>
      %mul3A_1756 = arith.mulf %bitcast3A, %bitcast3A_1748 : vector<16xf32>
      %add3A_1757 = arith.addf %scan3A_1733, %mul3A_1756 : vector<16xf32>
      %mul3A_1758 = arith.mulf %bitcast3A_1751, %bitcast3A_1755 : vector<16xf32>
      %add3A_1759 = arith.addf %add3A_1757, %mul3A_1758 : vector<16xf32>
      scf.yield %add3A_1759 : vector<16xf32>
    }
    %scan3A_1625 = arith.constant 32 : i32
    %swap3A_1626 = arith.constant 368 : index
    %swap3A_1627 = tpu.vector_load %arg19[%swap3A_1626] {strides = array<i32>} : memref<512xf32, #tpu.memory_space<vmem>>, vector<16xf32>,
    tpu.vector_store %arg19[%swap3A_1626], %scan3A_1624 {strides = array<i32>} : memref<512xf32, #tpu.memory_space<vmem>>, vector<16xf32>,
    %get3A_1628 = arith.constant 384 : index
    %get3A_1629 = tpu.vector_load %arg17[%get3A_1628] {strides = array<i32>} : memref<512xf32, #tpu.memory_space<vmem>>, vector<16xf32>,
    %get3A_1630 = arith.constant 384 : index
    %get3A_1631 = tpu.vector_load %arg18[%get3A_1630] {strides = array<i32>} : memref<512xf32, #tpu.memory_space<vmem>>, vector<16xf32>,
    %add3A_1632 = arith.addf %get3A_1629, %get3A_1631 : vector<16xf32>
    %scan3A_1633 = arith.constant 0 : i32
    %scan3A_1634 = arith.constant 32 : i32
    %scan3A_1635 = arith.addi %scan3A_1633, %scan3A_1634 : i32
    %scan3A_1636 = arith.constant 1 : i32
    %scan3A_1637 = scf.for %scan3A_1732 = %scan3A_1633 to %scan3A_1635 step %scan3A_1636 iter_args(%scan3A_1733 = %add3A_1632) -> (vector<16xf32>)  : i32 {
      %mul3A_1734 = arith.constant 16 : i32
      %mul3A_1735 = arith.muli %scan3A_1732, %mul3A_1734 : i32
      %add3A_1736 = arith.constant 4096 : i32
      %add3A_1737 = arith.addi %add3A_1736, %mul3A_1735 : i32
      %get3A_1738 = arith.index_cast %add3A_1737 : i32 to index
      %get3A_1739 = tpu.vector_load %arg15[%get3A_1738] {strides = array<i32>} : memref<8192xi32, #tpu.memory_space<vmem>>, vector<16xi32>,
      %get3A_1740 = arith.index_cast %add3A_1737 : i32 to index
      %get3A_1741 = tpu.vector_load %arg16[%get3A_1740] {strides = array<i32>} : memref<8192xi32, #tpu.memory_space<vmem>>, vector<16xi32>,
      %and3A_1742 = arith.constant -65536 : i32
      %and3A_1743 = vector.broadcast %and3A_1742 : i32 to vector<16xi32>
      %and3A_1744 = arith.andi %get3A_1739, %and3A_1743 : vector<16xi32>
      %bitcast3A = vector.bitcast %and3A_1744 : vector<16xi32> to vector<16xf32>
      %and3A_1745 = arith.constant -65536 : i32
      %and3A_1746 = vector.broadcast %and3A_1745 : i32 to vector<16xi32>
      %and3A_1747 = arith.andi %get3A_1741, %and3A_1746 : vector<16xi32>
      %bitcast3A_1748 = vector.bitcast %and3A_1747 : vector<16xi32> to vector<16xf32>
      %shift_left3A = arith.constant 16 : i32
      %shift_left3A_1749 = vector.broadcast %shift_left3A : i32 to vector<16xi32>
      %shift_left3A_1750 = arith.shli %get3A_1739, %shift_left3A_1749 : vector<16xi32>
      %bitcast3A_1751 = vector.bitcast %shift_left3A_1750 : vector<16xi32> to vector<16xf32>
      %shift_left3A_1752 = arith.constant 16 : i32
      %shift_left3A_1753 = vector.broadcast %shift_left3A_1752 : i32 to vector<16xi32>
      %shift_left3A_1754 = arith.shli %get3A_1741, %shift_left3A_1753 : vector<16xi32>
      %bitcast3A_1755 = vector.bitcast %shift_left3A_1754 : vector<16xi32> to vector<16xf32>
      %mul3A_1756 = arith.mulf %bitcast3A, %bitcast3A_1748 : vector<16xf32>
      %add3A_1757 = arith.addf %scan3A_1733, %mul3A_1756 : vector<16xf32>
      %mul3A_1758 = arith.mulf %bitcast3A_1751, %bitcast3A_1755 : vector<16xf32>
      %add3A_1759 = arith.addf %add3A_1757, %mul3A_1758 : vector<16xf32>
      scf.yield %add3A_1759 : vector<16xf32>
    }
    %scan3A_1638 = arith.constant 32 : i32
    %swap3A_1639 = arith.constant 384 : index
    %swap3A_1640 = tpu.vector_load %arg19[%swap3A_1639] {strides = array<i32>} : memref<512xf32, #tpu.memory_space<vmem>>, vector<16xf32>,
    tpu.vector_store %arg19[%swap3A_1639], %scan3A_1637 {strides = array<i32>} : memref<512xf32, #tpu.memory_space<vmem>>, vector<16xf32>,
    %get3A_1641 = arith.constant 400 : index
    %get3A_1642 = tpu.vector_load %arg17[%get3A_1641] {strides = array<i32>} : memref<512xf32, #tpu.memory_space<vmem>>, vector<16xf32>,
    %get3A_1643 = arith.constant 400 : index
    %get3A_1644 = tpu.vector_load %arg18[%get3A_1643] {strides = array<i32>} : memref<512xf32, #tpu.memory_space<vmem>>, vector<16xf32>,
    %add3A_1645 = arith.addf %get3A_1642, %get3A_1644 : vector<16xf32>
    %scan3A_1646 = arith.constant 0 : i32
    %scan3A_1647 = arith.constant 32 : i32
    %scan3A_1648 = arith.addi %scan3A_1646, %scan3A_1647 : i32
    %scan3A_1649 = arith.constant 1 : i32
    %scan3A_1650 = scf.for %scan3A_1732 = %scan3A_1646 to %scan3A_1648 step %scan3A_1649 iter_args(%scan3A_1733 = %add3A_1645) -> (vector<16xf32>)  : i32 {
      %mul3A_1734 = arith.constant 16 : i32
      %mul3A_1735 = arith.muli %scan3A_1732, %mul3A_1734 : i32
      %add3A_1736 = arith.constant 4608 : i32
      %add3A_1737 = arith.addi %add3A_1736, %mul3A_1735 : i32
      %get3A_1738 = arith.index_cast %add3A_1737 : i32 to index
      %get3A_1739 = tpu.vector_load %arg15[%get3A_1738] {strides = array<i32>} : memref<8192xi32, #tpu.memory_space<vmem>>, vector<16xi32>,
      %get3A_1740 = arith.index_cast %add3A_1737 : i32 to index
      %get3A_1741 = tpu.vector_load %arg16[%get3A_1740] {strides = array<i32>} : memref<8192xi32, #tpu.memory_space<vmem>>, vector<16xi32>,
      %and3A_1742 = arith.constant -65536 : i32
      %and3A_1743 = vector.broadcast %and3A_1742 : i32 to vector<16xi32>
      %and3A_1744 = arith.andi %get3A_1739, %and3A_1743 : vector<16xi32>
      %bitcast3A = vector.bitcast %and3A_1744 : vector<16xi32> to vector<16xf32>
      %and3A_1745 = arith.constant -65536 : i32
      %and3A_1746 = vector.broadcast %and3A_1745 : i32 to vector<16xi32>
      %and3A_1747 = arith.andi %get3A_1741, %and3A_1746 : vector<16xi32>
      %bitcast3A_1748 = vector.bitcast %and3A_1747 : vector<16xi32> to vector<16xf32>
      %shift_left3A = arith.constant 16 : i32
      %shift_left3A_1749 = vector.broadcast %shift_left3A : i32 to vector<16xi32>
      %shift_left3A_1750 = arith.shli %get3A_1739, %shift_left3A_1749 : vector<16xi32>
      %bitcast3A_1751 = vector.bitcast %shift_left3A_1750 : vector<16xi32> to vector<16xf32>
      %shift_left3A_1752 = arith.constant 16 : i32
      %shift_left3A_1753 = vector.broadcast %shift_left3A_1752 : i32 to vector<16xi32>
      %shift_left3A_1754 = arith.shli %get3A_1741, %shift_left3A_1753 : vector<16xi32>
      %bitcast3A_1755 = vector.bitcast %shift_left3A_1754 : vector<16xi32> to vector<16xf32>
      %mul3A_1756 = arith.mulf %bitcast3A, %bitcast3A_1748 : vector<16xf32>
      %add3A_1757 = arith.addf %scan3A_1733, %mul3A_1756 : vector<16xf32>
      %mul3A_1758 = arith.mulf %bitcast3A_1751, %bitcast3A_1755 : vector<16xf32>
      %add3A_1759 = arith.addf %add3A_1757, %mul3A_1758 : vector<16xf32>
      scf.yield %add3A_1759 : vector<16xf32>
    }
    %scan3A_1651 = arith.constant 32 : i32
    %swap3A_1652 = arith.constant 400 : index
    %swap3A_1653 = tpu.vector_load %arg19[%swap3A_1652] {strides = array<i32>} : memref<512xf32, #tpu.memory_space<vmem>>, vector<16xf32>,
    tpu.vector_store %arg19[%swap3A_1652], %scan3A_1650 {strides = array<i32>} : memref<512xf32, #tpu.memory_space<vmem>>, vector<16xf32>,
    %get3A_1654 = arith.constant 416 : index
    %get3A_1655 = tpu.vector_load %arg17[%get3A_1654] {strides = array<i32>} : memref<512xf32, #tpu.memory_space<vmem>>, vector<16xf32>,
    %get3A_1656 = arith.constant 416 : index
    %get3A_1657 = tpu.vector_load %arg18[%get3A_1656] {strides = array<i32>} : memref<512xf32, #tpu.memory_space<vmem>>, vector<16xf32>,
    %add3A_1658 = arith.addf %get3A_1655, %get3A_1657 : vector<16xf32>
    %scan3A_1659 = arith.constant 0 : i32
    %scan3A_1660 = arith.constant 32 : i32
    %scan3A_1661 = arith.addi %scan3A_1659, %scan3A_1660 : i32
    %scan3A_1662 = arith.constant 1 : i32
    %scan3A_1663 = scf.for %scan3A_1732 = %scan3A_1659 to %scan3A_1661 step %scan3A_1662 iter_args(%scan3A_1733 = %add3A_1658) -> (vector<16xf32>)  : i32 {
      %mul3A_1734 = arith.constant 16 : i32
      %mul3A_1735 = arith.muli %scan3A_1732, %mul3A_1734 : i32
      %add3A_1736 = arith.constant 5120 : i32
      %add3A_1737 = arith.addi %add3A_1736, %mul3A_1735 : i32
      %get3A_1738 = arith.index_cast %add3A_1737 : i32 to index
      %get3A_1739 = tpu.vector_load %arg15[%get3A_1738] {strides = array<i32>} : memref<8192xi32, #tpu.memory_space<vmem>>, vector<16xi32>,
      %get3A_1740 = arith.index_cast %add3A_1737 : i32 to index
      %get3A_1741 = tpu.vector_load %arg16[%get3A_1740] {strides = array<i32>} : memref<8192xi32, #tpu.memory_space<vmem>>, vector<16xi32>,
      %and3A_1742 = arith.constant -65536 : i32
      %and3A_1743 = vector.broadcast %and3A_1742 : i32 to vector<16xi32>
      %and3A_1744 = arith.andi %get3A_1739, %and3A_1743 : vector<16xi32>
      %bitcast3A = vector.bitcast %and3A_1744 : vector<16xi32> to vector<16xf32>
      %and3A_1745 = arith.constant -65536 : i32
      %and3A_1746 = vector.broadcast %and3A_1745 : i32 to vector<16xi32>
      %and3A_1747 = arith.andi %get3A_1741, %and3A_1746 : vector<16xi32>
      %bitcast3A_1748 = vector.bitcast %and3A_1747 : vector<16xi32> to vector<16xf32>
      %shift_left3A = arith.constant 16 : i32
      %shift_left3A_1749 = vector.broadcast %shift_left3A : i32 to vector<16xi32>
      %shift_left3A_1750 = arith.shli %get3A_1739, %shift_left3A_1749 : vector<16xi32>
      %bitcast3A_1751 = vector.bitcast %shift_left3A_1750 : vector<16xi32> to vector<16xf32>
      %shift_left3A_1752 = arith.constant 16 : i32
      %shift_left3A_1753 = vector.broadcast %shift_left3A_1752 : i32 to vector<16xi32>
      %shift_left3A_1754 = arith.shli %get3A_1741, %shift_left3A_1753 : vector<16xi32>
      %bitcast3A_1755 = vector.bitcast %shift_left3A_1754 : vector<16xi32> to vector<16xf32>
      %mul3A_1756 = arith.mulf %bitcast3A, %bitcast3A_1748 : vector<16xf32>
      %add3A_1757 = arith.addf %scan3A_1733, %mul3A_1756 : vector<16xf32>
      %mul3A_1758 = arith.mulf %bitcast3A_1751, %bitcast3A_1755 : vector<16xf32>
      %add3A_1759 = arith.addf %add3A_1757, %mul3A_1758 : vector<16xf32>
      scf.yield %add3A_1759 : vector<16xf32>
    }
    %scan3A_1664 = arith.constant 32 : i32
    %swap3A_1665 = arith.constant 416 : index
    %swap3A_1666 = tpu.vector_load %arg19[%swap3A_1665] {strides = array<i32>} : memref<512xf32, #tpu.memory_space<vmem>>, vector<16xf32>,
    tpu.vector_store %arg19[%swap3A_1665], %scan3A_1663 {strides = array<i32>} : memref<512xf32, #tpu.memory_space<vmem>>, vector<16xf32>,
    %get3A_1667 = arith.constant 432 : index
    %get3A_1668 = tpu.vector_load %arg17[%get3A_1667] {strides = array<i32>} : memref<512xf32, #tpu.memory_space<vmem>>, vector<16xf32>,
    %get3A_1669 = arith.constant 432 : index
    %get3A_1670 = tpu.vector_load %arg18[%get3A_1669] {strides = array<i32>} : memref<512xf32, #tpu.memory_space<vmem>>, vector<16xf32>,
    %add3A_1671 = arith.addf %get3A_1668, %get3A_1670 : vector<16xf32>
    %scan3A_1672 = arith.constant 0 : i32
    %scan3A_1673 = arith.constant 32 : i32
    %scan3A_1674 = arith.addi %scan3A_1672, %scan3A_1673 : i32
    %scan3A_1675 = arith.constant 1 : i32
    %scan3A_1676 = scf.for %scan3A_1732 = %scan3A_1672 to %scan3A_1674 step %scan3A_1675 iter_args(%scan3A_1733 = %add3A_1671) -> (vector<16xf32>)  : i32 {
      %mul3A_1734 = arith.constant 16 : i32
      %mul3A_1735 = arith.muli %scan3A_1732, %mul3A_1734 : i32
      %add3A_1736 = arith.constant 5632 : i32
      %add3A_1737 = arith.addi %add3A_1736, %mul3A_1735 : i32
      %get3A_1738 = arith.index_cast %add3A_1737 : i32 to index
      %get3A_1739 = tpu.vector_load %arg15[%get3A_1738] {strides = array<i32>} : memref<8192xi32, #tpu.memory_space<vmem>>, vector<16xi32>,
      %get3A_1740 = arith.index_cast %add3A_1737 : i32 to index
      %get3A_1741 = tpu.vector_load %arg16[%get3A_1740] {strides = array<i32>} : memref<8192xi32, #tpu.memory_space<vmem>>, vector<16xi32>,
      %and3A_1742 = arith.constant -65536 : i32
      %and3A_1743 = vector.broadcast %and3A_1742 : i32 to vector<16xi32>
      %and3A_1744 = arith.andi %get3A_1739, %and3A_1743 : vector<16xi32>
      %bitcast3A = vector.bitcast %and3A_1744 : vector<16xi32> to vector<16xf32>
      %and3A_1745 = arith.constant -65536 : i32
      %and3A_1746 = vector.broadcast %and3A_1745 : i32 to vector<16xi32>
      %and3A_1747 = arith.andi %get3A_1741, %and3A_1746 : vector<16xi32>
      %bitcast3A_1748 = vector.bitcast %and3A_1747 : vector<16xi32> to vector<16xf32>
      %shift_left3A = arith.constant 16 : i32
      %shift_left3A_1749 = vector.broadcast %shift_left3A : i32 to vector<16xi32>
      %shift_left3A_1750 = arith.shli %get3A_1739, %shift_left3A_1749 : vector<16xi32>
      %bitcast3A_1751 = vector.bitcast %shift_left3A_1750 : vector<16xi32> to vector<16xf32>
      %shift_left3A_1752 = arith.constant 16 : i32
      %shift_left3A_1753 = vector.broadcast %shift_left3A_1752 : i32 to vector<16xi32>
      %shift_left3A_1754 = arith.shli %get3A_1741, %shift_left3A_1753 : vector<16xi32>
      %bitcast3A_1755 = vector.bitcast %shift_left3A_1754 : vector<16xi32> to vector<16xf32>
      %mul3A_1756 = arith.mulf %bitcast3A, %bitcast3A_1748 : vector<16xf32>
      %add3A_1757 = arith.addf %scan3A_1733, %mul3A_1756 : vector<16xf32>
      %mul3A_1758 = arith.mulf %bitcast3A_1751, %bitcast3A_1755 : vector<16xf32>
      %add3A_1759 = arith.addf %add3A_1757, %mul3A_1758 : vector<16xf32>
      scf.yield %add3A_1759 : vector<16xf32>
    }
    %scan3A_1677 = arith.constant 32 : i32
    %swap3A_1678 = arith.constant 432 : index
    %swap3A_1679 = tpu.vector_load %arg19[%swap3A_1678] {strides = array<i32>} : memref<512xf32, #tpu.memory_space<vmem>>, vector<16xf32>,
    tpu.vector_store %arg19[%swap3A_1678], %scan3A_1676 {strides = array<i32>} : memref<512xf32, #tpu.memory_space<vmem>>, vector<16xf32>,
    %get3A_1680 = arith.constant 448 : index
    %get3A_1681 = tpu.vector_load %arg17[%get3A_1680] {strides = array<i32>} : memref<512xf32, #tpu.memory_space<vmem>>, vector<16xf32>,
    %get3A_1682 = arith.constant 448 : index
    %get3A_1683 = tpu.vector_load %arg18[%get3A_1682] {strides = array<i32>} : memref<512xf32, #tpu.memory_space<vmem>>, vector<16xf32>,
    %add3A_1684 = arith.addf %get3A_1681, %get3A_1683 : vector<16xf32>
    %scan3A_1685 = arith.constant 0 : i32
    %scan3A_1686 = arith.constant 32 : i32
    %scan3A_1687 = arith.addi %scan3A_1685, %scan3A_1686 : i32
    %scan3A_1688 = arith.constant 1 : i32
    %scan3A_1689 = scf.for %scan3A_1732 = %scan3A_1685 to %scan3A_1687 step %scan3A_1688 iter_args(%scan3A_1733 = %add3A_1684) -> (vector<16xf32>)  : i32 {
      %mul3A_1734 = arith.constant 16 : i32
      %mul3A_1735 = arith.muli %scan3A_1732, %mul3A_1734 : i32
      %add3A_1736 = arith.constant 6144 : i32
      %add3A_1737 = arith.addi %add3A_1736, %mul3A_1735 : i32
      %get3A_1738 = arith.index_cast %add3A_1737 : i32 to index
      %get3A_1739 = tpu.vector_load %arg15[%get3A_1738] {strides = array<i32>} : memref<8192xi32, #tpu.memory_space<vmem>>, vector<16xi32>,
      %get3A_1740 = arith.index_cast %add3A_1737 : i32 to index
      %get3A_1741 = tpu.vector_load %arg16[%get3A_1740] {strides = array<i32>} : memref<8192xi32, #tpu.memory_space<vmem>>, vector<16xi32>,
      %and3A_1742 = arith.constant -65536 : i32
      %and3A_1743 = vector.broadcast %and3A_1742 : i32 to vector<16xi32>
      %and3A_1744 = arith.andi %get3A_1739, %and3A_1743 : vector<16xi32>
      %bitcast3A = vector.bitcast %and3A_1744 : vector<16xi32> to vector<16xf32>
      %and3A_1745 = arith.constant -65536 : i32
      %and3A_1746 = vector.broadcast %and3A_1745 : i32 to vector<16xi32>
      %and3A_1747 = arith.andi %get3A_1741, %and3A_1746 : vector<16xi32>
      %bitcast3A_1748 = vector.bitcast %and3A_1747 : vector<16xi32> to vector<16xf32>
      %shift_left3A = arith.constant 16 : i32
      %shift_left3A_1749 = vector.broadcast %shift_left3A : i32 to vector<16xi32>
      %shift_left3A_1750 = arith.shli %get3A_1739, %shift_left3A_1749 : vector<16xi32>
      %bitcast3A_1751 = vector.bitcast %shift_left3A_1750 : vector<16xi32> to vector<16xf32>
      %shift_left3A_1752 = arith.constant 16 : i32
      %shift_left3A_1753 = vector.broadcast %shift_left3A_1752 : i32 to vector<16xi32>
      %shift_left3A_1754 = arith.shli %get3A_1741, %shift_left3A_1753 : vector<16xi32>
      %bitcast3A_1755 = vector.bitcast %shift_left3A_1754 : vector<16xi32> to vector<16xf32>
      %mul3A_1756 = arith.mulf %bitcast3A, %bitcast3A_1748 : vector<16xf32>
      %add3A_1757 = arith.addf %scan3A_1733, %mul3A_1756 : vector<16xf32>
      %mul3A_1758 = arith.mulf %bitcast3A_1751, %bitcast3A_1755 : vector<16xf32>
      %add3A_1759 = arith.addf %add3A_1757, %mul3A_1758 : vector<16xf32>
      scf.yield %add3A_1759 : vector<16xf32>
    }
    %scan3A_1690 = arith.constant 32 : i32
    %swap3A_1691 = arith.constant 448 : index
    %swap3A_1692 = tpu.vector_load %arg19[%swap3A_1691] {strides = array<i32>} : memref<512xf32, #tpu.memory_space<vmem>>, vector<16xf32>,
    tpu.vector_store %arg19[%swap3A_1691], %scan3A_1689 {strides = array<i32>} : memref<512xf32, #tpu.memory_space<vmem>>, vector<16xf32>,
    %get3A_1693 = arith.constant 464 : index
    %get3A_1694 = tpu.vector_load %arg17[%get3A_1693] {strides = array<i32>} : memref<512xf32, #tpu.memory_space<vmem>>, vector<16xf32>,
    %get3A_1695 = arith.constant 464 : index
    %get3A_1696 = tpu.vector_load %arg18[%get3A_1695] {strides = array<i32>} : memref<512xf32, #tpu.memory_space<vmem>>, vector<16xf32>,
    %add3A_1697 = arith.addf %get3A_1694, %get3A_1696 : vector<16xf32>
    %scan3A_1698 = arith.constant 0 : i32
    %scan3A_1699 = arith.constant 32 : i32
    %scan3A_1700 = arith.addi %scan3A_1698, %scan3A_1699 : i32
    %scan3A_1701 = arith.constant 1 : i32
    %scan3A_1702 = scf.for %scan3A_1732 = %scan3A_1698 to %scan3A_1700 step %scan3A_1701 iter_args(%scan3A_1733 = %add3A_1697) -> (vector<16xf32>)  : i32 {
      %mul3A_1734 = arith.constant 16 : i32
      %mul3A_1735 = arith.muli %scan3A_1732, %mul3A_1734 : i32
      %add3A_1736 = arith.constant 6656 : i32
      %add3A_1737 = arith.addi %add3A_1736, %mul3A_1735 : i32
      %get3A_1738 = arith.index_cast %add3A_1737 : i32 to index
      %get3A_1739 = tpu.vector_load %arg15[%get3A_1738] {strides = array<i32>} : memref<8192xi32, #tpu.memory_space<vmem>>, vector<16xi32>,
      %get3A_1740 = arith.index_cast %add3A_1737 : i32 to index
      %get3A_1741 = tpu.vector_load %arg16[%get3A_1740] {strides = array<i32>} : memref<8192xi32, #tpu.memory_space<vmem>>, vector<16xi32>,
      %and3A_1742 = arith.constant -65536 : i32
      %and3A_1743 = vector.broadcast %and3A_1742 : i32 to vector<16xi32>
      %and3A_1744 = arith.andi %get3A_1739, %and3A_1743 : vector<16xi32>
      %bitcast3A = vector.bitcast %and3A_1744 : vector<16xi32> to vector<16xf32>
      %and3A_1745 = arith.constant -65536 : i32
      %and3A_1746 = vector.broadcast %and3A_1745 : i32 to vector<16xi32>
      %and3A_1747 = arith.andi %get3A_1741, %and3A_1746 : vector<16xi32>
      %bitcast3A_1748 = vector.bitcast %and3A_1747 : vector<16xi32> to vector<16xf32>
      %shift_left3A = arith.constant 16 : i32
      %shift_left3A_1749 = vector.broadcast %shift_left3A : i32 to vector<16xi32>
      %shift_left3A_1750 = arith.shli %get3A_1739, %shift_left3A_1749 : vector<16xi32>
      %bitcast3A_1751 = vector.bitcast %shift_left3A_1750 : vector<16xi32> to vector<16xf32>
      %shift_left3A_1752 = arith.constant 16 : i32
      %shift_left3A_1753 = vector.broadcast %shift_left3A_1752 : i32 to vector<16xi32>
      %shift_left3A_1754 = arith.shli %get3A_1741, %shift_left3A_1753 : vector<16xi32>
      %bitcast3A_1755 = vector.bitcast %shift_left3A_1754 : vector<16xi32> to vector<16xf32>
      %mul3A_1756 = arith.mulf %bitcast3A, %bitcast3A_1748 : vector<16xf32>
      %add3A_1757 = arith.addf %scan3A_1733, %mul3A_1756 : vector<16xf32>
      %mul3A_1758 = arith.mulf %bitcast3A_1751, %bitcast3A_1755 : vector<16xf32>
      %add3A_1759 = arith.addf %add3A_1757, %mul3A_1758 : vector<16xf32>
      scf.yield %add3A_1759 : vector<16xf32>
    }
    %scan3A_1703 = arith.constant 32 : i32
    %swap3A_1704 = arith.constant 464 : index
    %swap3A_1705 = tpu.vector_load %arg19[%swap3A_1704] {strides = array<i32>} : memref<512xf32, #tpu.memory_space<vmem>>, vector<16xf32>,
    tpu.vector_store %arg19[%swap3A_1704], %scan3A_1702 {strides = array<i32>} : memref<512xf32, #tpu.memory_space<vmem>>, vector<16xf32>,
    %get3A_1706 = arith.constant 480 : index
    %get3A_1707 = tpu.vector_load %arg17[%get3A_1706] {strides = array<i32>} : memref<512xf32, #tpu.memory_space<vmem>>, vector<16xf32>,
    %get3A_1708 = arith.constant 480 : index
    %get3A_1709 = tpu.vector_load %arg18[%get3A_1708] {strides = array<i32>} : memref<512xf32, #tpu.memory_space<vmem>>, vector<16xf32>,
    %add3A_1710 = arith.addf %get3A_1707, %get3A_1709 : vector<16xf32>
    %scan3A_1711 = arith.constant 0 : i32
    %scan3A_1712 = arith.constant 32 : i32
    %scan3A_1713 = arith.addi %scan3A_1711, %scan3A_1712 : i32
    %scan3A_1714 = arith.constant 1 : i32
    %scan3A_1715 = scf.for %scan3A_1732 = %scan3A_1711 to %scan3A_1713 step %scan3A_1714 iter_args(%scan3A_1733 = %add3A_1710) -> (vector<16xf32>)  : i32 {
      %mul3A_1734 = arith.constant 16 : i32
      %mul3A_1735 = arith.muli %scan3A_1732, %mul3A_1734 : i32
      %add3A_1736 = arith.constant 7168 : i32
      %add3A_1737 = arith.addi %add3A_1736, %mul3A_1735 : i32
      %get3A_1738 = arith.index_cast %add3A_1737 : i32 to index
      %get3A_1739 = tpu.vector_load %arg15[%get3A_1738] {strides = array<i32>} : memref<8192xi32, #tpu.memory_space<vmem>>, vector<16xi32>,
      %get3A_1740 = arith.index_cast %add3A_1737 : i32 to index
      %get3A_1741 = tpu.vector_load %arg16[%get3A_1740] {strides = array<i32>} : memref<8192xi32, #tpu.memory_space<vmem>>, vector<16xi32>,
      %and3A_1742 = arith.constant -65536 : i32
      %and3A_1743 = vector.broadcast %and3A_1742 : i32 to vector<16xi32>
      %and3A_1744 = arith.andi %get3A_1739, %and3A_1743 : vector<16xi32>
      %bitcast3A = vector.bitcast %and3A_1744 : vector<16xi32> to vector<16xf32>
      %and3A_1745 = arith.constant -65536 : i32
      %and3A_1746 = vector.broadcast %and3A_1745 : i32 to vector<16xi32>
      %and3A_1747 = arith.andi %get3A_1741, %and3A_1746 : vector<16xi32>
      %bitcast3A_1748 = vector.bitcast %and3A_1747 : vector<16xi32> to vector<16xf32>
      %shift_left3A = arith.constant 16 : i32
      %shift_left3A_1749 = vector.broadcast %shift_left3A : i32 to vector<16xi32>
      %shift_left3A_1750 = arith.shli %get3A_1739, %shift_left3A_1749 : vector<16xi32>
      %bitcast3A_1751 = vector.bitcast %shift_left3A_1750 : vector<16xi32> to vector<16xf32>
      %shift_left3A_1752 = arith.constant 16 : i32
      %shift_left3A_1753 = vector.broadcast %shift_left3A_1752 : i32 to vector<16xi32>
      %shift_left3A_1754 = arith.shli %get3A_1741, %shift_left3A_1753 : vector<16xi32>
      %bitcast3A_1755 = vector.bitcast %shift_left3A_1754 : vector<16xi32> to vector<16xf32>
      %mul3A_1756 = arith.mulf %bitcast3A, %bitcast3A_1748 : vector<16xf32>
      %add3A_1757 = arith.addf %scan3A_1733, %mul3A_1756 : vector<16xf32>
      %mul3A_1758 = arith.mulf %bitcast3A_1751, %bitcast3A_1755 : vector<16xf32>
      %add3A_1759 = arith.addf %add3A_1757, %mul3A_1758 : vector<16xf32>
      scf.yield %add3A_1759 : vector<16xf32>
    }
    %scan3A_1716 = arith.constant 32 : i32
    %swap3A_1717 = arith.constant 480 : index
    %swap3A_1718 = tpu.vector_load %arg19[%swap3A_1717] {strides = array<i32>} : memref<512xf32, #tpu.memory_space<vmem>>, vector<16xf32>,
    tpu.vector_store %arg19[%swap3A_1717], %scan3A_1715 {strides = array<i32>} : memref<512xf32, #tpu.memory_space<vmem>>, vector<16xf32>,
    %get3A_1719 = arith.constant 496 : index
    %get3A_1720 = tpu.vector_load %arg17[%get3A_1719] {strides = array<i32>} : memref<512xf32, #tpu.memory_space<vmem>>, vector<16xf32>,
    %get3A_1721 = arith.constant 496 : index
    %get3A_1722 = tpu.vector_load %arg18[%get3A_1721] {strides = array<i32>} : memref<512xf32, #tpu.memory_space<vmem>>, vector<16xf32>,
    %add3A_1723 = arith.addf %get3A_1720, %get3A_1722 : vector<16xf32>
    %scan3A_1724 = arith.constant 0 : i32
    %scan3A_1725 = arith.constant 32 : i32
    %scan3A_1726 = arith.addi %scan3A_1724, %scan3A_1725 : i32
    %scan3A_1727 = arith.constant 1 : i32
    %scan3A_1728 = scf.for %scan3A_1732 = %scan3A_1724 to %scan3A_1726 step %scan3A_1727 iter_args(%scan3A_1733 = %add3A_1723) -> (vector<16xf32>)  : i32 {
      %mul3A_1734 = arith.constant 16 : i32
      %mul3A_1735 = arith.muli %scan3A_1732, %mul3A_1734 : i32
      %add3A_1736 = arith.constant 7680 : i32
      %add3A_1737 = arith.addi %add3A_1736, %mul3A_1735 : i32
      %get3A_1738 = arith.index_cast %add3A_1737 : i32 to index
      %get3A_1739 = tpu.vector_load %arg15[%get3A_1738] {strides = array<i32>} : memref<8192xi32, #tpu.memory_space<vmem>>, vector<16xi32>,
      %get3A_1740 = arith.index_cast %add3A_1737 : i32 to index
      %get3A_1741 = tpu.vector_load %arg16[%get3A_1740] {strides = array<i32>} : memref<8192xi32, #tpu.memory_space<vmem>>, vector<16xi32>,
      %and3A_1742 = arith.constant -65536 : i32
      %and3A_1743 = vector.broadcast %and3A_1742 : i32 to vector<16xi32>
      %and3A_1744 = arith.andi %get3A_1739, %and3A_1743 : vector<16xi32>
      %bitcast3A = vector.bitcast %and3A_1744 : vector<16xi32> to vector<16xf32>
      %and3A_1745 = arith.constant -65536 : i32
      %and3A_1746 = vector.broadcast %and3A_1745 : i32 to vector<16xi32>
      %and3A_1747 = arith.andi %get3A_1741, %and3A_1746 : vector<16xi32>
      %bitcast3A_1748 = vector.bitcast %and3A_1747 : vector<16xi32> to vector<16xf32>
      %shift_left3A = arith.constant 16 : i32
      %shift_left3A_1749 = vector.broadcast %shift_left3A : i32 to vector<16xi32>
      %shift_left3A_1750 = arith.shli %get3A_1739, %shift_left3A_1749 : vector<16xi32>
      %bitcast3A_1751 = vector.bitcast %shift_left3A_1750 : vector<16xi32> to vector<16xf32>
      %shift_left3A_1752 = arith.constant 16 : i32
      %shift_left3A_1753 = vector.broadcast %shift_left3A_1752 : i32 to vector<16xi32>
      %shift_left3A_1754 = arith.shli %get3A_1741, %shift_left3A_1753 : vector<16xi32>
      %bitcast3A_1755 = vector.bitcast %shift_left3A_1754 : vector<16xi32> to vector<16xf32>
      %mul3A_1756 = arith.mulf %bitcast3A, %bitcast3A_1748 : vector<16xf32>
      %add3A_1757 = arith.addf %scan3A_1733, %mul3A_1756 : vector<16xf32>
      %mul3A_1758 = arith.mulf %bitcast3A_1751, %bitcast3A_1755 : vector<16xf32>
      %add3A_1759 = arith.addf %add3A_1757, %mul3A_1758 : vector<16xf32>
      scf.yield %add3A_1759 : vector<16xf32>
    }
    %scan3A_1729 = arith.constant 32 : i32
    %swap3A_1730 = arith.constant 496 : index
    %swap3A_1731 = tpu.vector_load %arg19[%swap3A_1730] {strides = array<i32>} : memref<512xf32, #tpu.memory_space<vmem>>, vector<16xf32>,
    tpu.vector_store %arg19[%swap3A_1730], %scan3A_1728 {strides = array<i32>} : memref<512xf32, #tpu.memory_space<vmem>>, vector<16xf32>,
    "tpu.region"() ({
      %run_scoped3A = tpu.sem_alloc : memref<!tpu.dma_semaphore, #tpu.memory_space<semaphore_mem>>
      %dma_start3A_1732 = tpu.memref_slice %arg8[%mul3A_2] : memref<16384xf32, #tpu.memory_space<hbm>> -> memref<512xf32, #tpu.memory_space<hbm>>
      %dma_start3A_1733 = tpu.memref_slice %arg8[%mul3A_2] : memref<16384xf32, #tpu.memory_space<hbm>> -> memref<512xf32, #tpu.memory_space<hbm>>
      tpu.enqueue_dma source(%arg19 : memref<512xf32, #tpu.memory_space<vmem>>) target(%dma_start3A_1733 : memref<512xf32, #tpu.memory_space<hbm>>) target_semaphore(%run_scoped3A : memref<!tpu.dma_semaphore, #tpu.memory_space<semaphore_mem>>)
      %dma_wait3A_1734 = tpu.memref_slice %arg8[%mul3A_2] : memref<16384xf32, #tpu.memory_space<hbm>> -> memref<512xf32, #tpu.memory_space<hbm>>
      %dma_wait3A_1735 = tpu.memref_slice %arg8[%mul3A_2] : memref<16384xf32, #tpu.memory_space<hbm>> -> memref<512xf32, #tpu.memory_space<hbm>>
      tpu.wait_dma2 semaphore(%run_scoped3A : memref<!tpu.dma_semaphore, #tpu.memory_space<semaphore_mem>>) src(%arg19 : memref<512xf32, #tpu.memory_space<vmem>>) dst(%dma_wait3A_1735 : memref<512xf32, #tpu.memory_space<hbm>>)
      tpu.yield
    }) : () -> ()
    return
  }
}

module attributes {stable_mosaic.version = 14 : i64} {
  func.func @_pack_body(%arg0: i32, %arg1: memref<64x16384xf32, #tpu.memory_space<vmem>>, %arg2: memref<8x512x128xi32, #tpu.memory_space<vmem>>) attributes {dimension_semantics = [#tpu.dimension_semantics<arbitrary>], iteration_bounds = array<i64: 62>, scalar_prefetch = 0 : i64, scratch_operands = 0 : i64, tpu.core_type = #tpu.core_type<tc>, window_params = [{transform_indices = @transform_0, window_bounds = array<i64: 64, 16384>}, {transform_indices = @transform_1, window_bounds = array<i64: 8, 512, 128>}]} {
    %get3A = arith.constant 0 : index
    %get3A_0 = arith.constant 0 : index
    %get3A_1 = vector.load %arg1[%get3A, %get3A_0] : memref<64x16384xf32, #tpu.memory_space<vmem>>, vector<64x16384xf32>
    %reshape3A = vector.shape_cast %get3A_1 : vector<64x16384xf32> to vector<8x4x2x128x128xf32>
    %bitcast_convert_type3A = tpu.bitcast %reshape3A : vector<8x4x2x128x128xf32> -> vector<8x4x2x128x128xi32>
    %add3A = arith.constant 32768 : i32
    %add3A_2 = vector.broadcast %add3A : i32 to vector<8x4x2x128x128xi32>
    %add3A_3 = arith.addi %bitcast_convert_type3A, %add3A_2 : vector<8x4x2x128x128xi32>
    %and3A = arith.constant -65536 : i32
    %and3A_4 = vector.broadcast %and3A : i32 to vector<8x4x2x128x128xi32>
    %and3A_5 = arith.andi %add3A_3, %and3A_4 : vector<8x4x2x128x128xi32>
    %slice3A = vector.extract_strided_slice %and3A_5 {offsets = [0, 0, 0, 0, 0], sizes = [8, 4, 1, 128, 128], strides = [1, 1, 1, 1, 1]} : vector<8x4x2x128x128xi32> to vector<8x4x1x128x128xi32>
    %squeeze3A = vector.shape_cast %slice3A : vector<8x4x1x128x128xi32> to vector<8x4x128x128xi32>
    %slice3A_6 = vector.extract_strided_slice %and3A_5 {offsets = [0, 0, 1, 0, 0], sizes = [8, 4, 1, 128, 128], strides = [1, 1, 1, 1, 1]} : vector<8x4x2x128x128xi32> to vector<8x4x1x128x128xi32>
    %squeeze3A_7 = vector.shape_cast %slice3A_6 : vector<8x4x1x128x128xi32> to vector<8x4x128x128xi32>
    %shift_right_logical3A = arith.constant 16 : i32
    %shift_right_logical3A_8 = vector.broadcast %shift_right_logical3A : i32 to vector<8x4x128x128xi32>
    %shift_right_logical3A_9 = arith.shrui %squeeze3A_7, %shift_right_logical3A_8 : vector<8x4x128x128xi32>
    %or3A = arith.ori %squeeze3A, %shift_right_logical3A_9 : vector<8x4x128x128xi32>
    %transpose3A = tpu.transpose %or3A, [0, 2, 1, 3] : vector<8x4x128x128xi32> -> vector<8x128x4x128xi32>
    %reshape3A_10 = vector.shape_cast %transpose3A : vector<8x128x4x128xi32> to vector<8x512x128xi32>
    %swap3A = arith.constant 0 : index
    %swap3A_11 = arith.constant 0 : index
    %swap3A_12 = arith.constant 0 : index
    %swap3A_13 = vector.load %arg2[%swap3A, %swap3A_11, %swap3A_12] : memref<8x512x128xi32, #tpu.memory_space<vmem>>, vector<8x512x128xi32>
    tpu.vector_store %arg2[%swap3A, %swap3A_11, %swap3A_12], %reshape3A_10 {strides = array<i32>} : memref<8x512x128xi32, #tpu.memory_space<vmem>>, vector<8x512x128xi32>,
    return
  }
  func.func @transform_0(%arg0: i32) -> (i32, i32) {
    %c0_i32 = arith.constant 0 : i32
    %c0_i32_0 = arith.constant 0 : i32
    return %c0_i32, %arg0 : i32, i32
  }
  func.func @transform_1(%arg0: i32) -> (i32, i32, i32) {
    %c0_i32 = arith.constant 0 : i32
    %c0_i32_0 = arith.constant 0 : i32
    %c0_i32_1 = arith.constant 0 : i32
    return %c0_i32, %arg0, %c0_i32_0 : i32, i32, i32
  }
}

</mosaic_0001>

<sc_bundles>
// kernel: kernel.5.cloned.1.call-start
scs
__scs_entry_jumppad:
0x0: {  	(pc) =	sbr.rel $0x88, $3  }
0x1: {  	(tag) =	ssettag $0x0;
	lr =	simm.s32 $0x1  }
0x2: {  	[smem:$0x3F9B] =	sst lr;
	_ =	strace $0xD0000000  }
0x3: {  	_ = 	snop  }
0x4: {  	_ = 	snop  }
0x5: {  	_ = 	snop  }
0x6: {  	_ = 	snop  }
0x7: {  	_ = 	snop  }
__scs_overlays_trampoline_lowered:
0x8: {  	[smem:$0x3FAA] =	sst s0  }
0x9: {  	[smem:$0x3FAB] =	sst s1  }
0xa: {  	[smem:$0x3FAC] =	sst s2  }
0xb: {  	[smem:$0x3FAD] =	sst s3  }
0xc: {  	[smem:$0x3FAE] =	sst s4  }
0xd: {  	[smem:$0x3FAF] =	sst s5  }
0xe: {  	[smem:$0x3FB0] =	sst s6  }
0xf: {  	[smem:$0x3FB1] =	sst s7  }
0x10: {  	[smem:$0x3FB2] =	sst s8  }
0x11: {  	[smem:$0x3FB3] =	sst s9;
	s0 =	simm.s32 @!p0 $0x0  }
0x12: {  	s1 =	sld [smem:$0x3F99];
	s0 =	simm.s32 @p0 $0x1  }
0x13: {  	[smem:$0x3FB4] =	sst s0;
	s0 =	simm.s32 @!p1 $0x0  }
0x14: {  	s2 =	sld [smem:$0x3F98];
	s0 =	simm.s32 @p1 $0x1  }
0x15: {  	[smem:$0x3FB5] =	sst s0;
	s0 =	simm.s32 @!p2 $0x0  }
0x16: {  	s3 =	sld [smem:$0x3FDB];
	s0 =	simm.s32 @p2 $0x1  }
0x17: {  	s4 =	simm.s32 $0x1BF5;
	[smem:$0x3FB7] =	sst s0  }
0x18: {  	s0 =	sld [smem:$0x3F9A];
	_ =	swait.ge [sflag:s4], $0x0  }
0x19: {  	s7 =	sld [smem:$0x3F9B]  }
0x1a: {  	s8 =	sadd.s32 $0xFFFFE003, lr  }
0x1b: {  	s9 =	sadd.s32 $0xFFFFFEF7, lr;
	s5 =	simm.s32 $0xFFFFFFFF;
	p2 =	slt.u32 s8, $0xFFFFF086  }
0x1c: {  	p1 =	slt.u32 s9, $0xF7A;
	s5 =	simm.s32 @!p2 $0x0  }
0x1d: {  	s5 =	simm.s32 @p1 $0x1;
	p0 =	seq.s32 s7, s2  }
0x1e: {  	s7 =	smul.u32 @!p0 $0xF7A, s2;
	p2 =	seq.s32 @!p0 s5, $0x0  }
0x1f: {  	s9 =	smul.u32 $0xF7A, s1;
	s8 =	simm.s32 @!p0 $0x1BF5;
	p2 =	por !p2, p0  }
0x20: {  	[sflag:s8] =	ssyncset.s32 @!p0 $0xFFFFF086;
	s6 =	sadd.s32 @!p0 s3, s7;
	s7 =	simm.s32 @!p0 $0x108  }
0x21: {  	s3 =	sadd.s32 s3, s9;
	s6 =	sadd.s32 @!p0 $0x88, s6;
	s7 =	simm.s32 @p2 $0x1082  }
0x22: {  	[simem:s7], [sflag:s8] =	dma.local @!p0 [hbm:s6], $0xF7A  }
0x23: {  	s9 =	sor.u32 $0xD0000000, s2;
	s6 =	simm.s32 $0x108;
	_ =	swait.ge @!p0 [sflag:s8], $0x0  }
0x24: {  	s3 =	sadd.s32 $0x88, s3;
	s6 =	simm.s32 @!p1 $0x1082;
	[sflag:s4] =	ssyncset.s32 $0xFFFFF086  }
0x25: {  	[simem:s6], [sflag:s4] =	dma.local [hbm:s3], $0xF7A  }
0x26: {  	[smem:$0x3F9B] =	sst s1;
	(tag) =	ssettag s2;
	_ =	strace s9  }
0x27: {  	s1 =	sld [smem:$0x3FAB]  }
0x28: {  	s2 =	sld [smem:$0x3FAC]  }
0x29: {  	s4 =	sld [smem:$0x3FAE]  }
0x2a: {  	p0 =	seq.s32 s5, $0x0;
	s5 =	sld [smem:$0x3FAF]  }
0x2b: {  	s6 =	sld [smem:$0x3FB0]  }
0x2c: {  	s7 =	sld [smem:$0x3FB1]  }
0x2d: {  	s3 =	simm.s32 $0x108;
	s8 =	sld [smem:$0x3FB2]  }
0x2e: {  	s3 =	simm.s32 @!p0 $0x1082;
	s9 =	sld [smem:$0x3FB3]  }
0x2f: {  	lr =	sadd.s32 s0, s3;
	s0 =	sld [smem:$0x3FAA]  }
0x30: {  	s3 =	sld [smem:$0x3FAD]  }
0x31: {  	[smem:$0x3FB6] =	sst s10  }
0x32: {  	s10 =	sld [smem:$0x3FB4];
	_ =	sdelay $0x3  }
0x33: {  	p0 =	seq.s32 s10, $0x1;
	s10 =	sld [smem:$0x3FB6];
	_ =	sdelay $0x3  }
0x34: {  	[smem:$0x3FB6] =	sst s10  }
0x35: {  	s10 =	sld [smem:$0x3FB5];
	_ =	sdelay $0x3  }
0x36: {  	p1 =	seq.s32 s10, $0x1;
	s10 =	sld [smem:$0x3FB6];
	_ =	sdelay $0x3  }
0x37: {  	[smem:$0x3FB6] =	sst s10  }
0x38: {  	s10 =	sld [smem:$0x3FB7]  }
0x39: {  	_ = 	snop;
	(pc) =	sbr.ind lr, $3  }
0x3a: {  	_ = 	snop  }
0x3b: {  	_ = 	snop  }
0x3c: {  	p2 =	seq.s32 s10, $0x1;
	s10 =	sld [smem:$0x3FB6]  }
0x3d: {  	_ =	shalt  }
0x3e: {  	_ =	shalt  }
0x3f: {  	_ =	shalt  }
0x40: {  	_ =	shalt  }
0x41: {  	_ =	shalt  }
0x42: {  	_ =	shalt  }
0x43: {  	_ =	shalt  }
0x44: {  	_ =	shalt  }
0x45: {  	_ =	shalt  }
0x46: {  	_ =	shalt  }
0x47: {  	_ =	shalt  }
0x48: {  	_ =	shalt  }
0x49: {  	_ =	shalt  }
0x4a: {  	_ =	shalt  }
0x4b: {  	_ =	shalt  }
0x4c: {  	_ =	shalt  }
0x4d: {  	_ =	shalt  }
0x4e: {  	_ =	shalt  }
0x4f: {  	_ =	shalt  }
0x50: {  	_ =	shalt  }
0x51: {  	_ =	shalt  }
0x52: {  	_ =	shalt  }
0x53: {  	_ =	shalt  }
0x54: {  	_ =	shalt  }
0x55: {  	_ =	shalt  }
0x56: {  	_ =	shalt  }
0x57: {  	_ =	shalt  }
0x58: {  	_ =	shalt  }
0x59: {  	_ =	shalt  }
0x5a: {  	_ =	shalt  }
0x5b: {  	_ =	shalt  }
0x5c: {  	_ =	shalt  }
0x5d: {  	_ =	shalt  }
0x5e: {  	_ =	shalt  }
0x5f: {  	_ =	shalt  }
0x60: {  	_ =	shalt  }
0x61: {  	_ =	shalt  }
0x62: {  	_ =	shalt  }
0x63: {  	_ =	shalt  }
0x64: {  	_ =	shalt  }
0x65: {  	_ =	shalt  }
0x66: {  	_ =	shalt  }
0x67: {  	_ =	shalt  }
0x68: {  	_ =	shalt  }
0x69: {  	_ =	shalt  }
0x6a: {  	_ =	shalt  }
0x6b: {  	_ =	shalt  }
0x6c: {  	_ =	shalt  }
0x6d: {  	_ =	shalt  }
0x6e: {  	_ =	shalt  }
0x6f: {  	_ =	shalt  }
0x70: {  	_ =	shalt  }
0x71: {  	_ =	shalt  }
0x72: {  	_ =	shalt  }
0x73: {  	_ =	shalt  }
0x74: {  	_ =	shalt  }
0x75: {  	_ =	shalt  }
0x76: {  	_ =	shalt  }
0x77: {  	_ =	shalt  }
0x78: {  	_ =	shalt  }
0x79: {  	_ =	shalt  }
0x7a: {  	_ =	shalt  }
0x7b: {  	_ =	shalt  }
0x7c: {  	_ =	shalt  }
0x7d: {  	_ =	shalt  }
0x7e: {  	_ =	shalt  }
0x7f: {  	_ =	shalt  }
0x80: {  	_ =	shalt  }
0x81: {  	_ =	shalt  }
0x82: {  	_ =	shalt  }
0x83: {  	_ =	shalt  }
0x84: {  	_ =	shalt  }
0x85: {  	_ =	shalt  }
0x86: {  	_ =	shalt  }
0x87: {  	_ =	shalt  }
.Lfunc_end0:
.L_simem_size_0:
called_computation_lowered:
.L_overlay_start_0:
0x88: {  	s2 =	sld [smem:$0x3FD9]  }
0x89: {  	s3 =	sld [smem:$0x3FFE];
	_ =	sdelay $0x1  }
0x8a: {  	s1 =	srdreg.scid  }
0x8b: {  	s0 =	sand.u32 $0x1, s1  }
0x8c: {  	s17 =	sshll.u32 s0, $0xA;
	s2 =	sadd.s32 s3, s2  }
0x8d: {  	s2 =	sadd.s32 s2, s17  }
0x8e: {  	[smem:$0x3FC2] =	sst s2  }
0x8f: {  	_ = 	snop  }
0x90: {  	s2 =	sld [smem:$0x3FC9]  }
0x91: {  	s18 =	sld [smem:$0x3FC8]  }
0x92: {  	s4 =	sld [smem:$0x3FD0];
	(tm) =	ssettm $0x1  }
0x93: {  	s5 =	sld [smem:$0x3FFB];
	_ =	sdelay $0x3  }
0x94: {  	_ =	strace s5  }
0x95: {  	s5 =	sld [smem:$0x3FFC];
	_ =	sdelay $0x3  }
0x96: {  	_ =	strace s5  }
0x97: {  	s5 =	sld [smem:$0x3FFD];
	_ =	sdelay $0x3  }
0x98: {  	_ =	strace s5  }
0x99: {  	_ =	strace $0x8FFFFFFF  }
0x9a: {  	s19 =	sld [smem:$0x3FDB];
	_ =	sdelay $0x1  }
0x9b: {  	s6 =	simm.s32 $_scs_section_size  }
0x9c: {  	s7 =	simm.s32 $_size__tile_overlayer_lowered;
	s8 =	simm.s32 $_tile_overlayer_lowered  }
0x9d: {  	s22 =	simm.s32 $0x1BFF;
	s21 =	sshll.u32 s8, $0x1;
	s5 =	sadd.s32 s6, s19  }
0x9e: {  	s9 =	simm.s32 $0x0;
	s20 =	sshll.u32 s7, $0x1;
	s7 =	sadd.s32 s21, s5  }
0x9f: {  	[timem:s9], [sflag:s22] =	dma.local [hbm:s7], s20  }
0xa0: {  	_ =	swait.ge [sflag:s22], s20  }
0xa1: {  	s6 =	ssub.s32 $0x0, s20;
	[sflag:s22] =	ssyncset.done $0x0  }
0xa2: {  	[sflag:s22] =	ssyncadd.s32 s6;
	_ =	sdelay $0x1  }
0xa3: {  	s23 =	simm.s32 $0x1B8B  }
0xa4: {  	_ =	swait.ge [sflag:s23], $0x1  }
0xa5: {  	[sflag:s23] =	ssyncset.done $0x0  }
0xa6: {  	s25 =	simm.s32 $0x1B8E;
	s24 =	sld [smem:$0x3FFE];
	[sflag:s23] =	ssyncadd.s32 $0xFFFFFFFF  }
0xa7: {  	s26 =	simm.s32 $execute0_lowered;
	[smem:$0x3FD2] =	sst s25  }
0xa8: {  	s7 =	sshll.u32 s26, $0x1;
	_ =	strace $0x80000046;
	[dreg:$0x1] =	wrdreg $0xFFFFFFFF  }
0xa9: {  	s28 =	simm.s32 $_size_execute0_lowered;
	s5 =	sadd.s32 s5, s7;
	[dreg:$0x0] =	wrdreg $0x0  }
0xaa: {  	s7 =	sshll.u32 s28, $0x1;
	[dreg:$0x2] =	wrdreg s5  }
0xab: {  	[dreg:$0x3] =	wrdreg s7  }
0xac: {  	[dreg:$0x4] =	wrdreg $0xC0  }
0xad: {  	_ =	task [dreg:s9], $0x5FFFF  }
0xae: {  	[dreg:$0x1] =	wrdreg $0xFFFFFFFF  }
0xaf: {  	[dreg:$0x0] =	wrdreg $0x60  }
0xb0: {  	[dreg:$0x2] =	wrdreg s2  }
0xb1: {  	[dreg:$0x3] =	wrdreg s18  }
0xb2: {  	[dreg:$0x4] =	wrdreg s24  }
0xb3: {  	[dreg:$0x5] =	wrdreg s4  }
0xb4: {  	[dreg:$0x6] =	wrdreg $0x9  }
0xb5: {  	_ =	task.clear_ibuf [dreg:s9], $0x7FFFF;
	_ =	strace $0x90000046  }
0xb6: {  	s29 =	simm.s32 $0x9;
	_ =	strace $0x80000048  }
0xb7: {  	_ =	swait.ge [sflag:s29], $0x1  }
0xb8: {  	[sflag:s29] =	ssyncadd.s32 $0xFFFFFFFF  }
0xb9: {  	_ =	strace $0x90000048  }
0xba: {  	_ =	sfence  }
0xbb: {  	s30 =	sld [smem:$0x0];
	_ =	sdelay $0x2  }
0xbc: {  	s31 =	sshll.u32 s1, $0xD;
	s1 =	sshrl.u32 s1, $0x2  }
0xbd: {  	s3 =	sand.u32 $0x4000, s31;
	s1 =	sadd.s32 s1, s30  }
0xbe: {  	s0 =	sor.u32 s3, s0;
	s1 =	sshll.u32 s1, $0x11  }
0xbf: {  	s0 =	sor.u32 s1, s0  }
0xc0: {  	s0 =	sadd.s32 $0x8F2B, s0  }
0xc1: {  	[sflag:s0] =	ssyncadd.remote.s32 $0x1  }
0xc2: {  	_ =	sfence.sel $0xFFFF  }
0xc3: {  	[dreg:$0x0] =	wrdreg $0xFFFFFFFF;
	(pc) =	sbr.abs _section_cstart, $3  }
0xc4: {  	[dreg:$0x1] =	wrdreg $0xFFFFFFFF  }
0xc5: {  	_ =	task.clear_ibuf [dreg:s9], $0x2FFFF;
	_ =	strace $0x9FFFFFFF  }
0xc6: {  	(tm) =	ssettm $0x7FFFFFFF  }
0xc7: {  	_ =	shalt  }
tec
execute0_lowered:
.L_overlay_start_1:
0x0: {  	(tag) =	ssettag $0x1  }
0x1: {  	s0 =	rddreg [dreg:$0x0]  }
0x2: {  	s3 =	rddreg [dreg:$0x1]  }
0x3: {  	s1 =	rddreg [dreg:$0x2]  }
0x4: {  	s9 =	rddreg [dreg:$0x3];
	s2 =	simm.s32 $0x0;
	s5 =	srdreg.scid  }
0x5: {  	s6 =	stileid.u32;
	s12 =	simm.s32 $0x200;
	s13 =	simm.s32 $0x80  }
0x6: {  	s22 =	simm.s32 $0x8B00;
	s23 =	simm.s32 $0x180;
	s24 =	simm.s32 $0x8980  }
0x7: {  	s25 =	simm.s32 $0x380;
	s26 =	simm.s32 $0x8B80;
	s28 =	simm.s32 $0x1  }
0x8: {  	s29 =	simm.s32 $0x2000;
	s30 =	simm.s32 $0x800;
	s31 =	simm.s32 $0x4800  }
0x9: {  	s14 =	simm.s32 $0x8C00;
	s15 =	simm.s32 $0x0;
	[smem:$0x7FF] =	sst s2  }
0xa: {  	s4 =	sadd.s32 $0x3D400, s1;
	s5 =	sand.u32 $0x1, s5;
	s6 =	sshll.u32 s6, $0x7  }
0xb: {  	_ =	strace $0x80000047;
	s7 =	ssub.s32 $0x2, s5;
	s8 =	sshll.u32 s5, $0x6  }
0xc: {  	s5 =	sadd.s32 $0x41D400, s1;
	s10 =	sshrl.u32 s7, $0x1;
	s11 =	sor.u32 s8, s6  }
0xd: {  	s6 =	sadd.s32 $0x1EA00, s1;
	s10 =	ssub.s32 s7, s10;
	s7 =	sadd.s32 s0, s11  }
0xe: {  	s8 =	sadd.s32 s3, s11;
	s9 =	sadd.s32 s9, s11;
	s11 =	simm.s32 $0x2  }
0xf: {  	s0 =	simm.s32 $0x2800;
	s3 =	simm.s32 $0x6800;
	s10 =	smax.u32 s10, $0x1  }
.LBB2_1:
0x10: {  	[tilespmem:s2], [sflag:$0x2] =	stream.linear.gather [hbm4b:s7+s2], $0x200, $0x38;
	[tilespmem:$0x8E00] =	vst v63  }
0x11: {  	_ =	swait.ge [sflag:s11], $0x200  }
0x12: {  	[sflag:s11] =	ssyncset.done $0x0  }
0x13: {  	[sflag:s11] =	ssyncadd.s32 $0xFFFFFE00  }
0x14: {  	[tilespmem:s12], [sflag:$0x2] =	stream.linear.gather [hbm4b:s8+s2], $0x200, $0x38;
	[tilespmem:$0x8E00] =	vst v63  }
0x15: {  	_ =	swait.ge [sflag:s11], $0x200  }
0x16: {  	[sflag:s11] =	ssyncset.done $0x0  }
0x17: {  	s16 =	simm.s32 $0x8800;
	[sflag:s11] =	ssyncadd.s32 $0xFFFFFE00  }
0x18: {  	[tilespmem:s16], [sflag:$0x1] =	stream.indirect.gather [hbm4b:s1+s13], $0x1, s2, s13, $0xb8;
	[tilespmem:$0x8E00] =	vst v63  }
0x19: {  	s19 =	simm.s32 $0x8A00  }
0x1a: {  	[tilespmem:s19], [sflag:$0x1] =	stream.indirect.gather [hbm4b:s6+s13], $0x1, s12, s13, $0xb8;
	[tilespmem:$0x8E00] =	vst v63  }
0x1b: {  	s20 =	simm.s32 $0x8880  }
0x1c: {  	[tilespmem:s20], [sflag:$0x1] =	stream.indirect.gather [hbm4b:s1+s13], $0x1, s13, s13, $0xb8;
	[tilespmem:$0x8E00] =	vst v63  }
0x1d: {  	s21 =	simm.s32 $0x280;
	s17 =	simm.s32 $0x8A80  }
0x1e: {  	[tilespmem:s17], [sflag:$0x1] =	stream.indirect.gather [hbm4b:s6+s13], $0x1, s21, s13, $0xb8;
	[tilespmem:$0x8E00] =	vst v63  }
0x1f: {  	s18 =	simm.s32 $0x8900;
	s17 =	simm.s32 $0x100  }
0x20: {  	[tilespmem:s18], [sflag:$0x1] =	stream.indirect.gather [hbm4b:s1+s13], $0x1, s17, s13, $0xb8;
	[tilespmem:$0x8E00] =	vst v63  }
0x21: {  	s19 =	simm.s32 $0x300  }
0x22: {  	[tilespmem:s22], [sflag:$0x1] =	stream.indirect.gather [hbm4b:s6+s13], $0x1, s19, s13, $0xb8;
	[tilespmem:$0x8E00] =	vst v63  }
0x23: {  	_ = 	snop  }
0x24: {  	[tilespmem:s24], [sflag:$0x1] =	stream.indirect.gather [hbm4b:s1+s13], $0x1, s23, s13, $0xb8;
	[tilespmem:$0x8E00] =	vst v63  }
0x25: {  	_ = 	snop  }
0x26: {  	[tilespmem:s26], [sflag:$0x1] =	stream.indirect.gather [hbm4b:s6+s13], $0x1, s25, s13, $0xb8;
	[tilespmem:$0x8E00] =	vst v63  }
0x27: {  	v0 =	vld [tilespmem:$0x0]  }
0x28: {  	v1 =	vld [tilespmem:$0x200]  }
0x29: {  	v2 =	vld [tilespmem:$0x10]  }
0x2a: {  	v3 =	vld [tilespmem:$0x210]  }
0x2b: {  	v5 =	vld [tilespmem:$0x20]  }
0x2c: {  	v7 =	vld [tilespmem:$0x220]  }
0x2d: {  	v34 =	vld [tilespmem:$0x30]  }
0x2e: {  	v9 =	vld [tilespmem:$0x230]  }
0x2f: {  	v10 =	vld [tilespmem:$0x40]  }
0x30: {  	v39 =	vld [tilespmem:$0x240]  }
0x31: {  	v12 =	vld [tilespmem:$0x50]  }
0x32: {  	v13 =	vld [tilespmem:$0x250]  }
0x33: {  	v44 =	vld [tilespmem:$0x60]  }
0x34: {  	v15 =	vld [tilespmem:$0x260]  }
0x35: {  	v16 =	vld [tilespmem:$0x70]  }
0x36: {  	v49 =	vld [tilespmem:$0x270];
	v4 =	vshll.u32 v0, $0x2;
	v6 =	vshll.u32 v1, $0x2;
	v0 =	vand.u32 $0x7F, v0  }
0x37: {  	v18 =	vld [tilespmem:$0x80];
	v1 =	vand.u32 $0x7F, v1;
	v33 =	vshll.u32 v2, $0x2;
	v2 =	vand.u32 $0x7F, v2  }
0x38: {  	v19 =	vld [tilespmem:$0x280];
	v8 =	vshll.u32 v3, $0x2;
	v36 =	vshll.u32 v5, $0x2;
	v3 =	vand.u32 $0x7F, v3  }
0x39: {  	v54 =	vld [tilespmem:$0x90];
	v5 =	vand.u32 $0x7F, v5;
	v38 =	vshll.u32 v7, $0x2;
	v7 =	vand.u32 $0x7F, v7  }
0x3a: {  	v21 =	vld [tilespmem:$0x290];
	v11 =	vshll.u32 v34, $0x2;
	v41 =	vshll.u32 v9, $0x2;
	v9 =	vand.u32 $0x7F, v9  }
0x3b: {  	v22 =	vld [tilespmem:$0xA0];
	v43 =	vshll.u32 v10, $0x2;
	v10 =	vand.u32 $0x7F, v10;
	v14 =	vshll.u32 v39, $0x2  }
0x3c: {  	v59 =	vld [tilespmem:$0x2A0];
	v46 =	vshll.u32 v12, $0x2;
	v12 =	vand.u32 $0x7F, v12;
	v48 =	vshll.u32 v13, $0x2  }
0x3d: {  	v23 =	vld [tilespmem:$0xB0];
	v13 =	vand.u32 $0x7F, v13;
	v17 =	vshll.u32 v44, $0x2;
	v51 =	vshll.u32 v15, $0x2  }
0x3e: {  	v15 =	vand.u32 $0x7F, v15;
	v53 =	vshll.u32 v16, $0x2;
	v16 =	vand.u32 $0x7F, v16  }
0x3f: {  	v20 =	vshll.u32 v49, $0x2;
	v56 =	vshll.u32 v18, $0x2;
	v18 =	vand.u32 $0x7F, v18  }
0x40: {  	v58 =	vshll.u32 v19, $0x2;
	v60 =	vand.u32 $0x7F, v19;
	v61 =	vshll.u32 v54, $0x2  }
0x41: {  	v62 =	vshll.u32 v21, $0x2;
	v24 =	vand.u32 $0x7F, v21;
	v27 =	vand.u32 $0x7F, v22  }
0x42: {  	v29 =	vld [tilespmem:$0x2C0];
	v28 =	vshll.u32 v59, $0x2;
	v31 =	vshll.u32 v23, $0x2;
	v32 =	vand.u32 $0x7F, v59  }
0x43: {  	v4 =	vand.u32 $0xFFFFFE00, v4;
	v6 =	vand.u32 $0xFFFFFE00, v6;
	v35 =	vand.u32 $0xFFFFFE00, v8  }
0x44: {  	v8 =	vand.u32 $0xFFFFFE00, v36;
	v40 =	vand.u32 $0xFFFFFE00, v11;
	v11 =	vand.u32 $0xFFFFFE00, v41  }
0x45: {  	v45 =	vand.u32 $0xFFFFFE00, v14;
	v14 =	vand.u32 $0xFFFFFE00, v46;
	v50 =	vand.u32 $0xFFFFFE00, v17  }
0x46: {  	v17 =	vand.u32 $0xFFFFFE00, v51;
	v55 =	vand.u32 $0xFFFFFE00, v20;
	v20 =	vand.u32 $0xFFFFFE00, v56  }
0x47: {  	v63 =	vand.u32 $0xFFFFFE00, v62;
	v30 =	vand.u32 $0xFFFFFE00, v28;
	v41 =	vshll.u32 v29, $0x2  }
0x48: {  	v25 =	vld [tilespmem:$0x2B0];
	v0 =	vor.u32 v0, v4;
	v1 =	vor.u32 v1, v6;
	v4 =	vand.u32 $0xFFFFFE00, v33  }
0x49: {  	v26 =	vld [tilespmem:$0xC0];
	v3 =	vor.u32 v3, v35;
	v37 =	vor.u32 v5, v8;
	v5 =	vand.u32 $0xFFFFFE00, v38  }
0x4a: {  	v6 =	vand.u32 $0x7F, v34;
	v42 =	vor.u32 v9, v11;
	v9 =	vand.u32 $0xFFFFFE00, v43  }
0x4b: {  	v8 =	vand.u32 $0x7F, v39;
	v47 =	vor.u32 v12, v14;
	v12 =	vand.u32 $0xFFFFFE00, v48  }
0x4c: {  	v11 =	vand.u32 $0x7F, v44;
	v52 =	vor.u32 v15, v17;
	v15 =	vand.u32 $0xFFFFFE00, v53  }
0x4d: {  	v14 =	vand.u32 $0x7F, v49;
	v57 =	vor.u32 v18, v20;
	v33 =	vand.u32 $0x7F, v23;
	[tilespmem:$0x400] =	vst v0  }
0x4e: {  	v35 =	vshll.u32 v25, $0x2;
	v38 =	vshll.u32 v26, $0x2;
	v43 =	vand.u32 $0x7F, v29;
	[tilespmem:$0x600] =	vst v1  }
0x4f: {  	v2 =	vor.u32 v2, v4;
	v5 =	vor.u32 v7, v5;
	v6 =	vor.u32 v6, v40;
	[tilespmem:$0x610] =	vst v3  }
0x50: {  	v9 =	vor.u32 v10, v9;
	v8 =	vor.u32 v8, v45;
	v12 =	vor.u32 v13, v12;
	[tilespmem:$0x420] =	vst v37  }
0x51: {  	v11 =	vor.u32 v11, v50;
	v15 =	vor.u32 v16, v15;
	v14 =	vor.u32 v14, v55;
	[tilespmem:$0x630] =	vst v42  }
0x52: {  	v59 =	vld [tilespmem:$0x110];
	v0 =	vand.u32 $0xFFFFFE00, v58;
	v1 =	vand.u32 $0xFFFFFE00, v61;
	v3 =	vshll.u32 v22, $0x2;
	[tilespmem:$0x410] =	vst v2  }
0x53: {  	v36 =	vld [tilespmem:$0x2D0];
	v4 =	vor.u32 v32, v30;
	v37 =	vand.u32 $0x7F, v25;
	v40 =	vand.u32 $0xFFFFFE00, v38;
	[tilespmem:$0x620] =	vst v5  }
0x54: {  	v46 =	vld [tilespmem:$0xF0];
	v42 =	vand.u32 $0x7F, v26;
	v0 =	vor.u32 v60, v0;
	v2 =	vand.u32 $0x7F, v54;
	[tilespmem:$0x430] =	vst v6  }
0x55: {  	v56 =	vld [tilespmem:$0x300];
	v3 =	vand.u32 $0xFFFFFE00, v3;
	v5 =	vand.u32 $0xFFFFFE00, v31;
	[tilespmem:$0x440] =	vst v9;
	v6 =	vand.u32 $0xFFFFFE00, v35  }
0x56: {  	v34 =	vld [tilespmem:$0xD0];
	[tilespmem:$0x640] =	vst v8;
	v9 =	vand.u32 $0xFFFFFE00, v41;
	v8 =	vor.u32 v42, v40;
	v1 =	vor.u32 v2, v1  }
0x57: {  	v39 =	vld [tilespmem:$0xE0];
	[tilespmem:$0x450] =	vst v47;
	v2 =	vor.u32 v24, v63;
	v3 =	vor.u32 v27, v3;
	v5 =	vor.u32 v33, v5  }
0x58: {  	v44 =	vld [tilespmem:$0x2E0];
	[tilespmem:$0x660] =	vst v52;
	v6 =	vor.u32 v37, v6;
	v9 =	vor.u32 v43, v9;
	v27 =	vshll.u32 v59, $0x2  }
0x59: {  	v49 =	vld [tilespmem:$0x2F0];
	[tilespmem:$0x480] =	vst v57;
	v29 =	vand.u32 $0x7F, v59;
	v48 =	vshll.u32 v36, $0x2;
	v7 =	vand.u32 $0x7F, v36  }
0x5a: {  	v53 =	vld [tilespmem:$0x100];
	v58 =	vshll.u32 v46, $0x2;
	[tilespmem:$0x490] =	vst v1;
	v1 =	vand.u32 $0x7F, v46;
	v24 =	vshll.u32 v56, $0x2  }
0x5b: {  	v20 =	vld [tilespmem:$0x310];
	[tilespmem:$0x650] =	vst v12;
	v28 =	vand.u32 $0x7F, v56;
	v12 =	vand.u32 $0xFFFFFE00, v27;
	v45 =	vshll.u32 v34, $0x2  }
0x5c: {  	[tilespmem:$0x460] =	vst v11;
	v47 =	vand.u32 $0x7F, v34;
	v50 =	vand.u32 $0xFFFFFE00, v48;
	v51 =	vshll.u32 v39, $0x2  }
0x5d: {  	v17 =	vld [tilespmem:$0x180];
	[tilespmem:$0x470] =	vst v15;
	v52 =	vand.u32 $0x7F, v39;
	v55 =	vshll.u32 v44, $0x2;
	v57 =	vand.u32 $0x7F, v44  }
0x5e: {  	v22 =	vld [tilespmem:$0x120];
	[tilespmem:$0x670] =	vst v14;
	v60 =	vand.u32 $0xFFFFFE00, v58;
	v61 =	vshll.u32 v49, $0x2;
	v63 =	vand.u32 $0x7F, v49  }
0x5f: {  	v25 =	vld [tilespmem:$0x320];
	[tilespmem:$0x6A0] =	vst v4;
	v21 =	vshll.u32 v53, $0x2;
	v23 =	vand.u32 $0x7F, v53;
	v26 =	vand.u32 $0xFFFFFE00, v24  }
0x60: {  	v30 =	vld [tilespmem:$0x130];
	[tilespmem:$0x680] =	vst v0;
	v31 =	vor.u32 v29, v12;
	v32 =	vshll.u32 v20, $0x2;
	v34 =	vand.u32 $0x7F, v20  }
0x61: {  	[tilespmem:$0x4C0] =	vst v8;
	v10 =	vand.u32 $0xFFFFFE00, v45;
	v13 =	vand.u32 $0xFFFFFE00, v51;
	v7 =	vor.u32 v7, v50  }
0x62: {  	[tilespmem:$0x4A0] =	vst v3;
	v62 =	vand.u32 $0xFFFFFE00, v61;
	v1 =	vor.u32 v1, v60;
	v3 =	vand.u32 $0xFFFFFE00, v21  }
0x63: {  	[tilespmem:$0x6B0] =	vst v6;
	v4 =	vor.u32 v28, v26;
	v6 =	vand.u32 $0xFFFFFE00, v32;
	v35 =	vshll.u32 v22, $0x2  }
0x64: {  	v41 =	vld [tilespmem:$0x340];
	[tilespmem:$0x690] =	vst v2;
	v38 =	vshll.u32 v25, $0x2;
	v39 =	vand.u32 $0x7F, v22;
	v40 =	vand.u32 $0x7F, v25  }
0x65: {  	[tilespmem:$0x4B0] =	vst v5;
	v44 =	vshll.u32 v30, $0x2;
	v46 =	vand.u32 $0x7F, v30;
	v28 =	vshll.u32 v17, $0x2  }
0x66: {  	v33 =	vld [tilespmem:$0x330];
	[tilespmem:$0x510] =	vst v31;
	v31 =	vand.u32 $0x7F, v17;
	v10 =	vor.u32 v47, v10;
	v54 =	vor.u32 v52, v13  }
0x67: {  	v36 =	vld [tilespmem:$0x140];
	[tilespmem:$0x6C0] =	vst v9;
	v13 =	vand.u32 $0xFFFFFE00, v55;
	v2 =	vor.u32 v63, v62;
	v3 =	vor.u32 v23, v3  }
0x68: {  	v48 =	vld [tilespmem:$0x350];
	v6 =	vor.u32 v34, v6;
	v37 =	vand.u32 $0xFFFFFE00, v35;
	v9 =	vand.u32 $0xFFFFFE00, v38;
	[tilespmem:$0x6D0] =	vst v7  }
0x69: {  	v20 =	vld [tilespmem:$0x380];
	[tilespmem:$0x4F0] =	vst v1;
	v53 =	vshll.u32 v41, $0x2;
	v55 =	vand.u32 $0x7F, v41;
	v0 =	vor.u32 v57, v13  }
0x6a: {  	v24 =	vld [tilespmem:$0x190];
	[tilespmem:$0x700] =	vst v4;
	v42 =	vor.u32 v39, v37;
	v43 =	vor.u32 v40, v9;
	v9 =	vand.u32 $0xFFFFFE00, v44  }
0x6b: {  	v29 =	vld [tilespmem:$0x1A0];
	v47 =	vshll.u32 v33, $0x2;
	v1 =	vand.u32 $0x7F, v33;
	[tilespmem:$0x500] =	vst v3;
	v3 =	vand.u32 $0xFFFFFE00, v53  }
0x6c: {  	v45 =	vld [tilespmem:$0x150];
	[tilespmem:$0x6E0] =	vst v0;
	v0 =	vor.u32 v46, v9;
	v49 =	vand.u32 $0xFFFFFE00, v47;
	v50 =	vshll.u32 v36, $0x2  }
0x6d: {  	[tilespmem:$0x4D0] =	vst v10;
	v51 =	vand.u32 $0x7F, v36;
	v3 =	vor.u32 v55, v3;
	v11 =	vand.u32 $0xFFFFFE00, v50  }
0x6e: {  	v26 =	vld [tilespmem:$0x390];
	[tilespmem:$0x4E0] =	vst v54;
	v1 =	vor.u32 v1, v49;
	v59 =	vshll.u32 v48, $0x2;
	v61 =	vand.u32 $0x7F, v48  }
0x6f: {  	v52 =	vld [tilespmem:$0x160];
	[tilespmem:$0x740] =	vst v3;
	v3 =	vand.u32 $0xFFFFFE00, v28;
	v30 =	vshll.u32 v20, $0x2;
	v32 =	vand.u32 $0x7F, v20  }
0x70: {  	v62 =	vld [tilespmem:$0x370];
	[tilespmem:$0x6F0] =	vst v2;
	v35 =	vshll.u32 v24, $0x2;
	v37 =	vand.u32 $0x7F, v24;
	v41 =	vshll.u32 v29, $0x2  }
0x71: {  	v54 =	vld [tilespmem:$0x360];
	[tilespmem:$0x520] =	vst v42;
	v42 =	vand.u32 $0x7F, v29;
	v2 =	vor.u32 v51, v11;
	v56 =	vshll.u32 v45, $0x2  }
0x72: {  	v57 =	vld [tilespmem:$0x170];
	[tilespmem:$0x710] =	vst v6;
	v60 =	vand.u32 $0x7F, v45;
	v9 =	vand.u32 $0xFFFFFE00, v59;
	v7 =	vand.u32 $0xFFFFFE00, v30  }
0x73: {  	v33 =	vld [tilespmem:$0x3A0];
	[tilespmem:$0x720] =	vst v43;
	v3 =	vor.u32 v31, v3;
	v5 =	vand.u32 $0xFFFFFE00, v35;
	v38 =	vshll.u32 v26, $0x2  }
0x74: {  	v39 =	vld [tilespmem:$0x3B0];
	[tilespmem:$0x530] =	vst v0;
	v58 =	vand.u32 $0xFFFFFE00, v56;
	v63 =	vor.u32 v61, v9;
	v16 =	vshll.u32 v52, $0x2  }
0x75: {  	[tilespmem:$0x730] =	vst v1;
	v18 =	vand.u32 $0x7F, v52;
	v25 =	vshll.u32 v62, $0x2;
	v27 =	vand.u32 $0x7F, v62  }
0x76: {  	v36 =	vld [tilespmem:$0x1B0];
	[tilespmem:$0x540] =	vst v2;
	v34 =	vor.u32 v32, v7;
	v40 =	vand.u32 $0xFFFFFE00, v38;
	v4 =	vor.u32 v60, v58  }
0x77: {  	v43 =	vld [tilespmem:$0x1C0];
	[tilespmem:$0x580] =	vst v3;
	v6 =	vand.u32 $0xFFFFFE00, v16;
	v19 =	vshll.u32 v54, $0x2;
	v22 =	vshll.u32 v57, $0x2  }
0x78: {  	v0 =	vand.u32 $0x7F, v54;
	v23 =	vand.u32 $0x7F, v57;
	v2 =	vand.u32 $0xFFFFFE00, v25;
	[tilespmem:$0x750] =	vst v63  }
0x79: {  	v48 =	vld [tilespmem:$0x1D0];
	v44 =	vshll.u32 v33, $0x2;
	v46 =	vand.u32 $0x7F, v33;
	[tilespmem:$0x780] =	vst v34;
	v50 =	vshll.u32 v39, $0x2  }
0x7a: {  	v51 =	vand.u32 $0x7F, v39;
	v6 =	vor.u32 v18, v6;
	v21 =	vand.u32 $0xFFFFFE00, v19;
	[tilespmem:$0x550] =	vst v4  }
0x7b: {  	v45 =	vld [tilespmem:$0x3C0];
	v8 =	vand.u32 $0xFFFFFE00, v22;
	v2 =	vor.u32 v27, v2;
	v3 =	vand.u32 $0xFFFFFE00, v44;
	[tilespmem:$0x560] =	vst v6  }
0x7c: {  	v47 =	vshll.u32 v36, $0x2;
	v53 =	vshll.u32 v43, $0x2;
	v0 =	vor.u32 v0, v21;
	[tilespmem:$0x770] =	vst v2  }
0x7d: {  	v55 =	vand.u32 $0x7F, v43;
	v1 =	vor.u32 v23, v8;
	v6 =	vand.u32 $0xFFFFFE00, v41;
	[tilespmem:$0x760] =	vst v0  }
0x7e: {  	v52 =	vld [tilespmem:$0x3D0];
	v3 =	vor.u32 v46, v3;
	v49 =	vand.u32 $0xFFFFFE00, v47;
	v58 =	vshll.u32 v48, $0x2;
	[tilespmem:$0x570] =	vst v1  }
0x7f: {  	v54 =	vld [tilespmem:$0x1E0];
	v59 =	vand.u32 $0x7F, v48;
	v0 =	vor.u32 v37, v5;
	v1 =	vand.u32 $0x7F, v26;
	[tilespmem:$0x7A0] =	vst v3  }
0x80: {  	v57 =	vld [tilespmem:$0x3E0];
	v2 =	vor.u32 v42, v6;
	v5 =	vand.u32 $0xFFFFFE00, v50;
	v56 =	vshll.u32 v45, $0x2;
	[tilespmem:$0x590] =	vst v0  }
0x81: {  	v4 =	vand.u32 $0xFFFFFE00, v58;
	v1 =	vor.u32 v1, v40;
	v0 =	vand.u32 $0x7F, v36;
	[tilespmem:$0x5A0] =	vst v2  }
0x82: {  	v2 =	vand.u32 $0xFFFFFE00, v53;
	v3 =	vand.u32 $0xFFFFFE00, v56;
	[tilespmem:$0x790] =	vst v1;
	v0 =	vor.u32 v0, v49  }
0x83: {  	v60 =	vld [tilespmem:$0x1F0];
	v1 =	vor.u32 v51, v5;
	v2 =	vor.u32 v55, v2;
	[tilespmem:$0x5B0] =	vst v0;
	v0 =	vand.u32 $0x7F, v45  }
0x84: {  	v61 =	vld [tilespmem:$0x3F0];
	v62 =	vshll.u32 v54, $0x2;
	[tilespmem:$0x7B0] =	vst v1;
	v0 =	vor.u32 v0, v3;
	v3 =	vshll.u32 v52, $0x2  }
0x85: {  	v63 =	vand.u32 $0x7F, v57;
	[tilespmem:$0x5C0] =	vst v2;
	v2 =	vand.u32 $0xFFFFFE00, v3;
	v3 =	vand.u32 $0x7F, v52  }
0x86: {  	v1 =	vor.u32 v59, v4;
	[tilespmem:$0x7C0] =	vst v0;
	v0 =	vor.u32 v3, v2;
	v3 =	vshll.u32 v57, $0x2  }
0x87: {  	[tilespmem:$0x5D0] =	vst v1;
	v1 =	vand.u32 $0x7F, v54;
	v2 =	vand.u32 $0xFFFFFE00, v62;
	v3 =	vand.u32 $0xFFFFFE00, v3  }
0x88: {  	[tilespmem:$0x7D0] =	vst v0;
	v0 =	vor.u32 v1, v2;
	v2 =	vshll.u32 v60, $0x2;
	v1 =	vor.u32 v63, v3  }
0x89: {  	[tilespmem:$0x5E0] =	vst v0;
	v0 =	vand.u32 $0xFFFFFE00, v2;
	v2 =	vand.u32 $0x7F, v60;
	v3 =	vshll.u32 v61, $0x2  }
0x8a: {  	[tilespmem:$0x7E0] =	vst v1;
	v0 =	vor.u32 v2, v0;
	v1 =	vand.u32 $0xFFFFFE00, v3;
	v2 =	vand.u32 $0x7F, v61  }
0x8b: {  	[tilespmem:$0x5F0] =	vst v0;
	v0 =	vor.u32 v2, v1  }
0x8c: {  	[tilespmem:$0x7F0] =	vst v0  }
0x8d: {  	_ =	swait.ge [sflag:s28], $0x200  }
0x8e: {  	[sflag:s28] =	ssyncset.done $0x0  }
0x8f: {  	[sflag:s28] =	ssyncadd.s32 $0xFFFFFE00  }
0x90: {  	_ =	swait.ge [sflag:s28], $0x200  }
0x91: {  	[sflag:s28] =	ssyncset.done $0x0  }
0x92: {  	[sflag:s28] =	ssyncadd.s32 $0xFFFFFE00  }
0x93: {  	v0 =	vld [tilespmem:$0x400]  }
0x94: {  	s20 =	simm.s32 $0x0;
	v1 =	vld [tilespmem:$0x600]  }
0x95: {  	s16 =	smul.u32 $0x3E0000, s20  }
0x96: {  	s21 =	sand.u32 $0x180, s2  }
0x97: {  	s17 =	sor.u32 s21, s16  }
0x98: {  	s16 =	simm.s32 $0x1;
	v2 =	vadd.s32 s17, v0  }
0x99: {  	s18 =	simm.s32 $0x0;
	s19 =	simm.s32 $0x800;
	[tilespmem:s30+$0x0] =	vst v2;
	v2 =	vadd.s32 s17, v1;
	s17 =	simm.s32 $0x2800  }
.LBB2_2:
0x9a: {  	s20 =	sshrl.u32 s16, $0x2  }
0x9b: {  	[tilespmem:s17+$0x0] =	vst v2;
	s18 =	sadd.s32 $0x80, s18;
	p0 =	sne.s32 s16, $0x1F;
	s20 =	smul.u32 $0x3E0000, s20  }
.Ltmp0:
0x9c: {  	s16 =	sadd.s32 $0x1, s16;
	(pc) =	sbr.rel @p0 .LBB2_2-.Ltmp0, $4  }
0x9d: {  	s21 =	sand.u32 $0x180, s18  }
0x9e: {  	s20 =	sor.u32 s21, s20  }
0x9f: {  	s19 =	sadd.s32 $0x10, s19;
	v2 =	vadd.s32 s20, v0  }
0xa0: {  	s17 =	sadd.s32 $0x10, s17;
	[tilespmem:s19+$0x0] =	vst v2;
	v2 =	vadd.s32 s20, v1  }
0xa1: {  	[tilespmem:s17+$0x0] =	vst v2  }
0xa2: {  	v0 =	vld [tilespmem:$0x410]  }
0xa3: {  	s21 =	simm.s32 $0x0;
	v1 =	vld [tilespmem:$0x610]  }
0xa4: {  	s16 =	simm.s32 $0x0;
	s17 =	smul.u32 $0x3E0000, s21  }
0xa5: {  	s18 =	sand.u32 $0x180, s16  }
0xa6: {  	s20 =	sor.u32 s18, s17  }
0xa7: {  	s17 =	simm.s32 $0xA00;
	v2 =	vadd.s32 s20, v0  }
0xa8: {  	s19 =	simm.s32 $0x1;
	s18 =	simm.s32 $0x2A00;
	[tilespmem:s17+$0x0] =	vst v2;
	v2 =	vadd.s32 s20, v1  }
.LBB2_4:
0xa9: {  	s20 =	sshrl.u32 s19, $0x2  }
0xaa: {  	[tilespmem:s18+$0x0] =	vst v2;
	s16 =	sadd.s32 $0x80, s16;
	p0 =	sne.s32 s19, $0x1F;
	s20 =	smul.u32 $0x3E0000, s20  }
.Ltmp1:
0xab: {  	s19 =	sadd.s32 $0x1, s19;
	(pc) =	sbr.rel @p0 .LBB2_4-.Ltmp1, $4  }
0xac: {  	s21 =	sand.u32 $0x180, s16  }
0xad: {  	s20 =	sor.u32 s21, s20  }
0xae: {  	s17 =	sadd.s32 $0x10, s17;
	v2 =	vadd.s32 s20, v0  }
0xaf: {  	s18 =	sadd.s32 $0x10, s18;
	[tilespmem:s17+$0x0] =	vst v2;
	v2 =	vadd.s32 s20, v1  }
0xb0: {  	[tilespmem:s18+$0x0] =	vst v2  }
0xb1: {  	v0 =	vld [tilespmem:$0x420]  }
0xb2: {  	s17 =	simm.s32 $0x0;
	v1 =	vld [tilespmem:$0x620]  }
0xb3: {  	s16 =	simm.s32 $0x0;
	s17 =	smul.u32 $0x3E0000, s17  }
0xb4: {  	s21 =	sand.u32 $0x180, s16  }
0xb5: {  	s20 =	sor.u32 s21, s17  }
0xb6: {  	s17 =	simm.s32 $0xC00;
	v2 =	vadd.s32 s20, v0  }
0xb7: {  	s18 =	simm.s32 $0x2C00;
	s19 =	simm.s32 $0x1;
	[tilespmem:s17+$0x0] =	vst v2;
	v2 =	vadd.s32 s20, v1  }
.LBB2_6:
0xb8: {  	s20 =	sshrl.u32 s19, $0x2  }
0xb9: {  	[tilespmem:s18+$0x0] =	vst v2;
	s16 =	sadd.s32 $0x80, s16;
	p0 =	sne.s32 s19, $0x1F;
	s20 =	smul.u32 $0x3E0000, s20  }
.Ltmp2:
0xba: {  	s19 =	sadd.s32 $0x1, s19;
	(pc) =	sbr.rel @p0 .LBB2_6-.Ltmp2, $4  }
0xbb: {  	s21 =	sand.u32 $0x180, s16  }
0xbc: {  	s20 =	sor.u32 s21, s20  }
0xbd: {  	s17 =	sadd.s32 $0x10, s17;
	v2 =	vadd.s32 s20, v0  }
0xbe: {  	s18 =	sadd.s32 $0x10, s18;
	[tilespmem:s17+$0x0] =	vst v2;
	v2 =	vadd.s32 s20, v1  }
0xbf: {  	[tilespmem:s18+$0x0] =	vst v2  }
0xc0: {  	v0 =	vld [tilespmem:$0x430]  }
0xc1: {  	s17 =	simm.s32 $0x0;
	v1 =	vld [tilespmem:$0x630]  }
0xc2: {  	s16 =	simm.s32 $0x0;
	s17 =	smul.u32 $0x3E0000, s17  }
0xc3: {  	s21 =	sand.u32 $0x180, s16  }
0xc4: {  	s20 =	sor.u32 s21, s17  }
0xc5: {  	s17 =	simm.s32 $0xE00;
	v2 =	vadd.s32 s20, v0  }
0xc6: {  	s18 =	simm.s32 $0x2E00;
	s19 =	simm.s32 $0x1;
	[tilespmem:s17+$0x0] =	vst v2;
	v2 =	vadd.s32 s20, v1  }
.LBB2_8:
0xc7: {  	s20 =	sshrl.u32 s19, $0x2  }
0xc8: {  	[tilespmem:s18+$0x0] =	vst v2;
	s16 =	sadd.s32 $0x80, s16;
	p0 =	sne.s32 s19, $0x1F;
	s20 =	smul.u32 $0x3E0000, s20  }
.Ltmp3:
0xc9: {  	s19 =	sadd.s32 $0x1, s19;
	(pc) =	sbr.rel @p0 .LBB2_8-.Ltmp3, $4  }
0xca: {  	s21 =	sand.u32 $0x180, s16  }
0xcb: {  	s20 =	sor.u32 s21, s20  }
0xcc: {  	s17 =	sadd.s32 $0x10, s17;
	v2 =	vadd.s32 s20, v0  }
0xcd: {  	s18 =	sadd.s32 $0x10, s18;
	[tilespmem:s17+$0x0] =	vst v2;
	v2 =	vadd.s32 s20, v1  }
0xce: {  	[tilespmem:s18+$0x0] =	vst v2  }
0xcf: {  	v0 =	vld [tilespmem:$0x440]  }
0xd0: {  	s17 =	simm.s32 $0x0;
	v1 =	vld [tilespmem:$0x640]  }
0xd1: {  	s16 =	simm.s32 $0x0;
	s17 =	smul.u32 $0x3E0000, s17  }
0xd2: {  	s21 =	sand.u32 $0x180, s16  }
0xd3: {  	s20 =	sor.u32 s21, s17  }
0xd4: {  	s17 =	simm.s32 $0x1000;
	v2 =	vadd.s32 s20, v0  }
0xd5: {  	s18 =	simm.s32 $0x3000;
	s19 =	simm.s32 $0x1;
	[tilespmem:s17+$0x0] =	vst v2;
	v2 =	vadd.s32 s20, v1  }
.LBB2_10:
0xd6: {  	s20 =	sshrl.u32 s19, $0x2  }
0xd7: {  	[tilespmem:s18+$0x0] =	vst v2;
	s16 =	sadd.s32 $0x80, s16;
	p0 =	sne.s32 s19, $0x1F;
	s20 =	smul.u32 $0x3E0000, s20  }
.Ltmp4:
0xd8: {  	s19 =	sadd.s32 $0x1, s19;
	(pc) =	sbr.rel @p0 .LBB2_10-.Ltmp4, $4  }
0xd9: {  	s21 =	sand.u32 $0x180, s16  }
0xda: {  	s20 =	sor.u32 s21, s20  }
0xdb: {  	s17 =	sadd.s32 $0x10, s17;
	v2 =	vadd.s32 s20, v0  }
0xdc: {  	s18 =	sadd.s32 $0x10, s18;
	[tilespmem:s17+$0x0] =	vst v2;
	v2 =	vadd.s32 s20, v1  }
0xdd: {  	[tilespmem:s18+$0x0] =	vst v2  }
0xde: {  	v0 =	vld [tilespmem:$0x450]  }
0xdf: {  	s17 =	simm.s32 $0x0;
	v1 =	vld [tilespmem:$0x650]  }
0xe0: {  	s16 =	simm.s32 $0x0;
	s17 =	smul.u32 $0x3E0000, s17  }
0xe1: {  	s21 =	sand.u32 $0x180, s16  }
0xe2: {  	s20 =	sor.u32 s21, s17  }
0xe3: {  	s17 =	simm.s32 $0x1200;
	v2 =	vadd.s32 s20, v0  }
0xe4: {  	s18 =	simm.s32 $0x3200;
	s19 =	simm.s32 $0x1;
	[tilespmem:s17+$0x0] =	vst v2;
	v2 =	vadd.s32 s20, v1  }
.LBB2_12:
0xe5: {  	s20 =	sshrl.u32 s19, $0x2  }
0xe6: {  	[tilespmem:s18+$0x0] =	vst v2;
	s16 =	sadd.s32 $0x80, s16;
	p0 =	sne.s32 s19, $0x1F;
	s20 =	smul.u32 $0x3E0000, s20  }
.Ltmp5:
0xe7: {  	s19 =	sadd.s32 $0x1, s19;
	(pc) =	sbr.rel @p0 .LBB2_12-.Ltmp5, $4  }
0xe8: {  	s21 =	sand.u32 $0x180, s16  }
0xe9: {  	s20 =	sor.u32 s21, s20  }
0xea: {  	s17 =	sadd.s32 $0x10, s17;
	v2 =	vadd.s32 s20, v0  }
0xeb: {  	s18 =	sadd.s32 $0x10, s18;
	[tilespmem:s17+$0x0] =	vst v2;
	v2 =	vadd.s32 s20, v1  }
0xec: {  	[tilespmem:s18+$0x0] =	vst v2  }
0xed: {  	v0 =	vld [tilespmem:$0x460]  }
0xee: {  	s17 =	simm.s32 $0x0;
	v1 =	vld [tilespmem:$0x660]  }
0xef: {  	s16 =	simm.s32 $0x0;
	s17 =	smul.u32 $0x3E0000, s17  }
0xf0: {  	s21 =	sand.u32 $0x180, s16  }
0xf1: {  	s20 =	sor.u32 s21, s17  }
0xf2: {  	s17 =	simm.s32 $0x1400;
	v2 =	vadd.s32 s20, v0  }
0xf3: {  	s18 =	simm.s32 $0x3400;
	s19 =	simm.s32 $0x1;
	[tilespmem:s17+$0x0] =	vst v2;
	v2 =	vadd.s32 s20, v1  }
.LBB2_14:
0xf4: {  	s20 =	sshrl.u32 s19, $0x2  }
0xf5: {  	[tilespmem:s18+$0x0] =	vst v2;
	s16 =	sadd.s32 $0x80, s16;
	p0 =	sne.s32 s19, $0x1F;
	s20 =	smul.u32 $0x3E0000, s20  }
.Ltmp6:
0xf6: {  	s19 =	sadd.s32 $0x1, s19;
	(pc) =	sbr.rel @p0 .LBB2_14-.Ltmp6, $4  }
0xf7: {  	s21 =	sand.u32 $0x180, s16  }
0xf8: {  	s20 =	sor.u32 s21, s20  }
0xf9: {  	s17 =	sadd.s32 $0x10, s17;
	v2 =	vadd.s32 s20, v0  }
0xfa: {  	s18 =	sadd.s32 $0x10, s18;
	[tilespmem:s17+$0x0] =	vst v2;
	v2 =	vadd.s32 s20, v1  }
0xfb: {  	[tilespmem:s18+$0x0] =	vst v2  }
0xfc: {  	v0 =	vld [tilespmem:$0x470]  }
0xfd: {  	s17 =	simm.s32 $0x0;
	v1 =	vld [tilespmem:$0x670]  }
0xfe: {  	s16 =	simm.s32 $0x0;
	s17 =	smul.u32 $0x3E0000, s17  }
0xff: {  	s21 =	sand.u32 $0x180, s16  }
0x100: {  	s20 =	sor.u32 s21, s17  }
0x101: {  	s17 =	simm.s32 $0x1600;
	v2 =	vadd.s32 s20, v0  }
0x102: {  	s18 =	simm.s32 $0x3600;
	s19 =	simm.s32 $0x1;
	[tilespmem:s17+$0x0] =	vst v2;
	v2 =	vadd.s32 s20, v1  }
.LBB2_16:
0x103: {  	s20 =	sshrl.u32 s19, $0x2  }
0x104: {  	[tilespmem:s18+$0x0] =	vst v2;
	s16 =	sadd.s32 $0x80, s16;
	p0 =	sne.s32 s19, $0x1F;
	s20 =	smul.u32 $0x3E0000, s20  }
.Ltmp7:
0x105: {  	s19 =	sadd.s32 $0x1, s19;
	(pc) =	sbr.rel @p0 .LBB2_16-.Ltmp7, $4  }
0x106: {  	s21 =	sand.u32 $0x180, s16  }
0x107: {  	s20 =	sor.u32 s21, s20  }
0x108: {  	s17 =	sadd.s32 $0x10, s17;
	v2 =	vadd.s32 s20, v0  }
0x109: {  	s18 =	sadd.s32 $0x10, s18;
	[tilespmem:s17+$0x0] =	vst v2;
	v2 =	vadd.s32 s20, v1  }
0x10a: {  	[tilespmem:s18+$0x0] =	vst v2  }
0x10b: {  	v0 =	vld [tilespmem:$0x480]  }
0x10c: {  	s17 =	simm.s32 $0x0;
	v1 =	vld [tilespmem:$0x680]  }
0x10d: {  	s16 =	simm.s32 $0x0;
	s17 =	smul.u32 $0x3E0000, s17  }
0x10e: {  	s21 =	sand.u32 $0x180, s16  }
0x10f: {  	s20 =	sor.u32 s21, s17  }
0x110: {  	s17 =	simm.s32 $0x1800;
	v2 =	vadd.s32 s20, v0  }
0x111: {  	s18 =	simm.s32 $0x3800;
	s19 =	simm.s32 $0x1;
	[tilespmem:s17+$0x0] =	vst v2;
	v2 =	vadd.s32 s20, v1  }
.LBB2_18:
0x112: {  	s20 =	sshrl.u32 s19, $0x2  }
0x113: {  	[tilespmem:s18+$0x0] =	vst v2;
	s16 =	sadd.s32 $0x80, s16;
	p0 =	sne.s32 s19, $0x1F;
	s20 =	smul.u32 $0x3E0000, s20  }
.Ltmp8:
0x114: {  	s19 =	sadd.s32 $0x1, s19;
	(pc) =	sbr.rel @p0 .LBB2_18-.Ltmp8, $4  }
0x115: {  	s21 =	sand.u32 $0x180, s16  }
0x116: {  	s20 =	sor.u32 s21, s20  }
0x117: {  	s17 =	sadd.s32 $0x10, s17;
	v2 =	vadd.s32 s20, v0  }
0x118: {  	s18 =	sadd.s32 $0x10, s18;
	[tilespmem:s17+$0x0] =	vst v2;
	v2 =	vadd.s32 s20, v1  }
0x119: {  	[tilespmem:s18+$0x0] =	vst v2  }
0x11a: {  	v0 =	vld [tilespmem:$0x490]  }
0x11b: {  	s17 =	simm.s32 $0x0;
	v1 =	vld [tilespmem:$0x690]  }
0x11c: {  	s16 =	simm.s32 $0x0;
	s17 =	smul.u32 $0x3E0000, s17  }
0x11d: {  	s21 =	sand.u32 $0x180, s16  }
0x11e: {  	s20 =	sor.u32 s21, s17  }
0x11f: {  	s17 =	simm.s32 $0x1A00;
	v2 =	vadd.s32 s20, v0  }
0x120: {  	s18 =	simm.s32 $0x3A00;
	s19 =	simm.s32 $0x1;
	[tilespmem:s17+$0x0] =	vst v2;
	v2 =	vadd.s32 s20, v1  }
.LBB2_20:
0x121: {  	s20 =	sshrl.u32 s19, $0x2  }
0x122: {  	[tilespmem:s18+$0x0] =	vst v2;
	s16 =	sadd.s32 $0x80, s16;
	p0 =	sne.s32 s19, $0x1F;
	s20 =	smul.u32 $0x3E0000, s20  }
.Ltmp9:
0x123: {  	s19 =	sadd.s32 $0x1, s19;
	(pc) =	sbr.rel @p0 .LBB2_20-.Ltmp9, $4  }
0x124: {  	s21 =	sand.u32 $0x180, s16  }
0x125: {  	s20 =	sor.u32 s21, s20  }
0x126: {  	s17 =	sadd.s32 $0x10, s17;
	v2 =	vadd.s32 s20, v0  }
0x127: {  	s18 =	sadd.s32 $0x10, s18;
	[tilespmem:s17+$0x0] =	vst v2;
	v2 =	vadd.s32 s20, v1  }
0x128: {  	[tilespmem:s18+$0x0] =	vst v2  }
0x129: {  	v0 =	vld [tilespmem:$0x4A0]  }
0x12a: {  	s17 =	simm.s32 $0x0;
	v1 =	vld [tilespmem:$0x6A0]  }
0x12b: {  	s16 =	simm.s32 $0x0;
	s17 =	smul.u32 $0x3E0000, s17  }
0x12c: {  	s21 =	sand.u32 $0x180, s16  }
0x12d: {  	s20 =	sor.u32 s21, s17  }
0x12e: {  	s17 =	simm.s32 $0x1C00;
	v2 =	vadd.s32 s20, v0  }
0x12f: {  	s18 =	simm.s32 $0x3C00;
	s19 =	simm.s32 $0x1;
	[tilespmem:s17+$0x0] =	vst v2;
	v2 =	vadd.s32 s20, v1  }
.LBB2_22:
0x130: {  	s20 =	sshrl.u32 s19, $0x2  }
0x131: {  	[tilespmem:s18+$0x0] =	vst v2;
	s16 =	sadd.s32 $0x80, s16;
	p0 =	sne.s32 s19, $0x1F;
	s20 =	smul.u32 $0x3E0000, s20  }
.Ltmp10:
0x132: {  	s19 =	sadd.s32 $0x1, s19;
	(pc) =	sbr.rel @p0 .LBB2_22-.Ltmp10, $4  }
0x133: {  	s21 =	sand.u32 $0x180, s16  }
0x134: {  	s20 =	sor.u32 s21, s20  }
0x135: {  	s17 =	sadd.s32 $0x10, s17;
	v2 =	vadd.s32 s20, v0  }
0x136: {  	s18 =	sadd.s32 $0x10, s18;
	[tilespmem:s17+$0x0] =	vst v2;
	v2 =	vadd.s32 s20, v1  }
0x137: {  	[tilespmem:s18+$0x0] =	vst v2  }
0x138: {  	v0 =	vld [tilespmem:$0x4B0]  }
0x139: {  	s17 =	simm.s32 $0x0;
	v1 =	vld [tilespmem:$0x6B0]  }
0x13a: {  	s16 =	simm.s32 $0x0;
	s17 =	smul.u32 $0x3E0000, s17  }
0x13b: {  	s21 =	sand.u32 $0x180, s16  }
0x13c: {  	s20 =	sor.u32 s21, s17  }
0x13d: {  	s17 =	simm.s32 $0x1E00;
	v2 =	vadd.s32 s20, v0  }
0x13e: {  	s18 =	simm.s32 $0x3E00;
	s19 =	simm.s32 $0x1;
	[tilespmem:s17+$0x0] =	vst v2;
	v2 =	vadd.s32 s20, v1  }
.LBB2_24:
0x13f: {  	s20 =	sshrl.u32 s19, $0x2  }
0x140: {  	[tilespmem:s18+$0x0] =	vst v2;
	s16 =	sadd.s32 $0x80, s16;
	p0 =	sne.s32 s19, $0x1F;
	s20 =	smul.u32 $0x3E0000, s20  }
.Ltmp11:
0x141: {  	s19 =	sadd.s32 $0x1, s19;
	(pc) =	sbr.rel @p0 .LBB2_24-.Ltmp11, $4  }
0x142: {  	s21 =	sand.u32 $0x180, s16  }
0x143: {  	s20 =	sor.u32 s21, s20  }
0x144: {  	s17 =	sadd.s32 $0x10, s17;
	v2 =	vadd.s32 s20, v0  }
0x145: {  	s18 =	sadd.s32 $0x10, s18;
	[tilespmem:s17+$0x0] =	vst v2;
	v2 =	vadd.s32 s20, v1  }
0x146: {  	[tilespmem:s18+$0x0] =	vst v2  }
0x147: {  	v0 =	vld [tilespmem:$0x4C0]  }
0x148: {  	s17 =	simm.s32 $0x0;
	v1 =	vld [tilespmem:$0x6C0]  }
0x149: {  	s16 =	simm.s32 $0x0;
	s17 =	smul.u32 $0x3E0000, s17  }
0x14a: {  	s21 =	sand.u32 $0x180, s16  }
0x14b: {  	s20 =	sor.u32 s21, s17  }
0x14c: {  	s17 =	simm.s32 $0x2000;
	v2 =	vadd.s32 s20, v0  }
0x14d: {  	s18 =	simm.s32 $0x4000;
	s19 =	simm.s32 $0x1;
	[tilespmem:s17+$0x0] =	vst v2;
	v2 =	vadd.s32 s20, v1  }
.LBB2_26:
0x14e: {  	s20 =	sshrl.u32 s19, $0x2  }
0x14f: {  	[tilespmem:s18+$0x0] =	vst v2;
	s16 =	sadd.s32 $0x80, s16;
	p0 =	sne.s32 s19, $0x1F;
	s20 =	smul.u32 $0x3E0000, s20  }
.Ltmp12:
0x150: {  	s19 =	sadd.s32 $0x1, s19;
	(pc) =	sbr.rel @p0 .LBB2_26-.Ltmp12, $4  }
0x151: {  	s21 =	sand.u32 $0x180, s16  }
0x152: {  	s20 =	sor.u32 s21, s20  }
0x153: {  	s17 =	sadd.s32 $0x10, s17;
	v2 =	vadd.s32 s20, v0  }
0x154: {  	s18 =	sadd.s32 $0x10, s18;
	[tilespmem:s17+$0x0] =	vst v2;
	v2 =	vadd.s32 s20, v1  }
0x155: {  	[tilespmem:s18+$0x0] =	vst v2  }
0x156: {  	v0 =	vld [tilespmem:$0x4D0]  }
0x157: {  	s17 =	simm.s32 $0x0;
	v1 =	vld [tilespmem:$0x6D0]  }
0x158: {  	s16 =	simm.s32 $0x0;
	s17 =	smul.u32 $0x3E0000, s17  }
0x159: {  	s21 =	sand.u32 $0x180, s16  }
0x15a: {  	s20 =	sor.u32 s21, s17  }
0x15b: {  	s17 =	simm.s32 $0x2200;
	v2 =	vadd.s32 s20, v0  }
0x15c: {  	s18 =	simm.s32 $0x4200;
	s19 =	simm.s32 $0x1;
	[tilespmem:s17+$0x0] =	vst v2;
	v2 =	vadd.s32 s20, v1  }
.LBB2_28:
0x15d: {  	s20 =	sshrl.u32 s19, $0x2  }
0x15e: {  	[tilespmem:s18+$0x0] =	vst v2;
	s16 =	sadd.s32 $0x80, s16;
	p0 =	sne.s32 s19, $0x1F;
	s20 =	smul.u32 $0x3E0000, s20  }
.Ltmp13:
0x15f: {  	s19 =	sadd.s32 $0x1, s19;
	(pc) =	sbr.rel @p0 .LBB2_28-.Ltmp13, $4  }
0x160: {  	s21 =	sand.u32 $0x180, s16  }
0x161: {  	s20 =	sor.u32 s21, s20  }
0x162: {  	s17 =	sadd.s32 $0x10, s17;
	v2 =	vadd.s32 s20, v0  }
0x163: {  	s18 =	sadd.s32 $0x10, s18;
	[tilespmem:s17+$0x0] =	vst v2;
	v2 =	vadd.s32 s20, v1  }
0x164: {  	[tilespmem:s18+$0x0] =	vst v2  }
0x165: {  	v0 =	vld [tilespmem:$0x4E0]  }
0x166: {  	s17 =	simm.s32 $0x0;
	v1 =	vld [tilespmem:$0x6E0]  }
0x167: {  	s16 =	simm.s32 $0x0;
	s17 =	smul.u32 $0x3E0000, s17  }
0x168: {  	s21 =	sand.u32 $0x180, s16  }
0x169: {  	s20 =	sor.u32 s21, s17  }
0x16a: {  	s17 =	simm.s32 $0x2400;
	v2 =	vadd.s32 s20, v0  }
0x16b: {  	s18 =	simm.s32 $0x4400;
	s19 =	simm.s32 $0x1;
	[tilespmem:s17+$0x0] =	vst v2;
	v2 =	vadd.s32 s20, v1  }
.LBB2_30:
0x16c: {  	s20 =	sshrl.u32 s19, $0x2  }
0x16d: {  	[tilespmem:s18+$0x0] =	vst v2;
	s16 =	sadd.s32 $0x80, s16;
	p0 =	sne.s32 s19, $0x1F;
	s20 =	smul.u32 $0x3E0000, s20  }
.Ltmp14:
0x16e: {  	s19 =	sadd.s32 $0x1, s19;
	(pc) =	sbr.rel @p0 .LBB2_30-.Ltmp14, $4  }
0x16f: {  	s21 =	sand.u32 $0x180, s16  }
0x170: {  	s20 =	sor.u32 s21, s20  }
0x171: {  	s17 =	sadd.s32 $0x10, s17;
	v2 =	vadd.s32 s20, v0  }
0x172: {  	s18 =	sadd.s32 $0x10, s18;
	[tilespmem:s17+$0x0] =	vst v2;
	v2 =	vadd.s32 s20, v1  }
0x173: {  	[tilespmem:s18+$0x0] =	vst v2  }
0x174: {  	v0 =	vld [tilespmem:$0x4F0]  }
0x175: {  	s17 =	simm.s32 $0x0;
	v1 =	vld [tilespmem:$0x6F0]  }
0x176: {  	s16 =	simm.s32 $0x0;
	s17 =	smul.u32 $0x3E0000, s17  }
0x177: {  	s21 =	sand.u32 $0x180, s16  }
0x178: {  	s20 =	sor.u32 s21, s17  }
0x179: {  	s17 =	simm.s32 $0x2600;
	v2 =	vadd.s32 s20, v0  }
0x17a: {  	s18 =	simm.s32 $0x4600;
	s19 =	simm.s32 $0x1;
	[tilespmem:s17+$0x0] =	vst v2;
	v2 =	vadd.s32 s20, v1  }
.LBB2_32:
0x17b: {  	s20 =	sshrl.u32 s19, $0x2  }
0x17c: {  	[tilespmem:s18+$0x0] =	vst v2;
	s16 =	sadd.s32 $0x80, s16;
	p0 =	sne.s32 s19, $0x1F;
	s20 =	smul.u32 $0x3E0000, s20  }
.Ltmp15:
0x17d: {  	s19 =	sadd.s32 $0x1, s19;
	(pc) =	sbr.rel @p0 .LBB2_32-.Ltmp15, $4  }
0x17e: {  	s21 =	sand.u32 $0x180, s16  }
0x17f: {  	s20 =	sor.u32 s21, s20  }
0x180: {  	s17 =	sadd.s32 $0x10, s17;
	v2 =	vadd.s32 s20, v0  }
0x181: {  	s18 =	sadd.s32 $0x10, s18;
	[tilespmem:s17+$0x0] =	vst v2;
	v2 =	vadd.s32 s20, v1  }
0x182: {  	[tilespmem:s18+$0x0] =	vst v2  }
0x183: {  	[tilespmem:s31], [sflag:$0x1] =	stream.indirect.gather [hbm4b:s4+s29], $0x1, s30, s29, $0xb8;
	[tilespmem:$0x8E00] =	vst v63  }
0x184: {  	_ = 	snop  }
0x185: {  	[tilespmem:s3], [sflag:$0x1] =	stream.indirect.gather [hbm4b:s5+s29], $0x1, s0, s29, $0xb8;
	[tilespmem:$0x8E00] =	vst v63  }
0x186: {  	_ =	swait.ge [sflag:s28], $0x2000  }
0x187: {  	[sflag:s28] =	ssyncset.done $0x0  }
0x188: {  	[sflag:s28] =	ssyncadd.s32 $0xFFFFE000  }
0x189: {  	_ =	swait.ge [sflag:s28], $0x2000  }
0x18a: {  	[sflag:s28] =	ssyncset.done $0x0  }
0x18b: {  	[sflag:s28] =	ssyncadd.s32 $0xFFFFE000  }
0x18c: {  	s16 =	simm.s32 $0x0;
	v0 =	vld [tilespmem:$0x8800]  }
0x18d: {  	v1 =	vld [tilespmem:s16+$0x4800]  }
0x18e: {  	v2 =	vld [tilespmem:s16+$0x6800]  }
0x18f: {  	v3 =	vld [tilespmem:$0x8A00];
	_ =	sdelay $0x3  }
0x190: {  	s17 =	simm.s32 $0x10  }
0x191: {  	v4 =	vand.u32 $0xFFFF0000, v1;
	v5 =	vand.u32 $0xFFFF0000, v2;
	v3 =	vadd.f32 v3, v0;
	v0 =	vld [tilespmem:s17+$0x4800]  }
0x192: {  	v4 =	vmul.f32 v5, v4;
	v5 =	vshll.u32 v1, $0x10;
	v1 =	vld [tilespmem:s17+$0x6800]  }
0x193: {  	v6 =	vshll.u32 v2, $0x10  }
0x194: {  	s16 =	simm.s32 $0x80;
	v2 =	vadd.f32 v4, v3;
	v3 =	vmul.f32 v6, v5  }
.LBB2_34:
0x195: {  	p0 =	sne.s32 s16, $0x7C0  }
.Ltmp16:
0x196: {  	s17 =	sshra.s32 s16, $0x2;
	v2 =	vadd.f32 v2, v3;
	v3 =	vmov v0;
	(pc) =	sbr.rel @p0 .LBB2_34-.Ltmp16, $4  }
0x197: {  	s16 =	sadd.s32 $0x40, s16;
	v0 =	vld [tilespmem:s17+$0x4800];
	v4 =	vand.u32 $0xFFFF0000, v3;
	v5 =	vand.u32 $0xFFFF0000, v1;
	v6 =	vmov v1  }
0x198: {  	v1 =	vld [tilespmem:s17+$0x6800];
	v4 =	vmul.f32 v5, v4  }
0x199: {  	v3 =	vshll.u32 v3, $0x10;
	v5 =	vshll.u32 v6, $0x10  }
0x19a: {  	v3 =	vmul.f32 v5, v3;
	v2 =	vadd.f32 v4, v2  }
0x19b: {  	_ =	sdelay $0x1  }
0x19c: {  	v4 =	vand.u32 $0xFFFF0000, v0;
	v5 =	vand.u32 $0xFFFF0000, v1  }
0x19d: {  	v2 =	vadd.f32 v2, v3;
	v3 =	vmul.f32 v5, v4  }
0x19e: {  	v0 =	vshll.u32 v0, $0x10;
	v1 =	vshll.u32 v1, $0x10  }
0x19f: {  	v0 =	vmul.f32 v1, v0;
	v2 =	vadd.f32 v3, v2;
	_ =	sdelay $0x1  }
0x1a0: {  	v0 =	vadd.f32 v2, v0  }
0x1a1: {  	v3 =	vld [tilespmem:$0x8A10]  }
0x1a2: {  	s16 =	simm.s32 $0x0;
	[tilespmem:$0x8C00] =	vst v0;
	v0 =	vld [tilespmem:$0x8810]  }
0x1a3: {  	v1 =	vld [tilespmem:s16+$0x4A00]  }
0x1a4: {  	v2 =	vld [tilespmem:s16+$0x6A00];
	_ =	sdelay $0x3  }
0x1a5: {  	s17 =	simm.s32 $0x10  }
0x1a6: {  	v3 =	vadd.f32 v3, v0;
	v0 =	vld [tilespmem:s17+$0x4A00];
	v4 =	vand.u32 $0xFFFF0000, v1;
	v5 =	vand.u32 $0xFFFF0000, v2  }
0x1a7: {  	v4 =	vmul.f32 v5, v4;
	v5 =	vshll.u32 v1, $0x10;
	v1 =	vld [tilespmem:s17+$0x6A00]  }
0x1a8: {  	v6 =	vshll.u32 v2, $0x10  }
0x1a9: {  	s16 =	simm.s32 $0x80;
	v2 =	vadd.f32 v4, v3;
	v3 =	vmul.f32 v6, v5  }
.LBB2_36:
0x1aa: {  	p0 =	sne.s32 s16, $0x7C0  }
.Ltmp17:
0x1ab: {  	s17 =	sshra.s32 s16, $0x2;
	v2 =	vadd.f32 v2, v3;
	v3 =	vmov v0;
	(pc) =	sbr.rel @p0 .LBB2_36-.Ltmp17, $4  }
0x1ac: {  	s16 =	sadd.s32 $0x40, s16;
	v0 =	vld [tilespmem:s17+$0x4A00];
	v4 =	vand.u32 $0xFFFF0000, v3;
	v5 =	vand.u32 $0xFFFF0000, v1;
	v6 =	vmov v1  }
0x1ad: {  	v1 =	vld [tilespmem:s17+$0x6A00];
	v4 =	vmul.f32 v5, v4  }
0x1ae: {  	v3 =	vshll.u32 v3, $0x10;
	v5 =	vshll.u32 v6, $0x10  }
0x1af: {  	v3 =	vmul.f32 v5, v3;
	v2 =	vadd.f32 v4, v2  }
0x1b0: {  	_ =	sdelay $0x1  }
0x1b1: {  	v4 =	vand.u32 $0xFFFF0000, v0;
	v5 =	vand.u32 $0xFFFF0000, v1  }
0x1b2: {  	v2 =	vadd.f32 v2, v3;
	v3 =	vmul.f32 v5, v4  }
0x1b3: {  	v0 =	vshll.u32 v0, $0x10;
	v1 =	vshll.u32 v1, $0x10  }
0x1b4: {  	v0 =	vmul.f32 v1, v0;
	v2 =	vadd.f32 v3, v2;
	_ =	sdelay $0x1  }
0x1b5: {  	v0 =	vadd.f32 v2, v0  }
0x1b6: {  	v3 =	vld [tilespmem:$0x8A20]  }
0x1b7: {  	s16 =	simm.s32 $0x0;
	[tilespmem:$0x8C10] =	vst v0;
	v0 =	vld [tilespmem:$0x8820]  }
0x1b8: {  	v1 =	vld [tilespmem:s16+$0x4C00]  }
0x1b9: {  	v2 =	vld [tilespmem:s16+$0x6C00];
	_ =	sdelay $0x3  }
0x1ba: {  	s17 =	simm.s32 $0x10  }
0x1bb: {  	v3 =	vadd.f32 v3, v0;
	v0 =	vld [tilespmem:s17+$0x4C00];
	v4 =	vand.u32 $0xFFFF0000, v1;
	v5 =	vand.u32 $0xFFFF0000, v2  }
0x1bc: {  	v4 =	vmul.f32 v5, v4;
	v5 =	vshll.u32 v1, $0x10;
	v1 =	vld [tilespmem:s17+$0x6C00]  }
0x1bd: {  	v6 =	vshll.u32 v2, $0x10  }
0x1be: {  	s16 =	simm.s32 $0x80;
	v2 =	vadd.f32 v4, v3;
	v3 =	vmul.f32 v6, v5  }
.LBB2_38:
0x1bf: {  	p0 =	sne.s32 s16, $0x7C0  }
.Ltmp18:
0x1c0: {  	s17 =	sshra.s32 s16, $0x2;
	v2 =	vadd.f32 v2, v3;
	v3 =	vmov v0;
	(pc) =	sbr.rel @p0 .LBB2_38-.Ltmp18, $4  }
0x1c1: {  	s16 =	sadd.s32 $0x40, s16;
	v0 =	vld [tilespmem:s17+$0x4C00];
	v4 =	vand.u32 $0xFFFF0000, v3;
	v5 =	vand.u32 $0xFFFF0000, v1;
	v6 =	vmov v1  }
0x1c2: {  	v1 =	vld [tilespmem:s17+$0x6C00];
	v4 =	vmul.f32 v5, v4  }
0x1c3: {  	v3 =	vshll.u32 v3, $0x10;
	v5 =	vshll.u32 v6, $0x10  }
0x1c4: {  	v3 =	vmul.f32 v5, v3;
	v2 =	vadd.f32 v4, v2  }
0x1c5: {  	_ =	sdelay $0x1  }
0x1c6: {  	v4 =	vand.u32 $0xFFFF0000, v0;
	v5 =	vand.u32 $0xFFFF0000, v1  }
0x1c7: {  	v2 =	vadd.f32 v2, v3;
	v3 =	vmul.f32 v5, v4  }
0x1c8: {  	v0 =	vshll.u32 v0, $0x10;
	v1 =	vshll.u32 v1, $0x10  }
0x1c9: {  	v0 =	vmul.f32 v1, v0;
	v2 =	vadd.f32 v3, v2;
	_ =	sdelay $0x1  }
0x1ca: {  	v0 =	vadd.f32 v2, v0  }
0x1cb: {  	v3 =	vld [tilespmem:$0x8A30]  }
0x1cc: {  	s16 =	simm.s32 $0x0;
	[tilespmem:$0x8C20] =	vst v0;
	v0 =	vld [tilespmem:$0x8830]  }
0x1cd: {  	v1 =	vld [tilespmem:s16+$0x4E00]  }
0x1ce: {  	v2 =	vld [tilespmem:s16+$0x6E00];
	_ =	sdelay $0x3  }
0x1cf: {  	s17 =	simm.s32 $0x10  }
0x1d0: {  	v3 =	vadd.f32 v3, v0;
	v0 =	vld [tilespmem:s17+$0x4E00];
	v4 =	vand.u32 $0xFFFF0000, v1;
	v5 =	vand.u32 $0xFFFF0000, v2  }
0x1d1: {  	v4 =	vmul.f32 v5, v4;
	v5 =	vshll.u32 v1, $0x10;
	v1 =	vld [tilespmem:s17+$0x6E00]  }
0x1d2: {  	v6 =	vshll.u32 v2, $0x10  }
0x1d3: {  	s16 =	simm.s32 $0x80;
	v2 =	vadd.f32 v4, v3;
	v3 =	vmul.f32 v6, v5  }
.LBB2_40:
0x1d4: {  	p0 =	sne.s32 s16, $0x7C0  }
.Ltmp19:
0x1d5: {  	s17 =	sshra.s32 s16, $0x2;
	v2 =	vadd.f32 v2, v3;
	v3 =	vmov v0;
	(pc) =	sbr.rel @p0 .LBB2_40-.Ltmp19, $4  }
0x1d6: {  	s16 =	sadd.s32 $0x40, s16;
	v0 =	vld [tilespmem:s17+$0x4E00];
	v4 =	vand.u32 $0xFFFF0000, v3;
	v5 =	vand.u32 $0xFFFF0000, v1;
	v6 =	vmov v1  }
0x1d7: {  	v1 =	vld [tilespmem:s17+$0x6E00];
	v4 =	vmul.f32 v5, v4  }
0x1d8: {  	v3 =	vshll.u32 v3, $0x10;
	v5 =	vshll.u32 v6, $0x10  }
0x1d9: {  	v3 =	vmul.f32 v5, v3;
	v2 =	vadd.f32 v4, v2  }
0x1da: {  	_ =	sdelay $0x1  }
0x1db: {  	v4 =	vand.u32 $0xFFFF0000, v0;
	v5 =	vand.u32 $0xFFFF0000, v1  }
0x1dc: {  	v2 =	vadd.f32 v2, v3;
	v3 =	vmul.f32 v5, v4  }
0x1dd: {  	v0 =	vshll.u32 v0, $0x10;
	v1 =	vshll.u32 v1, $0x10  }
0x1de: {  	v0 =	vmul.f32 v1, v0;
	v2 =	vadd.f32 v3, v2;
	_ =	sdelay $0x1  }
0x1df: {  	v0 =	vadd.f32 v2, v0  }
0x1e0: {  	v3 =	vld [tilespmem:$0x8A40]  }
0x1e1: {  	s16 =	simm.s32 $0x0;
	[tilespmem:$0x8C30] =	vst v0;
	v0 =	vld [tilespmem:$0x8840]  }
0x1e2: {  	v1 =	vld [tilespmem:s16+$0x5000]  }
0x1e3: {  	v2 =	vld [tilespmem:s16+$0x7000];
	_ =	sdelay $0x3  }
0x1e4: {  	s17 =	simm.s32 $0x10  }
0x1e5: {  	v3 =	vadd.f32 v3, v0;
	v0 =	vld [tilespmem:s17+$0x5000];
	v4 =	vand.u32 $0xFFFF0000, v1;
	v5 =	vand.u32 $0xFFFF0000, v2  }
0x1e6: {  	v4 =	vmul.f32 v5, v4;
	v5 =	vshll.u32 v1, $0x10;
	v1 =	vld [tilespmem:s17+$0x7000]  }
0x1e7: {  	v6 =	vshll.u32 v2, $0x10  }
0x1e8: {  	s16 =	simm.s32 $0x80;
	v2 =	vadd.f32 v4, v3;
	v3 =	vmul.f32 v6, v5  }
.LBB2_42:
0x1e9: {  	p0 =	sne.s32 s16, $0x7C0  }
.Ltmp20:
0x1ea: {  	s17 =	sshra.s32 s16, $0x2;
	v2 =	vadd.f32 v2, v3;
	v3 =	vmov v0;
	(pc) =	sbr.rel @p0 .LBB2_42-.Ltmp20, $4  }
0x1eb: {  	s16 =	sadd.s32 $0x40, s16;
	v0 =	vld [tilespmem:s17+$0x5000];
	v4 =	vand.u32 $0xFFFF0000, v3;
	v5 =	vand.u32 $0xFFFF0000, v1;
	v6 =	vmov v1  }
0x1ec: {  	v1 =	vld [tilespmem:s17+$0x7000];
	v4 =	vmul.f32 v5, v4  }
0x1ed: {  	v3 =	vshll.u32 v3, $0x10;
	v5 =	vshll.u32 v6, $0x10  }
0x1ee: {  	v3 =	vmul.f32 v5, v3;
	v2 =	vadd.f32 v4, v2  }
0x1ef: {  	_ =	sdelay $0x1  }
0x1f0: {  	v4 =	vand.u32 $0xFFFF0000, v0;
	v5 =	vand.u32 $0xFFFF0000, v1  }
0x1f1: {  	v2 =	vadd.f32 v2, v3;
	v3 =	vmul.f32 v5, v4  }
0x1f2: {  	v0 =	vshll.u32 v0, $0x10;
	v1 =	vshll.u32 v1, $0x10  }
0x1f3: {  	v0 =	vmul.f32 v1, v0;
	v2 =	vadd.f32 v3, v2;
	_ =	sdelay $0x1  }
0x1f4: {  	v0 =	vadd.f32 v2, v0  }
0x1f5: {  	v3 =	vld [tilespmem:$0x8A50]  }
0x1f6: {  	s16 =	simm.s32 $0x0;
	[tilespmem:$0x8C40] =	vst v0;
	v0 =	vld [tilespmem:$0x8850]  }
0x1f7: {  	v1 =	vld [tilespmem:s16+$0x5200]  }
0x1f8: {  	v2 =	vld [tilespmem:s16+$0x7200];
	_ =	sdelay $0x3  }
0x1f9: {  	s17 =	simm.s32 $0x10  }
0x1fa: {  	v3 =	vadd.f32 v3, v0;
	v0 =	vld [tilespmem:s17+$0x5200];
	v4 =	vand.u32 $0xFFFF0000, v1;
	v5 =	vand.u32 $0xFFFF0000, v2  }
0x1fb: {  	v4 =	vmul.f32 v5, v4;
	v5 =	vshll.u32 v1, $0x10;
	v1 =	vld [tilespmem:s17+$0x7200]  }
0x1fc: {  	v6 =	vshll.u32 v2, $0x10  }
0x1fd: {  	s16 =	simm.s32 $0x80;
	v2 =	vadd.f32 v4, v3;
	v3 =	vmul.f32 v6, v5  }
.LBB2_44:
0x1fe: {  	p0 =	sne.s32 s16, $0x7C0  }
.Ltmp21:
0x1ff: {  	s17 =	sshra.s32 s16, $0x2;
	v2 =	vadd.f32 v2, v3;
	v3 =	vmov v0;
	(pc) =	sbr.rel @p0 .LBB2_44-.Ltmp21, $4  }
0x200: {  	s16 =	sadd.s32 $0x40, s16;
	v0 =	vld [tilespmem:s17+$0x5200];
	v4 =	vand.u32 $0xFFFF0000, v3;
	v5 =	vand.u32 $0xFFFF0000, v1;
	v6 =	vmov v1  }
0x201: {  	v1 =	vld [tilespmem:s17+$0x7200];
	v4 =	vmul.f32 v5, v4  }
0x202: {  	v3 =	vshll.u32 v3, $0x10;
	v5 =	vshll.u32 v6, $0x10  }
0x203: {  	v3 =	vmul.f32 v5, v3;
	v2 =	vadd.f32 v4, v2  }
0x204: {  	_ =	sdelay $0x1  }
0x205: {  	v4 =	vand.u32 $0xFFFF0000, v0;
	v5 =	vand.u32 $0xFFFF0000, v1  }
0x206: {  	v2 =	vadd.f32 v2, v3;
	v3 =	vmul.f32 v5, v4  }
0x207: {  	v0 =	vshll.u32 v0, $0x10;
	v1 =	vshll.u32 v1, $0x10  }
0x208: {  	v0 =	vmul.f32 v1, v0;
	v2 =	vadd.f32 v3, v2;
	_ =	sdelay $0x1  }
0x209: {  	v0 =	vadd.f32 v2, v0  }
0x20a: {  	v3 =	vld [tilespmem:$0x8A60]  }
0x20b: {  	s16 =	simm.s32 $0x0;
	[tilespmem:$0x8C50] =	vst v0;
	v0 =	vld [tilespmem:$0x8860]  }
0x20c: {  	v1 =	vld [tilespmem:s16+$0x5400]  }
0x20d: {  	v2 =	vld [tilespmem:s16+$0x7400];
	_ =	sdelay $0x3  }
0x20e: {  	s17 =	simm.s32 $0x10  }
0x20f: {  	v3 =	vadd.f32 v3, v0;
	v0 =	vld [tilespmem:s17+$0x5400];
	v4 =	vand.u32 $0xFFFF0000, v1;
	v5 =	vand.u32 $0xFFFF0000, v2  }
0x210: {  	v4 =	vmul.f32 v5, v4;
	v5 =	vshll.u32 v1, $0x10;
	v1 =	vld [tilespmem:s17+$0x7400]  }
0x211: {  	v6 =	vshll.u32 v2, $0x10  }
0x212: {  	s16 =	simm.s32 $0x80;
	v2 =	vadd.f32 v4, v3;
	v3 =	vmul.f32 v6, v5  }
.LBB2_46:
0x213: {  	p0 =	sne.s32 s16, $0x7C0  }
.Ltmp22:
0x214: {  	s17 =	sshra.s32 s16, $0x2;
	v2 =	vadd.f32 v2, v3;
	v3 =	vmov v0;
	(pc) =	sbr.rel @p0 .LBB2_46-.Ltmp22, $4  }
0x215: {  	s16 =	sadd.s32 $0x40, s16;
	v0 =	vld [tilespmem:s17+$0x5400];
	v4 =	vand.u32 $0xFFFF0000, v3;
	v5 =	vand.u32 $0xFFFF0000, v1;
	v6 =	vmov v1  }
0x216: {  	v1 =	vld [tilespmem:s17+$0x7400];
	v4 =	vmul.f32 v5, v4  }
0x217: {  	v3 =	vshll.u32 v3, $0x10;
	v5 =	vshll.u32 v6, $0x10  }
0x218: {  	v3 =	vmul.f32 v5, v3;
	v2 =	vadd.f32 v4, v2  }
0x219: {  	_ =	sdelay $0x1  }
0x21a: {  	v4 =	vand.u32 $0xFFFF0000, v0;
	v5 =	vand.u32 $0xFFFF0000, v1  }
0x21b: {  	v2 =	vadd.f32 v2, v3;
	v3 =	vmul.f32 v5, v4  }
0x21c: {  	v0 =	vshll.u32 v0, $0x10;
	v1 =	vshll.u32 v1, $0x10  }
0x21d: {  	v0 =	vmul.f32 v1, v0;
	v2 =	vadd.f32 v3, v2;
	_ =	sdelay $0x1  }
0x21e: {  	v0 =	vadd.f32 v2, v0  }
0x21f: {  	v3 =	vld [tilespmem:$0x8A70]  }
0x220: {  	s16 =	simm.s32 $0x0;
	[tilespmem:$0x8C60] =	vst v0;
	v0 =	vld [tilespmem:$0x8870]  }
0x221: {  	v1 =	vld [tilespmem:s16+$0x5600]  }
0x222: {  	v2 =	vld [tilespmem:s16+$0x7600];
	_ =	sdelay $0x3  }
0x223: {  	s17 =	simm.s32 $0x10  }
0x224: {  	v3 =	vadd.f32 v3, v0;
	v0 =	vld [tilespmem:s17+$0x5600];
	v4 =	vand.u32 $0xFFFF0000, v1;
	v5 =	vand.u32 $0xFFFF0000, v2  }
0x225: {  	v4 =	vmul.f32 v5, v4;
	v5 =	vshll.u32 v1, $0x10;
	v1 =	vld [tilespmem:s17+$0x7600]  }
0x226: {  	v6 =	vshll.u32 v2, $0x10  }
0x227: {  	s16 =	simm.s32 $0x80;
	v2 =	vadd.f32 v4, v3;
	v3 =	vmul.f32 v6, v5  }
.LBB2_48:
0x228: {  	p0 =	sne.s32 s16, $0x7C0  }
.Ltmp23:
0x229: {  	s17 =	sshra.s32 s16, $0x2;
	v2 =	vadd.f32 v2, v3;
	v3 =	vmov v0;
	(pc) =	sbr.rel @p0 .LBB2_48-.Ltmp23, $4  }
0x22a: {  	s16 =	sadd.s32 $0x40, s16;
	v0 =	vld [tilespmem:s17+$0x5600];
	v4 =	vand.u32 $0xFFFF0000, v3;
	v5 =	vand.u32 $0xFFFF0000, v1;
	v6 =	vmov v1  }
0x22b: {  	v1 =	vld [tilespmem:s17+$0x7600];
	v4 =	vmul.f32 v5, v4  }
0x22c: {  	v3 =	vshll.u32 v3, $0x10;
	v5 =	vshll.u32 v6, $0x10  }
0x22d: {  	v3 =	vmul.f32 v5, v3;
	v2 =	vadd.f32 v4, v2  }
0x22e: {  	_ =	sdelay $0x1  }
0x22f: {  	v4 =	vand.u32 $0xFFFF0000, v0;
	v5 =	vand.u32 $0xFFFF0000, v1  }
0x230: {  	v2 =	vadd.f32 v2, v3;
	v3 =	vmul.f32 v5, v4  }
0x231: {  	v0 =	vshll.u32 v0, $0x10;
	v1 =	vshll.u32 v1, $0x10  }
0x232: {  	v0 =	vmul.f32 v1, v0;
	v2 =	vadd.f32 v3, v2;
	_ =	sdelay $0x1  }
0x233: {  	v0 =	vadd.f32 v2, v0  }
0x234: {  	v3 =	vld [tilespmem:$0x8A80]  }
0x235: {  	s16 =	simm.s32 $0x0;
	[tilespmem:$0x8C70] =	vst v0;
	v0 =	vld [tilespmem:$0x8880]  }
0x236: {  	v1 =	vld [tilespmem:s16+$0x5800]  }
0x237: {  	v2 =	vld [tilespmem:s16+$0x7800];
	_ =	sdelay $0x3  }
0x238: {  	s17 =	simm.s32 $0x10  }
0x239: {  	v3 =	vadd.f32 v3, v0;
	v0 =	vld [tilespmem:s17+$0x5800];
	v4 =	vand.u32 $0xFFFF0000, v1;
	v5 =	vand.u32 $0xFFFF0000, v2  }
0x23a: {  	v4 =	vmul.f32 v5, v4;
	v5 =	vshll.u32 v1, $0x10;
	v1 =	vld [tilespmem:s17+$0x7800]  }
0x23b: {  	v6 =	vshll.u32 v2, $0x10  }
0x23c: {  	s16 =	simm.s32 $0x80;
	v2 =	vadd.f32 v4, v3;
	v3 =	vmul.f32 v6, v5  }
.LBB2_50:
0x23d: {  	p0 =	sne.s32 s16, $0x7C0  }
.Ltmp24:
0x23e: {  	s17 =	sshra.s32 s16, $0x2;
	v2 =	vadd.f32 v2, v3;
	v3 =	vmov v0;
	(pc) =	sbr.rel @p0 .LBB2_50-.Ltmp24, $4  }
0x23f: {  	s16 =	sadd.s32 $0x40, s16;
	v0 =	vld [tilespmem:s17+$0x5800];
	v4 =	vand.u32 $0xFFFF0000, v3;
	v5 =	vand.u32 $0xFFFF0000, v1;
	v6 =	vmov v1  }
0x240: {  	v1 =	vld [tilespmem:s17+$0x7800];
	v4 =	vmul.f32 v5, v4  }
0x241: {  	v3 =	vshll.u32 v3, $0x10;
	v5 =	vshll.u32 v6, $0x10  }
0x242: {  	v3 =	vmul.f32 v5, v3;
	v2 =	vadd.f32 v4, v2  }
0x243: {  	_ =	sdelay $0x1  }
0x244: {  	v4 =	vand.u32 $0xFFFF0000, v0;
	v5 =	vand.u32 $0xFFFF0000, v1  }
0x245: {  	v2 =	vadd.f32 v2, v3;
	v3 =	vmul.f32 v5, v4  }
0x246: {  	v0 =	vshll.u32 v0, $0x10;
	v1 =	vshll.u32 v1, $0x10  }
0x247: {  	v0 =	vmul.f32 v1, v0;
	v2 =	vadd.f32 v3, v2;
	_ =	sdelay $0x1  }
0x248: {  	v0 =	vadd.f32 v2, v0  }
0x249: {  	v3 =	vld [tilespmem:$0x8A90]  }
0x24a: {  	s16 =	simm.s32 $0x0;
	[tilespmem:$0x8C80] =	vst v0;
	v0 =	vld [tilespmem:$0x8890]  }
0x24b: {  	v1 =	vld [tilespmem:s16+$0x5A00]  }
0x24c: {  	v2 =	vld [tilespmem:s16+$0x7A00];
	_ =	sdelay $0x3  }
0x24d: {  	s17 =	simm.s32 $0x10  }
0x24e: {  	v3 =	vadd.f32 v3, v0;
	v0 =	vld [tilespmem:s17+$0x5A00];
	v4 =	vand.u32 $0xFFFF0000, v1;
	v5 =	vand.u32 $0xFFFF0000, v2  }
0x24f: {  	v4 =	vmul.f32 v5, v4;
	v5 =	vshll.u32 v1, $0x10;
	v1 =	vld [tilespmem:s17+$0x7A00]  }
0x250: {  	v6 =	vshll.u32 v2, $0x10  }
0x251: {  	s16 =	simm.s32 $0x80;
	v2 =	vadd.f32 v4, v3;
	v3 =	vmul.f32 v6, v5  }
.LBB2_52:
0x252: {  	p0 =	sne.s32 s16, $0x7C0  }
.Ltmp25:
0x253: {  	s17 =	sshra.s32 s16, $0x2;
	v2 =	vadd.f32 v2, v3;
	v3 =	vmov v0;
	(pc) =	sbr.rel @p0 .LBB2_52-.Ltmp25, $4  }
0x254: {  	s16 =	sadd.s32 $0x40, s16;
	v0 =	vld [tilespmem:s17+$0x5A00];
	v4 =	vand.u32 $0xFFFF0000, v3;
	v5 =	vand.u32 $0xFFFF0000, v1;
	v6 =	vmov v1  }
0x255: {  	v1 =	vld [tilespmem:s17+$0x7A00];
	v4 =	vmul.f32 v5, v4  }
0x256: {  	v3 =	vshll.u32 v3, $0x10;
	v5 =	vshll.u32 v6, $0x10  }
0x257: {  	v3 =	vmul.f32 v5, v3;
	v2 =	vadd.f32 v4, v2  }
0x258: {  	_ =	sdelay $0x1  }
0x259: {  	v4 =	vand.u32 $0xFFFF0000, v0;
	v5 =	vand.u32 $0xFFFF0000, v1  }
0x25a: {  	v2 =	vadd.f32 v2, v3;
	v3 =	vmul.f32 v5, v4  }
0x25b: {  	v0 =	vshll.u32 v0, $0x10;
	v1 =	vshll.u32 v1, $0x10  }
0x25c: {  	v0 =	vmul.f32 v1, v0;
	v2 =	vadd.f32 v3, v2;
	_ =	sdelay $0x1  }
0x25d: {  	v0 =	vadd.f32 v2, v0  }
0x25e: {  	v3 =	vld [tilespmem:$0x8AA0]  }
0x25f: {  	s16 =	simm.s32 $0x0;
	[tilespmem:$0x8C90] =	vst v0;
	v0 =	vld [tilespmem:$0x88A0]  }
0x260: {  	v1 =	vld [tilespmem:s16+$0x5C00]  }
0x261: {  	v2 =	vld [tilespmem:s16+$0x7C00];
	_ =	sdelay $0x3  }
0x262: {  	s17 =	simm.s32 $0x10  }
0x263: {  	v3 =	vadd.f32 v3, v0;
	v0 =	vld [tilespmem:s17+$0x5C00];
	v4 =	vand.u32 $0xFFFF0000, v1;
	v5 =	vand.u32 $0xFFFF0000, v2  }
0x264: {  	v4 =	vmul.f32 v5, v4;
	v5 =	vshll.u32 v1, $0x10;
	v1 =	vld [tilespmem:s17+$0x7C00]  }
0x265: {  	v6 =	vshll.u32 v2, $0x10  }
0x266: {  	s16 =	simm.s32 $0x80;
	v2 =	vadd.f32 v4, v3;
	v3 =	vmul.f32 v6, v5  }
.LBB2_54:
0x267: {  	p0 =	sne.s32 s16, $0x7C0  }
.Ltmp26:
0x268: {  	s17 =	sshra.s32 s16, $0x2;
	v2 =	vadd.f32 v2, v3;
	v3 =	vmov v0;
	(pc) =	sbr.rel @p0 .LBB2_54-.Ltmp26, $4  }
0x269: {  	s16 =	sadd.s32 $0x40, s16;
	v0 =	vld [tilespmem:s17+$0x5C00];
	v4 =	vand.u32 $0xFFFF0000, v3;
	v5 =	vand.u32 $0xFFFF0000, v1;
	v6 =	vmov v1  }
0x26a: {  	v1 =	vld [tilespmem:s17+$0x7C00];
	v4 =	vmul.f32 v5, v4  }
0x26b: {  	v3 =	vshll.u32 v3, $0x10;
	v5 =	vshll.u32 v6, $0x10  }
0x26c: {  	v3 =	vmul.f32 v5, v3;
	v2 =	vadd.f32 v4, v2  }
0x26d: {  	_ =	sdelay $0x1  }
0x26e: {  	v4 =	vand.u32 $0xFFFF0000, v0;
	v5 =	vand.u32 $0xFFFF0000, v1  }
0x26f: {  	v2 =	vadd.f32 v2, v3;
	v3 =	vmul.f32 v5, v4  }
0x270: {  	v0 =	vshll.u32 v0, $0x10;
	v1 =	vshll.u32 v1, $0x10  }
0x271: {  	v0 =	vmul.f32 v1, v0;
	v2 =	vadd.f32 v3, v2;
	_ =	sdelay $0x1  }
0x272: {  	v0 =	vadd.f32 v2, v0  }
0x273: {  	v3 =	vld [tilespmem:$0x8AB0]  }
0x274: {  	s16 =	simm.s32 $0x0;
	[tilespmem:$0x8CA0] =	vst v0;
	v0 =	vld [tilespmem:$0x88B0]  }
0x275: {  	v1 =	vld [tilespmem:s16+$0x5E00]  }
0x276: {  	v2 =	vld [tilespmem:s16+$0x7E00];
	_ =	sdelay $0x3  }
0x277: {  	s17 =	simm.s32 $0x10  }
0x278: {  	v3 =	vadd.f32 v3, v0;
	v0 =	vld [tilespmem:s17+$0x5E00];
	v4 =	vand.u32 $0xFFFF0000, v1;
	v5 =	vand.u32 $0xFFFF0000, v2  }
0x279: {  	v4 =	vmul.f32 v5, v4;
	v5 =	vshll.u32 v1, $0x10;
	v1 =	vld [tilespmem:s17+$0x7E00]  }
0x27a: {  	v6 =	vshll.u32 v2, $0x10  }
0x27b: {  	s16 =	simm.s32 $0x80;
	v2 =	vadd.f32 v4, v3;
	v3 =	vmul.f32 v6, v5  }
.LBB2_56:
0x27c: {  	p0 =	sne.s32 s16, $0x7C0  }
.Ltmp27:
0x27d: {  	s17 =	sshra.s32 s16, $0x2;
	v2 =	vadd.f32 v2, v3;
	v3 =	vmov v0;
	(pc) =	sbr.rel @p0 .LBB2_56-.Ltmp27, $4  }
0x27e: {  	s16 =	sadd.s32 $0x40, s16;
	v0 =	vld [tilespmem:s17+$0x5E00];
	v4 =	vand.u32 $0xFFFF0000, v3;
	v5 =	vand.u32 $0xFFFF0000, v1;
	v6 =	vmov v1  }
0x27f: {  	v1 =	vld [tilespmem:s17+$0x7E00];
	v4 =	vmul.f32 v5, v4  }
0x280: {  	v3 =	vshll.u32 v3, $0x10;
	v5 =	vshll.u32 v6, $0x10  }
0x281: {  	v3 =	vmul.f32 v5, v3;
	v2 =	vadd.f32 v4, v2  }
0x282: {  	_ =	sdelay $0x1  }
0x283: {  	v4 =	vand.u32 $0xFFFF0000, v0;
	v5 =	vand.u32 $0xFFFF0000, v1  }
0x284: {  	v2 =	vadd.f32 v2, v3;
	v3 =	vmul.f32 v5, v4  }
0x285: {  	v0 =	vshll.u32 v0, $0x10;
	v1 =	vshll.u32 v1, $0x10  }
0x286: {  	v0 =	vmul.f32 v1, v0;
	v2 =	vadd.f32 v3, v2;
	_ =	sdelay $0x1  }
0x287: {  	v0 =	vadd.f32 v2, v0  }
0x288: {  	v3 =	vld [tilespmem:$0x8AC0]  }
0x289: {  	s16 =	simm.s32 $0x0;
	[tilespmem:$0x8CB0] =	vst v0;
	v0 =	vld [tilespmem:$0x88C0]  }
0x28a: {  	v1 =	vld [tilespmem:s16+$0x6000]  }
0x28b: {  	v2 =	vld [tilespmem:s16+$0x8000];
	_ =	sdelay $0x3  }
0x28c: {  	s17 =	simm.s32 $0x10  }
0x28d: {  	v3 =	vadd.f32 v3, v0;
	v0 =	vld [tilespmem:s17+$0x6000];
	v4 =	vand.u32 $0xFFFF0000, v1;
	v5 =	vand.u32 $0xFFFF0000, v2  }
0x28e: {  	v4 =	vmul.f32 v5, v4;
	v5 =	vshll.u32 v1, $0x10;
	v1 =	vld [tilespmem:s17+$0x8000]  }
0x28f: {  	v6 =	vshll.u32 v2, $0x10  }
0x290: {  	s16 =	simm.s32 $0x80;
	v2 =	vadd.f32 v4, v3;
	v3 =	vmul.f32 v6, v5  }
.LBB2_58:
0x291: {  	p0 =	sne.s32 s16, $0x7C0  }
.Ltmp28:
0x292: {  	s17 =	sshra.s32 s16, $0x2;
	v2 =	vadd.f32 v2, v3;
	v3 =	vmov v0;
	(pc) =	sbr.rel @p0 .LBB2_58-.Ltmp28, $4  }
0x293: {  	s16 =	sadd.s32 $0x40, s16;
	v0 =	vld [tilespmem:s17+$0x6000];
	v4 =	vand.u32 $0xFFFF0000, v3;
	v5 =	vand.u32 $0xFFFF0000, v1;
	v6 =	vmov v1  }
0x294: {  	v1 =	vld [tilespmem:s17+$0x8000];
	v4 =	vmul.f32 v5, v4  }
0x295: {  	v3 =	vshll.u32 v3, $0x10;
	v5 =	vshll.u32 v6, $0x10  }
0x296: {  	v3 =	vmul.f32 v5, v3;
	v2 =	vadd.f32 v4, v2  }
0x297: {  	_ =	sdelay $0x1  }
0x298: {  	v4 =	vand.u32 $0xFFFF0000, v0;
	v5 =	vand.u32 $0xFFFF0000, v1  }
0x299: {  	v2 =	vadd.f32 v2, v3;
	v3 =	vmul.f32 v5, v4  }
0x29a: {  	v0 =	vshll.u32 v0, $0x10;
	v1 =	vshll.u32 v1, $0x10  }
0x29b: {  	v0 =	vmul.f32 v1, v0;
	v2 =	vadd.f32 v3, v2;
	_ =	sdelay $0x1  }
0x29c: {  	v0 =	vadd.f32 v2, v0  }
0x29d: {  	v3 =	vld [tilespmem:$0x8AD0]  }
0x29e: {  	s16 =	simm.s32 $0x0;
	[tilespmem:$0x8CC0] =	vst v0;
	v0 =	vld [tilespmem:$0x88D0]  }
0x29f: {  	v1 =	vld [tilespmem:s16+$0x6200]  }
0x2a0: {  	v2 =	vld [tilespmem:s16+$0x8200];
	_ =	sdelay $0x3  }
0x2a1: {  	s17 =	simm.s32 $0x10  }
0x2a2: {  	v3 =	vadd.f32 v3, v0;
	v0 =	vld [tilespmem:s17+$0x6200];
	v4 =	vand.u32 $0xFFFF0000, v1;
	v5 =	vand.u32 $0xFFFF0000, v2  }
0x2a3: {  	v4 =	vmul.f32 v5, v4;
	v5 =	vshll.u32 v1, $0x10;
	v1 =	vld [tilespmem:s17+$0x8200]  }
0x2a4: {  	v6 =	vshll.u32 v2, $0x10  }
0x2a5: {  	s16 =	simm.s32 $0x80;
	v2 =	vadd.f32 v4, v3;
	v3 =	vmul.f32 v6, v5  }
.LBB2_60:
0x2a6: {  	p0 =	sne.s32 s16, $0x7C0  }
.Ltmp29:
0x2a7: {  	s17 =	sshra.s32 s16, $0x2;
	v2 =	vadd.f32 v2, v3;
	v3 =	vmov v0;
	(pc) =	sbr.rel @p0 .LBB2_60-.Ltmp29, $4  }
0x2a8: {  	s16 =	sadd.s32 $0x40, s16;
	v0 =	vld [tilespmem:s17+$0x6200];
	v4 =	vand.u32 $0xFFFF0000, v3;
	v5 =	vand.u32 $0xFFFF0000, v1;
	v6 =	vmov v1  }
0x2a9: {  	v1 =	vld [tilespmem:s17+$0x8200];
	v4 =	vmul.f32 v5, v4  }
0x2aa: {  	v3 =	vshll.u32 v3, $0x10;
	v5 =	vshll.u32 v6, $0x10  }
0x2ab: {  	v3 =	vmul.f32 v5, v3;
	v2 =	vadd.f32 v4, v2  }
0x2ac: {  	_ =	sdelay $0x1  }
0x2ad: {  	v4 =	vand.u32 $0xFFFF0000, v0;
	v5 =	vand.u32 $0xFFFF0000, v1  }
0x2ae: {  	v2 =	vadd.f32 v2, v3;
	v3 =	vmul.f32 v5, v4  }
0x2af: {  	v0 =	vshll.u32 v0, $0x10;
	v1 =	vshll.u32 v1, $0x10  }
0x2b0: {  	v0 =	vmul.f32 v1, v0;
	v2 =	vadd.f32 v3, v2;
	_ =	sdelay $0x1  }
0x2b1: {  	v0 =	vadd.f32 v2, v0  }
0x2b2: {  	v3 =	vld [tilespmem:$0x8AE0]  }
0x2b3: {  	s16 =	simm.s32 $0x0;
	[tilespmem:$0x8CD0] =	vst v0;
	v0 =	vld [tilespmem:$0x88E0]  }
0x2b4: {  	v1 =	vld [tilespmem:s16+$0x6400]  }
0x2b5: {  	v2 =	vld [tilespmem:s16+$0x8400];
	_ =	sdelay $0x3  }
0x2b6: {  	s17 =	simm.s32 $0x10  }
0x2b7: {  	v3 =	vadd.f32 v3, v0;
	v0 =	vld [tilespmem:s17+$0x6400];
	v4 =	vand.u32 $0xFFFF0000, v1;
	v5 =	vand.u32 $0xFFFF0000, v2  }
0x2b8: {  	v4 =	vmul.f32 v5, v4;
	v5 =	vshll.u32 v1, $0x10;
	v1 =	vld [tilespmem:s17+$0x8400]  }
0x2b9: {  	v6 =	vshll.u32 v2, $0x10  }
0x2ba: {  	s16 =	simm.s32 $0x80;
	v2 =	vadd.f32 v4, v3;
	v3 =	vmul.f32 v6, v5  }
.LBB2_62:
0x2bb: {  	p0 =	sne.s32 s16, $0x7C0  }
.Ltmp30:
0x2bc: {  	s17 =	sshra.s32 s16, $0x2;
	v2 =	vadd.f32 v2, v3;
	v3 =	vmov v0;
	(pc) =	sbr.rel @p0 .LBB2_62-.Ltmp30, $4  }
0x2bd: {  	s16 =	sadd.s32 $0x40, s16;
	v0 =	vld [tilespmem:s17+$0x6400];
	v4 =	vand.u32 $0xFFFF0000, v3;
	v5 =	vand.u32 $0xFFFF0000, v1;
	v6 =	vmov v1  }
0x2be: {  	v1 =	vld [tilespmem:s17+$0x8400];
	v4 =	vmul.f32 v5, v4  }
0x2bf: {  	v3 =	vshll.u32 v3, $0x10;
	v5 =	vshll.u32 v6, $0x10  }
0x2c0: {  	v3 =	vmul.f32 v5, v3;
	v2 =	vadd.f32 v4, v2  }
0x2c1: {  	_ =	sdelay $0x1  }
0x2c2: {  	v4 =	vand.u32 $0xFFFF0000, v0;
	v5 =	vand.u32 $0xFFFF0000, v1  }
0x2c3: {  	v2 =	vadd.f32 v2, v3;
	v3 =	vmul.f32 v5, v4  }
0x2c4: {  	v0 =	vshll.u32 v0, $0x10;
	v1 =	vshll.u32 v1, $0x10  }
0x2c5: {  	v0 =	vmul.f32 v1, v0;
	v2 =	vadd.f32 v3, v2;
	_ =	sdelay $0x1  }
0x2c6: {  	v0 =	vadd.f32 v2, v0  }
0x2c7: {  	v3 =	vld [tilespmem:$0x8AF0]  }
0x2c8: {  	s16 =	simm.s32 $0x0;
	[tilespmem:$0x8CE0] =	vst v0;
	v0 =	vld [tilespmem:$0x88F0]  }
0x2c9: {  	v1 =	vld [tilespmem:s16+$0x6600]  }
0x2ca: {  	v2 =	vld [tilespmem:s16+$0x8600];
	_ =	sdelay $0x3  }
0x2cb: {  	s17 =	simm.s32 $0x10  }
0x2cc: {  	v3 =	vadd.f32 v3, v0;
	v0 =	vld [tilespmem:s17+$0x6600];
	v4 =	vand.u32 $0xFFFF0000, v1;
	v5 =	vand.u32 $0xFFFF0000, v2  }
0x2cd: {  	v4 =	vmul.f32 v5, v4;
	v5 =	vshll.u32 v1, $0x10;
	v1 =	vld [tilespmem:s17+$0x8600]  }
0x2ce: {  	v6 =	vshll.u32 v2, $0x10  }
0x2cf: {  	s16 =	simm.s32 $0x80;
	v2 =	vadd.f32 v4, v3;
	v3 =	vmul.f32 v6, v5  }
.LBB2_64:
0x2d0: {  	p0 =	sne.s32 s16, $0x7C0  }
.Ltmp31:
0x2d1: {  	s17 =	sshra.s32 s16, $0x2;
	v2 =	vadd.f32 v2, v3;
	v3 =	vmov v0;
	(pc) =	sbr.rel @p0 .LBB2_64-.Ltmp31, $4  }
0x2d2: {  	s16 =	sadd.s32 $0x40, s16;
	v0 =	vld [tilespmem:s17+$0x6600];
	v4 =	vand.u32 $0xFFFF0000, v3;
	v5 =	vand.u32 $0xFFFF0000, v1;
	v6 =	vmov v1  }
0x2d3: {  	v1 =	vld [tilespmem:s17+$0x8600];
	v4 =	vmul.f32 v5, v4  }
0x2d4: {  	v3 =	vshll.u32 v3, $0x10;
	v5 =	vshll.u32 v6, $0x10  }
0x2d5: {  	v3 =	vmul.f32 v5, v3;
	v2 =	vadd.f32 v4, v2  }
0x2d6: {  	_ =	sdelay $0x1  }
0x2d7: {  	v4 =	vand.u32 $0xFFFF0000, v0;
	v5 =	vand.u32 $0xFFFF0000, v1  }
0x2d8: {  	v2 =	vadd.f32 v2, v3;
	v3 =	vmul.f32 v5, v4  }
0x2d9: {  	v63 =	vshll.u32 v0, $0x10;
	v0 =	vld [tilespmem:$0x500];
	v1 =	vshll.u32 v1, $0x10  }
0x2da: {  	s17 =	simm.s32 $0x0;
	v2 =	vadd.f32 v3, v2;
	v3 =	vmul.f32 v1, v63;
	v1 =	vld [tilespmem:$0x700]  }
0x2db: {  	s16 =	simm.s32 $0x0;
	s17 =	smul.u32 $0x3E0000, s17  }
0x2dc: {  	s18 =	sand.u32 $0x180, s16;
	v2 =	vadd.f32 v2, v3  }
0x2dd: {  	s20 =	sor.u32 s18, s17  }
0x2de: {  	s17 =	simm.s32 $0x800;
	[tilespmem:$0x8CF0] =	vst v2;
	v2 =	vadd.s32 s20, v0  }
0x2df: {  	s19 =	simm.s32 $0x1;
	s18 =	simm.s32 $0x2800;
	[tilespmem:s17+$0x0] =	vst v2;
	v2 =	vadd.s32 s20, v1  }
.LBB2_66:
0x2e0: {  	s20 =	sshrl.u32 s19, $0x2  }
0x2e1: {  	[tilespmem:s18+$0x0] =	vst v2;
	s16 =	sadd.s32 $0x80, s16;
	p0 =	sne.s32 s19, $0x1F;
	s20 =	smul.u32 $0x3E0000, s20  }
.Ltmp32:
0x2e2: {  	s19 =	sadd.s32 $0x1, s19;
	(pc) =	sbr.rel @p0 .LBB2_66-.Ltmp32, $4  }
0x2e3: {  	s21 =	sand.u32 $0x180, s16  }
0x2e4: {  	s20 =	sor.u32 s21, s20  }
0x2e5: {  	s17 =	sadd.s32 $0x10, s17;
	v2 =	vadd.s32 s20, v0  }
0x2e6: {  	s18 =	sadd.s32 $0x10, s18;
	[tilespmem:s17+$0x0] =	vst v2;
	v2 =	vadd.s32 s20, v1  }
0x2e7: {  	[tilespmem:s18+$0x0] =	vst v2  }
0x2e8: {  	v0 =	vld [tilespmem:$0x510]  }
0x2e9: {  	s17 =	simm.s32 $0x0;
	v1 =	vld [tilespmem:$0x710]  }
0x2ea: {  	s16 =	simm.s32 $0x0;
	s17 =	smul.u32 $0x3E0000, s17  }
0x2eb: {  	s21 =	sand.u32 $0x180, s16  }
0x2ec: {  	s20 =	sor.u32 s21, s17  }
0x2ed: {  	s17 =	simm.s32 $0xA00;
	v2 =	vadd.s32 s20, v0  }
0x2ee: {  	s18 =	simm.s32 $0x2A00;
	s19 =	simm.s32 $0x1;
	[tilespmem:s17+$0x0] =	vst v2;
	v2 =	vadd.s32 s20, v1  }
.LBB2_68:
0x2ef: {  	s20 =	sshrl.u32 s19, $0x2  }
0x2f0: {  	[tilespmem:s18+$0x0] =	vst v2;
	s16 =	sadd.s32 $0x80, s16;
	p0 =	sne.s32 s19, $0x1F;
	s20 =	smul.u32 $0x3E0000, s20  }
.Ltmp33:
0x2f1: {  	s19 =	sadd.s32 $0x1, s19;
	(pc) =	sbr.rel @p0 .LBB2_68-.Ltmp33, $4  }
0x2f2: {  	s21 =	sand.u32 $0x180, s16  }
0x2f3: {  	s20 =	sor.u32 s21, s20  }
0x2f4: {  	s17 =	sadd.s32 $0x10, s17;
	v2 =	vadd.s32 s20, v0  }
0x2f5: {  	s18 =	sadd.s32 $0x10, s18;
	[tilespmem:s17+$0x0] =	vst v2;
	v2 =	vadd.s32 s20, v1  }
0x2f6: {  	[tilespmem:s18+$0x0] =	vst v2  }
0x2f7: {  	v0 =	vld [tilespmem:$0x520]  }
0x2f8: {  	s17 =	simm.s32 $0x0;
	v1 =	vld [tilespmem:$0x720]  }
0x2f9: {  	s16 =	simm.s32 $0x0;
	s17 =	smul.u32 $0x3E0000, s17  }
0x2fa: {  	s21 =	sand.u32 $0x180, s16  }
0x2fb: {  	s20 =	sor.u32 s21, s17  }
0x2fc: {  	s17 =	simm.s32 $0xC00;
	v2 =	vadd.s32 s20, v0  }
0x2fd: {  	s18 =	simm.s32 $0x2C00;
	s19 =	simm.s32 $0x1;
	[tilespmem:s17+$0x0] =	vst v2;
	v2 =	vadd.s32 s20, v1  }
.LBB2_70:
0x2fe: {  	s20 =	sshrl.u32 s19, $0x2  }
0x2ff: {  	[tilespmem:s18+$0x0] =	vst v2;
	s16 =	sadd.s32 $0x80, s16;
	p0 =	sne.s32 s19, $0x1F;
	s20 =	smul.u32 $0x3E0000, s20  }
.Ltmp34:
0x300: {  	s19 =	sadd.s32 $0x1, s19;
	(pc) =	sbr.rel @p0 .LBB2_70-.Ltmp34, $4  }
0x301: {  	s21 =	sand.u32 $0x180, s16  }
0x302: {  	s20 =	sor.u32 s21, s20  }
0x303: {  	s17 =	sadd.s32 $0x10, s17;
	v2 =	vadd.s32 s20, v0  }
0x304: {  	s18 =	sadd.s32 $0x10, s18;
	[tilespmem:s17+$0x0] =	vst v2;
	v2 =	vadd.s32 s20, v1  }
0x305: {  	[tilespmem:s18+$0x0] =	vst v2  }
0x306: {  	v0 =	vld [tilespmem:$0x530]  }
0x307: {  	s17 =	simm.s32 $0x0;
	v1 =	vld [tilespmem:$0x730]  }
0x308: {  	s16 =	simm.s32 $0x0;
	s17 =	smul.u32 $0x3E0000, s17  }
0x309: {  	s21 =	sand.u32 $0x180, s16  }
0x30a: {  	s20 =	sor.u32 s21, s17  }
0x30b: {  	s17 =	simm.s32 $0xE00;
	v2 =	vadd.s32 s20, v0  }
0x30c: {  	s18 =	simm.s32 $0x2E00;
	s19 =	simm.s32 $0x1;
	[tilespmem:s17+$0x0] =	vst v2;
	v2 =	vadd.s32 s20, v1  }
.LBB2_72:
0x30d: {  	s20 =	sshrl.u32 s19, $0x2  }
0x30e: {  	[tilespmem:s18+$0x0] =	vst v2;
	s16 =	sadd.s32 $0x80, s16;
	p0 =	sne.s32 s19, $0x1F;
	s20 =	smul.u32 $0x3E0000, s20  }
.Ltmp35:
0x30f: {  	s19 =	sadd.s32 $0x1, s19;
	(pc) =	sbr.rel @p0 .LBB2_72-.Ltmp35, $4  }
0x310: {  	s21 =	sand.u32 $0x180, s16  }
0x311: {  	s20 =	sor.u32 s21, s20  }
0x312: {  	s17 =	sadd.s32 $0x10, s17;
	v2 =	vadd.s32 s20, v0  }
0x313: {  	s18 =	sadd.s32 $0x10, s18;
	[tilespmem:s17+$0x0] =	vst v2;
	v2 =	vadd.s32 s20, v1  }
0x314: {  	[tilespmem:s18+$0x0] =	vst v2  }
0x315: {  	v0 =	vld [tilespmem:$0x540]  }
0x316: {  	s17 =	simm.s32 $0x0;
	v1 =	vld [tilespmem:$0x740]  }
0x317: {  	s16 =	simm.s32 $0x0;
	s17 =	smul.u32 $0x3E0000, s17  }
0x318: {  	s21 =	sand.u32 $0x180, s16  }
0x319: {  	s20 =	sor.u32 s21, s17  }
0x31a: {  	s17 =	simm.s32 $0x1000;
	v2 =	vadd.s32 s20, v0  }
0x31b: {  	s18 =	simm.s32 $0x3000;
	s19 =	simm.s32 $0x1;
	[tilespmem:s17+$0x0] =	vst v2;
	v2 =	vadd.s32 s20, v1  }
.LBB2_74:
0x31c: {  	s20 =	sshrl.u32 s19, $0x2  }
0x31d: {  	[tilespmem:s18+$0x0] =	vst v2;
	s16 =	sadd.s32 $0x80, s16;
	p0 =	sne.s32 s19, $0x1F;
	s20 =	smul.u32 $0x3E0000, s20  }
.Ltmp36:
0x31e: {  	s19 =	sadd.s32 $0x1, s19;
	(pc) =	sbr.rel @p0 .LBB2_74-.Ltmp36, $4  }
0x31f: {  	s21 =	sand.u32 $0x180, s16  }
0x320: {  	s20 =	sor.u32 s21, s20  }
0x321: {  	s17 =	sadd.s32 $0x10, s17;
	v2 =	vadd.s32 s20, v0  }
0x322: {  	s18 =	sadd.s32 $0x10, s18;
	[tilespmem:s17+$0x0] =	vst v2;
	v2 =	vadd.s32 s20, v1  }
0x323: {  	[tilespmem:s18+$0x0] =	vst v2  }
0x324: {  	v0 =	vld [tilespmem:$0x550]  }
0x325: {  	s17 =	simm.s32 $0x0;
	v1 =	vld [tilespmem:$0x750]  }
0x326: {  	s16 =	simm.s32 $0x0;
	s17 =	smul.u32 $0x3E0000, s17  }
0x327: {  	s21 =	sand.u32 $0x180, s16  }
0x328: {  	s20 =	sor.u32 s21, s17  }
0x329: {  	s17 =	simm.s32 $0x1200;
	v2 =	vadd.s32 s20, v0  }
0x32a: {  	s18 =	simm.s32 $0x3200;
	s19 =	simm.s32 $0x1;
	[tilespmem:s17+$0x0] =	vst v2;
	v2 =	vadd.s32 s20, v1  }
.LBB2_76:
0x32b: {  	s20 =	sshrl.u32 s19, $0x2  }
0x32c: {  	[tilespmem:s18+$0x0] =	vst v2;
	s16 =	sadd.s32 $0x80, s16;
	p0 =	sne.s32 s19, $0x1F;
	s20 =	smul.u32 $0x3E0000, s20  }
.Ltmp37:
0x32d: {  	s19 =	sadd.s32 $0x1, s19;
	(pc) =	sbr.rel @p0 .LBB2_76-.Ltmp37, $4  }
0x32e: {  	s21 =	sand.u32 $0x180, s16  }
0x32f: {  	s20 =	sor.u32 s21, s20  }
0x330: {  	s17 =	sadd.s32 $0x10, s17;
	v2 =	vadd.s32 s20, v0  }
0x331: {  	s18 =	sadd.s32 $0x10, s18;
	[tilespmem:s17+$0x0] =	vst v2;
	v2 =	vadd.s32 s20, v1  }
0x332: {  	[tilespmem:s18+$0x0] =	vst v2  }
0x333: {  	v0 =	vld [tilespmem:$0x560]  }
0x334: {  	s17 =	simm.s32 $0x0;
	v1 =	vld [tilespmem:$0x760]  }
0x335: {  	s16 =	simm.s32 $0x0;
	s17 =	smul.u32 $0x3E0000, s17  }
0x336: {  	s21 =	sand.u32 $0x180, s16  }
0x337: {  	s20 =	sor.u32 s21, s17  }
0x338: {  	s17 =	simm.s32 $0x1400;
	v2 =	vadd.s32 s20, v0  }
0x339: {  	s18 =	simm.s32 $0x3400;
	s19 =	simm.s32 $0x1;
	[tilespmem:s17+$0x0] =	vst v2;
	v2 =	vadd.s32 s20, v1  }
.LBB2_78:
0x33a: {  	s20 =	sshrl.u32 s19, $0x2  }
0x33b: {  	[tilespmem:s18+$0x0] =	vst v2;
	s16 =	sadd.s32 $0x80, s16;
	p0 =	sne.s32 s19, $0x1F;
	s20 =	smul.u32 $0x3E0000, s20  }
.Ltmp38:
0x33c: {  	s19 =	sadd.s32 $0x1, s19;
	(pc) =	sbr.rel @p0 .LBB2_78-.Ltmp38, $4  }
0x33d: {  	s21 =	sand.u32 $0x180, s16  }
0x33e: {  	s20 =	sor.u32 s21, s20  }
0x33f: {  	s17 =	sadd.s32 $0x10, s17;
	v2 =	vadd.s32 s20, v0  }
0x340: {  	s18 =	sadd.s32 $0x10, s18;
	[tilespmem:s17+$0x0] =	vst v2;
	v2 =	vadd.s32 s20, v1  }
0x341: {  	[tilespmem:s18+$0x0] =	vst v2  }
0x342: {  	v0 =	vld [tilespmem:$0x570]  }
0x343: {  	s17 =	simm.s32 $0x0;
	v1 =	vld [tilespmem:$0x770]  }
0x344: {  	s16 =	simm.s32 $0x0;
	s17 =	smul.u32 $0x3E0000, s17  }
0x345: {  	s21 =	sand.u32 $0x180, s16  }
0x346: {  	s20 =	sor.u32 s21, s17  }
0x347: {  	s17 =	simm.s32 $0x1600;
	v2 =	vadd.s32 s20, v0  }
0x348: {  	s18 =	simm.s32 $0x3600;
	s19 =	simm.s32 $0x1;
	[tilespmem:s17+$0x0] =	vst v2;
	v2 =	vadd.s32 s20, v1  }
.LBB2_80:
0x349: {  	s20 =	sshrl.u32 s19, $0x2  }
0x34a: {  	[tilespmem:s18+$0x0] =	vst v2;
	s16 =	sadd.s32 $0x80, s16;
	p0 =	sne.s32 s19, $0x1F;
	s20 =	smul.u32 $0x3E0000, s20  }
.Ltmp39:
0x34b: {  	s19 =	sadd.s32 $0x1, s19;
	(pc) =	sbr.rel @p0 .LBB2_80-.Ltmp39, $4  }
0x34c: {  	s21 =	sand.u32 $0x180, s16  }
0x34d: {  	s20 =	sor.u32 s21, s20  }
0x34e: {  	s17 =	sadd.s32 $0x10, s17;
	v2 =	vadd.s32 s20, v0  }
0x34f: {  	s18 =	sadd.s32 $0x10, s18;
	[tilespmem:s17+$0x0] =	vst v2;
	v2 =	vadd.s32 s20, v1  }
0x350: {  	[tilespmem:s18+$0x0] =	vst v2  }
0x351: {  	v0 =	vld [tilespmem:$0x580]  }
0x352: {  	s17 =	simm.s32 $0x0;
	v1 =	vld [tilespmem:$0x780]  }
0x353: {  	s16 =	simm.s32 $0x0;
	s17 =	smul.u32 $0x3E0000, s17  }
0x354: {  	s21 =	sand.u32 $0x180, s16  }
0x355: {  	s20 =	sor.u32 s21, s17  }
0x356: {  	s17 =	simm.s32 $0x1800;
	v2 =	vadd.s32 s20, v0  }
0x357: {  	s18 =	simm.s32 $0x3800;
	s19 =	simm.s32 $0x1;
	[tilespmem:s17+$0x0] =	vst v2;
	v2 =	vadd.s32 s20, v1  }
.LBB2_82:
0x358: {  	s20 =	sshrl.u32 s19, $0x2  }
0x359: {  	[tilespmem:s18+$0x0] =	vst v2;
	s16 =	sadd.s32 $0x80, s16;
	p0 =	sne.s32 s19, $0x1F;
	s20 =	smul.u32 $0x3E0000, s20  }
.Ltmp40:
0x35a: {  	s19 =	sadd.s32 $0x1, s19;
	(pc) =	sbr.rel @p0 .LBB2_82-.Ltmp40, $4  }
0x35b: {  	s21 =	sand.u32 $0x180, s16  }
0x35c: {  	s20 =	sor.u32 s21, s20  }
0x35d: {  	s17 =	sadd.s32 $0x10, s17;
	v2 =	vadd.s32 s20, v0  }
0x35e: {  	s18 =	sadd.s32 $0x10, s18;
	[tilespmem:s17+$0x0] =	vst v2;
	v2 =	vadd.s32 s20, v1  }
0x35f: {  	[tilespmem:s18+$0x0] =	vst v2  }
0x360: {  	v0 =	vld [tilespmem:$0x590]  }
0x361: {  	s17 =	simm.s32 $0x0;
	v1 =	vld [tilespmem:$0x790]  }
0x362: {  	s16 =	simm.s32 $0x0;
	s17 =	smul.u32 $0x3E0000, s17  }
0x363: {  	s21 =	sand.u32 $0x180, s16  }
0x364: {  	s20 =	sor.u32 s21, s17  }
0x365: {  	s17 =	simm.s32 $0x1A00;
	v2 =	vadd.s32 s20, v0  }
0x366: {  	s18 =	simm.s32 $0x3A00;
	s19 =	simm.s32 $0x1;
	[tilespmem:s17+$0x0] =	vst v2;
	v2 =	vadd.s32 s20, v1  }
.LBB2_84:
0x367: {  	s20 =	sshrl.u32 s19, $0x2  }
0x368: {  	[tilespmem:s18+$0x0] =	vst v2;
	s16 =	sadd.s32 $0x80, s16;
	p0 =	sne.s32 s19, $0x1F;
	s20 =	smul.u32 $0x3E0000, s20  }
.Ltmp41:
0x369: {  	s19 =	sadd.s32 $0x1, s19;
	(pc) =	sbr.rel @p0 .LBB2_84-.Ltmp41, $4  }
0x36a: {  	s21 =	sand.u32 $0x180, s16  }
0x36b: {  	s20 =	sor.u32 s21, s20  }
0x36c: {  	s17 =	sadd.s32 $0x10, s17;
	v2 =	vadd.s32 s20, v0  }
0x36d: {  	s18 =	sadd.s32 $0x10, s18;
	[tilespmem:s17+$0x0] =	vst v2;
	v2 =	vadd.s32 s20, v1  }
0x36e: {  	[tilespmem:s18+$0x0] =	vst v2  }
0x36f: {  	v0 =	vld [tilespmem:$0x5A0]  }
0x370: {  	s17 =	simm.s32 $0x0;
	v1 =	vld [tilespmem:$0x7A0]  }
0x371: {  	s16 =	simm.s32 $0x0;
	s17 =	smul.u32 $0x3E0000, s17  }
0x372: {  	s21 =	sand.u32 $0x180, s16  }
0x373: {  	s20 =	sor.u32 s21, s17  }
0x374: {  	s17 =	simm.s32 $0x1C00;
	v2 =	vadd.s32 s20, v0  }
0x375: {  	s18 =	simm.s32 $0x3C00;
	s19 =	simm.s32 $0x1;
	[tilespmem:s17+$0x0] =	vst v2;
	v2 =	vadd.s32 s20, v1  }
.LBB2_86:
0x376: {  	s20 =	sshrl.u32 s19, $0x2  }
0x377: {  	[tilespmem:s18+$0x0] =	vst v2;
	s16 =	sadd.s32 $0x80, s16;
	p0 =	sne.s32 s19, $0x1F;
	s20 =	smul.u32 $0x3E0000, s20  }
.Ltmp42:
0x378: {  	s19 =	sadd.s32 $0x1, s19;
	(pc) =	sbr.rel @p0 .LBB2_86-.Ltmp42, $4  }
0x379: {  	s21 =	sand.u32 $0x180, s16  }
0x37a: {  	s20 =	sor.u32 s21, s20  }
0x37b: {  	s17 =	sadd.s32 $0x10, s17;
	v2 =	vadd.s32 s20, v0  }
0x37c: {  	s18 =	sadd.s32 $0x10, s18;
	[tilespmem:s17+$0x0] =	vst v2;
	v2 =	vadd.s32 s20, v1  }
0x37d: {  	[tilespmem:s18+$0x0] =	vst v2  }
0x37e: {  	v0 =	vld [tilespmem:$0x5B0]  }
0x37f: {  	s17 =	simm.s32 $0x0;
	v1 =	vld [tilespmem:$0x7B0]  }
0x380: {  	s16 =	simm.s32 $0x0;
	s17 =	smul.u32 $0x3E0000, s17  }
0x381: {  	s21 =	sand.u32 $0x180, s16  }
0x382: {  	s20 =	sor.u32 s21, s17  }
0x383: {  	s17 =	simm.s32 $0x1E00;
	v2 =	vadd.s32 s20, v0  }
0x384: {  	s18 =	simm.s32 $0x3E00;
	s19 =	simm.s32 $0x1;
	[tilespmem:s17+$0x0] =	vst v2;
	v2 =	vadd.s32 s20, v1  }
.LBB2_88:
0x385: {  	s20 =	sshrl.u32 s19, $0x2  }
0x386: {  	[tilespmem:s18+$0x0] =	vst v2;
	s16 =	sadd.s32 $0x80, s16;
	p0 =	sne.s32 s19, $0x1F;
	s20 =	smul.u32 $0x3E0000, s20  }
.Ltmp43:
0x387: {  	s19 =	sadd.s32 $0x1, s19;
	(pc) =	sbr.rel @p0 .LBB2_88-.Ltmp43, $4  }
0x388: {  	s21 =	sand.u32 $0x180, s16  }
0x389: {  	s20 =	sor.u32 s21, s20  }
0x38a: {  	s17 =	sadd.s32 $0x10, s17;
	v2 =	vadd.s32 s20, v0  }
0x38b: {  	s18 =	sadd.s32 $0x10, s18;
	[tilespmem:s17+$0x0] =	vst v2;
	v2 =	vadd.s32 s20, v1  }
0x38c: {  	[tilespmem:s18+$0x0] =	vst v2  }
0x38d: {  	v0 =	vld [tilespmem:$0x5C0]  }
0x38e: {  	s17 =	simm.s32 $0x0;
	v1 =	vld [tilespmem:$0x7C0]  }
0x38f: {  	s16 =	simm.s32 $0x0;
	s17 =	smul.u32 $0x3E0000, s17  }
0x390: {  	s21 =	sand.u32 $0x180, s16  }
0x391: {  	s20 =	sor.u32 s21, s17  }
0x392: {  	s17 =	simm.s32 $0x2000;
	v2 =	vadd.s32 s20, v0  }
0x393: {  	s18 =	simm.s32 $0x4000;
	s19 =	simm.s32 $0x1;
	[tilespmem:s17+$0x0] =	vst v2;
	v2 =	vadd.s32 s20, v1  }
.LBB2_90:
0x394: {  	s20 =	sshrl.u32 s19, $0x2  }
0x395: {  	[tilespmem:s18+$0x0] =	vst v2;
	s16 =	sadd.s32 $0x80, s16;
	p0 =	sne.s32 s19, $0x1F;
	s20 =	smul.u32 $0x3E0000, s20  }
.Ltmp44:
0x396: {  	s19 =	sadd.s32 $0x1, s19;
	(pc) =	sbr.rel @p0 .LBB2_90-.Ltmp44, $4  }
0x397: {  	s21 =	sand.u32 $0x180, s16  }
0x398: {  	s20 =	sor.u32 s21, s20  }
0x399: {  	s17 =	sadd.s32 $0x10, s17;
	v2 =	vadd.s32 s20, v0  }
0x39a: {  	s18 =	sadd.s32 $0x10, s18;
	[tilespmem:s17+$0x0] =	vst v2;
	v2 =	vadd.s32 s20, v1  }
0x39b: {  	[tilespmem:s18+$0x0] =	vst v2  }
0x39c: {  	v0 =	vld [tilespmem:$0x5D0]  }
0x39d: {  	s17 =	simm.s32 $0x0;
	v1 =	vld [tilespmem:$0x7D0]  }
0x39e: {  	s16 =	simm.s32 $0x0;
	s17 =	smul.u32 $0x3E0000, s17  }
0x39f: {  	s21 =	sand.u32 $0x180, s16  }
0x3a0: {  	s20 =	sor.u32 s21, s17  }
0x3a1: {  	s17 =	simm.s32 $0x2200;
	v2 =	vadd.s32 s20, v0  }
0x3a2: {  	s18 =	simm.s32 $0x4200;
	s19 =	simm.s32 $0x1;
	[tilespmem:s17+$0x0] =	vst v2;
	v2 =	vadd.s32 s20, v1  }
.LBB2_92:
0x3a3: {  	s20 =	sshrl.u32 s19, $0x2  }
0x3a4: {  	[tilespmem:s18+$0x0] =	vst v2;
	s16 =	sadd.s32 $0x80, s16;
	p0 =	sne.s32 s19, $0x1F;
	s20 =	smul.u32 $0x3E0000, s20  }
.Ltmp45:
0x3a5: {  	s19 =	sadd.s32 $0x1, s19;
	(pc) =	sbr.rel @p0 .LBB2_92-.Ltmp45, $4  }
0x3a6: {  	s21 =	sand.u32 $0x180, s16  }
0x3a7: {  	s20 =	sor.u32 s21, s20  }
0x3a8: {  	s17 =	sadd.s32 $0x10, s17;
	v2 =	vadd.s32 s20, v0  }
0x3a9: {  	s18 =	sadd.s32 $0x10, s18;
	[tilespmem:s17+$0x0] =	vst v2;
	v2 =	vadd.s32 s20, v1  }
0x3aa: {  	[tilespmem:s18+$0x0] =	vst v2  }
0x3ab: {  	v0 =	vld [tilespmem:$0x5E0]  }
0x3ac: {  	s17 =	simm.s32 $0x0;
	v1 =	vld [tilespmem:$0x7E0]  }
0x3ad: {  	s16 =	simm.s32 $0x0;
	s17 =	smul.u32 $0x3E0000, s17  }
0x3ae: {  	s21 =	sand.u32 $0x180, s16  }
0x3af: {  	s20 =	sor.u32 s21, s17  }
0x3b0: {  	s17 =	simm.s32 $0x2400;
	v2 =	vadd.s32 s20, v0  }
0x3b1: {  	s18 =	simm.s32 $0x4400;
	s19 =	simm.s32 $0x1;
	[tilespmem:s17+$0x0] =	vst v2;
	v2 =	vadd.s32 s20, v1  }
.LBB2_94:
0x3b2: {  	s20 =	sshrl.u32 s19, $0x2  }
0x3b3: {  	[tilespmem:s18+$0x0] =	vst v2;
	s16 =	sadd.s32 $0x80, s16;
	p0 =	sne.s32 s19, $0x1F;
	s20 =	smul.u32 $0x3E0000, s20  }
.Ltmp46:
0x3b4: {  	s19 =	sadd.s32 $0x1, s19;
	(pc) =	sbr.rel @p0 .LBB2_94-.Ltmp46, $4  }
0x3b5: {  	s21 =	sand.u32 $0x180, s16  }
0x3b6: {  	s20 =	sor.u32 s21, s20  }
0x3b7: {  	s17 =	sadd.s32 $0x10, s17;
	v2 =	vadd.s32 s20, v0  }
0x3b8: {  	s18 =	sadd.s32 $0x10, s18;
	[tilespmem:s17+$0x0] =	vst v2;
	v2 =	vadd.s32 s20, v1  }
0x3b9: {  	[tilespmem:s18+$0x0] =	vst v2  }
0x3ba: {  	v0 =	vld [tilespmem:$0x5F0]  }
0x3bb: {  	s17 =	simm.s32 $0x0;
	v1 =	vld [tilespmem:$0x7F0]  }
0x3bc: {  	s16 =	simm.s32 $0x0;
	s17 =	smul.u32 $0x3E0000, s17  }
0x3bd: {  	s21 =	sand.u32 $0x180, s16  }
0x3be: {  	s20 =	sor.u32 s21, s17  }
0x3bf: {  	s17 =	simm.s32 $0x2600;
	v2 =	vadd.s32 s20, v0  }
0x3c0: {  	s18 =	simm.s32 $0x4600;
	s19 =	simm.s32 $0x1;
	[tilespmem:s17+$0x0] =	vst v2;
	v2 =	vadd.s32 s20, v1  }
.LBB2_96:
0x3c1: {  	s20 =	sshrl.u32 s19, $0x2  }
0x3c2: {  	[tilespmem:s18+$0x0] =	vst v2;
	s16 =	sadd.s32 $0x80, s16;
	p0 =	sne.s32 s19, $0x1F;
	s20 =	smul.u32 $0x3E0000, s20  }
.Ltmp47:
0x3c3: {  	s19 =	sadd.s32 $0x1, s19;
	(pc) =	sbr.rel @p0 .LBB2_96-.Ltmp47, $4  }
0x3c4: {  	s21 =	sand.u32 $0x180, s16  }
0x3c5: {  	s20 =	sor.u32 s21, s20  }
0x3c6: {  	s17 =	sadd.s32 $0x10, s17;
	v2 =	vadd.s32 s20, v0  }
0x3c7: {  	s18 =	sadd.s32 $0x10, s18;
	[tilespmem:s17+$0x0] =	vst v2;
	v2 =	vadd.s32 s20, v1  }
0x3c8: {  	[tilespmem:s18+$0x0] =	vst v2  }
0x3c9: {  	[tilespmem:s31], [sflag:$0x1] =	stream.indirect.gather [hbm4b:s4+s29], $0x1, s30, s29, $0xb8;
	[tilespmem:$0x8E00] =	vst v63  }
0x3ca: {  	_ = 	snop  }
0x3cb: {  	[tilespmem:s3], [sflag:$0x1] =	stream.indirect.gather [hbm4b:s5+s29], $0x1, s0, s29, $0xb8;
	[tilespmem:$0x8E00] =	vst v63  }
0x3cc: {  	_ =	swait.ge [sflag:s28], $0x2000  }
0x3cd: {  	[sflag:s28] =	ssyncset.done $0x0  }
0x3ce: {  	[sflag:s28] =	ssyncadd.s32 $0xFFFFE000  }
0x3cf: {  	_ =	swait.ge [sflag:s28], $0x2000  }
0x3d0: {  	[sflag:s28] =	ssyncset.done $0x0  }
0x3d1: {  	[sflag:s28] =	ssyncadd.s32 $0xFFFFE000  }
0x3d2: {  	s16 =	simm.s32 $0x0;
	v0 =	vld [tilespmem:$0x8900]  }
0x3d3: {  	v1 =	vld [tilespmem:s16+$0x4800]  }
0x3d4: {  	v2 =	vld [tilespmem:s16+$0x6800]  }
0x3d5: {  	v3 =	vld [tilespmem:$0x8B00];
	_ =	sdelay $0x3  }
0x3d6: {  	s17 =	simm.s32 $0x10  }
0x3d7: {  	v4 =	vand.u32 $0xFFFF0000, v1;
	v5 =	vand.u32 $0xFFFF0000, v2;
	v3 =	vadd.f32 v3, v0;
	v0 =	vld [tilespmem:s17+$0x4800]  }
0x3d8: {  	v4 =	vmul.f32 v5, v4;
	v5 =	vshll.u32 v1, $0x10;
	v1 =	vld [tilespmem:s17+$0x6800]  }
0x3d9: {  	v6 =	vshll.u32 v2, $0x10  }
0x3da: {  	s16 =	simm.s32 $0x80;
	v2 =	vadd.f32 v4, v3;
	v3 =	vmul.f32 v6, v5  }
.LBB2_98:
0x3db: {  	p0 =	sne.s32 s16, $0x7C0  }
.Ltmp48:
0x3dc: {  	s17 =	sshra.s32 s16, $0x2;
	v2 =	vadd.f32 v2, v3;
	v3 =	vmov v0;
	(pc) =	sbr.rel @p0 .LBB2_98-.Ltmp48, $4  }
0x3dd: {  	s16 =	sadd.s32 $0x40, s16;
	v0 =	vld [tilespmem:s17+$0x4800];
	v4 =	vand.u32 $0xFFFF0000, v3;
	v5 =	vand.u32 $0xFFFF0000, v1;
	v6 =	vmov v1  }
0x3de: {  	v1 =	vld [tilespmem:s17+$0x6800];
	v4 =	vmul.f32 v5, v4  }
0x3df: {  	v3 =	vshll.u32 v3, $0x10;
	v5 =	vshll.u32 v6, $0x10  }
0x3e0: {  	v3 =	vmul.f32 v5, v3;
	v2 =	vadd.f32 v4, v2  }
0x3e1: {  	_ =	sdelay $0x1  }
0x3e2: {  	v4 =	vand.u32 $0xFFFF0000, v0;
	v5 =	vand.u32 $0xFFFF0000, v1  }
0x3e3: {  	v2 =	vadd.f32 v2, v3;
	v3 =	vmul.f32 v5, v4  }
0x3e4: {  	v0 =	vshll.u32 v0, $0x10;
	v1 =	vshll.u32 v1, $0x10  }
0x3e5: {  	v0 =	vmul.f32 v1, v0;
	v2 =	vadd.f32 v3, v2;
	_ =	sdelay $0x1  }
0x3e6: {  	v0 =	vadd.f32 v2, v0  }
0x3e7: {  	v3 =	vld [tilespmem:$0x8B10]  }
0x3e8: {  	s16 =	simm.s32 $0x0;
	[tilespmem:$0x8D00] =	vst v0;
	v0 =	vld [tilespmem:$0x8910]  }
0x3e9: {  	v1 =	vld [tilespmem:s16+$0x4A00]  }
0x3ea: {  	v2 =	vld [tilespmem:s16+$0x6A00];
	_ =	sdelay $0x3  }
0x3eb: {  	s17 =	simm.s32 $0x10  }
0x3ec: {  	v3 =	vadd.f32 v3, v0;
	v0 =	vld [tilespmem:s17+$0x4A00];
	v4 =	vand.u32 $0xFFFF0000, v1;
	v5 =	vand.u32 $0xFFFF0000, v2  }
0x3ed: {  	v4 =	vmul.f32 v5, v4;
	v5 =	vshll.u32 v1, $0x10;
	v1 =	vld [tilespmem:s17+$0x6A00]  }
0x3ee: {  	v6 =	vshll.u32 v2, $0x10  }
0x3ef: {  	s16 =	simm.s32 $0x80;
	v2 =	vadd.f32 v4, v3;
	v3 =	vmul.f32 v6, v5  }
.LBB2_100:
0x3f0: {  	p0 =	sne.s32 s16, $0x7C0  }
.Ltmp49:
0x3f1: {  	s17 =	sshra.s32 s16, $0x2;
	v2 =	vadd.f32 v2, v3;
	v3 =	vmov v0;
	(pc) =	sbr.rel @p0 .LBB2_100-.Ltmp49, $4  }
0x3f2: {  	s16 =	sadd.s32 $0x40, s16;
	v0 =	vld [tilespmem:s17+$0x4A00];
	v4 =	vand.u32 $0xFFFF0000, v3;
	v5 =	vand.u32 $0xFFFF0000, v1;
	v6 =	vmov v1  }
0x3f3: {  	v1 =	vld [tilespmem:s17+$0x6A00];
	v4 =	vmul.f32 v5, v4  }
0x3f4: {  	v3 =	vshll.u32 v3, $0x10;
	v5 =	vshll.u32 v6, $0x10  }
0x3f5: {  	v3 =	vmul.f32 v5, v3;
	v2 =	vadd.f32 v4, v2  }
0x3f6: {  	_ =	sdelay $0x1  }
0x3f7: {  	v4 =	vand.u32 $0xFFFF0000, v0;
	v5 =	vand.u32 $0xFFFF0000, v1  }
0x3f8: {  	v2 =	vadd.f32 v2, v3;
	v3 =	vmul.f32 v5, v4  }
0x3f9: {  	v0 =	vshll.u32 v0, $0x10;
	v1 =	vshll.u32 v1, $0x10  }
0x3fa: {  	v0 =	vmul.f32 v1, v0;
	v2 =	vadd.f32 v3, v2;
	_ =	sdelay $0x1  }
0x3fb: {  	v0 =	vadd.f32 v2, v0  }
0x3fc: {  	v3 =	vld [tilespmem:$0x8B20]  }
0x3fd: {  	s16 =	simm.s32 $0x0;
	[tilespmem:$0x8D10] =	vst v0;
	v0 =	vld [tilespmem:$0x8920]  }
0x3fe: {  	v1 =	vld [tilespmem:s16+$0x4C00]  }
0x3ff: {  	v2 =	vld [tilespmem:s16+$0x6C00];
	_ =	sdelay $0x3  }
0x400: {  	s17 =	simm.s32 $0x10  }
0x401: {  	v3 =	vadd.f32 v3, v0;
	v0 =	vld [tilespmem:s17+$0x4C00];
	v4 =	vand.u32 $0xFFFF0000, v1;
	v5 =	vand.u32 $0xFFFF0000, v2  }
0x402: {  	v4 =	vmul.f32 v5, v4;
	v5 =	vshll.u32 v1, $0x10;
	v1 =	vld [tilespmem:s17+$0x6C00]  }
0x403: {  	v6 =	vshll.u32 v2, $0x10  }
0x404: {  	s16 =	simm.s32 $0x80;
	v2 =	vadd.f32 v4, v3;
	v3 =	vmul.f32 v6, v5  }
.LBB2_102:
0x405: {  	p0 =	sne.s32 s16, $0x7C0  }
.Ltmp50:
0x406: {  	s17 =	sshra.s32 s16, $0x2;
	v2 =	vadd.f32 v2, v3;
	v3 =	vmov v0;
	(pc) =	sbr.rel @p0 .LBB2_102-.Ltmp50, $4  }
0x407: {  	s16 =	sadd.s32 $0x40, s16;
	v0 =	vld [tilespmem:s17+$0x4C00];
	v4 =	vand.u32 $0xFFFF0000, v3;
	v5 =	vand.u32 $0xFFFF0000, v1;
	v6 =	vmov v1  }
0x408: {  	v1 =	vld [tilespmem:s17+$0x6C00];
	v4 =	vmul.f32 v5, v4  }
0x409: {  	v3 =	vshll.u32 v3, $0x10;
	v5 =	vshll.u32 v6, $0x10  }
0x40a: {  	v3 =	vmul.f32 v5, v3;
	v2 =	vadd.f32 v4, v2  }
0x40b: {  	_ =	sdelay $0x1  }
0x40c: {  	v4 =	vand.u32 $0xFFFF0000, v0;
	v5 =	vand.u32 $0xFFFF0000, v1  }
0x40d: {  	v2 =	vadd.f32 v2, v3;
	v3 =	vmul.f32 v5, v4  }
0x40e: {  	v0 =	vshll.u32 v0, $0x10;
	v1 =	vshll.u32 v1, $0x10  }
0x40f: {  	v0 =	vmul.f32 v1, v0;
	v2 =	vadd.f32 v3, v2;
	_ =	sdelay $0x1  }
0x410: {  	v0 =	vadd.f32 v2, v0  }
0x411: {  	v3 =	vld [tilespmem:$0x8B30]  }
0x412: {  	s16 =	simm.s32 $0x0;
	[tilespmem:$0x8D20] =	vst v0;
	v0 =	vld [tilespmem:$0x8930]  }
0x413: {  	v1 =	vld [tilespmem:s16+$0x4E00]  }
0x414: {  	v2 =	vld [tilespmem:s16+$0x6E00];
	_ =	sdelay $0x3  }
0x415: {  	s17 =	simm.s32 $0x10  }
0x416: {  	v3 =	vadd.f32 v3, v0;
	v0 =	vld [tilespmem:s17+$0x4E00];
	v4 =	vand.u32 $0xFFFF0000, v1;
	v5 =	vand.u32 $0xFFFF0000, v2  }
0x417: {  	v4 =	vmul.f32 v5, v4;
	v5 =	vshll.u32 v1, $0x10;
	v1 =	vld [tilespmem:s17+$0x6E00]  }
0x418: {  	v6 =	vshll.u32 v2, $0x10  }
0x419: {  	s16 =	simm.s32 $0x80;
	v2 =	vadd.f32 v4, v3;
	v3 =	vmul.f32 v6, v5  }
.LBB2_104:
0x41a: {  	p0 =	sne.s32 s16, $0x7C0  }
.Ltmp51:
0x41b: {  	s17 =	sshra.s32 s16, $0x2;
	v2 =	vadd.f32 v2, v3;
	v3 =	vmov v0;
	(pc) =	sbr.rel @p0 .LBB2_104-.Ltmp51, $4  }
0x41c: {  	s16 =	sadd.s32 $0x40, s16;
	v0 =	vld [tilespmem:s17+$0x4E00];
	v4 =	vand.u32 $0xFFFF0000, v3;
	v5 =	vand.u32 $0xFFFF0000, v1;
	v6 =	vmov v1  }
0x41d: {  	v1 =	vld [tilespmem:s17+$0x6E00];
	v4 =	vmul.f32 v5, v4  }
0x41e: {  	v3 =	vshll.u32 v3, $0x10;
	v5 =	vshll.u32 v6, $0x10  }
0x41f: {  	v3 =	vmul.f32 v5, v3;
	v2 =	vadd.f32 v4, v2  }
0x420: {  	_ =	sdelay $0x1  }
0x421: {  	v4 =	vand.u32 $0xFFFF0000, v0;
	v5 =	vand.u32 $0xFFFF0000, v1  }
0x422: {  	v2 =	vadd.f32 v2, v3;
	v3 =	vmul.f32 v5, v4  }
0x423: {  	v0 =	vshll.u32 v0, $0x10;
	v1 =	vshll.u32 v1, $0x10  }
0x424: {  	v0 =	vmul.f32 v1, v0;
	v2 =	vadd.f32 v3, v2;
	_ =	sdelay $0x1  }
0x425: {  	v0 =	vadd.f32 v2, v0  }
0x426: {  	v3 =	vld [tilespmem:$0x8B40]  }
0x427: {  	s16 =	simm.s32 $0x0;
	[tilespmem:$0x8D30] =	vst v0;
	v0 =	vld [tilespmem:$0x8940]  }
0x428: {  	v1 =	vld [tilespmem:s16+$0x5000]  }
0x429: {  	v2 =	vld [tilespmem:s16+$0x7000];
	_ =	sdelay $0x3  }
0x42a: {  	s17 =	simm.s32 $0x10  }
0x42b: {  	v3 =	vadd.f32 v3, v0;
	v0 =	vld [tilespmem:s17+$0x5000];
	v4 =	vand.u32 $0xFFFF0000, v1;
	v5 =	vand.u32 $0xFFFF0000, v2  }
0x42c: {  	v4 =	vmul.f32 v5, v4;
	v5 =	vshll.u32 v1, $0x10;
	v1 =	vld [tilespmem:s17+$0x7000]  }
0x42d: {  	v6 =	vshll.u32 v2, $0x10  }
0x42e: {  	s16 =	simm.s32 $0x80;
	v2 =	vadd.f32 v4, v3;
	v3 =	vmul.f32 v6, v5  }
.LBB2_106:
0x42f: {  	p0 =	sne.s32 s16, $0x7C0  }
.Ltmp52:
0x430: {  	s17 =	sshra.s32 s16, $0x2;
	v2 =	vadd.f32 v2, v3;
	v3 =	vmov v0;
	(pc) =	sbr.rel @p0 .LBB2_106-.Ltmp52, $4  }
0x431: {  	s16 =	sadd.s32 $0x40, s16;
	v0 =	vld [tilespmem:s17+$0x5000];
	v4 =	vand.u32 $0xFFFF0000, v3;
	v5 =	vand.u32 $0xFFFF0000, v1;
	v6 =	vmov v1  }
0x432: {  	v1 =	vld [tilespmem:s17+$0x7000];
	v4 =	vmul.f32 v5, v4  }
0x433: {  	v3 =	vshll.u32 v3, $0x10;
	v5 =	vshll.u32 v6, $0x10  }
0x434: {  	v3 =	vmul.f32 v5, v3;
	v2 =	vadd.f32 v4, v2  }
0x435: {  	_ =	sdelay $0x1  }
0x436: {  	v4 =	vand.u32 $0xFFFF0000, v0;
	v5 =	vand.u32 $0xFFFF0000, v1  }
0x437: {  	v2 =	vadd.f32 v2, v3;
	v3 =	vmul.f32 v5, v4  }
0x438: {  	v0 =	vshll.u32 v0, $0x10;
	v1 =	vshll.u32 v1, $0x10  }
0x439: {  	v0 =	vmul.f32 v1, v0;
	v2 =	vadd.f32 v3, v2;
	_ =	sdelay $0x1  }
0x43a: {  	v0 =	vadd.f32 v2, v0  }
0x43b: {  	v3 =	vld [tilespmem:$0x8B50]  }
0x43c: {  	s16 =	simm.s32 $0x0;
	[tilespmem:$0x8D40] =	vst v0;
	v0 =	vld [tilespmem:$0x8950]  }
0x43d: {  	v1 =	vld [tilespmem:s16+$0x5200]  }
0x43e: {  	v2 =	vld [tilespmem:s16+$0x7200];
	_ =	sdelay $0x3  }
0x43f: {  	s17 =	simm.s32 $0x10  }
0x440: {  	v3 =	vadd.f32 v3, v0;
	v0 =	vld [tilespmem:s17+$0x5200];
	v4 =	vand.u32 $0xFFFF0000, v1;
	v5 =	vand.u32 $0xFFFF0000, v2  }
0x441: {  	v4 =	vmul.f32 v5, v4;
	v5 =	vshll.u32 v1, $0x10;
	v1 =	vld [tilespmem:s17+$0x7200]  }
0x442: {  	v6 =	vshll.u32 v2, $0x10  }
0x443: {  	s16 =	simm.s32 $0x80;
	v2 =	vadd.f32 v4, v3;
	v3 =	vmul.f32 v6, v5  }
.LBB2_108:
0x444: {  	p0 =	sne.s32 s16, $0x7C0  }
.Ltmp53:
0x445: {  	s17 =	sshra.s32 s16, $0x2;
	v2 =	vadd.f32 v2, v3;
	v3 =	vmov v0;
	(pc) =	sbr.rel @p0 .LBB2_108-.Ltmp53, $4  }
0x446: {  	s16 =	sadd.s32 $0x40, s16;
	v0 =	vld [tilespmem:s17+$0x5200];
	v4 =	vand.u32 $0xFFFF0000, v3;
	v5 =	vand.u32 $0xFFFF0000, v1;
	v6 =	vmov v1  }
0x447: {  	v1 =	vld [tilespmem:s17+$0x7200];
	v4 =	vmul.f32 v5, v4  }
0x448: {  	v3 =	vshll.u32 v3, $0x10;
	v5 =	vshll.u32 v6, $0x10  }
0x449: {  	v3 =	vmul.f32 v5, v3;
	v2 =	vadd.f32 v4, v2  }
0x44a: {  	_ =	sdelay $0x1  }
0x44b: {  	v4 =	vand.u32 $0xFFFF0000, v0;
	v5 =	vand.u32 $0xFFFF0000, v1  }
0x44c: {  	v2 =	vadd.f32 v2, v3;
	v3 =	vmul.f32 v5, v4  }
0x44d: {  	v0 =	vshll.u32 v0, $0x10;
	v1 =	vshll.u32 v1, $0x10  }
0x44e: {  	v0 =	vmul.f32 v1, v0;
	v2 =	vadd.f32 v3, v2;
	_ =	sdelay $0x1  }
0x44f: {  	v0 =	vadd.f32 v2, v0  }
0x450: {  	v3 =	vld [tilespmem:$0x8B60]  }
0x451: {  	s16 =	simm.s32 $0x0;
	[tilespmem:$0x8D50] =	vst v0;
	v0 =	vld [tilespmem:$0x8960]  }
0x452: {  	v1 =	vld [tilespmem:s16+$0x5400]  }
0x453: {  	v2 =	vld [tilespmem:s16+$0x7400];
	_ =	sdelay $0x3  }
0x454: {  	s17 =	simm.s32 $0x10  }
0x455: {  	v3 =	vadd.f32 v3, v0;
	v0 =	vld [tilespmem:s17+$0x5400];
	v4 =	vand.u32 $0xFFFF0000, v1;
	v5 =	vand.u32 $0xFFFF0000, v2  }
0x456: {  	v4 =	vmul.f32 v5, v4;
	v5 =	vshll.u32 v1, $0x10;
	v1 =	vld [tilespmem:s17+$0x7400]  }
0x457: {  	v6 =	vshll.u32 v2, $0x10  }
0x458: {  	s16 =	simm.s32 $0x80;
	v2 =	vadd.f32 v4, v3;
	v3 =	vmul.f32 v6, v5  }
.LBB2_110:
0x459: {  	p0 =	sne.s32 s16, $0x7C0  }
.Ltmp54:
0x45a: {  	s17 =	sshra.s32 s16, $0x2;
	v2 =	vadd.f32 v2, v3;
	v3 =	vmov v0;
	(pc) =	sbr.rel @p0 .LBB2_110-.Ltmp54, $4  }
0x45b: {  	s16 =	sadd.s32 $0x40, s16;
	v0 =	vld [tilespmem:s17+$0x5400];
	v4 =	vand.u32 $0xFFFF0000, v3;
	v5 =	vand.u32 $0xFFFF0000, v1;
	v6 =	vmov v1  }
0x45c: {  	v1 =	vld [tilespmem:s17+$0x7400];
	v4 =	vmul.f32 v5, v4  }
0x45d: {  	v3 =	vshll.u32 v3, $0x10;
	v5 =	vshll.u32 v6, $0x10  }
0x45e: {  	v3 =	vmul.f32 v5, v3;
	v2 =	vadd.f32 v4, v2  }
0x45f: {  	_ =	sdelay $0x1  }
0x460: {  	v4 =	vand.u32 $0xFFFF0000, v0;
	v5 =	vand.u32 $0xFFFF0000, v1  }
0x461: {  	v2 =	vadd.f32 v2, v3;
	v3 =	vmul.f32 v5, v4  }
0x462: {  	v0 =	vshll.u32 v0, $0x10;
	v1 =	vshll.u32 v1, $0x10  }
0x463: {  	v0 =	vmul.f32 v1, v0;
	v2 =	vadd.f32 v3, v2;
	_ =	sdelay $0x1  }
0x464: {  	v0 =	vadd.f32 v2, v0  }
0x465: {  	v3 =	vld [tilespmem:$0x8B70]  }
0x466: {  	s16 =	simm.s32 $0x0;
	[tilespmem:$0x8D60] =	vst v0;
	v0 =	vld [tilespmem:$0x8970]  }
0x467: {  	v1 =	vld [tilespmem:s16+$0x5600]  }
0x468: {  	v2 =	vld [tilespmem:s16+$0x7600];
	_ =	sdelay $0x3  }
0x469: {  	s17 =	simm.s32 $0x10  }
0x46a: {  	v3 =	vadd.f32 v3, v0;
	v0 =	vld [tilespmem:s17+$0x5600];
	v4 =	vand.u32 $0xFFFF0000, v1;
	v5 =	vand.u32 $0xFFFF0000, v2  }
0x46b: {  	v4 =	vmul.f32 v5, v4;
	v5 =	vshll.u32 v1, $0x10;
	v1 =	vld [tilespmem:s17+$0x7600]  }
0x46c: {  	v6 =	vshll.u32 v2, $0x10  }
0x46d: {  	s16 =	simm.s32 $0x80;
	v2 =	vadd.f32 v4, v3;
	v3 =	vmul.f32 v6, v5  }
.LBB2_112:
0x46e: {  	p0 =	sne.s32 s16, $0x7C0  }
.Ltmp55:
0x46f: {  	s17 =	sshra.s32 s16, $0x2;
	v2 =	vadd.f32 v2, v3;
	v3 =	vmov v0;
	(pc) =	sbr.rel @p0 .LBB2_112-.Ltmp55, $4  }
0x470: {  	s16 =	sadd.s32 $0x40, s16;
	v0 =	vld [tilespmem:s17+$0x5600];
	v4 =	vand.u32 $0xFFFF0000, v3;
	v5 =	vand.u32 $0xFFFF0000, v1;
	v6 =	vmov v1  }
0x471: {  	v1 =	vld [tilespmem:s17+$0x7600];
	v4 =	vmul.f32 v5, v4  }
0x472: {  	v3 =	vshll.u32 v3, $0x10;
	v5 =	vshll.u32 v6, $0x10  }
0x473: {  	v3 =	vmul.f32 v5, v3;
	v2 =	vadd.f32 v4, v2  }
0x474: {  	_ =	sdelay $0x1  }
0x475: {  	v4 =	vand.u32 $0xFFFF0000, v0;
	v5 =	vand.u32 $0xFFFF0000, v1  }
0x476: {  	v2 =	vadd.f32 v2, v3;
	v3 =	vmul.f32 v5, v4  }
0x477: {  	v0 =	vshll.u32 v0, $0x10;
	v1 =	vshll.u32 v1, $0x10  }
0x478: {  	v0 =	vmul.f32 v1, v0;
	v2 =	vadd.f32 v3, v2;
	_ =	sdelay $0x1  }
0x479: {  	v0 =	vadd.f32 v2, v0  }
0x47a: {  	v3 =	vld [tilespmem:$0x8B80]  }
0x47b: {  	s16 =	simm.s32 $0x0;
	[tilespmem:$0x8D70] =	vst v0;
	v0 =	vld [tilespmem:$0x8980]  }
0x47c: {  	v1 =	vld [tilespmem:s16+$0x5800]  }
0x47d: {  	v2 =	vld [tilespmem:s16+$0x7800];
	_ =	sdelay $0x3  }
0x47e: {  	s17 =	simm.s32 $0x10  }
0x47f: {  	v3 =	vadd.f32 v3, v0;
	v0 =	vld [tilespmem:s17+$0x5800];
	v4 =	vand.u32 $0xFFFF0000, v1;
	v5 =	vand.u32 $0xFFFF0000, v2  }
0x480: {  	v4 =	vmul.f32 v5, v4;
	v5 =	vshll.u32 v1, $0x10;
	v1 =	vld [tilespmem:s17+$0x7800]  }
0x481: {  	v6 =	vshll.u32 v2, $0x10  }
0x482: {  	s16 =	simm.s32 $0x80;
	v2 =	vadd.f32 v4, v3;
	v3 =	vmul.f32 v6, v5  }
.LBB2_114:
0x483: {  	p0 =	sne.s32 s16, $0x7C0  }
.Ltmp56:
0x484: {  	s17 =	sshra.s32 s16, $0x2;
	v2 =	vadd.f32 v2, v3;
	v3 =	vmov v0;
	(pc) =	sbr.rel @p0 .LBB2_114-.Ltmp56, $4  }
0x485: {  	s16 =	sadd.s32 $0x40, s16;
	v0 =	vld [tilespmem:s17+$0x5800];
	v4 =	vand.u32 $0xFFFF0000, v3;
	v5 =	vand.u32 $0xFFFF0000, v1;
	v6 =	vmov v1  }
0x486: {  	v1 =	vld [tilespmem:s17+$0x7800];
	v4 =	vmul.f32 v5, v4  }
0x487: {  	v3 =	vshll.u32 v3, $0x10;
	v5 =	vshll.u32 v6, $0x10  }
0x488: {  	v3 =	vmul.f32 v5, v3;
	v2 =	vadd.f32 v4, v2  }
0x489: {  	_ =	sdelay $0x1  }
0x48a: {  	v4 =	vand.u32 $0xFFFF0000, v0;
	v5 =	vand.u32 $0xFFFF0000, v1  }
0x48b: {  	v2 =	vadd.f32 v2, v3;
	v3 =	vmul.f32 v5, v4  }
0x48c: {  	v0 =	vshll.u32 v0, $0x10;
	v1 =	vshll.u32 v1, $0x10  }
0x48d: {  	v0 =	vmul.f32 v1, v0;
	v2 =	vadd.f32 v3, v2;
	_ =	sdelay $0x1  }
0x48e: {  	v0 =	vadd.f32 v2, v0  }
0x48f: {  	v3 =	vld [tilespmem:$0x8B90]  }
0x490: {  	s16 =	simm.s32 $0x0;
	[tilespmem:$0x8D80] =	vst v0;
	v0 =	vld [tilespmem:$0x8990]  }
0x491: {  	v1 =	vld [tilespmem:s16+$0x5A00]  }
0x492: {  	v2 =	vld [tilespmem:s16+$0x7A00];
	_ =	sdelay $0x3  }
0x493: {  	s17 =	simm.s32 $0x10  }
0x494: {  	v3 =	vadd.f32 v3, v0;
	v0 =	vld [tilespmem:s17+$0x5A00];
	v4 =	vand.u32 $0xFFFF0000, v1;
	v5 =	vand.u32 $0xFFFF0000, v2  }
0x495: {  	v4 =	vmul.f32 v5, v4;
	v5 =	vshll.u32 v1, $0x10;
	v1 =	vld [tilespmem:s17+$0x7A00]  }
0x496: {  	v6 =	vshll.u32 v2, $0x10  }
0x497: {  	s16 =	simm.s32 $0x80;
	v2 =	vadd.f32 v4, v3;
	v3 =	vmul.f32 v6, v5  }
.LBB2_116:
0x498: {  	p0 =	sne.s32 s16, $0x7C0  }
.Ltmp57:
0x499: {  	s17 =	sshra.s32 s16, $0x2;
	v2 =	vadd.f32 v2, v3;
	v3 =	vmov v0;
	(pc) =	sbr.rel @p0 .LBB2_116-.Ltmp57, $4  }
0x49a: {  	s16 =	sadd.s32 $0x40, s16;
	v0 =	vld [tilespmem:s17+$0x5A00];
	v4 =	vand.u32 $0xFFFF0000, v3;
	v5 =	vand.u32 $0xFFFF0000, v1;
	v6 =	vmov v1  }
0x49b: {  	v1 =	vld [tilespmem:s17+$0x7A00];
	v4 =	vmul.f32 v5, v4  }
0x49c: {  	v3 =	vshll.u32 v3, $0x10;
	v5 =	vshll.u32 v6, $0x10  }
0x49d: {  	v3 =	vmul.f32 v5, v3;
	v2 =	vadd.f32 v4, v2  }
0x49e: {  	_ =	sdelay $0x1  }
0x49f: {  	v4 =	vand.u32 $0xFFFF0000, v0;
	v5 =	vand.u32 $0xFFFF0000, v1  }
0x4a0: {  	v2 =	vadd.f32 v2, v3;
	v3 =	vmul.f32 v5, v4  }
0x4a1: {  	v0 =	vshll.u32 v0, $0x10;
	v1 =	vshll.u32 v1, $0x10  }
0x4a2: {  	v0 =	vmul.f32 v1, v0;
	v2 =	vadd.f32 v3, v2;
	_ =	sdelay $0x1  }
0x4a3: {  	v0 =	vadd.f32 v2, v0  }
0x4a4: {  	v3 =	vld [tilespmem:$0x8BA0]  }
0x4a5: {  	s16 =	simm.s32 $0x0;
	[tilespmem:$0x8D90] =	vst v0;
	v0 =	vld [tilespmem:$0x89A0]  }
0x4a6: {  	v1 =	vld [tilespmem:s16+$0x5C00]  }
0x4a7: {  	v2 =	vld [tilespmem:s16+$0x7C00];
	_ =	sdelay $0x3  }
0x4a8: {  	s17 =	simm.s32 $0x10  }
0x4a9: {  	v3 =	vadd.f32 v3, v0;
	v0 =	vld [tilespmem:s17+$0x5C00];
	v4 =	vand.u32 $0xFFFF0000, v1;
	v5 =	vand.u32 $0xFFFF0000, v2  }
0x4aa: {  	v4 =	vmul.f32 v5, v4;
	v5 =	vshll.u32 v1, $0x10;
	v1 =	vld [tilespmem:s17+$0x7C00]  }
0x4ab: {  	v6 =	vshll.u32 v2, $0x10  }
0x4ac: {  	s16 =	simm.s32 $0x80;
	v2 =	vadd.f32 v4, v3;
	v3 =	vmul.f32 v6, v5  }
.LBB2_118:
0x4ad: {  	p0 =	sne.s32 s16, $0x7C0  }
.Ltmp58:
0x4ae: {  	s17 =	sshra.s32 s16, $0x2;
	v2 =	vadd.f32 v2, v3;
	v3 =	vmov v0;
	(pc) =	sbr.rel @p0 .LBB2_118-.Ltmp58, $4  }
0x4af: {  	s16 =	sadd.s32 $0x40, s16;
	v0 =	vld [tilespmem:s17+$0x5C00];
	v4 =	vand.u32 $0xFFFF0000, v3;
	v5 =	vand.u32 $0xFFFF0000, v1;
	v6 =	vmov v1  }
0x4b0: {  	v1 =	vld [tilespmem:s17+$0x7C00];
	v4 =	vmul.f32 v5, v4  }
0x4b1: {  	v3 =	vshll.u32 v3, $0x10;
	v5 =	vshll.u32 v6, $0x10  }
0x4b2: {  	v3 =	vmul.f32 v5, v3;
	v2 =	vadd.f32 v4, v2  }
0x4b3: {  	_ =	sdelay $0x1  }
0x4b4: {  	v4 =	vand.u32 $0xFFFF0000, v0;
	v5 =	vand.u32 $0xFFFF0000, v1  }
0x4b5: {  	v2 =	vadd.f32 v2, v3;
	v3 =	vmul.f32 v5, v4  }
0x4b6: {  	v0 =	vshll.u32 v0, $0x10;
	v1 =	vshll.u32 v1, $0x10  }
0x4b7: {  	v0 =	vmul.f32 v1, v0;
	v2 =	vadd.f32 v3, v2;
	_ =	sdelay $0x1  }
0x4b8: {  	v0 =	vadd.f32 v2, v0  }
0x4b9: {  	v3 =	vld [tilespmem:$0x8BB0]  }
0x4ba: {  	s16 =	simm.s32 $0x0;
	[tilespmem:$0x8DA0] =	vst v0;
	v0 =	vld [tilespmem:$0x89B0]  }
0x4bb: {  	v1 =	vld [tilespmem:s16+$0x5E00]  }
0x4bc: {  	v2 =	vld [tilespmem:s16+$0x7E00];
	_ =	sdelay $0x3  }
0x4bd: {  	s17 =	simm.s32 $0x10  }
0x4be: {  	v3 =	vadd.f32 v3, v0;
	v0 =	vld [tilespmem:s17+$0x5E00];
	v4 =	vand.u32 $0xFFFF0000, v1;
	v5 =	vand.u32 $0xFFFF0000, v2  }
0x4bf: {  	v4 =	vmul.f32 v5, v4;
	v5 =	vshll.u32 v1, $0x10;
	v1 =	vld [tilespmem:s17+$0x7E00]  }
0x4c0: {  	v6 =	vshll.u32 v2, $0x10  }
0x4c1: {  	s16 =	simm.s32 $0x80;
	v2 =	vadd.f32 v4, v3;
	v3 =	vmul.f32 v6, v5  }
.LBB2_120:
0x4c2: {  	p0 =	sne.s32 s16, $0x7C0  }
.Ltmp59:
0x4c3: {  	s17 =	sshra.s32 s16, $0x2;
	v2 =	vadd.f32 v2, v3;
	v3 =	vmov v0;
	(pc) =	sbr.rel @p0 .LBB2_120-.Ltmp59, $4  }
0x4c4: {  	s16 =	sadd.s32 $0x40, s16;
	v0 =	vld [tilespmem:s17+$0x5E00];
	v4 =	vand.u32 $0xFFFF0000, v3;
	v5 =	vand.u32 $0xFFFF0000, v1;
	v6 =	vmov v1  }
0x4c5: {  	v1 =	vld [tilespmem:s17+$0x7E00];
	v4 =	vmul.f32 v5, v4  }
0x4c6: {  	v3 =	vshll.u32 v3, $0x10;
	v5 =	vshll.u32 v6, $0x10  }
0x4c7: {  	v3 =	vmul.f32 v5, v3;
	v2 =	vadd.f32 v4, v2  }
0x4c8: {  	_ =	sdelay $0x1  }
0x4c9: {  	v4 =	vand.u32 $0xFFFF0000, v0;
	v5 =	vand.u32 $0xFFFF0000, v1  }
0x4ca: {  	v2 =	vadd.f32 v2, v3;
	v3 =	vmul.f32 v5, v4  }
0x4cb: {  	v0 =	vshll.u32 v0, $0x10;
	v1 =	vshll.u32 v1, $0x10  }
0x4cc: {  	v0 =	vmul.f32 v1, v0;
	v2 =	vadd.f32 v3, v2;
	_ =	sdelay $0x1  }
0x4cd: {  	v0 =	vadd.f32 v2, v0  }
0x4ce: {  	v3 =	vld [tilespmem:$0x8BC0]  }
0x4cf: {  	s16 =	simm.s32 $0x0;
	[tilespmem:$0x8DB0] =	vst v0;
	v0 =	vld [tilespmem:$0x89C0]  }
0x4d0: {  	v1 =	vld [tilespmem:s16+$0x6000]  }
0x4d1: {  	v2 =	vld [tilespmem:s16+$0x8000];
	_ =	sdelay $0x3  }
0x4d2: {  	s17 =	simm.s32 $0x10  }
0x4d3: {  	v3 =	vadd.f32 v3, v0;
	v0 =	vld [tilespmem:s17+$0x6000];
	v4 =	vand.u32 $0xFFFF0000, v1;
	v5 =	vand.u32 $0xFFFF0000, v2  }
0x4d4: {  	v4 =	vmul.f32 v5, v4;
	v5 =	vshll.u32 v1, $0x10;
	v1 =	vld [tilespmem:s17+$0x8000]  }
0x4d5: {  	v6 =	vshll.u32 v2, $0x10  }
0x4d6: {  	s16 =	simm.s32 $0x80;
	v2 =	vadd.f32 v4, v3;
	v3 =	vmul.f32 v6, v5  }
.LBB2_122:
0x4d7: {  	p0 =	sne.s32 s16, $0x7C0  }
.Ltmp60:
0x4d8: {  	s17 =	sshra.s32 s16, $0x2;
	v2 =	vadd.f32 v2, v3;
	v3 =	vmov v0;
	(pc) =	sbr.rel @p0 .LBB2_122-.Ltmp60, $4  }
0x4d9: {  	s16 =	sadd.s32 $0x40, s16;
	v0 =	vld [tilespmem:s17+$0x6000];
	v4 =	vand.u32 $0xFFFF0000, v3;
	v5 =	vand.u32 $0xFFFF0000, v1;
	v6 =	vmov v1  }
0x4da: {  	v1 =	vld [tilespmem:s17+$0x8000];
	v4 =	vmul.f32 v5, v4  }
0x4db: {  	v3 =	vshll.u32 v3, $0x10;
	v5 =	vshll.u32 v6, $0x10  }
0x4dc: {  	v3 =	vmul.f32 v5, v3;
	v2 =	vadd.f32 v4, v2  }
0x4dd: {  	_ =	sdelay $0x1  }
0x4de: {  	v4 =	vand.u32 $0xFFFF0000, v0;
	v5 =	vand.u32 $0xFFFF0000, v1  }
0x4df: {  	v2 =	vadd.f32 v2, v3;
	v3 =	vmul.f32 v5, v4  }
0x4e0: {  	v0 =	vshll.u32 v0, $0x10;
	v1 =	vshll.u32 v1, $0x10  }
0x4e1: {  	v0 =	vmul.f32 v1, v0;
	v2 =	vadd.f32 v3, v2;
	_ =	sdelay $0x1  }
0x4e2: {  	v0 =	vadd.f32 v2, v0  }
0x4e3: {  	v3 =	vld [tilespmem:$0x8BD0]  }
0x4e4: {  	s16 =	simm.s32 $0x0;
	[tilespmem:$0x8DC0] =	vst v0;
	v0 =	vld [tilespmem:$0x89D0]  }
0x4e5: {  	v1 =	vld [tilespmem:s16+$0x6200]  }
0x4e6: {  	v2 =	vld [tilespmem:s16+$0x8200];
	_ =	sdelay $0x3  }
0x4e7: {  	s17 =	simm.s32 $0x10  }
0x4e8: {  	v3 =	vadd.f32 v3, v0;
	v0 =	vld [tilespmem:s17+$0x6200];
	v4 =	vand.u32 $0xFFFF0000, v1;
	v5 =	vand.u32 $0xFFFF0000, v2  }
0x4e9: {  	v4 =	vmul.f32 v5, v4;
	v5 =	vshll.u32 v1, $0x10;
	v1 =	vld [tilespmem:s17+$0x8200]  }
0x4ea: {  	v6 =	vshll.u32 v2, $0x10  }
0x4eb: {  	s16 =	simm.s32 $0x80;
	v2 =	vadd.f32 v4, v3;
	v3 =	vmul.f32 v6, v5  }
.LBB2_124:
0x4ec: {  	p0 =	sne.s32 s16, $0x7C0  }
.Ltmp61:
0x4ed: {  	s17 =	sshra.s32 s16, $0x2;
	v2 =	vadd.f32 v2, v3;
	v3 =	vmov v0;
	(pc) =	sbr.rel @p0 .LBB2_124-.Ltmp61, $4  }
0x4ee: {  	s16 =	sadd.s32 $0x40, s16;
	v0 =	vld [tilespmem:s17+$0x6200];
	v4 =	vand.u32 $0xFFFF0000, v3;
	v5 =	vand.u32 $0xFFFF0000, v1;
	v6 =	vmov v1  }
0x4ef: {  	v1 =	vld [tilespmem:s17+$0x8200];
	v4 =	vmul.f32 v5, v4  }
0x4f0: {  	v3 =	vshll.u32 v3, $0x10;
	v5 =	vshll.u32 v6, $0x10  }
0x4f1: {  	v3 =	vmul.f32 v5, v3;
	v2 =	vadd.f32 v4, v2  }
0x4f2: {  	_ =	sdelay $0x1  }
0x4f3: {  	v4 =	vand.u32 $0xFFFF0000, v0;
	v5 =	vand.u32 $0xFFFF0000, v1  }
0x4f4: {  	v2 =	vadd.f32 v2, v3;
	v3 =	vmul.f32 v5, v4  }
0x4f5: {  	v0 =	vshll.u32 v0, $0x10;
	v1 =	vshll.u32 v1, $0x10  }
0x4f6: {  	v0 =	vmul.f32 v1, v0;
	v2 =	vadd.f32 v3, v2;
	_ =	sdelay $0x1  }
0x4f7: {  	v0 =	vadd.f32 v2, v0  }
0x4f8: {  	v3 =	vld [tilespmem:$0x8BE0]  }
0x4f9: {  	s16 =	simm.s32 $0x0;
	[tilespmem:$0x8DD0] =	vst v0;
	v0 =	vld [tilespmem:$0x89E0]  }
0x4fa: {  	v1 =	vld [tilespmem:s16+$0x6400]  }
0x4fb: {  	v2 =	vld [tilespmem:s16+$0x8400];
	_ =	sdelay $0x3  }
0x4fc: {  	s17 =	simm.s32 $0x10  }
0x4fd: {  	v3 =	vadd.f32 v3, v0;
	v0 =	vld [tilespmem:s17+$0x6400];
	v4 =	vand.u32 $0xFFFF0000, v1;
	v5 =	vand.u32 $0xFFFF0000, v2  }
0x4fe: {  	v4 =	vmul.f32 v5, v4;
	v5 =	vshll.u32 v1, $0x10;
	v1 =	vld [tilespmem:s17+$0x8400]  }
0x4ff: {  	v6 =	vshll.u32 v2, $0x10  }
0x500: {  	s16 =	simm.s32 $0x80;
	v2 =	vadd.f32 v4, v3;
	v3 =	vmul.f32 v6, v5  }
.LBB2_126:
0x501: {  	p0 =	sne.s32 s16, $0x7C0  }
.Ltmp62:
0x502: {  	s17 =	sshra.s32 s16, $0x2;
	v2 =	vadd.f32 v2, v3;
	v3 =	vmov v0;
	(pc) =	sbr.rel @p0 .LBB2_126-.Ltmp62, $4  }
0x503: {  	s16 =	sadd.s32 $0x40, s16;
	v0 =	vld [tilespmem:s17+$0x6400];
	v4 =	vand.u32 $0xFFFF0000, v3;
	v5 =	vand.u32 $0xFFFF0000, v1;
	v6 =	vmov v1  }
0x504: {  	v1 =	vld [tilespmem:s17+$0x8400];
	v4 =	vmul.f32 v5, v4  }
0x505: {  	v3 =	vshll.u32 v3, $0x10;
	v5 =	vshll.u32 v6, $0x10  }
0x506: {  	v3 =	vmul.f32 v5, v3;
	v2 =	vadd.f32 v4, v2  }
0x507: {  	_ =	sdelay $0x1  }
0x508: {  	v4 =	vand.u32 $0xFFFF0000, v0;
	v5 =	vand.u32 $0xFFFF0000, v1  }
0x509: {  	v2 =	vadd.f32 v2, v3;
	v3 =	vmul.f32 v5, v4  }
0x50a: {  	v0 =	vshll.u32 v0, $0x10;
	v1 =	vshll.u32 v1, $0x10  }
0x50b: {  	v0 =	vmul.f32 v1, v0;
	v2 =	vadd.f32 v3, v2;
	_ =	sdelay $0x1  }
0x50c: {  	v0 =	vadd.f32 v2, v0  }
0x50d: {  	v3 =	vld [tilespmem:$0x8BF0]  }
0x50e: {  	s16 =	simm.s32 $0x0;
	[tilespmem:$0x8DE0] =	vst v0;
	v0 =	vld [tilespmem:$0x89F0]  }
0x50f: {  	v1 =	vld [tilespmem:s16+$0x6600]  }
0x510: {  	v2 =	vld [tilespmem:s16+$0x8600];
	_ =	sdelay $0x3  }
0x511: {  	s17 =	simm.s32 $0x10  }
0x512: {  	v3 =	vadd.f32 v3, v0;
	v0 =	vld [tilespmem:s17+$0x6600];
	v4 =	vand.u32 $0xFFFF0000, v1;
	v5 =	vand.u32 $0xFFFF0000, v2  }
0x513: {  	v4 =	vmul.f32 v5, v4;
	v5 =	vshll.u32 v1, $0x10;
	v1 =	vld [tilespmem:s17+$0x8600]  }
0x514: {  	v6 =	vshll.u32 v2, $0x10  }
0x515: {  	s16 =	simm.s32 $0x80;
	v2 =	vadd.f32 v4, v3;
	v3 =	vmul.f32 v6, v5  }
.LBB2_128:
0x516: {  	p0 =	sne.s32 s16, $0x7C0  }
.Ltmp63:
0x517: {  	s17 =	sshra.s32 s16, $0x2;
	v2 =	vadd.f32 v2, v3;
	v3 =	vmov v0;
	(pc) =	sbr.rel @p0 .LBB2_128-.Ltmp63, $4  }
0x518: {  	s16 =	sadd.s32 $0x40, s16;
	v0 =	vld [tilespmem:s17+$0x6600];
	v4 =	vand.u32 $0xFFFF0000, v3;
	v5 =	vand.u32 $0xFFFF0000, v1;
	v6 =	vmov v1  }
0x519: {  	v1 =	vld [tilespmem:s17+$0x8600];
	v4 =	vmul.f32 v5, v4  }
0x51a: {  	v3 =	vshll.u32 v3, $0x10;
	v5 =	vshll.u32 v6, $0x10  }
0x51b: {  	v3 =	vmul.f32 v5, v3;
	v2 =	vadd.f32 v4, v2  }
0x51c: {  	_ =	sdelay $0x1  }
0x51d: {  	v4 =	vand.u32 $0xFFFF0000, v0;
	v5 =	vand.u32 $0xFFFF0000, v1  }
0x51e: {  	v2 =	vadd.f32 v2, v3;
	v61 =	vmul.f32 v5, v4  }
0x51f: {  	v62 =	vshll.u32 v0, $0x10;
	v63 =	vshll.u32 v1, $0x10  }
0x520: {  	v0 =	vmul.f32 v63, v62;
	v2 =	vadd.f32 v61, v2;
	_ =	sdelay $0x1  }
0x521: {  	s15 =	sadd.s32 $0x1, s15;
	v0 =	vadd.f32 v2, v0  }
0x522: {  	p0 =	sne.s32 s15, s10  }
.Ltmp64:
0x523: {  	[tilespmem:$0x8DF0] =	vst v0;
	(pc) =	sbr.rel @p0 .LBB2_1-.Ltmp64, $4  }
0x524: {  	[hbm4b:s9+s2] =	stream.linear.scatter [tilespmem:s14], [sflag:$0x2], $0x200, $0x38;
	[tilespmem:$0x8E00] =	vst v63  }
0x525: {  	_ =	swait.ge [sflag:s11], $0x200  }
0x526: {  	[sflag:s11] =	ssyncset.done $0x0  }
0x527: {  	[sflag:s11] =	ssyncadd.s32 $0xFFFFFE00  }
0x528: {  	_ =	sfence.sel $0x180000  }
0x529: {  	[bflag:$0x0] =	sbarrier.arrive $0xFFFF  }
0x52a: {  	_ =	strace $0x90000047  }
0x52b: {  	s0 =	stileid.u32;
	[bflag:$0x2] =	sbarrier.arrive $0xFFFF  }
0x52c: {  	p0 =	sne.s32 s0, $0x0;
	s0 =	rddreg [dreg:$0x4]  }
0x52d: {  	s0 =	sadd.s32 @!p0 $0x100000, s0  }
0x52e: {  	[sflag:s0] =	ssyncadd.tile.s32 @!p0 $0x1;
	_ =	shalt  }
.Lfunc_end2:
_tile_overlayer_lowered:
.L_overlay_start_2:
0x52f: {  	(tag) =	ssettag $0x2  }
0x530: {  	s0 =	rddreg [dreg:$0x0];
	s2 =	stileid.u32  }
0x531: {  	s1 =	rddreg [dreg:$0x1];
	p0 =	sne.s32 s2, $0x0  }
0x532: {  	s3 =	rddreg [dreg:$0x2];
	[bflag:$0x3] =	sbarrier.arrive $0xFFFF;
	s2 =	simm.s32 @!p0 $0x1C02  }
0x533: {  	[timem:s3], [sflag:s2] =	dma.local @!p0 [hbm:s0], s1  }
0x534: {  	s0 =	simm.s32 @!p0 $0x2  }
0x535: {  	_ =	swait.ge @!p0 [sflag:s0], s1  }
0x536: {  	s1 =	ssub.s32 @!p0 $0x0, s1;
	[sflag:s0] =	ssyncset.done @!p0 $0x0  }
0x537: {  	[sflag:s0] =	ssyncadd.s32 @!p0 s1  }
0x538: {  	[bflag:$0x3] =	sbarrier.arrive $0xFFFF  }
0x539: {  	_ =	shalt  }

</sc_bundles>
